<compile_context>
chip_gen: v7x
topology: tpu7x:2x2x1
jax: 0.10.2.dev20260603
libtpu: 0.0.44.dev20260713+nightly
codegen_flags: <defaults>
</compile_context>

<pallas_src>
import jax
import jax.numpy as jnp
from jax import lax
from jax.experimental import pallas as pl
from jax.experimental.pallas import tpu as pltpu
from jax.experimental.pallas import tpu_sc as plsc

N_REAL = 10000
NP = 10240
K = 8
F_IN = 128
H = 64
O_DIM = 32
BR = 256
NBLK = NP // BR
NW = 32
RPW = NP // NW
EPW = RPW * K
GPW = EPW // 16
TPS = 16
RPT = NP // TPS

_NEG = -3e38


def _gru_body(x_ref, *refs):
    (wir_s, whr_s, br_s, bhr_s, wiz_s, whz_s, bz_s, bhz_s, win_s, whn_s,
     bn_s, bhn_s,
     wir_o, whr_o, br_o, bhr_o, wiz_o, whz_o, bz_o, bhz_o, win_o, whn_o,
     bn_o, bhn_o,
     w1, hs_ref, xw1_ref, xw1t_ref) = refs

    def one_gru(wir, whr, bir, bhr, wiz, whz, biz, bhz, win, whn, bin_, bhn):
        h = jnp.zeros((BR, H), jnp.float32)
        for l in range(4):
            xl = x_ref[l]
            dn = (((0,), (1,)), ((), ()))
            gir = lax.dot_general(xl, wir[...], dn) + bir[...]
            giz = lax.dot_general(xl, wiz[...], dn) + biz[...]
            gin = lax.dot_general(xl, win[...], dn) + bin_[...]
            dnh = (((1,), (1,)), ((), ()))
            ghr = lax.dot_general(h, whr[...], dnh) + bhr[...]
            ghz = lax.dot_general(h, whz[...], dnh) + bhz[...]
            ghn = lax.dot_general(h, whn[...], dnh) + bhn[...]
            r = jax.nn.sigmoid(gir + ghr)
            z = jax.nn.sigmoid(giz + ghz)
            n = jnp.tanh(gin + r * ghn)
            h = (1.0 - z) * n + z * h
        return h

    h_sim = one_gru(wir_s, whr_s, br_s, bhr_s, wiz_s, whz_s, bz_s, bhz_s,
                    win_s, whn_s, bn_s, bhn_s)
    h_out = one_gru(wir_o, whr_o, br_o, bhr_o, wiz_o, whz_o, bz_o, bhz_o,
                    win_o, whn_o, bn_o, bhn_o)
    hs_ref[...] = h_sim
    xw1 = lax.dot_general(h_out, w1[...], (((1,), (1,)), ((), ())))
    xw1_ref[...] = xw1
    xw1t_ref[...] = jnp.transpose(xw1, (1, 0))


def _run_gru(xp, wsets, w1):
    full = lambda a: pl.BlockSpec(a.shape, lambda i: (0,) * a.ndim)
    in_specs = [pl.BlockSpec((4, F_IN, BR), lambda i: (0, 0, i))]
    in_specs += [full(a) for a in wsets] + [full(w1)]
    out_specs = [pl.BlockSpec((BR, H), lambda i: (i, 0)),
                 pl.BlockSpec((BR, H), lambda i: (i, 0)),
                 pl.BlockSpec((H, BR), lambda i: (0, i))]
    return pl.pallas_call(
        _gru_body,
        grid=(NBLK,),
        in_specs=in_specs,
        out_specs=out_specs,
        out_shape=[jax.ShapeDtypeStruct((NP, H), jnp.float32),
                   jax.ShapeDtypeStruct((NP, H), jnp.float32),
                   jax.ShapeDtypeStruct((H, NP), jnp.float32)],
    )(xp, *wsets, w1)


NCHUNK = NP // 128


def _simtopk_body(hrow_ref, hall_ref, vals_ref, idx_ref,
                  sbuf_ref, cpos_ref, cand_ref):
    i = pl.program_id(0)
    hrow = hrow_ref[...]
    bc = 2048
    cm_parts = []
    for c in range(NP // bc):
        hc = hall_ref[pl.ds(c * bc, bc), :]
        s = lax.dot_general(hrow, hc, (((1,), (1,)), ((), ())))
        col = lax.broadcasted_iota(jnp.int32, (BR, bc), 1) + c * bc
        row = lax.broadcasted_iota(jnp.int32, (BR, bc), 0) + i * BR
        s = jnp.where(col == row, -1e9, s)
        s = jnp.where(col >= N_REAL, _NEG, s)
        sbuf_ref[:, pl.ds(c * bc, bc)] = s
        cm_parts.append(jnp.max(s.reshape(BR, bc // 128, 128), axis=2))

    cm = jnp.concatenate(cm_parts, axis=1)
    ckidx = lax.broadcasted_iota(jnp.int32, (BR, NCHUNK), 1)
    lane8 = lax.broadcasted_iota(jnp.int32, (BR, K), 1)
    cpos8 = jnp.zeros((BR, K), jnp.int32)
    for t in range(K):
        m = jnp.max(cm, axis=1, keepdims=True)
        cp = jnp.min(jnp.where(cm == m, ckidx, 2 ** 30), axis=1,
                     keepdims=True)
        cpos8 = jnp.where(lane8 == t, cp, cpos8)
        if t < K - 1:
            cm = jnp.where(ckidx == cp, _NEG, cm)
    cpos_ref[...] = cpos8

    sub8 = lax.broadcasted_iota(jnp.int32, (8, 128), 0)

    def gath(g, carry):
        rbase = pl.multiple_of(g * 8, 8)
        for j in range(K):
            acc = jnp.zeros((8, 128), jnp.float32)
            for r in range(8):
                c = cpos_ref[g * 8 + r, j]
                coff = pl.multiple_of(c * 128, 128)
                blk = sbuf_ref[pl.ds(rbase, 8), pl.ds(coff, 128)]
                acc = jnp.where(sub8 == r, blk, acc)
            cand_ref[pl.ds(rbase, 8), pl.ds(j * 128, 128)] = acc
        return carry
    lax.fori_loop(0, BR // 8, gath, 0)

    vals8 = jnp.zeros((BR, K), jnp.float32)
    idx8 = jnp.zeros((BR, K), jnp.int32)
    gidx = (jnp.broadcast_to(cpos8[:, :, None], (BR, K, 128)) * 128
            + lax.broadcasted_iota(jnp.int32, (BR, K, 128), 2)
            ).reshape(BR, K * 128)
    cand = cand_ref[...]
    for t in range(K):
        m = jnp.max(cand, axis=1, keepdims=True)
        pos = jnp.min(jnp.where(cand == m, gidx, 2 ** 30), axis=1,
                      keepdims=True)
        vals8 = jnp.where(lane8 == t, m, vals8)
        idx8 = jnp.where(lane8 == t, pos, idx8)
        if t < K - 1:
            cand = jnp.where(gidx == pos, _NEG, cand)
    rowv = lax.broadcasted_iota(jnp.int32, (BR, K), 0) + i * BR
    valid = rowv < N_REAL
    vals_ref[...] = jnp.where(valid, vals8, 0.0)
    idx_ref[...] = jnp.where(valid, idx8, 0)


def _run_simtopk(h_sim):
    return pl.pallas_call(
        _simtopk_body,
        grid=(NBLK,),
        in_specs=[pl.BlockSpec((BR, H), lambda i: (i, 0)),
                  pl.BlockSpec((NP, H), lambda i: (0, 0))],
        out_specs=[pl.BlockSpec((BR, K), lambda i: (i, 0)),
                   pl.BlockSpec((BR, K), lambda i: (i, 0))],
        out_shape=[jax.ShapeDtypeStruct((NP, K), jnp.float32),
                   jax.ShapeDtypeStruct((NP, K), jnp.int32)],
        scratch_shapes=[pltpu.VMEM((BR, NP), jnp.float32),
                        pltpu.VMEM((BR, K), jnp.int32),
                        pltpu.VMEM((BR, K * 128), jnp.float32)],
    )(h_sim, h_sim)


def _deg_body(idx_hbm, vals_hbm, out_hbm, idx_v, vals_v, deg_v):
    cid = lax.axis_index("c")
    sid = lax.axis_index("s")
    wid = cid * TPS + sid
    base = wid * EPW
    pltpu.sync_copy(idx_hbm.at[pl.ds(base, EPW)], idx_v)
    pltpu.sync_copy(vals_hbm.at[pl.ds(base, EPW)], vals_v)
    zero = jnp.zeros((16,), jnp.float32)

    def zb(j, carry):
        deg_v[pl.ds(j * 16, 16)] = zero
        return carry
    lax.fori_loop(0, 2 * NP // 16, zb, 0)

    lane = lax.iota(jnp.int32, 16)
    off = jnp.where(lane >= 8, NP, 0).astype(jnp.int32)

    def body(g, carry):
        d16 = idx_v[pl.ds(g * 16, 16)]
        w16 = vals_v[pl.ds(g * 16, 16)]
        plsc.addupdate_scatter(deg_v, [d16 + off], w16)
        return carry
    lax.fori_loop(0, GPW, body, 0)

    def fold(j, carry):
        a = deg_v[pl.ds(j * 16, 16)]
        b = deg_v[pl.ds(NP + j * 16, 16)]
        deg_v[pl.ds(j * 16, 16)] = a + b
        return carry
    lax.fori_loop(0, NP // 16, fold, 0)
    pltpu.sync_copy(deg_v.at[pl.ds(0, NP)], out_hbm.at[pl.ds(wid * NP, NP)])


def _run_deg(idx_flat, vals_flat):
    mesh = plsc.VectorSubcoreMesh(core_axis_name="c", subcore_axis_name="s")
    kfn = pl.kernel(
        _deg_body,
        out_type=jax.ShapeDtypeStruct((NW * NP,), jnp.float32),
        mesh=mesh,
        scratch_types=[pltpu.VMEM((EPW,), jnp.int32),
                       pltpu.VMEM((EPW,), jnp.float32),
                       pltpu.VMEM((2 * NP,), jnp.float32)],
        compiler_params=pltpu.CompilerParams(needs_layout_passes=False),
    )
    return kfn(idx_flat, vals_flat).reshape(NW, NP)


def _dinv_body(degp_ref, dinv_ref):
    j = pl.program_id(0)
    dsum = jnp.sum(degp_ref[...], axis=0, keepdims=True)
    col = lax.broadcasted_iota(jnp.int32, (1, 1024), 1) + j * 1024
    deg = dsum + jnp.where(col < N_REAL, 1.0, 0.0)
    dinv_ref[...] = jnp.where(deg > 0, lax.rsqrt(deg), 0.0)


def _run_dinv(deg_p):
    return pl.pallas_call(
        _dinv_body,
        grid=(NP // 1024,),
        in_specs=[pl.BlockSpec((NW, 1024), lambda j: (0, j))],
        out_specs=pl.BlockSpec((1, 1024), lambda j: (0, j)),
        out_shape=jax.ShapeDtypeStruct((1, NP), jnp.float32),
    )(deg_p)


FPT = H // NW
ECH = 8192
NWIN = NP * K // ECH


def _msg_body(xwt_hbm, idx_hbm, vals_hbm, dinv_hbm, out_hbm,
              xt_v, idx_v, vals_v, dinv_v, acc_v):
    cid = lax.axis_index("c")
    sid = lax.axis_index("s")
    wid = cid * TPS + sid
    fbase = wid * FPT
    pltpu.sync_copy(dinv_hbm, dinv_v)
    for f in range(FPT):
        pltpu.sync_copy(xwt_hbm.at[pl.ds((fbase + f) * NP, NP)],
                        xt_v.at[pl.ds(f * NP, NP)])

    zero = jnp.zeros((16,), jnp.float32)

    def zb(j, carry):
        acc_v[pl.ds(j * 16, 16)] = zero
        return carry
    lax.fori_loop(0, FPT * 2 * NP // 16, zb, 0)

    lane = lax.iota(jnp.int32, 16)
    off = jnp.where(lane >= 8, NP, 0).astype(jnp.int32)

    def win(w, carry):
        pltpu.sync_copy(idx_hbm.at[pl.ds(w * ECH, ECH)], idx_v)
        pltpu.sync_copy(vals_hbm.at[pl.ds(w * ECH, ECH)], vals_v)

        def body(g, carry2):
            e0 = g * 16
            d16 = idx_v[pl.ds(e0, 16)]
            w16 = vals_v[pl.ds(e0, 16)]
            src = lax.shift_right_logical(w * ECH + e0 + lane, 3)
            dsrc = plsc.load_gather(dinv_v, [src])
            ddst = plsc.load_gather(dinv_v, [d16])
            scale = dsrc * w16 * ddst
            tgt = d16 + off
            for f in range(FPT):
                xg = plsc.load_gather(xt_v, [src + f * NP])
                plsc.addupdate_scatter(acc_v, [tgt + f * 2 * NP],
                                       scale * xg)
            return carry2
        lax.fori_loop(0, ECH // 16, body, 0, unroll=4)
        return carry
    lax.fori_loop(0, NWIN, win, 0)

    def fold(j, carry):
        for f in range(FPT):
            a = acc_v[pl.ds(f * 2 * NP + j * 16, 16)]
            b = acc_v[pl.ds(f * 2 * NP + NP + j * 16, 16)]
            acc_v[pl.ds(f * 2 * NP + j * 16, 16)] = a + b
        return carry
    lax.fori_loop(0, NP // 16, fold, 0)
    for f in range(FPT):
        pltpu.sync_copy(acc_v.at[pl.ds(f * 2 * NP, NP)],
                        out_hbm.at[pl.ds((fbase + f) * NP, NP)])


def _run_msg(xwt_flat, idx_flat, vals_flat, dinv):
    mesh = plsc.VectorSubcoreMesh(core_axis_name="c", subcore_axis_name="s")
    kfn = pl.kernel(
        _msg_body,
        out_type=jax.ShapeDtypeStruct((H * NP,), jnp.float32),
        mesh=mesh,
        scratch_types=[pltpu.VMEM((FPT * NP,), jnp.float32),
                       pltpu.VMEM((ECH,), jnp.int32),
                       pltpu.VMEM((ECH,), jnp.float32),
                       pltpu.VMEM((NP,), jnp.float32),
                       pltpu.VMEM((FPT * 2 * NP,), jnp.float32)],
        compiler_params=pltpu.CompilerParams(needs_layout_passes=False),
    )
    return kfn(xwt_flat, idx_flat, vals_flat, dinv).reshape(H, NP)


def _combine_body(p_ref, xw_ref, dinv_ref, b_ref, w_ref, out_ref, outt_ref):
    p = jnp.transpose(p_ref[...], (1, 0))
    dv = dinv_ref[...]
    o = p + dv * dv * xw_ref[...] + b_ref[...]
    o = jnp.maximum(o, 0.0)
    xw2 = lax.dot_general(o, w_ref[...], (((1,), (1,)), ((), ())))
    out_ref[...] = xw2
    outt_ref[...] = jnp.transpose(xw2, (1, 0))


def _run_combine(agg_t, xw, dinv_col, b, w):
    return pl.pallas_call(
        _combine_body,
        grid=(NBLK,),
        in_specs=[pl.BlockSpec((H, BR), lambda i: (0, i)),
                  pl.BlockSpec((BR, H), lambda i: (i, 0)),
                  pl.BlockSpec((BR, 1), lambda i: (i, 0)),
                  pl.BlockSpec((1, H), lambda i: (0, 0)),
                  pl.BlockSpec(w.shape, lambda i: (0, 0))],
        out_specs=[pl.BlockSpec((BR, H), lambda i: (i, 0)),
                   pl.BlockSpec((H, BR), lambda i: (0, i))],
        out_shape=[jax.ShapeDtypeStruct((NP, H), jnp.float32),
                   jax.ShapeDtypeStruct((H, NP), jnp.float32)],
    )(agg_t, xw, dinv_col, b, w)


def _final_relu_body(p_ref, xw_ref, dinv_ref, b_ref, out_ref, st_ref):
    i = pl.program_id(0)
    p = jnp.transpose(p_ref[...], (1, 0))
    dv = dinv_ref[...]
    o = p + dv * dv * xw_ref[...] + b_ref[...]
    o = jnp.maximum(o, 0.0)
    out_ref[...] = o
    rowv = lax.broadcasted_iota(jnp.int32, (BR, H), 0) + i * BR
    om = jnp.where(rowv < N_REAL, o, 0.0)
    st_ref[0, 0, :] = jnp.sum(om, axis=0)
    st_ref[0, 1, :] = jnp.sum(om * om, axis=0)


def _run_final_relu(agg_t, xw, dinv_col, b):
    return pl.pallas_call(
        _final_relu_body,
        grid=(NBLK,),
        in_specs=[pl.BlockSpec((H, BR), lambda i: (0, i)),
                  pl.BlockSpec((BR, H), lambda i: (i, 0)),
                  pl.BlockSpec((BR, 1), lambda i: (i, 0)),
                  pl.BlockSpec((1, H), lambda i: (0, 0))],
        out_specs=[pl.BlockSpec((BR, H), lambda i: (i, 0)),
                   pl.BlockSpec((1, 2, H), lambda i: (i, 0, 0))],
        out_shape=[jax.ShapeDtypeStruct((NP, H), jnp.float32),
                   jax.ShapeDtypeStruct((NBLK, 2, H), jnp.float32)],
    )(agg_t, xw, dinv_col, b)


def _norm_proj_body(o2_ref, st_ref, gamma_ref, beta_ref, wp_ref, bp_ref,
                    out_ref):
    st = jnp.sum(st_ref[...], axis=0)
    cnt = jnp.float32(N_REAL)
    mean = st[0:1, :] / cnt
    var = st[1:2, :] / cnt - mean * mean
    o2 = o2_ref[...]
    o2n = (o2 - mean) / jnp.sqrt(var + 1e-5) * gamma_ref[...] + beta_ref[...]
    out_ref[...] = (lax.dot_general(o2n, wp_ref[...], (((1,), (1,)), ((), ())))
                    + bp_ref[...])


def _run_norm_proj(out2, stats, gamma, beta, wp, bp):
    return pl.pallas_call(
        _norm_proj_body,
        grid=(NBLK,),
        in_specs=[pl.BlockSpec((BR, H), lambda i: (i, 0)),
                  pl.BlockSpec((NBLK, 2, H), lambda i: (0, 0, 0)),
                  pl.BlockSpec((1, H), lambda i: (0, 0)),
                  pl.BlockSpec((1, H), lambda i: (0, 0)),
                  pl.BlockSpec((O_DIM, H), lambda i: (0, 0)),
                  pl.BlockSpec((1, O_DIM), lambda i: (0, 0))],
        out_specs=pl.BlockSpec((BR, O_DIM), lambda i: (i, 0)),
        out_shape=jax.ShapeDtypeStruct((NP, O_DIM), jnp.float32),
    )(out2, stats, gamma, beta, wp, bp)


def _split_gru_weights(wih, whh, bih, bhh):
    wir, wiz, win = jnp.split(wih, 3, axis=0)
    whr, whz, whn = jnp.split(whh, 3, axis=0)
    bir, biz, bin_ = jnp.split(bih, 3)
    bhr, bhz, bhn = jnp.split(bhh, 3)
    r2 = lambda a: a.reshape(1, H)
    return [wir, whr, r2(bir), r2(bhr), wiz, whz, r2(biz), r2(bhz),
            win, whn, r2(bin_), r2(bhn)]


@jax.jit
def kernel(x_seq, Wih_sim, Whh_sim, bih_sim, bhh_sim, Wih, Whh, bih, bhh,
           W1, b1, W2, b2, gamma, beta, Wp, bp):
    x0 = x_seq.reshape(4, F_IN, N_REAL)
    xp = jnp.pad(x0, ((0, 0), (0, 0), (0, NP - N_REAL)))

    wsets = (_split_gru_weights(Wih_sim, Whh_sim, bih_sim, bhh_sim)
             + _split_gru_weights(Wih, Whh, bih, bhh))
    h_sim, xw1, xw1_t = _run_gru(xp, wsets, W1)

    vals, idx = _run_simtopk(h_sim)
    idx_flat = idx.reshape(NP * K)
    vals_flat = vals.reshape(NP * K)

    deg_p = _run_deg(idx_flat, vals_flat)
    dinv = _run_dinv(deg_p)
    dinv_flat = dinv.reshape(NP)
    dinv_col = dinv.reshape(NP, 1)

    p1 = _run_msg(xw1_t.reshape(H * NP), idx_flat, vals_flat, dinv_flat)
    xw2, xw2_t = _run_combine(p1, xw1, dinv_col, b1.reshape(1, H), W2)

    p2 = _run_msg(xw2_t.reshape(H * NP), idx_flat, vals_flat, dinv_flat)
    out2, stats = _run_final_relu(p2, xw2, dinv_col, b2.reshape(1, H))

    out = _run_norm_proj(out2, stats, gamma.reshape(1, H),
                         beta.reshape(1, H), Wp, bp.reshape(1, O_DIM))
    return out[:N_REAL].reshape(1, N_REAL, O_DIM)

# --- scband reference (transcript-rebuilt; emitter-appended) ---
"""Pipeline reference for scband-dynamic-graph-core-51805895524418 (READ-ONLY COPY).

The authoritative reference and input builder live on the scoring server;
editing this copy changes nothing except your own understanding.
"""

import jax, jax.numpy as jnp
import numpy as np

K_NN = 8

def _gru_last(x_seq, Wih, Whh, bih, bhh):
    H = Whh.shape[1]
    def step(h, x):
        gi = x @ Wih.T + bih
        gh = h @ Whh.T + bhh
        ir, iz, inn = jnp.split(gi, 3, axis=-1)
        hr, hz, hn = jnp.split(gh, 3, axis=-1)
        r = jax.nn.sigmoid(ir + hr)
        z = jax.nn.sigmoid(iz + hz)
        nc = jnp.tanh(inn + r * hn)
        h2 = ((1.0 - z) * nc + z * h).astype(h.dtype)
        return h2, None
    h0 = jnp.zeros((x_seq.shape[1], H), dtype=x_seq.dtype)
    hl, _ = jax.lax.scan(step, h0, x_seq)
    return hl

def _gcn_layer(x, src, dst, ew, W, b, N):
    deg = jnp.zeros((N,), dtype=x.dtype).at[dst].add(ew)
    dinv = jnp.where(deg > 0, deg ** -0.5, 0.0)
    norm = dinv[src] * ew * dinv[dst]
    xw = x @ W.T
    msg = norm[:, None] * jnp.take(xw, src, axis=0)
    out = jnp.zeros((N, W.shape[0]), dtype=x.dtype).at[dst].add(msg)
    return out + b

def setup_inputs(seed: int = 0):
    key = jax.random.key(seed)
    ks = jax.random.split(key, 20)
    B, L, F, Nn = 1, 4, 128, 10000
    H, G, O = 64, 64, 32
    def u(k, sh, fan):
        return jax.random.uniform(k, sh, jnp.float32, -1.0, 1.0) / np.sqrt(fan)
    return {
        "x_seq": jax.random.normal(ks[0], (B, L, F, Nn), dtype=jnp.float32),
        "Wih_sim": u(ks[1], (3 * H, F), H),
        "Whh_sim": u(ks[2], (3 * H, H), H),
        "bih_sim": u(ks[3], (3 * H,), H),
        "bhh_sim": u(ks[4], (3 * H,), H),
        "Wih": u(ks[5], (3 * H, F), H),
        "Whh": u(ks[6], (3 * H, H), H),
        "bih": u(ks[7], (3 * H,), H),
        "bhh": u(ks[8], (3 * H,), H),
        "W1": u(ks[9], (G, H), H),
        "b1": u(ks[10], (G,), H),
        "W2": u(ks[11], (G, G), G),
        "b2": u(ks[12], (G,), G),
        "gamma": jnp.ones((G,), dtype=jnp.float32),
        "beta": jnp.zeros((G,), dtype=jnp.float32),
        "Wp": u(ks[13], (O, G), G),
        "bp": u(ks[14], (O,), G),
    }

def reference(x_seq, Wih_sim, Whh_sim, bih_sim, bhh_sim, Wih, Whh, bih, bhh, W1, b1, W2, b2, gamma, beta, Wp, bp):
    b, l, f, n = x_seq.shape
    gru_in = jnp.transpose(x_seq, (1, 0, 3, 2)).reshape(l, b * n, f)
    h_sim = _gru_last(gru_in, Wih_sim, Whh_sim, bih_sim, bhh_sim).reshape(b, n, -1)
    h_out = _gru_last(gru_in, Wih, Whh, bih, bhh).reshape(b, n, -1)
    sim = jnp.einsum('bni,bmi->bnm', h_sim, h_sim)
    eye = jnp.eye(n, dtype=bool)[None, :, :]
    sim_masked = jnp.where(eye, jnp.float32(-1e9), sim)
    topk_vals, topk_idx = jax.lax.top_k(sim_masked, K_NN)
    src = jnp.broadcast_to(jnp.arange(n)[None, :, None], (b, n, K_NN))
    offsets = (jnp.arange(b) * n)[:, None, None]
    src_all = (src + offsets).reshape(-1)
    dst_all = (topk_idx + offsets).reshape(-1)
    w_all = topk_vals.reshape(-1)
    N = b * n
    loop = jnp.arange(N)
    src_all = jnp.concatenate([src_all, loop])
    dst_all = jnp.concatenate([dst_all, loop])
    w_all = jnp.concatenate([w_all, jnp.ones((N,), dtype=w_all.dtype)])
    x_all = h_out.reshape(N, -1)
    out1 = jax.nn.relu(_gcn_layer(x_all, src_all, dst_all, w_all, W1, b1, N))
    out2 = jax.nn.relu(_gcn_layer(out1, src_all, dst_all, w_all, W2, b2, N))
    mean = out2.mean(axis=0)
    var = out2.var(axis=0)
    out2n = (out2 - mean) / jnp.sqrt(var + 1e-5) * gamma + beta
    out = out2n @ Wp.T + bp
    return out.reshape(b, n, -1)

if __name__ == "__main__":
    import jax
    _d = setup_inputs()
    print(jax.jit(kernel)(*tuple(_d.values())))

</pallas_src>

<mosaic_0001>
#map = affine_map<(d0, d1) -> (0)>
module attributes {stable_mosaic.version = 14 : i64} {
  func.func @_deg_body(%arg0: i32, %arg1: i32, %arg2: memref<81920xi32, #tpu.memory_space<hbm>>, %arg3: memref<81920xf32, #tpu.memory_space<hbm>>, %arg4: memref<327680xf32, #tpu.memory_space<hbm>>, %arg5: memref<2560xi32, #tpu.memory_space<vmem>>, %arg6: memref<2560xf32, #tpu.memory_space<vmem>>, %arg7: memref<20480xf32, #tpu.memory_space<vmem>>) attributes {dimension_semantics = [#tpu.dimension_semantics<core_parallel>, #tpu.dimension_semantics<subcore_parallel>], iteration_bounds = array<i64: 2, 16>, scalar_prefetch = 0 : i64, scratch_operands = 3 : i64, tpu.core_type = #tpu.core_type<sc_vector_subcore>, window_params = [{transform_indices = #map}, {transform_indices = #map}, {transform_indices = #map}]} {
    %mul3A = arith.constant 16 : i32
    %mul3A_0 = arith.muli %arg0, %mul3A : i32
    %add3A = arith.addi %mul3A_0, %arg1 : i32
    %mul3A_1 = arith.constant 2560 : i32
    %mul3A_2 = arith.muli %add3A, %mul3A_1 : i32
    "tpu.region"() ({
      %run_scoped3A = tpu.sem_alloc : memref<!tpu.dma_semaphore, #tpu.memory_space<semaphore_mem>>
      %dma_start3A = tpu.memref_slice %arg2[%mul3A_2] : memref<81920xi32, #tpu.memory_space<hbm>> -> memref<2560xi32, #tpu.memory_space<hbm>>
      %dma_start3A_28 = tpu.memref_slice %arg2[%mul3A_2] : memref<81920xi32, #tpu.memory_space<hbm>> -> memref<2560xi32, #tpu.memory_space<hbm>>
      tpu.enqueue_dma source(%dma_start3A_28 : memref<2560xi32, #tpu.memory_space<hbm>>) target(%arg5 : memref<2560xi32, #tpu.memory_space<vmem>>) target_semaphore(%run_scoped3A : memref<!tpu.dma_semaphore, #tpu.memory_space<semaphore_mem>>)
      %dma_wait3A = tpu.memref_slice %arg2[%mul3A_2] : memref<81920xi32, #tpu.memory_space<hbm>> -> memref<2560xi32, #tpu.memory_space<hbm>>
      %dma_wait3A_29 = tpu.memref_slice %arg2[%mul3A_2] : memref<81920xi32, #tpu.memory_space<hbm>> -> memref<2560xi32, #tpu.memory_space<hbm>>
      tpu.wait_dma2 semaphore(%run_scoped3A : memref<!tpu.dma_semaphore, #tpu.memory_space<semaphore_mem>>) src(%dma_wait3A_29 : memref<2560xi32, #tpu.memory_space<hbm>>) dst(%arg5 : memref<2560xi32, #tpu.memory_space<vmem>>)
      tpu.yield
    }) : () -> ()
    "tpu.region"() ({
      %run_scoped3A = tpu.sem_alloc : memref<!tpu.dma_semaphore, #tpu.memory_space<semaphore_mem>>
      %dma_start3A = tpu.memref_slice %arg3[%mul3A_2] : memref<81920xf32, #tpu.memory_space<hbm>> -> memref<2560xf32, #tpu.memory_space<hbm>>
      %dma_start3A_28 = tpu.memref_slice %arg3[%mul3A_2] : memref<81920xf32, #tpu.memory_space<hbm>> -> memref<2560xf32, #tpu.memory_space<hbm>>
      tpu.enqueue_dma source(%dma_start3A_28 : memref<2560xf32, #tpu.memory_space<hbm>>) target(%arg6 : memref<2560xf32, #tpu.memory_space<vmem>>) target_semaphore(%run_scoped3A : memref<!tpu.dma_semaphore, #tpu.memory_space<semaphore_mem>>)
      %dma_wait3A = tpu.memref_slice %arg3[%mul3A_2] : memref<81920xf32, #tpu.memory_space<hbm>> -> memref<2560xf32, #tpu.memory_space<hbm>>
      %dma_wait3A_29 = tpu.memref_slice %arg3[%mul3A_2] : memref<81920xf32, #tpu.memory_space<hbm>> -> memref<2560xf32, #tpu.memory_space<hbm>>
      tpu.wait_dma2 semaphore(%run_scoped3A : memref<!tpu.dma_semaphore, #tpu.memory_space<semaphore_mem>>) src(%dma_wait3A_29 : memref<2560xf32, #tpu.memory_space<hbm>>) dst(%arg6 : memref<2560xf32, #tpu.memory_space<vmem>>)
      tpu.yield
    }) : () -> ()
    %broadcast_in_dim3A = arith.constant 0.000000e+00 : f32
    %broadcast_in_dim3A_3 = vector.broadcast %broadcast_in_dim3A : f32 to vector<16xf32>
    %scan3A = arith.constant 0 : i32
    %scan3A_4 = arith.constant 0 : i32
    %scan3A_5 = arith.constant 1280 : i32
    %scan3A_6 = arith.addi %scan3A_4, %scan3A_5 : i32
    %scan3A_7 = arith.constant 1 : i32
    scf.for %scan3A_28 = %scan3A_4 to %scan3A_6 step %scan3A_7  : i32 {
      %mul3A_29 = arith.constant 16 : i32
      %mul3A_30 = arith.muli %scan3A_28, %mul3A_29 : i32
      %swap3A = arith.index_cast %mul3A_30 : i32 to index
      %swap3A_31 = tpu.vector_load %arg7[%swap3A] {strides = array<i32>} : memref<20480xf32, #tpu.memory_space<vmem>>, vector<16xf32>,
      tpu.vector_store %arg7[%swap3A], %broadcast_in_dim3A_3 {strides = array<i32>} : memref<20480xf32, #tpu.memory_space<vmem>>, vector<16xf32>,
    }
    %scan3A_8 = arith.constant 1280 : i32
    %iota3A = tpu.iota {dimensions = array<i32: 0>} : vector<16xi32>
    %ge3A = arith.constant 8 : i32
    %ge3A_9 = vector.broadcast %ge3A : i32 to vector<16xi32>
    %ge3A_10 = arith.cmpi sge, %iota3A, %ge3A_9 : vector<16xi32>
    %jit3A = arith.constant 10240 : i32
    %jit3A_11 = arith.constant 0 : i32
    %broadcast_in_dim3A_12 = vector.broadcast %jit3A : i32 to vector<16xi32>
    %broadcast_in_dim3A_13 = vector.broadcast %jit3A_11 : i32 to vector<16xi32>
    %select_n3A = arith.select %ge3A_10, %broadcast_in_dim3A_12, %broadcast_in_dim3A_13 : vector<16xi1>, vector<16xi32>
    %scan3A_14 = arith.constant 0 : i32
    %scan3A_15 = arith.constant 0 : i32
    %scan3A_16 = arith.constant 160 : i32
    %scan3A_17 = arith.addi %scan3A_15, %scan3A_16 : i32
    %scan3A_18 = arith.constant 1 : i32
    scf.for %scan3A_28 = %scan3A_15 to %scan3A_17 step %scan3A_18  : i32 {
      %mul3A_29 = arith.constant 16 : i32
      %mul3A_30 = arith.muli %scan3A_28, %mul3A_29 : i32
      %get3A = arith.index_cast %mul3A_30 : i32 to index
      %get3A_31 = tpu.vector_load %arg5[%get3A] {strides = array<i32>} : memref<2560xi32, #tpu.memory_space<vmem>>, vector<16xi32>,
      %mul3A_32 = arith.constant 16 : i32
      %mul3A_33 = arith.muli %scan3A_28, %mul3A_32 : i32
      %get3A_34 = arith.index_cast %mul3A_33 : i32 to index
      %get3A_35 = tpu.vector_load %arg6[%get3A_34] {strides = array<i32>} : memref<2560xf32, #tpu.memory_space<vmem>>, vector<16xf32>,
      %add3A_36 = arith.addi %get3A_31, %select_n3A : vector<16xi32>
      tpu.vector_store_idx %arg7[%add3A_36], %get3A_35 {add = true} : memref<20480xf32, #tpu.memory_space<vmem>>[vector<16xi32>], vector<16xf32>,
    }
    %scan3A_19 = arith.constant 160 : i32
    %scan3A_20 = arith.constant 0 : i32
    %scan3A_21 = arith.constant 0 : i32
    %scan3A_22 = arith.constant 640 : i32
    %scan3A_23 = arith.addi %scan3A_21, %scan3A_22 : i32
    %scan3A_24 = arith.constant 1 : i32
    scf.for %scan3A_28 = %scan3A_21 to %scan3A_23 step %scan3A_24  : i32 {
      %mul3A_29 = arith.constant 16 : i32
      %mul3A_30 = arith.muli %scan3A_28, %mul3A_29 : i32
      %get3A = arith.index_cast %mul3A_30 : i32 to index
      %get3A_31 = tpu.vector_load %arg7[%get3A] {strides = array<i32>} : memref<20480xf32, #tpu.memory_space<vmem>>, vector<16xf32>,
      %mul3A_32 = arith.constant 16 : i32
      %mul3A_33 = arith.muli %scan3A_28, %mul3A_32 : i32
      %add3A_34 = arith.constant 10240 : i32
      %add3A_35 = arith.addi %add3A_34, %mul3A_33 : i32
      %get3A_36 = arith.index_cast %add3A_35 : i32 to index
      %get3A_37 = tpu.vector_load %arg7[%get3A_36] {strides = array<i32>} : memref<20480xf32, #tpu.memory_space<vmem>>, vector<16xf32>,
      %add3A_38 = arith.addf %get3A_31, %get3A_37 : vector<16xf32>
      %mul3A_39 = arith.constant 16 : i32
      %mul3A_40 = arith.muli %scan3A_28, %mul3A_39 : i32
      %swap3A = arith.index_cast %mul3A_40 : i32 to index
      %swap3A_41 = tpu.vector_load %arg7[%swap3A] {strides = array<i32>} : memref<20480xf32, #tpu.memory_space<vmem>>, vector<16xf32>,
      tpu.vector_store %arg7[%swap3A], %add3A_38 {strides = array<i32>} : memref<20480xf32, #tpu.memory_space<vmem>>, vector<16xf32>,
    }
    %scan3A_25 = arith.constant 640 : i32
    %mul3A_26 = arith.constant 10240 : i32
    %mul3A_27 = arith.muli %add3A, %mul3A_26 : i32
    "tpu.region"() ({
      %run_scoped3A = tpu.sem_alloc : memref<!tpu.dma_semaphore, #tpu.memory_space<semaphore_mem>>
      %dma_start3A = arith.constant 0 : i32
      %dma_start3A_28 = tpu.memref_slice %arg7[%dma_start3A] : memref<20480xf32, #tpu.memory_space<vmem>> -> memref<10240xf32, #tpu.memory_space<vmem>>
      %dma_start3A_29 = tpu.memref_slice %arg4[%mul3A_27] : memref<327680xf32, #tpu.memory_space<hbm>> -> memref<10240xf32, #tpu.memory_space<hbm>>
      %dma_start3A_30 = tpu.memref_slice %arg4[%mul3A_27] : memref<327680xf32, #tpu.memory_space<hbm>> -> memref<10240xf32, #tpu.memory_space<hbm>>
      %dma_start3A_31 = arith.constant 0 : i32
      %dma_start3A_32 = tpu.memref_slice %arg7[%dma_start3A_31] : memref<20480xf32, #tpu.memory_space<vmem>> -> memref<10240xf32, #tpu.memory_space<vmem>>
      tpu.enqueue_dma source(%dma_start3A_32 : memref<10240xf32, #tpu.memory_space<vmem>>) target(%dma_start3A_30 : memref<10240xf32, #tpu.memory_space<hbm>>) target_semaphore(%run_scoped3A : memref<!tpu.dma_semaphore, #tpu.memory_space<semaphore_mem>>)
      %dma_wait3A = arith.constant 0 : i32
      %dma_wait3A_33 = tpu.memref_slice %arg7[%dma_wait3A] : memref<20480xf32, #tpu.memory_space<vmem>> -> memref<10240xf32, #tpu.memory_space<vmem>>
      %dma_wait3A_34 = tpu.memref_slice %arg4[%mul3A_27] : memref<327680xf32, #tpu.memory_space<hbm>> -> memref<10240xf32, #tpu.memory_space<hbm>>
      %dma_wait3A_35 = tpu.memref_slice %arg4[%mul3A_27] : memref<327680xf32, #tpu.memory_space<hbm>> -> memref<10240xf32, #tpu.memory_space<hbm>>
      %dma_wait3A_36 = arith.constant 0 : i32
      %dma_wait3A_37 = tpu.memref_slice %arg7[%dma_wait3A_36] : memref<20480xf32, #tpu.memory_space<vmem>> -> memref<10240xf32, #tpu.memory_space<vmem>>
      tpu.wait_dma2 semaphore(%run_scoped3A : memref<!tpu.dma_semaphore, #tpu.memory_space<semaphore_mem>>) src(%dma_wait3A_37 : memref<10240xf32, #tpu.memory_space<vmem>>) dst(%dma_wait3A_35 : memref<10240xf32, #tpu.memory_space<hbm>>)
      tpu.yield
    }) : () -> ()
    return
  }
}

#map = affine_map<(d0, d1) -> (0)>
module attributes {stable_mosaic.version = 14 : i64} {
  func.func @_msg_body(%arg0: i32, %arg1: i32, %arg2: memref<655360xf32, #tpu.memory_space<hbm>>, %arg3: memref<81920xi32, #tpu.memory_space<hbm>>, %arg4: memref<81920xf32, #tpu.memory_space<hbm>>, %arg5: memref<10240xf32, #tpu.memory_space<hbm>>, %arg6: memref<655360xf32, #tpu.memory_space<hbm>>, %arg7: memref<20480xf32, #tpu.memory_space<vmem>>, %arg8: memref<8192xi32, #tpu.memory_space<vmem>>, %arg9: memref<8192xf32, #tpu.memory_space<vmem>>, %arg10: memref<10240xf32, #tpu.memory_space<vmem>>, %arg11: memref<40960xf32, #tpu.memory_space<vmem>>) attributes {dimension_semantics = [#tpu.dimension_semantics<core_parallel>, #tpu.dimension_semantics<subcore_parallel>], iteration_bounds = array<i64: 2, 16>, scalar_prefetch = 0 : i64, scratch_operands = 5 : i64, tpu.core_type = #tpu.core_type<sc_vector_subcore>, window_params = [{transform_indices = #map}, {transform_indices = #map}, {transform_indices = #map}, {transform_indices = #map}, {transform_indices = #map}]} {
    %mul3A = arith.constant 16 : i32
    %mul3A_0 = arith.muli %arg0, %mul3A : i32
    %add3A = arith.addi %mul3A_0, %arg1 : i32
    %mul3A_1 = arith.constant 2 : i32
    %mul3A_2 = arith.muli %add3A, %mul3A_1 : i32
    "tpu.region"() ({
      %run_scoped3A = tpu.sem_alloc : memref<!tpu.dma_semaphore, #tpu.memory_space<semaphore_mem>>
      tpu.enqueue_dma source(%arg5 : memref<10240xf32, #tpu.memory_space<hbm>>) target(%arg10 : memref<10240xf32, #tpu.memory_space<vmem>>) target_semaphore(%run_scoped3A : memref<!tpu.dma_semaphore, #tpu.memory_space<semaphore_mem>>)
      tpu.wait_dma2 semaphore(%run_scoped3A : memref<!tpu.dma_semaphore, #tpu.memory_space<semaphore_mem>>) src(%arg5 : memref<10240xf32, #tpu.memory_space<hbm>>) dst(%arg10 : memref<10240xf32, #tpu.memory_space<vmem>>)
      tpu.yield
    }) : () -> ()
    %add3A_3 = arith.constant 0 : i32
    %add3A_4 = arith.addi %mul3A_2, %add3A_3 : i32
    %mul3A_5 = arith.constant 10240 : i32
    %mul3A_6 = arith.muli %add3A_4, %mul3A_5 : i32
    "tpu.region"() ({
      %run_scoped3A = tpu.sem_alloc : memref<!tpu.dma_semaphore, #tpu.memory_space<semaphore_mem>>
      %dma_start3A = arith.constant 0 : i32
      %dma_start3A_42 = tpu.memref_slice %arg7[%dma_start3A] : memref<20480xf32, #tpu.memory_space<vmem>> -> memref<10240xf32, #tpu.memory_space<vmem>>
      %dma_start3A_43 = tpu.memref_slice %arg2[%mul3A_6] : memref<655360xf32, #tpu.memory_space<hbm>> -> memref<10240xf32, #tpu.memory_space<hbm>>
      %dma_start3A_44 = arith.constant 0 : i32
      %dma_start3A_45 = tpu.memref_slice %arg7[%dma_start3A_44] : memref<20480xf32, #tpu.memory_space<vmem>> -> memref<10240xf32, #tpu.memory_space<vmem>>
      %dma_start3A_46 = tpu.memref_slice %arg2[%mul3A_6] : memref<655360xf32, #tpu.memory_space<hbm>> -> memref<10240xf32, #tpu.memory_space<hbm>>
      tpu.enqueue_dma source(%dma_start3A_46 : memref<10240xf32, #tpu.memory_space<hbm>>) target(%dma_start3A_45 : memref<10240xf32, #tpu.memory_space<vmem>>) target_semaphore(%run_scoped3A : memref<!tpu.dma_semaphore, #tpu.memory_space<semaphore_mem>>)
      %dma_wait3A = arith.constant 0 : i32
      %dma_wait3A_47 = tpu.memref_slice %arg7[%dma_wait3A] : memref<20480xf32, #tpu.memory_space<vmem>> -> memref<10240xf32, #tpu.memory_space<vmem>>
      %dma_wait3A_48 = tpu.memref_slice %arg2[%mul3A_6] : memref<655360xf32, #tpu.memory_space<hbm>> -> memref<10240xf32, #tpu.memory_space<hbm>>
      %dma_wait3A_49 = arith.constant 0 : i32
      %dma_wait3A_50 = tpu.memref_slice %arg7[%dma_wait3A_49] : memref<20480xf32, #tpu.memory_space<vmem>> -> memref<10240xf32, #tpu.memory_space<vmem>>
      %dma_wait3A_51 = tpu.memref_slice %arg2[%mul3A_6] : memref<655360xf32, #tpu.memory_space<hbm>> -> memref<10240xf32, #tpu.memory_space<hbm>>
      tpu.wait_dma2 semaphore(%run_scoped3A : memref<!tpu.dma_semaphore, #tpu.memory_space<semaphore_mem>>) src(%dma_wait3A_51 : memref<10240xf32, #tpu.memory_space<hbm>>) dst(%dma_wait3A_50 : memref<10240xf32, #tpu.memory_space<vmem>>)
      tpu.yield
    }) : () -> ()
    %add3A_7 = arith.constant 1 : i32
    %add3A_8 = arith.addi %mul3A_2, %add3A_7 : i32
    %mul3A_9 = arith.constant 10240 : i32
    %mul3A_10 = arith.muli %add3A_8, %mul3A_9 : i32
    "tpu.region"() ({
      %run_scoped3A = tpu.sem_alloc : memref<!tpu.dma_semaphore, #tpu.memory_space<semaphore_mem>>
      %dma_start3A = arith.constant 10240 : i32
      %dma_start3A_42 = tpu.memref_slice %arg7[%dma_start3A] : memref<20480xf32, #tpu.memory_space<vmem>> -> memref<10240xf32, #tpu.memory_space<vmem>>
      %dma_start3A_43 = tpu.memref_slice %arg2[%mul3A_10] : memref<655360xf32, #tpu.memory_space<hbm>> -> memref<10240xf32, #tpu.memory_space<hbm>>
      %dma_start3A_44 = arith.constant 10240 : i32
      %dma_start3A_45 = tpu.memref_slice %arg7[%dma_start3A_44] : memref<20480xf32, #tpu.memory_space<vmem>> -> memref<10240xf32, #tpu.memory_space<vmem>>
      %dma_start3A_46 = tpu.memref_slice %arg2[%mul3A_10] : memref<655360xf32, #tpu.memory_space<hbm>> -> memref<10240xf32, #tpu.memory_space<hbm>>
      tpu.enqueue_dma source(%dma_start3A_46 : memref<10240xf32, #tpu.memory_space<hbm>>) target(%dma_start3A_45 : memref<10240xf32, #tpu.memory_space<vmem>>) target_semaphore(%run_scoped3A : memref<!tpu.dma_semaphore, #tpu.memory_space<semaphore_mem>>)
      %dma_wait3A = arith.constant 10240 : i32
      %dma_wait3A_47 = tpu.memref_slice %arg7[%dma_wait3A] : memref<20480xf32, #tpu.memory_space<vmem>> -> memref<10240xf32, #tpu.memory_space<vmem>>
      %dma_wait3A_48 = tpu.memref_slice %arg2[%mul3A_10] : memref<655360xf32, #tpu.memory_space<hbm>> -> memref<10240xf32, #tpu.memory_space<hbm>>
      %dma_wait3A_49 = arith.constant 10240 : i32
      %dma_wait3A_50 = tpu.memref_slice %arg7[%dma_wait3A_49] : memref<20480xf32, #tpu.memory_space<vmem>> -> memref<10240xf32, #tpu.memory_space<vmem>>
      %dma_wait3A_51 = tpu.memref_slice %arg2[%mul3A_10] : memref<655360xf32, #tpu.memory_space<hbm>> -> memref<10240xf32, #tpu.memory_space<hbm>>
      tpu.wait_dma2 semaphore(%run_scoped3A : memref<!tpu.dma_semaphore, #tpu.memory_space<semaphore_mem>>) src(%dma_wait3A_51 : memref<10240xf32, #tpu.memory_space<hbm>>) dst(%dma_wait3A_50 : memref<10240xf32, #tpu.memory_space<vmem>>)
      tpu.yield
    }) : () -> ()
    %broadcast_in_dim3A = arith.constant 0.000000e+00 : f32
    %broadcast_in_dim3A_11 = vector.broadcast %broadcast_in_dim3A : f32 to vector<16xf32>
    %scan3A = arith.constant 0 : i32
    %scan3A_12 = arith.constant 0 : i32
    %scan3A_13 = arith.constant 2560 : i32
    %scan3A_14 = arith.addi %scan3A_12, %scan3A_13 : i32
    %scan3A_15 = arith.constant 1 : i32
    scf.for %scan3A_42 = %scan3A_12 to %scan3A_14 step %scan3A_15  : i32 {
      %mul3A_43 = arith.constant 16 : i32
      %mul3A_44 = arith.muli %scan3A_42, %mul3A_43 : i32
      %swap3A = arith.index_cast %mul3A_44 : i32 to index
      %swap3A_45 = tpu.vector_load %arg11[%swap3A] {strides = array<i32>} : memref<40960xf32, #tpu.memory_space<vmem>>, vector<16xf32>,
      tpu.vector_store %arg11[%swap3A], %broadcast_in_dim3A_11 {strides = array<i32>} : memref<40960xf32, #tpu.memory_space<vmem>>, vector<16xf32>,
    }
    %scan3A_16 = arith.constant 2560 : i32
    %iota3A = tpu.iota {dimensions = array<i32: 0>} : vector<16xi32>
    %ge3A = arith.constant 8 : i32
    %ge3A_17 = vector.broadcast %ge3A : i32 to vector<16xi32>
    %ge3A_18 = arith.cmpi sge, %iota3A, %ge3A_17 : vector<16xi32>
    %jit3A = arith.constant 10240 : i32
    %jit3A_19 = arith.constant 0 : i32
    %broadcast_in_dim3A_20 = vector.broadcast %jit3A : i32 to vector<16xi32>
    %broadcast_in_dim3A_21 = vector.broadcast %jit3A_19 : i32 to vector<16xi32>
    %select_n3A = arith.select %ge3A_18, %broadcast_in_dim3A_20, %broadcast_in_dim3A_21 : vector<16xi1>, vector<16xi32>
    %scan3A_22 = arith.constant 0 : i32
    %scan3A_23 = arith.constant 0 : i32
    %scan3A_24 = arith.constant 10 : i32
    %scan3A_25 = arith.addi %scan3A_23, %scan3A_24 : i32
    %scan3A_26 = arith.constant 1 : i32
    scf.for %scan3A_42 = %scan3A_23 to %scan3A_25 step %scan3A_26  : i32 {
      %mul3A_43 = arith.constant 8192 : i32
      %mul3A_44 = arith.muli %scan3A_42, %mul3A_43 : i32
      "tpu.region"() ({
        %run_scoped3A = tpu.sem_alloc : memref<!tpu.dma_semaphore, #tpu.memory_space<semaphore_mem>>
        %dma_start3A = tpu.memref_slice %arg3[%mul3A_44] : memref<81920xi32, #tpu.memory_space<hbm>> -> memref<8192xi32, #tpu.memory_space<hbm>>
        %dma_start3A_53 = tpu.memref_slice %arg3[%mul3A_44] : memref<81920xi32, #tpu.memory_space<hbm>> -> memref<8192xi32, #tpu.memory_space<hbm>>
        tpu.enqueue_dma source(%dma_start3A_53 : memref<8192xi32, #tpu.memory_space<hbm>>) target(%arg8 : memref<8192xi32, #tpu.memory_space<vmem>>) target_semaphore(%run_scoped3A : memref<!tpu.dma_semaphore, #tpu.memory_space<semaphore_mem>>)
        %dma_wait3A = tpu.memref_slice %arg3[%mul3A_44] : memref<81920xi32, #tpu.memory_space<hbm>> -> memref<8192xi32, #tpu.memory_space<hbm>>
        %dma_wait3A_54 = tpu.memref_slice %arg3[%mul3A_44] : memref<81920xi32, #tpu.memory_space<hbm>> -> memref<8192xi32, #tpu.memory_space<hbm>>
        tpu.wait_dma2 semaphore(%run_scoped3A : memref<!tpu.dma_semaphore, #tpu.memory_space<semaphore_mem>>) src(%dma_wait3A_54 : memref<8192xi32, #tpu.memory_space<hbm>>) dst(%arg8 : memref<8192xi32, #tpu.memory_space<vmem>>)
        tpu.yield
      }) : () -> ()
      %mul3A_45 = arith.constant 8192 : i32
      %mul3A_46 = arith.muli %scan3A_42, %mul3A_45 : i32
      "tpu.region"() ({
        %run_scoped3A = tpu.sem_alloc : memref<!tpu.dma_semaphore, #tpu.memory_space<semaphore_mem>>
        %dma_start3A = tpu.memref_slice %arg4[%mul3A_46] : memref<81920xf32, #tpu.memory_space<hbm>> -> memref<8192xf32, #tpu.memory_space<hbm>>
        %dma_start3A_53 = tpu.memref_slice %arg4[%mul3A_46] : memref<81920xf32, #tpu.memory_space<hbm>> -> memref<8192xf32, #tpu.memory_space<hbm>>
        tpu.enqueue_dma source(%dma_start3A_53 : memref<8192xf32, #tpu.memory_space<hbm>>) target(%arg9 : memref<8192xf32, #tpu.memory_space<vmem>>) target_semaphore(%run_scoped3A : memref<!tpu.dma_semaphore, #tpu.memory_space<semaphore_mem>>)
        %dma_wait3A = tpu.memref_slice %arg4[%mul3A_46] : memref<81920xf32, #tpu.memory_space<hbm>> -> memref<8192xf32, #tpu.memory_space<hbm>>
        %dma_wait3A_54 = tpu.memref_slice %arg4[%mul3A_46] : memref<81920xf32, #tpu.memory_space<hbm>> -> memref<8192xf32, #tpu.memory_space<hbm>>
        tpu.wait_dma2 semaphore(%run_scoped3A : memref<!tpu.dma_semaphore, #tpu.memory_space<semaphore_mem>>) src(%dma_wait3A_54 : memref<8192xf32, #tpu.memory_space<hbm>>) dst(%arg9 : memref<8192xf32, #tpu.memory_space<vmem>>)
        tpu.yield
      }) : () -> ()
      %scan3A_47 = arith.constant 0 : i32
      %scan3A_48 = arith.constant 0 : i32
      %scan3A_49 = arith.constant 512 : i32
      %scan3A_50 = arith.addi %scan3A_48, %scan3A_49 : i32
      %scan3A_51 = arith.constant 4 : i32
      scf.for %scan3A_53 = %scan3A_48 to %scan3A_50 step %scan3A_51  : i32 {
        %mul3A_54 = arith.constant 16 : i32
        %mul3A_55 = arith.muli %scan3A_53, %mul3A_54 : i32
        %get3A = arith.index_cast %mul3A_55 : i32 to index
        %get3A_56 = tpu.vector_load %arg8[%get3A] {strides = array<i32>} : memref<8192xi32, #tpu.memory_space<vmem>>, vector<16xi32>,
        %get3A_57 = arith.index_cast %mul3A_55 : i32 to index
        %get3A_58 = tpu.vector_load %arg9[%get3A_57] {strides = array<i32>} : memref<8192xf32, #tpu.memory_space<vmem>>, vector<16xf32>,
        %mul3A_59 = arith.constant 8192 : i32
        %mul3A_60 = arith.muli %scan3A_42, %mul3A_59 : i32
        %add3A_61 = arith.addi %mul3A_60, %mul3A_55 : i32
        %add3A_62 = vector.broadcast %add3A_61 : i32 to vector<16xi32>
        %add3A_63 = arith.addi %add3A_62, %iota3A : vector<16xi32>
        %shift_right_logical3A = arith.constant 3 : i32
        %shift_right_logical3A_64 = vector.broadcast %shift_right_logical3A : i32 to vector<16xi32>
        %shift_right_logical3A_65 = arith.shrui %add3A_63, %shift_right_logical3A_64 : vector<16xi32>
        %gather3A = tpu.vector_load_idx %arg10[%shift_right_logical3A_65] : memref<10240xf32, #tpu.memory_space<vmem>>[vector<16xi32>], vector<16xf32>,
        %gather3A_66 = tpu.vector_load_idx %arg10[%get3A_56] : memref<10240xf32, #tpu.memory_space<vmem>>[vector<16xi32>], vector<16xf32>,
        %mul3A_67 = arith.mulf %gather3A, %get3A_58 : vector<16xf32>
        %mul3A_68 = arith.mulf %mul3A_67, %gather3A_66 : vector<16xf32>
        %add3A_69 = arith.addi %get3A_56, %select_n3A : vector<16xi32>
        %add3A_70 = arith.constant 0 : i32
        %add3A_71 = vector.broadcast %add3A_70 : i32 to vector<16xi32>
        %add3A_72 = arith.addi %shift_right_logical3A_65, %add3A_71 : vector<16xi32>
        %gather3A_73 = tpu.vector_load_idx %arg7[%add3A_72] : memref<20480xf32, #tpu.memory_space<vmem>>[vector<16xi32>], vector<16xf32>,
        %add3A_74 = arith.constant 0 : i32
        %add3A_75 = vector.broadcast %add3A_74 : i32 to vector<16xi32>
        %add3A_76 = arith.addi %add3A_69, %add3A_75 : vector<16xi32>
        %mul3A_77 = arith.mulf %mul3A_68, %gather3A_73 : vector<16xf32>
        tpu.vector_store_idx %arg11[%add3A_76], %mul3A_77 {add = true} : memref<40960xf32, #tpu.memory_space<vmem>>[vector<16xi32>], vector<16xf32>,
        %add3A_78 = arith.constant 10240 : i32
        %add3A_79 = vector.broadcast %add3A_78 : i32 to vector<16xi32>
        %add3A_80 = arith.addi %shift_right_logical3A_65, %add3A_79 : vector<16xi32>
        %gather3A_81 = tpu.vector_load_idx %arg7[%add3A_80] : memref<20480xf32, #tpu.memory_space<vmem>>[vector<16xi32>], vector<16xf32>,
        %add3A_82 = arith.constant 20480 : i32
        %add3A_83 = vector.broadcast %add3A_82 : i32 to vector<16xi32>
        %add3A_84 = arith.addi %add3A_69, %add3A_83 : vector<16xi32>
        %mul3A_85 = arith.mulf %mul3A_68, %gather3A_81 : vector<16xf32>
        tpu.vector_store_idx %arg11[%add3A_84], %mul3A_85 {add = true} : memref<40960xf32, #tpu.memory_space<vmem>>[vector<16xi32>], vector<16xf32>,
        %scan3A_86 = arith.constant 1 : i32
        %scan3A_87 = arith.addi %scan3A_53, %scan3A_86 : i32
        %mul3A_88 = arith.constant 16 : i32
        %mul3A_89 = arith.muli %scan3A_87, %mul3A_88 : i32
        %get3A_90 = arith.index_cast %mul3A_89 : i32 to index
        %get3A_91 = tpu.vector_load %arg8[%get3A_90] {strides = array<i32>} : memref<8192xi32, #tpu.memory_space<vmem>>, vector<16xi32>,
        %get3A_92 = arith.index_cast %mul3A_89 : i32 to index
        %get3A_93 = tpu.vector_load %arg9[%get3A_92] {strides = array<i32>} : memref<8192xf32, #tpu.memory_space<vmem>>, vector<16xf32>,
        %mul3A_94 = arith.constant 8192 : i32
        %mul3A_95 = arith.muli %scan3A_42, %mul3A_94 : i32
        %add3A_96 = arith.addi %mul3A_95, %mul3A_89 : i32
        %add3A_97 = vector.broadcast %add3A_96 : i32 to vector<16xi32>
        %add3A_98 = arith.addi %add3A_97, %iota3A : vector<16xi32>
        %shift_right_logical3A_99 = arith.constant 3 : i32
        %shift_right_logical3A_100 = vector.broadcast %shift_right_logical3A_99 : i32 to vector<16xi32>
        %shift_right_logical3A_101 = arith.shrui %add3A_98, %shift_right_logical3A_100 : vector<16xi32>
        %gather3A_102 = tpu.vector_load_idx %arg10[%shift_right_logical3A_101] : memref<10240xf32, #tpu.memory_space<vmem>>[vector<16xi32>], vector<16xf32>,
        %gather3A_103 = tpu.vector_load_idx %arg10[%get3A_91] : memref<10240xf32, #tpu.memory_space<vmem>>[vector<16xi32>], vector<16xf32>,
        %mul3A_104 = arith.mulf %gather3A_102, %get3A_93 : vector<16xf32>
        %mul3A_105 = arith.mulf %mul3A_104, %gather3A_103 : vector<16xf32>
        %add3A_106 = arith.addi %get3A_91, %select_n3A : vector<16xi32>
        %add3A_107 = arith.constant 0 : i32
        %add3A_108 = vector.broadcast %add3A_107 : i32 to vector<16xi32>
        %add3A_109 = arith.addi %shift_right_logical3A_101, %add3A_108 : vector<16xi32>
        %gather3A_110 = tpu.vector_load_idx %arg7[%add3A_109] : memref<20480xf32, #tpu.memory_space<vmem>>[vector<16xi32>], vector<16xf32>,
        %add3A_111 = arith.constant 0 : i32
        %add3A_112 = vector.broadcast %add3A_111 : i32 to vector<16xi32>
        %add3A_113 = arith.addi %add3A_106, %add3A_112 : vector<16xi32>
        %mul3A_114 = arith.mulf %mul3A_105, %gather3A_110 : vector<16xf32>
        tpu.vector_store_idx %arg11[%add3A_113], %mul3A_114 {add = true} : memref<40960xf32, #tpu.memory_space<vmem>>[vector<16xi32>], vector<16xf32>,
        %add3A_115 = arith.constant 10240 : i32
        %add3A_116 = vector.broadcast %add3A_115 : i32 to vector<16xi32>
        %add3A_117 = arith.addi %shift_right_logical3A_101, %add3A_116 : vector<16xi32>
        %gather3A_118 = tpu.vector_load_idx %arg7[%add3A_117] : memref<20480xf32, #tpu.memory_space<vmem>>[vector<16xi32>], vector<16xf32>,
        %add3A_119 = arith.constant 20480 : i32
        %add3A_120 = vector.broadcast %add3A_119 : i32 to vector<16xi32>
        %add3A_121 = arith.addi %add3A_106, %add3A_120 : vector<16xi32>
        %mul3A_122 = arith.mulf %mul3A_105, %gather3A_118 : vector<16xf32>
        tpu.vector_store_idx %arg11[%add3A_121], %mul3A_122 {add = true} : memref<40960xf32, #tpu.memory_space<vmem>>[vector<16xi32>], vector<16xf32>,
        %scan3A_123 = arith.constant 2 : i32
        %scan3A_124 = arith.addi %scan3A_53, %scan3A_123 : i32
        %mul3A_125 = arith.constant 16 : i32
        %mul3A_126 = arith.muli %scan3A_124, %mul3A_125 : i32
        %get3A_127 = arith.index_cast %mul3A_126 : i32 to index
        %get3A_128 = tpu.vector_load %arg8[%get3A_127] {strides = array<i32>} : memref<8192xi32, #tpu.memory_space<vmem>>, vector<16xi32>,
        %get3A_129 = arith.index_cast %mul3A_126 : i32 to index
        %get3A_130 = tpu.vector_load %arg9[%get3A_129] {strides = array<i32>} : memref<8192xf32, #tpu.memory_space<vmem>>, vector<16xf32>,
        %mul3A_131 = arith.constant 8192 : i32
        %mul3A_132 = arith.muli %scan3A_42, %mul3A_131 : i32
        %add3A_133 = arith.addi %mul3A_132, %mul3A_126 : i32
        %add3A_134 = vector.broadcast %add3A_133 : i32 to vector<16xi32>
        %add3A_135 = arith.addi %add3A_134, %iota3A : vector<16xi32>
        %shift_right_logical3A_136 = arith.constant 3 : i32
        %shift_right_logical3A_137 = vector.broadcast %shift_right_logical3A_136 : i32 to vector<16xi32>
        %shift_right_logical3A_138 = arith.shrui %add3A_135, %shift_right_logical3A_137 : vector<16xi32>
        %gather3A_139 = tpu.vector_load_idx %arg10[%shift_right_logical3A_138] : memref<10240xf32, #tpu.memory_space<vmem>>[vector<16xi32>], vector<16xf32>,
        %gather3A_140 = tpu.vector_load_idx %arg10[%get3A_128] : memref<10240xf32, #tpu.memory_space<vmem>>[vector<16xi32>], vector<16xf32>,
        %mul3A_141 = arith.mulf %gather3A_139, %get3A_130 : vector<16xf32>
        %mul3A_142 = arith.mulf %mul3A_141, %gather3A_140 : vector<16xf32>
        %add3A_143 = arith.addi %get3A_128, %select_n3A : vector<16xi32>
        %add3A_144 = arith.constant 0 : i32
        %add3A_145 = vector.broadcast %add3A_144 : i32 to vector<16xi32>
        %add3A_146 = arith.addi %shift_right_logical3A_138, %add3A_145 : vector<16xi32>
        %gather3A_147 = tpu.vector_load_idx %arg7[%add3A_146] : memref<20480xf32, #tpu.memory_space<vmem>>[vector<16xi32>], vector<16xf32>,
        %add3A_148 = arith.constant 0 : i32
        %add3A_149 = vector.broadcast %add3A_148 : i32 to vector<16xi32>
        %add3A_150 = arith.addi %add3A_143, %add3A_149 : vector<16xi32>
        %mul3A_151 = arith.mulf %mul3A_142, %gather3A_147 : vector<16xf32>
        tpu.vector_store_idx %arg11[%add3A_150], %mul3A_151 {add = true} : memref<40960xf32, #tpu.memory_space<vmem>>[vector<16xi32>], vector<16xf32>,
        %add3A_152 = arith.constant 10240 : i32
        %add3A_153 = vector.broadcast %add3A_152 : i32 to vector<16xi32>
        %add3A_154 = arith.addi %shift_right_logical3A_138, %add3A_153 : vector<16xi32>
        %gather3A_155 = tpu.vector_load_idx %arg7[%add3A_154] : memref<20480xf32, #tpu.memory_space<vmem>>[vector<16xi32>], vector<16xf32>,
        %add3A_156 = arith.constant 20480 : i32
        %add3A_157 = vector.broadcast %add3A_156 : i32 to vector<16xi32>
        %add3A_158 = arith.addi %add3A_143, %add3A_157 : vector<16xi32>
        %mul3A_159 = arith.mulf %mul3A_142, %gather3A_155 : vector<16xf32>
        tpu.vector_store_idx %arg11[%add3A_158], %mul3A_159 {add = true} : memref<40960xf32, #tpu.memory_space<vmem>>[vector<16xi32>], vector<16xf32>,
        %scan3A_160 = arith.constant 3 : i32
        %scan3A_161 = arith.addi %scan3A_53, %scan3A_160 : i32
        %mul3A_162 = arith.constant 16 : i32
        %mul3A_163 = arith.muli %scan3A_161, %mul3A_162 : i32
        %get3A_164 = arith.index_cast %mul3A_163 : i32 to index
        %get3A_165 = tpu.vector_load %arg8[%get3A_164] {strides = array<i32>} : memref<8192xi32, #tpu.memory_space<vmem>>, vector<16xi32>,
        %get3A_166 = arith.index_cast %mul3A_163 : i32 to index
        %get3A_167 = tpu.vector_load %arg9[%get3A_166] {strides = array<i32>} : memref<8192xf32, #tpu.memory_space<vmem>>, vector<16xf32>,
        %mul3A_168 = arith.constant 8192 : i32
        %mul3A_169 = arith.muli %scan3A_42, %mul3A_168 : i32
        %add3A_170 = arith.addi %mul3A_169, %mul3A_163 : i32
        %add3A_171 = vector.broadcast %add3A_170 : i32 to vector<16xi32>
        %add3A_172 = arith.addi %add3A_171, %iota3A : vector<16xi32>
        %shift_right_logical3A_173 = arith.constant 3 : i32
        %shift_right_logical3A_174 = vector.broadcast %shift_right_logical3A_173 : i32 to vector<16xi32>
        %shift_right_logical3A_175 = arith.shrui %add3A_172, %shift_right_logical3A_174 : vector<16xi32>
        %gather3A_176 = tpu.vector_load_idx %arg10[%shift_right_logical3A_175] : memref<10240xf32, #tpu.memory_space<vmem>>[vector<16xi32>], vector<16xf32>,
        %gather3A_177 = tpu.vector_load_idx %arg10[%get3A_165] : memref<10240xf32, #tpu.memory_space<vmem>>[vector<16xi32>], vector<16xf32>,
        %mul3A_178 = arith.mulf %gather3A_176, %get3A_167 : vector<16xf32>
        %mul3A_179 = arith.mulf %mul3A_178, %gather3A_177 : vector<16xf32>
        %add3A_180 = arith.addi %get3A_165, %select_n3A : vector<16xi32>
        %add3A_181 = arith.constant 0 : i32
        %add3A_182 = vector.broadcast %add3A_181 : i32 to vector<16xi32>
        %add3A_183 = arith.addi %shift_right_logical3A_175, %add3A_182 : vector<16xi32>
        %gather3A_184 = tpu.vector_load_idx %arg7[%add3A_183] : memref<20480xf32, #tpu.memory_space<vmem>>[vector<16xi32>], vector<16xf32>,
        %add3A_185 = arith.constant 0 : i32
        %add3A_186 = vector.broadcast %add3A_185 : i32 to vector<16xi32>
        %add3A_187 = arith.addi %add3A_180, %add3A_186 : vector<16xi32>
        %mul3A_188 = arith.mulf %mul3A_179, %gather3A_184 : vector<16xf32>
        tpu.vector_store_idx %arg11[%add3A_187], %mul3A_188 {add = true} : memref<40960xf32, #tpu.memory_space<vmem>>[vector<16xi32>], vector<16xf32>,
        %add3A_189 = arith.constant 10240 : i32
        %add3A_190 = vector.broadcast %add3A_189 : i32 to vector<16xi32>
        %add3A_191 = arith.addi %shift_right_logical3A_175, %add3A_190 : vector<16xi32>
        %gather3A_192 = tpu.vector_load_idx %arg7[%add3A_191] : memref<20480xf32, #tpu.memory_space<vmem>>[vector<16xi32>], vector<16xf32>,
        %add3A_193 = arith.constant 20480 : i32
        %add3A_194 = vector.broadcast %add3A_193 : i32 to vector<16xi32>
        %add3A_195 = arith.addi %add3A_180, %add3A_194 : vector<16xi32>
        %mul3A_196 = arith.mulf %mul3A_179, %gather3A_192 : vector<16xf32>
        tpu.vector_store_idx %arg11[%add3A_195], %mul3A_196 {add = true} : memref<40960xf32, #tpu.memory_space<vmem>>[vector<16xi32>], vector<16xf32>,
      }
      %scan3A_52 = arith.constant 512 : i32
    }
    %scan3A_27 = arith.constant 10 : i32
    %scan3A_28 = arith.constant 0 : i32
    %scan3A_29 = arith.constant 0 : i32
    %scan3A_30 = arith.constant 640 : i32
    %scan3A_31 = arith.addi %scan3A_29, %scan3A_30 : i32
    %scan3A_32 = arith.constant 1 : i32
    scf.for %scan3A_42 = %scan3A_29 to %scan3A_31 step %scan3A_32  : i32 {
      %mul3A_43 = arith.constant 16 : i32
      %mul3A_44 = arith.muli %scan3A_42, %mul3A_43 : i32
      %add3A_45 = arith.constant 0 : i32
      %add3A_46 = arith.addi %add3A_45, %mul3A_44 : i32
      %get3A = arith.index_cast %add3A_46 : i32 to index
      %get3A_47 = tpu.vector_load %arg11[%get3A] {strides = array<i32>} : memref<40960xf32, #tpu.memory_space<vmem>>, vector<16xf32>,
      %mul3A_48 = arith.constant 16 : i32
      %mul3A_49 = arith.muli %scan3A_42, %mul3A_48 : i32
      %add3A_50 = arith.constant 10240 : i32
      %add3A_51 = arith.addi %add3A_50, %mul3A_49 : i32
      %get3A_52 = arith.index_cast %add3A_51 : i32 to index
      %get3A_53 = tpu.vector_load %arg11[%get3A_52] {strides = array<i32>} : memref<40960xf32, #tpu.memory_space<vmem>>, vector<16xf32>,
      %add3A_54 = arith.addf %get3A_47, %get3A_53 : vector<16xf32>
      %mul3A_55 = arith.constant 16 : i32
      %mul3A_56 = arith.muli %scan3A_42, %mul3A_55 : i32
      %add3A_57 = arith.constant 0 : i32
      %add3A_58 = arith.addi %add3A_57, %mul3A_56 : i32
      %swap3A = arith.index_cast %add3A_58 : i32 to index
      %swap3A_59 = tpu.vector_load %arg11[%swap3A] {strides = array<i32>} : memref<40960xf32, #tpu.memory_space<vmem>>, vector<16xf32>,
      tpu.vector_store %arg11[%swap3A], %add3A_54 {strides = array<i32>} : memref<40960xf32, #tpu.memory_space<vmem>>, vector<16xf32>,
      %mul3A_60 = arith.constant 16 : i32
      %mul3A_61 = arith.muli %scan3A_42, %mul3A_60 : i32
      %add3A_62 = arith.constant 20480 : i32
      %add3A_63 = arith.addi %add3A_62, %mul3A_61 : i32
      %get3A_64 = arith.index_cast %add3A_63 : i32 to index
      %get3A_65 = tpu.vector_load %arg11[%get3A_64] {strides = array<i32>} : memref<40960xf32, #tpu.memory_space<vmem>>, vector<16xf32>,
      %mul3A_66 = arith.constant 16 : i32
      %mul3A_67 = arith.muli %scan3A_42, %mul3A_66 : i32
      %add3A_68 = arith.constant 30720 : i32
      %add3A_69 = arith.addi %add3A_68, %mul3A_67 : i32
      %get3A_70 = arith.index_cast %add3A_69 : i32 to index
      %get3A_71 = tpu.vector_load %arg11[%get3A_70] {strides = array<i32>} : memref<40960xf32, #tpu.memory_space<vmem>>, vector<16xf32>,
      %add3A_72 = arith.addf %get3A_65, %get3A_71 : vector<16xf32>
      %mul3A_73 = arith.constant 16 : i32
      %mul3A_74 = arith.muli %scan3A_42, %mul3A_73 : i32
      %add3A_75 = arith.constant 20480 : i32
      %add3A_76 = arith.addi %add3A_75, %mul3A_74 : i32
      %swap3A_77 = arith.index_cast %add3A_76 : i32 to index
      %swap3A_78 = tpu.vector_load %arg11[%swap3A_77] {strides = array<i32>} : memref<40960xf32, #tpu.memory_space<vmem>>, vector<16xf32>,
      tpu.vector_store %arg11[%swap3A_77], %add3A_72 {strides = array<i32>} : memref<40960xf32, #tpu.memory_space<vmem>>, vector<16xf32>,
    }
    %scan3A_33 = arith.constant 640 : i32
    %add3A_34 = arith.constant 0 : i32
    %add3A_35 = arith.addi %mul3A_2, %add3A_34 : i32
    %mul3A_36 = arith.constant 10240 : i32
    %mul3A_37 = arith.muli %add3A_35, %mul3A_36 : i32
    "tpu.region"() ({
      %run_scoped3A = tpu.sem_alloc : memref<!tpu.dma_semaphore, #tpu.memory_space<semaphore_mem>>
      %dma_start3A = arith.constant 0 : i32
      %dma_start3A_42 = tpu.memref_slice %arg11[%dma_start3A] : memref<40960xf32, #tpu.memory_space<vmem>> -> memref<10240xf32, #tpu.memory_space<vmem>>
      %dma_start3A_43 = tpu.memref_slice %arg6[%mul3A_37] : memref<655360xf32, #tpu.memory_space<hbm>> -> memref<10240xf32, #tpu.memory_space<hbm>>
      %dma_start3A_44 = tpu.memref_slice %arg6[%mul3A_37] : memref<655360xf32, #tpu.memory_space<hbm>> -> memref<10240xf32, #tpu.memory_space<hbm>>
      %dma_start3A_45 = arith.constant 0 : i32
      %dma_start3A_46 = tpu.memref_slice %arg11[%dma_start3A_45] : memref<40960xf32, #tpu.memory_space<vmem>> -> memref<10240xf32, #tpu.memory_space<vmem>>
      tpu.enqueue_dma source(%dma_start3A_46 : memref<10240xf32, #tpu.memory_space<vmem>>) target(%dma_start3A_44 : memref<10240xf32, #tpu.memory_space<hbm>>) target_semaphore(%run_scoped3A : memref<!tpu.dma_semaphore, #tpu.memory_space<semaphore_mem>>)
      %dma_wait3A = arith.constant 0 : i32
      %dma_wait3A_47 = tpu.memref_slice %arg11[%dma_wait3A] : memref<40960xf32, #tpu.memory_space<vmem>> -> memref<10240xf32, #tpu.memory_space<vmem>>
      %dma_wait3A_48 = tpu.memref_slice %arg6[%mul3A_37] : memref<655360xf32, #tpu.memory_space<hbm>> -> memref<10240xf32, #tpu.memory_space<hbm>>
      %dma_wait3A_49 = tpu.memref_slice %arg6[%mul3A_37] : memref<655360xf32, #tpu.memory_space<hbm>> -> memref<10240xf32, #tpu.memory_space<hbm>>
      %dma_wait3A_50 = arith.constant 0 : i32
      %dma_wait3A_51 = tpu.memref_slice %arg11[%dma_wait3A_50] : memref<40960xf32, #tpu.memory_space<vmem>> -> memref<10240xf32, #tpu.memory_space<vmem>>
      tpu.wait_dma2 semaphore(%run_scoped3A : memref<!tpu.dma_semaphore, #tpu.memory_space<semaphore_mem>>) src(%dma_wait3A_51 : memref<10240xf32, #tpu.memory_space<vmem>>) dst(%dma_wait3A_49 : memref<10240xf32, #tpu.memory_space<hbm>>)
      tpu.yield
    }) : () -> ()
    %add3A_38 = arith.constant 1 : i32
    %add3A_39 = arith.addi %mul3A_2, %add3A_38 : i32
    %mul3A_40 = arith.constant 10240 : i32
    %mul3A_41 = arith.muli %add3A_39, %mul3A_40 : i32
    "tpu.region"() ({
      %run_scoped3A = tpu.sem_alloc : memref<!tpu.dma_semaphore, #tpu.memory_space<semaphore_mem>>
      %dma_start3A = arith.constant 20480 : i32
      %dma_start3A_42 = tpu.memref_slice %arg11[%dma_start3A] : memref<40960xf32, #tpu.memory_space<vmem>> -> memref<10240xf32, #tpu.memory_space<vmem>>
      %dma_start3A_43 = tpu.memref_slice %arg6[%mul3A_41] : memref<655360xf32, #tpu.memory_space<hbm>> -> memref<10240xf32, #tpu.memory_space<hbm>>
      %dma_start3A_44 = tpu.memref_slice %arg6[%mul3A_41] : memref<655360xf32, #tpu.memory_space<hbm>> -> memref<10240xf32, #tpu.memory_space<hbm>>
      %dma_start3A_45 = arith.constant 20480 : i32
      %dma_start3A_46 = tpu.memref_slice %arg11[%dma_start3A_45] : memref<40960xf32, #tpu.memory_space<vmem>> -> memref<10240xf32, #tpu.memory_space<vmem>>
      tpu.enqueue_dma source(%dma_start3A_46 : memref<10240xf32, #tpu.memory_space<vmem>>) target(%dma_start3A_44 : memref<10240xf32, #tpu.memory_space<hbm>>) target_semaphore(%run_scoped3A : memref<!tpu.dma_semaphore, #tpu.memory_space<semaphore_mem>>)
      %dma_wait3A = arith.constant 20480 : i32
      %dma_wait3A_47 = tpu.memref_slice %arg11[%dma_wait3A] : memref<40960xf32, #tpu.memory_space<vmem>> -> memref<10240xf32, #tpu.memory_space<vmem>>
      %dma_wait3A_48 = tpu.memref_slice %arg6[%mul3A_41] : memref<655360xf32, #tpu.memory_space<hbm>> -> memref<10240xf32, #tpu.memory_space<hbm>>
      %dma_wait3A_49 = tpu.memref_slice %arg6[%mul3A_41] : memref<655360xf32, #tpu.memory_space<hbm>> -> memref<10240xf32, #tpu.memory_space<hbm>>
      %dma_wait3A_50 = arith.constant 20480 : i32
      %dma_wait3A_51 = tpu.memref_slice %arg11[%dma_wait3A_50] : memref<40960xf32, #tpu.memory_space<vmem>> -> memref<10240xf32, #tpu.memory_space<vmem>>
      tpu.wait_dma2 semaphore(%run_scoped3A : memref<!tpu.dma_semaphore, #tpu.memory_space<semaphore_mem>>) src(%dma_wait3A_51 : memref<10240xf32, #tpu.memory_space<vmem>>) dst(%dma_wait3A_49 : memref<10240xf32, #tpu.memory_space<hbm>>)
      tpu.yield
    }) : () -> ()
    return
  }
}

#map = affine_map<(d0, d1) -> (0)>
module attributes {stable_mosaic.version = 14 : i64} {
  func.func @_msg_body(%arg0: i32, %arg1: i32, %arg2: memref<655360xf32, #tpu.memory_space<hbm>>, %arg3: memref<81920xi32, #tpu.memory_space<hbm>>, %arg4: memref<81920xf32, #tpu.memory_space<hbm>>, %arg5: memref<10240xf32, #tpu.memory_space<hbm>>, %arg6: memref<655360xf32, #tpu.memory_space<hbm>>, %arg7: memref<20480xf32, #tpu.memory_space<vmem>>, %arg8: memref<8192xi32, #tpu.memory_space<vmem>>, %arg9: memref<8192xf32, #tpu.memory_space<vmem>>, %arg10: memref<10240xf32, #tpu.memory_space<vmem>>, %arg11: memref<40960xf32, #tpu.memory_space<vmem>>) attributes {dimension_semantics = [#tpu.dimension_semantics<core_parallel>, #tpu.dimension_semantics<subcore_parallel>], iteration_bounds = array<i64: 2, 16>, scalar_prefetch = 0 : i64, scratch_operands = 5 : i64, tpu.core_type = #tpu.core_type<sc_vector_subcore>, window_params = [{transform_indices = #map}, {transform_indices = #map}, {transform_indices = #map}, {transform_indices = #map}, {transform_indices = #map}]} {
    %mul3A = arith.constant 16 : i32
    %mul3A_0 = arith.muli %arg0, %mul3A : i32
    %add3A = arith.addi %mul3A_0, %arg1 : i32
    %mul3A_1 = arith.constant 2 : i32
    %mul3A_2 = arith.muli %add3A, %mul3A_1 : i32
    "tpu.region"() ({
      %run_scoped3A = tpu.sem_alloc : memref<!tpu.dma_semaphore, #tpu.memory_space<semaphore_mem>>
      tpu.enqueue_dma source(%arg5 : memref<10240xf32, #tpu.memory_space<hbm>>) target(%arg10 : memref<10240xf32, #tpu.memory_space<vmem>>) target_semaphore(%run_scoped3A : memref<!tpu.dma_semaphore, #tpu.memory_space<semaphore_mem>>)
      tpu.wait_dma2 semaphore(%run_scoped3A : memref<!tpu.dma_semaphore, #tpu.memory_space<semaphore_mem>>) src(%arg5 : memref<10240xf32, #tpu.memory_space<hbm>>) dst(%arg10 : memref<10240xf32, #tpu.memory_space<vmem>>)
      tpu.yield
    }) : () -> ()
    %add3A_3 = arith.constant 0 : i32
    %add3A_4 = arith.addi %mul3A_2, %add3A_3 : i32
    %mul3A_5 = arith.constant 10240 : i32
    %mul3A_6 = arith.muli %add3A_4, %mul3A_5 : i32
    "tpu.region"() ({
      %run_scoped3A = tpu.sem_alloc : memref<!tpu.dma_semaphore, #tpu.memory_space<semaphore_mem>>
      %dma_start3A = arith.constant 0 : i32
      %dma_start3A_42 = tpu.memref_slice %arg7[%dma_start3A] : memref<20480xf32, #tpu.memory_space<vmem>> -> memref<10240xf32, #tpu.memory_space<vmem>>
      %dma_start3A_43 = tpu.memref_slice %arg2[%mul3A_6] : memref<655360xf32, #tpu.memory_space<hbm>> -> memref<10240xf32, #tpu.memory_space<hbm>>
      %dma_start3A_44 = arith.constant 0 : i32
      %dma_start3A_45 = tpu.memref_slice %arg7[%dma_start3A_44] : memref<20480xf32, #tpu.memory_space<vmem>> -> memref<10240xf32, #tpu.memory_space<vmem>>
      %dma_start3A_46 = tpu.memref_slice %arg2[%mul3A_6] : memref<655360xf32, #tpu.memory_space<hbm>> -> memref<10240xf32, #tpu.memory_space<hbm>>
      tpu.enqueue_dma source(%dma_start3A_46 : memref<10240xf32, #tpu.memory_space<hbm>>) target(%dma_start3A_45 : memref<10240xf32, #tpu.memory_space<vmem>>) target_semaphore(%run_scoped3A : memref<!tpu.dma_semaphore, #tpu.memory_space<semaphore_mem>>)
      %dma_wait3A = arith.constant 0 : i32
      %dma_wait3A_47 = tpu.memref_slice %arg7[%dma_wait3A] : memref<20480xf32, #tpu.memory_space<vmem>> -> memref<10240xf32, #tpu.memory_space<vmem>>
      %dma_wait3A_48 = tpu.memref_slice %arg2[%mul3A_6] : memref<655360xf32, #tpu.memory_space<hbm>> -> memref<10240xf32, #tpu.memory_space<hbm>>
      %dma_wait3A_49 = arith.constant 0 : i32
      %dma_wait3A_50 = tpu.memref_slice %arg7[%dma_wait3A_49] : memref<20480xf32, #tpu.memory_space<vmem>> -> memref<10240xf32, #tpu.memory_space<vmem>>
      %dma_wait3A_51 = tpu.memref_slice %arg2[%mul3A_6] : memref<655360xf32, #tpu.memory_space<hbm>> -> memref<10240xf32, #tpu.memory_space<hbm>>
      tpu.wait_dma2 semaphore(%run_scoped3A : memref<!tpu.dma_semaphore, #tpu.memory_space<semaphore_mem>>) src(%dma_wait3A_51 : memref<10240xf32, #tpu.memory_space<hbm>>) dst(%dma_wait3A_50 : memref<10240xf32, #tpu.memory_space<vmem>>)
      tpu.yield
    }) : () -> ()
    %add3A_7 = arith.constant 1 : i32
    %add3A_8 = arith.addi %mul3A_2, %add3A_7 : i32
    %mul3A_9 = arith.constant 10240 : i32
    %mul3A_10 = arith.muli %add3A_8, %mul3A_9 : i32
    "tpu.region"() ({
      %run_scoped3A = tpu.sem_alloc : memref<!tpu.dma_semaphore, #tpu.memory_space<semaphore_mem>>
      %dma_start3A = arith.constant 10240 : i32
      %dma_start3A_42 = tpu.memref_slice %arg7[%dma_start3A] : memref<20480xf32, #tpu.memory_space<vmem>> -> memref<10240xf32, #tpu.memory_space<vmem>>
      %dma_start3A_43 = tpu.memref_slice %arg2[%mul3A_10] : memref<655360xf32, #tpu.memory_space<hbm>> -> memref<10240xf32, #tpu.memory_space<hbm>>
      %dma_start3A_44 = arith.constant 10240 : i32
      %dma_start3A_45 = tpu.memref_slice %arg7[%dma_start3A_44] : memref<20480xf32, #tpu.memory_space<vmem>> -> memref<10240xf32, #tpu.memory_space<vmem>>
      %dma_start3A_46 = tpu.memref_slice %arg2[%mul3A_10] : memref<655360xf32, #tpu.memory_space<hbm>> -> memref<10240xf32, #tpu.memory_space<hbm>>
      tpu.enqueue_dma source(%dma_start3A_46 : memref<10240xf32, #tpu.memory_space<hbm>>) target(%dma_start3A_45 : memref<10240xf32, #tpu.memory_space<vmem>>) target_semaphore(%run_scoped3A : memref<!tpu.dma_semaphore, #tpu.memory_space<semaphore_mem>>)
      %dma_wait3A = arith.constant 10240 : i32
      %dma_wait3A_47 = tpu.memref_slice %arg7[%dma_wait3A] : memref<20480xf32, #tpu.memory_space<vmem>> -> memref<10240xf32, #tpu.memory_space<vmem>>
      %dma_wait3A_48 = tpu.memref_slice %arg2[%mul3A_10] : memref<655360xf32, #tpu.memory_space<hbm>> -> memref<10240xf32, #tpu.memory_space<hbm>>
      %dma_wait3A_49 = arith.constant 10240 : i32
      %dma_wait3A_50 = tpu.memref_slice %arg7[%dma_wait3A_49] : memref<20480xf32, #tpu.memory_space<vmem>> -> memref<10240xf32, #tpu.memory_space<vmem>>
      %dma_wait3A_51 = tpu.memref_slice %arg2[%mul3A_10] : memref<655360xf32, #tpu.memory_space<hbm>> -> memref<10240xf32, #tpu.memory_space<hbm>>
      tpu.wait_dma2 semaphore(%run_scoped3A : memref<!tpu.dma_semaphore, #tpu.memory_space<semaphore_mem>>) src(%dma_wait3A_51 : memref<10240xf32, #tpu.memory_space<hbm>>) dst(%dma_wait3A_50 : memref<10240xf32, #tpu.memory_space<vmem>>)
      tpu.yield
    }) : () -> ()
    %broadcast_in_dim3A = arith.constant 0.000000e+00 : f32
    %broadcast_in_dim3A_11 = vector.broadcast %broadcast_in_dim3A : f32 to vector<16xf32>
    %scan3A = arith.constant 0 : i32
    %scan3A_12 = arith.constant 0 : i32
    %scan3A_13 = arith.constant 2560 : i32
    %scan3A_14 = arith.addi %scan3A_12, %scan3A_13 : i32
    %scan3A_15 = arith.constant 1 : i32
    scf.for %scan3A_42 = %scan3A_12 to %scan3A_14 step %scan3A_15  : i32 {
      %mul3A_43 = arith.constant 16 : i32
      %mul3A_44 = arith.muli %scan3A_42, %mul3A_43 : i32
      %swap3A = arith.index_cast %mul3A_44 : i32 to index
      %swap3A_45 = tpu.vector_load %arg11[%swap3A] {strides = array<i32>} : memref<40960xf32, #tpu.memory_space<vmem>>, vector<16xf32>,
      tpu.vector_store %arg11[%swap3A], %broadcast_in_dim3A_11 {strides = array<i32>} : memref<40960xf32, #tpu.memory_space<vmem>>, vector<16xf32>,
    }
    %scan3A_16 = arith.constant 2560 : i32
    %iota3A = tpu.iota {dimensions = array<i32: 0>} : vector<16xi32>
    %ge3A = arith.constant 8 : i32
    %ge3A_17 = vector.broadcast %ge3A : i32 to vector<16xi32>
    %ge3A_18 = arith.cmpi sge, %iota3A, %ge3A_17 : vector<16xi32>
    %jit3A = arith.constant 10240 : i32
    %jit3A_19 = arith.constant 0 : i32
    %broadcast_in_dim3A_20 = vector.broadcast %jit3A : i32 to vector<16xi32>
    %broadcast_in_dim3A_21 = vector.broadcast %jit3A_19 : i32 to vector<16xi32>
    %select_n3A = arith.select %ge3A_18, %broadcast_in_dim3A_20, %broadcast_in_dim3A_21 : vector<16xi1>, vector<16xi32>
    %scan3A_22 = arith.constant 0 : i32
    %scan3A_23 = arith.constant 0 : i32
    %scan3A_24 = arith.constant 10 : i32
    %scan3A_25 = arith.addi %scan3A_23, %scan3A_24 : i32
    %scan3A_26 = arith.constant 1 : i32
    scf.for %scan3A_42 = %scan3A_23 to %scan3A_25 step %scan3A_26  : i32 {
      %mul3A_43 = arith.constant 8192 : i32
      %mul3A_44 = arith.muli %scan3A_42, %mul3A_43 : i32
      "tpu.region"() ({
        %run_scoped3A = tpu.sem_alloc : memref<!tpu.dma_semaphore, #tpu.memory_space<semaphore_mem>>
        %dma_start3A = tpu.memref_slice %arg3[%mul3A_44] : memref<81920xi32, #tpu.memory_space<hbm>> -> memref<8192xi32, #tpu.memory_space<hbm>>
        %dma_start3A_53 = tpu.memref_slice %arg3[%mul3A_44] : memref<81920xi32, #tpu.memory_space<hbm>> -> memref<8192xi32, #tpu.memory_space<hbm>>
        tpu.enqueue_dma source(%dma_start3A_53 : memref<8192xi32, #tpu.memory_space<hbm>>) target(%arg8 : memref<8192xi32, #tpu.memory_space<vmem>>) target_semaphore(%run_scoped3A : memref<!tpu.dma_semaphore, #tpu.memory_space<semaphore_mem>>)
        %dma_wait3A = tpu.memref_slice %arg3[%mul3A_44] : memref<81920xi32, #tpu.memory_space<hbm>> -> memref<8192xi32, #tpu.memory_space<hbm>>
        %dma_wait3A_54 = tpu.memref_slice %arg3[%mul3A_44] : memref<81920xi32, #tpu.memory_space<hbm>> -> memref<8192xi32, #tpu.memory_space<hbm>>
        tpu.wait_dma2 semaphore(%run_scoped3A : memref<!tpu.dma_semaphore, #tpu.memory_space<semaphore_mem>>) src(%dma_wait3A_54 : memref<8192xi32, #tpu.memory_space<hbm>>) dst(%arg8 : memref<8192xi32, #tpu.memory_space<vmem>>)
        tpu.yield
      }) : () -> ()
      %mul3A_45 = arith.constant 8192 : i32
      %mul3A_46 = arith.muli %scan3A_42, %mul3A_45 : i32
      "tpu.region"() ({
        %run_scoped3A = tpu.sem_alloc : memref<!tpu.dma_semaphore, #tpu.memory_space<semaphore_mem>>
        %dma_start3A = tpu.memref_slice %arg4[%mul3A_46] : memref<81920xf32, #tpu.memory_space<hbm>> -> memref<8192xf32, #tpu.memory_space<hbm>>
        %dma_start3A_53 = tpu.memref_slice %arg4[%mul3A_46] : memref<81920xf32, #tpu.memory_space<hbm>> -> memref<8192xf32, #tpu.memory_space<hbm>>
        tpu.enqueue_dma source(%dma_start3A_53 : memref<8192xf32, #tpu.memory_space<hbm>>) target(%arg9 : memref<8192xf32, #tpu.memory_space<vmem>>) target_semaphore(%run_scoped3A : memref<!tpu.dma_semaphore, #tpu.memory_space<semaphore_mem>>)
        %dma_wait3A = tpu.memref_slice %arg4[%mul3A_46] : memref<81920xf32, #tpu.memory_space<hbm>> -> memref<8192xf32, #tpu.memory_space<hbm>>
        %dma_wait3A_54 = tpu.memref_slice %arg4[%mul3A_46] : memref<81920xf32, #tpu.memory_space<hbm>> -> memref<8192xf32, #tpu.memory_space<hbm>>
        tpu.wait_dma2 semaphore(%run_scoped3A : memref<!tpu.dma_semaphore, #tpu.memory_space<semaphore_mem>>) src(%dma_wait3A_54 : memref<8192xf32, #tpu.memory_space<hbm>>) dst(%arg9 : memref<8192xf32, #tpu.memory_space<vmem>>)
        tpu.yield
      }) : () -> ()
      %scan3A_47 = arith.constant 0 : i32
      %scan3A_48 = arith.constant 0 : i32
      %scan3A_49 = arith.constant 512 : i32
      %scan3A_50 = arith.addi %scan3A_48, %scan3A_49 : i32
      %scan3A_51 = arith.constant 4 : i32
      scf.for %scan3A_53 = %scan3A_48 to %scan3A_50 step %scan3A_51  : i32 {
        %mul3A_54 = arith.constant 16 : i32
        %mul3A_55 = arith.muli %scan3A_53, %mul3A_54 : i32
        %get3A = arith.index_cast %mul3A_55 : i32 to index
        %get3A_56 = tpu.vector_load %arg8[%get3A] {strides = array<i32>} : memref<8192xi32, #tpu.memory_space<vmem>>, vector<16xi32>,
        %get3A_57 = arith.index_cast %mul3A_55 : i32 to index
        %get3A_58 = tpu.vector_load %arg9[%get3A_57] {strides = array<i32>} : memref<8192xf32, #tpu.memory_space<vmem>>, vector<16xf32>,
        %mul3A_59 = arith.constant 8192 : i32
        %mul3A_60 = arith.muli %scan3A_42, %mul3A_59 : i32
        %add3A_61 = arith.addi %mul3A_60, %mul3A_55 : i32
        %add3A_62 = vector.broadcast %add3A_61 : i32 to vector<16xi32>
        %add3A_63 = arith.addi %add3A_62, %iota3A : vector<16xi32>
        %shift_right_logical3A = arith.constant 3 : i32
        %shift_right_logical3A_64 = vector.broadcast %shift_right_logical3A : i32 to vector<16xi32>
        %shift_right_logical3A_65 = arith.shrui %add3A_63, %shift_right_logical3A_64 : vector<16xi32>
        %gather3A = tpu.vector_load_idx %arg10[%shift_right_logical3A_65] : memref<10240xf32, #tpu.memory_space<vmem>>[vector<16xi32>], vector<16xf32>,
        %gather3A_66 = tpu.vector_load_idx %arg10[%get3A_56] : memref<10240xf32, #tpu.memory_space<vmem>>[vector<16xi32>], vector<16xf32>,
        %mul3A_67 = arith.mulf %gather3A, %get3A_58 : vector<16xf32>
        %mul3A_68 = arith.mulf %mul3A_67, %gather3A_66 : vector<16xf32>
        %add3A_69 = arith.addi %get3A_56, %select_n3A : vector<16xi32>
        %add3A_70 = arith.constant 0 : i32
        %add3A_71 = vector.broadcast %add3A_70 : i32 to vector<16xi32>
        %add3A_72 = arith.addi %shift_right_logical3A_65, %add3A_71 : vector<16xi32>
        %gather3A_73 = tpu.vector_load_idx %arg7[%add3A_72] : memref<20480xf32, #tpu.memory_space<vmem>>[vector<16xi32>], vector<16xf32>,
        %add3A_74 = arith.constant 0 : i32
        %add3A_75 = vector.broadcast %add3A_74 : i32 to vector<16xi32>
        %add3A_76 = arith.addi %add3A_69, %add3A_75 : vector<16xi32>
        %mul3A_77 = arith.mulf %mul3A_68, %gather3A_73 : vector<16xf32>
        tpu.vector_store_idx %arg11[%add3A_76], %mul3A_77 {add = true} : memref<40960xf32, #tpu.memory_space<vmem>>[vector<16xi32>], vector<16xf32>,
        %add3A_78 = arith.constant 10240 : i32
        %add3A_79 = vector.broadcast %add3A_78 : i32 to vector<16xi32>
        %add3A_80 = arith.addi %shift_right_logical3A_65, %add3A_79 : vector<16xi32>
        %gather3A_81 = tpu.vector_load_idx %arg7[%add3A_80] : memref<20480xf32, #tpu.memory_space<vmem>>[vector<16xi32>], vector<16xf32>,
        %add3A_82 = arith.constant 20480 : i32
        %add3A_83 = vector.broadcast %add3A_82 : i32 to vector<16xi32>
        %add3A_84 = arith.addi %add3A_69, %add3A_83 : vector<16xi32>
        %mul3A_85 = arith.mulf %mul3A_68, %gather3A_81 : vector<16xf32>
        tpu.vector_store_idx %arg11[%add3A_84], %mul3A_85 {add = true} : memref<40960xf32, #tpu.memory_space<vmem>>[vector<16xi32>], vector<16xf32>,
        %scan3A_86 = arith.constant 1 : i32
        %scan3A_87 = arith.addi %scan3A_53, %scan3A_86 : i32
        %mul3A_88 = arith.constant 16 : i32
        %mul3A_89 = arith.muli %scan3A_87, %mul3A_88 : i32
        %get3A_90 = arith.index_cast %mul3A_89 : i32 to index
        %get3A_91 = tpu.vector_load %arg8[%get3A_90] {strides = array<i32>} : memref<8192xi32, #tpu.memory_space<vmem>>, vector<16xi32>,
        %get3A_92 = arith.index_cast %mul3A_89 : i32 to index
        %get3A_93 = tpu.vector_load %arg9[%get3A_92] {strides = array<i32>} : memref<8192xf32, #tpu.memory_space<vmem>>, vector<16xf32>,
        %mul3A_94 = arith.constant 8192 : i32
        %mul3A_95 = arith.muli %scan3A_42, %mul3A_94 : i32
        %add3A_96 = arith.addi %mul3A_95, %mul3A_89 : i32
        %add3A_97 = vector.broadcast %add3A_96 : i32 to vector<16xi32>
        %add3A_98 = arith.addi %add3A_97, %iota3A : vector<16xi32>
        %shift_right_logical3A_99 = arith.constant 3 : i32
        %shift_right_logical3A_100 = vector.broadcast %shift_right_logical3A_99 : i32 to vector<16xi32>
        %shift_right_logical3A_101 = arith.shrui %add3A_98, %shift_right_logical3A_100 : vector<16xi32>
        %gather3A_102 = tpu.vector_load_idx %arg10[%shift_right_logical3A_101] : memref<10240xf32, #tpu.memory_space<vmem>>[vector<16xi32>], vector<16xf32>,
        %gather3A_103 = tpu.vector_load_idx %arg10[%get3A_91] : memref<10240xf32, #tpu.memory_space<vmem>>[vector<16xi32>], vector<16xf32>,
        %mul3A_104 = arith.mulf %gather3A_102, %get3A_93 : vector<16xf32>
        %mul3A_105 = arith.mulf %mul3A_104, %gather3A_103 : vector<16xf32>
        %add3A_106 = arith.addi %get3A_91, %select_n3A : vector<16xi32>
        %add3A_107 = arith.constant 0 : i32
        %add3A_108 = vector.broadcast %add3A_107 : i32 to vector<16xi32>
        %add3A_109 = arith.addi %shift_right_logical3A_101, %add3A_108 : vector<16xi32>
        %gather3A_110 = tpu.vector_load_idx %arg7[%add3A_109] : memref<20480xf32, #tpu.memory_space<vmem>>[vector<16xi32>], vector<16xf32>,
        %add3A_111 = arith.constant 0 : i32
        %add3A_112 = vector.broadcast %add3A_111 : i32 to vector<16xi32>
        %add3A_113 = arith.addi %add3A_106, %add3A_112 : vector<16xi32>
        %mul3A_114 = arith.mulf %mul3A_105, %gather3A_110 : vector<16xf32>
        tpu.vector_store_idx %arg11[%add3A_113], %mul3A_114 {add = true} : memref<40960xf32, #tpu.memory_space<vmem>>[vector<16xi32>], vector<16xf32>,
        %add3A_115 = arith.constant 10240 : i32
        %add3A_116 = vector.broadcast %add3A_115 : i32 to vector<16xi32>
        %add3A_117 = arith.addi %shift_right_logical3A_101, %add3A_116 : vector<16xi32>
        %gather3A_118 = tpu.vector_load_idx %arg7[%add3A_117] : memref<20480xf32, #tpu.memory_space<vmem>>[vector<16xi32>], vector<16xf32>,
        %add3A_119 = arith.constant 20480 : i32
        %add3A_120 = vector.broadcast %add3A_119 : i32 to vector<16xi32>
        %add3A_121 = arith.addi %add3A_106, %add3A_120 : vector<16xi32>
        %mul3A_122 = arith.mulf %mul3A_105, %gather3A_118 : vector<16xf32>
        tpu.vector_store_idx %arg11[%add3A_121], %mul3A_122 {add = true} : memref<40960xf32, #tpu.memory_space<vmem>>[vector<16xi32>], vector<16xf32>,
        %scan3A_123 = arith.constant 2 : i32
        %scan3A_124 = arith.addi %scan3A_53, %scan3A_123 : i32
        %mul3A_125 = arith.constant 16 : i32
        %mul3A_126 = arith.muli %scan3A_124, %mul3A_125 : i32
        %get3A_127 = arith.index_cast %mul3A_126 : i32 to index
        %get3A_128 = tpu.vector_load %arg8[%get3A_127] {strides = array<i32>} : memref<8192xi32, #tpu.memory_space<vmem>>, vector<16xi32>,
        %get3A_129 = arith.index_cast %mul3A_126 : i32 to index
        %get3A_130 = tpu.vector_load %arg9[%get3A_129] {strides = array<i32>} : memref<8192xf32, #tpu.memory_space<vmem>>, vector<16xf32>,
        %mul3A_131 = arith.constant 8192 : i32
        %mul3A_132 = arith.muli %scan3A_42, %mul3A_131 : i32
        %add3A_133 = arith.addi %mul3A_132, %mul3A_126 : i32
        %add3A_134 = vector.broadcast %add3A_133 : i32 to vector<16xi32>
        %add3A_135 = arith.addi %add3A_134, %iota3A : vector<16xi32>
        %shift_right_logical3A_136 = arith.constant 3 : i32
        %shift_right_logical3A_137 = vector.broadcast %shift_right_logical3A_136 : i32 to vector<16xi32>
        %shift_right_logical3A_138 = arith.shrui %add3A_135, %shift_right_logical3A_137 : vector<16xi32>
        %gather3A_139 = tpu.vector_load_idx %arg10[%shift_right_logical3A_138] : memref<10240xf32, #tpu.memory_space<vmem>>[vector<16xi32>], vector<16xf32>,
        %gather3A_140 = tpu.vector_load_idx %arg10[%get3A_128] : memref<10240xf32, #tpu.memory_space<vmem>>[vector<16xi32>], vector<16xf32>,
        %mul3A_141 = arith.mulf %gather3A_139, %get3A_130 : vector<16xf32>
        %mul3A_142 = arith.mulf %mul3A_141, %gather3A_140 : vector<16xf32>
        %add3A_143 = arith.addi %get3A_128, %select_n3A : vector<16xi32>
        %add3A_144 = arith.constant 0 : i32
        %add3A_145 = vector.broadcast %add3A_144 : i32 to vector<16xi32>
        %add3A_146 = arith.addi %shift_right_logical3A_138, %add3A_145 : vector<16xi32>
        %gather3A_147 = tpu.vector_load_idx %arg7[%add3A_146] : memref<20480xf32, #tpu.memory_space<vmem>>[vector<16xi32>], vector<16xf32>,
        %add3A_148 = arith.constant 0 : i32
        %add3A_149 = vector.broadcast %add3A_148 : i32 to vector<16xi32>
        %add3A_150 = arith.addi %add3A_143, %add3A_149 : vector<16xi32>
        %mul3A_151 = arith.mulf %mul3A_142, %gather3A_147 : vector<16xf32>
        tpu.vector_store_idx %arg11[%add3A_150], %mul3A_151 {add = true} : memref<40960xf32, #tpu.memory_space<vmem>>[vector<16xi32>], vector<16xf32>,
        %add3A_152 = arith.constant 10240 : i32
        %add3A_153 = vector.broadcast %add3A_152 : i32 to vector<16xi32>
        %add3A_154 = arith.addi %shift_right_logical3A_138, %add3A_153 : vector<16xi32>
        %gather3A_155 = tpu.vector_load_idx %arg7[%add3A_154] : memref<20480xf32, #tpu.memory_space<vmem>>[vector<16xi32>], vector<16xf32>,
        %add3A_156 = arith.constant 20480 : i32
        %add3A_157 = vector.broadcast %add3A_156 : i32 to vector<16xi32>
        %add3A_158 = arith.addi %add3A_143, %add3A_157 : vector<16xi32>
        %mul3A_159 = arith.mulf %mul3A_142, %gather3A_155 : vector<16xf32>
        tpu.vector_store_idx %arg11[%add3A_158], %mul3A_159 {add = true} : memref<40960xf32, #tpu.memory_space<vmem>>[vector<16xi32>], vector<16xf32>,
        %scan3A_160 = arith.constant 3 : i32
        %scan3A_161 = arith.addi %scan3A_53, %scan3A_160 : i32
        %mul3A_162 = arith.constant 16 : i32
        %mul3A_163 = arith.muli %scan3A_161, %mul3A_162 : i32
        %get3A_164 = arith.index_cast %mul3A_163 : i32 to index
        %get3A_165 = tpu.vector_load %arg8[%get3A_164] {strides = array<i32>} : memref<8192xi32, #tpu.memory_space<vmem>>, vector<16xi32>,
        %get3A_166 = arith.index_cast %mul3A_163 : i32 to index
        %get3A_167 = tpu.vector_load %arg9[%get3A_166] {strides = array<i32>} : memref<8192xf32, #tpu.memory_space<vmem>>, vector<16xf32>,
        %mul3A_168 = arith.constant 8192 : i32
        %mul3A_169 = arith.muli %scan3A_42, %mul3A_168 : i32
        %add3A_170 = arith.addi %mul3A_169, %mul3A_163 : i32
        %add3A_171 = vector.broadcast %add3A_170 : i32 to vector<16xi32>
        %add3A_172 = arith.addi %add3A_171, %iota3A : vector<16xi32>
        %shift_right_logical3A_173 = arith.constant 3 : i32
        %shift_right_logical3A_174 = vector.broadcast %shift_right_logical3A_173 : i32 to vector<16xi32>
        %shift_right_logical3A_175 = arith.shrui %add3A_172, %shift_right_logical3A_174 : vector<16xi32>
        %gather3A_176 = tpu.vector_load_idx %arg10[%shift_right_logical3A_175] : memref<10240xf32, #tpu.memory_space<vmem>>[vector<16xi32>], vector<16xf32>,
        %gather3A_177 = tpu.vector_load_idx %arg10[%get3A_165] : memref<10240xf32, #tpu.memory_space<vmem>>[vector<16xi32>], vector<16xf32>,
        %mul3A_178 = arith.mulf %gather3A_176, %get3A_167 : vector<16xf32>
        %mul3A_179 = arith.mulf %mul3A_178, %gather3A_177 : vector<16xf32>
        %add3A_180 = arith.addi %get3A_165, %select_n3A : vector<16xi32>
        %add3A_181 = arith.constant 0 : i32
        %add3A_182 = vector.broadcast %add3A_181 : i32 to vector<16xi32>
        %add3A_183 = arith.addi %shift_right_logical3A_175, %add3A_182 : vector<16xi32>
        %gather3A_184 = tpu.vector_load_idx %arg7[%add3A_183] : memref<20480xf32, #tpu.memory_space<vmem>>[vector<16xi32>], vector<16xf32>,
        %add3A_185 = arith.constant 0 : i32
        %add3A_186 = vector.broadcast %add3A_185 : i32 to vector<16xi32>
        %add3A_187 = arith.addi %add3A_180, %add3A_186 : vector<16xi32>
        %mul3A_188 = arith.mulf %mul3A_179, %gather3A_184 : vector<16xf32>
        tpu.vector_store_idx %arg11[%add3A_187], %mul3A_188 {add = true} : memref<40960xf32, #tpu.memory_space<vmem>>[vector<16xi32>], vector<16xf32>,
        %add3A_189 = arith.constant 10240 : i32
        %add3A_190 = vector.broadcast %add3A_189 : i32 to vector<16xi32>
        %add3A_191 = arith.addi %shift_right_logical3A_175, %add3A_190 : vector<16xi32>
        %gather3A_192 = tpu.vector_load_idx %arg7[%add3A_191] : memref<20480xf32, #tpu.memory_space<vmem>>[vector<16xi32>], vector<16xf32>,
        %add3A_193 = arith.constant 20480 : i32
        %add3A_194 = vector.broadcast %add3A_193 : i32 to vector<16xi32>
        %add3A_195 = arith.addi %add3A_180, %add3A_194 : vector<16xi32>
        %mul3A_196 = arith.mulf %mul3A_179, %gather3A_192 : vector<16xf32>
        tpu.vector_store_idx %arg11[%add3A_195], %mul3A_196 {add = true} : memref<40960xf32, #tpu.memory_space<vmem>>[vector<16xi32>], vector<16xf32>,
      }
      %scan3A_52 = arith.constant 512 : i32
    }
    %scan3A_27 = arith.constant 10 : i32
    %scan3A_28 = arith.constant 0 : i32
    %scan3A_29 = arith.constant 0 : i32
    %scan3A_30 = arith.constant 640 : i32
    %scan3A_31 = arith.addi %scan3A_29, %scan3A_30 : i32
    %scan3A_32 = arith.constant 1 : i32
    scf.for %scan3A_42 = %scan3A_29 to %scan3A_31 step %scan3A_32  : i32 {
      %mul3A_43 = arith.constant 16 : i32
      %mul3A_44 = arith.muli %scan3A_42, %mul3A_43 : i32
      %add3A_45 = arith.constant 0 : i32
      %add3A_46 = arith.addi %add3A_45, %mul3A_44 : i32
      %get3A = arith.index_cast %add3A_46 : i32 to index
      %get3A_47 = tpu.vector_load %arg11[%get3A] {strides = array<i32>} : memref<40960xf32, #tpu.memory_space<vmem>>, vector<16xf32>,
      %mul3A_48 = arith.constant 16 : i32
      %mul3A_49 = arith.muli %scan3A_42, %mul3A_48 : i32
      %add3A_50 = arith.constant 10240 : i32
      %add3A_51 = arith.addi %add3A_50, %mul3A_49 : i32
      %get3A_52 = arith.index_cast %add3A_51 : i32 to index
      %get3A_53 = tpu.vector_load %arg11[%get3A_52] {strides = array<i32>} : memref<40960xf32, #tpu.memory_space<vmem>>, vector<16xf32>,
      %add3A_54 = arith.addf %get3A_47, %get3A_53 : vector<16xf32>
      %mul3A_55 = arith.constant 16 : i32
      %mul3A_56 = arith.muli %scan3A_42, %mul3A_55 : i32
      %add3A_57 = arith.constant 0 : i32
      %add3A_58 = arith.addi %add3A_57, %mul3A_56 : i32
      %swap3A = arith.index_cast %add3A_58 : i32 to index
      %swap3A_59 = tpu.vector_load %arg11[%swap3A] {strides = array<i32>} : memref<40960xf32, #tpu.memory_space<vmem>>, vector<16xf32>,
      tpu.vector_store %arg11[%swap3A], %add3A_54 {strides = array<i32>} : memref<40960xf32, #tpu.memory_space<vmem>>, vector<16xf32>,
      %mul3A_60 = arith.constant 16 : i32
      %mul3A_61 = arith.muli %scan3A_42, %mul3A_60 : i32
      %add3A_62 = arith.constant 20480 : i32
      %add3A_63 = arith.addi %add3A_62, %mul3A_61 : i32
      %get3A_64 = arith.index_cast %add3A_63 : i32 to index
      %get3A_65 = tpu.vector_load %arg11[%get3A_64] {strides = array<i32>} : memref<40960xf32, #tpu.memory_space<vmem>>, vector<16xf32>,
      %mul3A_66 = arith.constant 16 : i32
      %mul3A_67 = arith.muli %scan3A_42, %mul3A_66 : i32
      %add3A_68 = arith.constant 30720 : i32
      %add3A_69 = arith.addi %add3A_68, %mul3A_67 : i32
      %get3A_70 = arith.index_cast %add3A_69 : i32 to index
      %get3A_71 = tpu.vector_load %arg11[%get3A_70] {strides = array<i32>} : memref<40960xf32, #tpu.memory_space<vmem>>, vector<16xf32>,
      %add3A_72 = arith.addf %get3A_65, %get3A_71 : vector<16xf32>
      %mul3A_73 = arith.constant 16 : i32
      %mul3A_74 = arith.muli %scan3A_42, %mul3A_73 : i32
      %add3A_75 = arith.constant 20480 : i32
      %add3A_76 = arith.addi %add3A_75, %mul3A_74 : i32
      %swap3A_77 = arith.index_cast %add3A_76 : i32 to index
      %swap3A_78 = tpu.vector_load %arg11[%swap3A_77] {strides = array<i32>} : memref<40960xf32, #tpu.memory_space<vmem>>, vector<16xf32>,
      tpu.vector_store %arg11[%swap3A_77], %add3A_72 {strides = array<i32>} : memref<40960xf32, #tpu.memory_space<vmem>>, vector<16xf32>,
    }
    %scan3A_33 = arith.constant 640 : i32
    %add3A_34 = arith.constant 0 : i32
    %add3A_35 = arith.addi %mul3A_2, %add3A_34 : i32
    %mul3A_36 = arith.constant 10240 : i32
    %mul3A_37 = arith.muli %add3A_35, %mul3A_36 : i32
    "tpu.region"() ({
      %run_scoped3A = tpu.sem_alloc : memref<!tpu.dma_semaphore, #tpu.memory_space<semaphore_mem>>
      %dma_start3A = arith.constant 0 : i32
      %dma_start3A_42 = tpu.memref_slice %arg11[%dma_start3A] : memref<40960xf32, #tpu.memory_space<vmem>> -> memref<10240xf32, #tpu.memory_space<vmem>>
      %dma_start3A_43 = tpu.memref_slice %arg6[%mul3A_37] : memref<655360xf32, #tpu.memory_space<hbm>> -> memref<10240xf32, #tpu.memory_space<hbm>>
      %dma_start3A_44 = tpu.memref_slice %arg6[%mul3A_37] : memref<655360xf32, #tpu.memory_space<hbm>> -> memref<10240xf32, #tpu.memory_space<hbm>>
      %dma_start3A_45 = arith.constant 0 : i32
      %dma_start3A_46 = tpu.memref_slice %arg11[%dma_start3A_45] : memref<40960xf32, #tpu.memory_space<vmem>> -> memref<10240xf32, #tpu.memory_space<vmem>>
      tpu.enqueue_dma source(%dma_start3A_46 : memref<10240xf32, #tpu.memory_space<vmem>>) target(%dma_start3A_44 : memref<10240xf32, #tpu.memory_space<hbm>>) target_semaphore(%run_scoped3A : memref<!tpu.dma_semaphore, #tpu.memory_space<semaphore_mem>>)
      %dma_wait3A = arith.constant 0 : i32
      %dma_wait3A_47 = tpu.memref_slice %arg11[%dma_wait3A] : memref<40960xf32, #tpu.memory_space<vmem>> -> memref<10240xf32, #tpu.memory_space<vmem>>
      %dma_wait3A_48 = tpu.memref_slice %arg6[%mul3A_37] : memref<655360xf32, #tpu.memory_space<hbm>> -> memref<10240xf32, #tpu.memory_space<hbm>>
      %dma_wait3A_49 = tpu.memref_slice %arg6[%mul3A_37] : memref<655360xf32, #tpu.memory_space<hbm>> -> memref<10240xf32, #tpu.memory_space<hbm>>
      %dma_wait3A_50 = arith.constant 0 : i32
      %dma_wait3A_51 = tpu.memref_slice %arg11[%dma_wait3A_50] : memref<40960xf32, #tpu.memory_space<vmem>> -> memref<10240xf32, #tpu.memory_space<vmem>>
      tpu.wait_dma2 semaphore(%run_scoped3A : memref<!tpu.dma_semaphore, #tpu.memory_space<semaphore_mem>>) src(%dma_wait3A_51 : memref<10240xf32, #tpu.memory_space<vmem>>) dst(%dma_wait3A_49 : memref<10240xf32, #tpu.memory_space<hbm>>)
      tpu.yield
    }) : () -> ()
    %add3A_38 = arith.constant 1 : i32
    %add3A_39 = arith.addi %mul3A_2, %add3A_38 : i32
    %mul3A_40 = arith.constant 10240 : i32
    %mul3A_41 = arith.muli %add3A_39, %mul3A_40 : i32
    "tpu.region"() ({
      %run_scoped3A = tpu.sem_alloc : memref<!tpu.dma_semaphore, #tpu.memory_space<semaphore_mem>>
      %dma_start3A = arith.constant 20480 : i32
      %dma_start3A_42 = tpu.memref_slice %arg11[%dma_start3A] : memref<40960xf32, #tpu.memory_space<vmem>> -> memref<10240xf32, #tpu.memory_space<vmem>>
      %dma_start3A_43 = tpu.memref_slice %arg6[%mul3A_41] : memref<655360xf32, #tpu.memory_space<hbm>> -> memref<10240xf32, #tpu.memory_space<hbm>>
      %dma_start3A_44 = tpu.memref_slice %arg6[%mul3A_41] : memref<655360xf32, #tpu.memory_space<hbm>> -> memref<10240xf32, #tpu.memory_space<hbm>>
      %dma_start3A_45 = arith.constant 20480 : i32
      %dma_start3A_46 = tpu.memref_slice %arg11[%dma_start3A_45] : memref<40960xf32, #tpu.memory_space<vmem>> -> memref<10240xf32, #tpu.memory_space<vmem>>
      tpu.enqueue_dma source(%dma_start3A_46 : memref<10240xf32, #tpu.memory_space<vmem>>) target(%dma_start3A_44 : memref<10240xf32, #tpu.memory_space<hbm>>) target_semaphore(%run_scoped3A : memref<!tpu.dma_semaphore, #tpu.memory_space<semaphore_mem>>)
      %dma_wait3A = arith.constant 20480 : i32
      %dma_wait3A_47 = tpu.memref_slice %arg11[%dma_wait3A] : memref<40960xf32, #tpu.memory_space<vmem>> -> memref<10240xf32, #tpu.memory_space<vmem>>
      %dma_wait3A_48 = tpu.memref_slice %arg6[%mul3A_41] : memref<655360xf32, #tpu.memory_space<hbm>> -> memref<10240xf32, #tpu.memory_space<hbm>>
      %dma_wait3A_49 = tpu.memref_slice %arg6[%mul3A_41] : memref<655360xf32, #tpu.memory_space<hbm>> -> memref<10240xf32, #tpu.memory_space<hbm>>
      %dma_wait3A_50 = arith.constant 20480 : i32
      %dma_wait3A_51 = tpu.memref_slice %arg11[%dma_wait3A_50] : memref<40960xf32, #tpu.memory_space<vmem>> -> memref<10240xf32, #tpu.memory_space<vmem>>
      tpu.wait_dma2 semaphore(%run_scoped3A : memref<!tpu.dma_semaphore, #tpu.memory_space<semaphore_mem>>) src(%dma_wait3A_51 : memref<10240xf32, #tpu.memory_space<vmem>>) dst(%dma_wait3A_49 : memref<10240xf32, #tpu.memory_space<hbm>>)
      tpu.yield
    }) : () -> ()
    return
  }
}

module attributes {stable_mosaic.version = 14 : i64} {
  func.func @_gru_body(%arg0: i32, %arg1: memref<4x128x256xf32, #tpu.memory_space<vmem>>, %arg2: memref<64x128xf32, #tpu.memory_space<vmem>>, %arg3: memref<64x64xf32, #tpu.memory_space<vmem>>, %arg4: memref<1x64xf32, #tpu.memory_space<vmem>>, %arg5: memref<1x64xf32, #tpu.memory_space<vmem>>, %arg6: memref<64x128xf32, #tpu.memory_space<vmem>>, %arg7: memref<64x64xf32, #tpu.memory_space<vmem>>, %arg8: memref<1x64xf32, #tpu.memory_space<vmem>>, %arg9: memref<1x64xf32, #tpu.memory_space<vmem>>, %arg10: memref<64x128xf32, #tpu.memory_space<vmem>>, %arg11: memref<64x64xf32, #tpu.memory_space<vmem>>, %arg12: memref<1x64xf32, #tpu.memory_space<vmem>>, %arg13: memref<1x64xf32, #tpu.memory_space<vmem>>, %arg14: memref<64x128xf32, #tpu.memory_space<vmem>>, %arg15: memref<64x64xf32, #tpu.memory_space<vmem>>, %arg16: memref<1x64xf32, #tpu.memory_space<vmem>>, %arg17: memref<1x64xf32, #tpu.memory_space<vmem>>, %arg18: memref<64x128xf32, #tpu.memory_space<vmem>>, %arg19: memref<64x64xf32, #tpu.memory_space<vmem>>, %arg20: memref<1x64xf32, #tpu.memory_space<vmem>>, %arg21: memref<1x64xf32, #tpu.memory_space<vmem>>, %arg22: memref<64x128xf32, #tpu.memory_space<vmem>>, %arg23: memref<64x64xf32, #tpu.memory_space<vmem>>, %arg24: memref<1x64xf32, #tpu.memory_space<vmem>>, %arg25: memref<1x64xf32, #tpu.memory_space<vmem>>, %arg26: memref<64x64xf32, #tpu.memory_space<vmem>>, %arg27: memref<256x64xf32, #tpu.memory_space<vmem>>, %arg28: memref<256x64xf32, #tpu.memory_space<vmem>>, %arg29: memref<64x256xf32, #tpu.memory_space<vmem>>) attributes {dimension_semantics = [#tpu.dimension_semantics<arbitrary>], iteration_bounds = array<i64: 40>, scalar_prefetch = 0 : i64, scratch_operands = 0 : i64, tpu.core_type = #tpu.core_type<tc>, window_params = [{transform_indices = @transform_0, window_bounds = array<i64: 4, 128, 256>}, {pipeline_mode = #tpu.pipeline_mode<synchronous>, transform_indices = @transform_1, window_bounds = array<i64: 64, 128>}, {pipeline_mode = #tpu.pipeline_mode<synchronous>, transform_indices = @transform_2, window_bounds = array<i64: 64, 64>}, {pipeline_mode = #tpu.pipeline_mode<synchronous>, transform_indices = @transform_3, window_bounds = array<i64: 1, 64>}, {pipeline_mode = #tpu.pipeline_mode<synchronous>, transform_indices = @transform_4, window_bounds = array<i64: 1, 64>}, {pipeline_mode = #tpu.pipeline_mode<synchronous>, transform_indices = @transform_5, window_bounds = array<i64: 64, 128>}, {pipeline_mode = #tpu.pipeline_mode<synchronous>, transform_indices = @transform_6, window_bounds = array<i64: 64, 64>}, {pipeline_mode = #tpu.pipeline_mode<synchronous>, transform_indices = @transform_7, window_bounds = array<i64: 1, 64>}, {pipeline_mode = #tpu.pipeline_mode<synchronous>, transform_indices = @transform_8, window_bounds = array<i64: 1, 64>}, {pipeline_mode = #tpu.pipeline_mode<synchronous>, transform_indices = @transform_9, window_bounds = array<i64: 64, 128>}, {pipeline_mode = #tpu.pipeline_mode<synchronous>, transform_indices = @transform_10, window_bounds = array<i64: 64, 64>}, {pipeline_mode = #tpu.pipeline_mode<synchronous>, transform_indices = @transform_11, window_bounds = array<i64: 1, 64>}, {pipeline_mode = #tpu.pipeline_mode<synchronous>, transform_indices = @transform_12, window_bounds = array<i64: 1, 64>}, {pipeline_mode = #tpu.pipeline_mode<synchronous>, transform_indices = @transform_13, window_bounds = array<i64: 64, 128>}, {pipeline_mode = #tpu.pipeline_mode<synchronous>, transform_indices = @transform_14, window_bounds = array<i64: 64, 64>}, {pipeline_mode = #tpu.pipeline_mode<synchronous>, transform_indices = @transform_15, window_bounds = array<i64: 1, 64>}, {pipeline_mode = #tpu.pipeline_mode<synchronous>, transform_indices = @transform_16, window_bounds = array<i64: 1, 64>}, {pipeline_mode = #tpu.pipeline_mode<synchronous>, transform_indices = @transform_17, window_bounds = array<i64: 64, 128>}, {pipeline_mode = #tpu.pipeline_mode<synchronous>, transform_indices = @transform_18, window_bounds = array<i64: 64, 64>}, {pipeline_mode = #tpu.pipeline_mode<synchronous>, transform_indices = @transform_19, window_bounds = array<i64: 1, 64>}, {pipeline_mode = #tpu.pipeline_mode<synchronous>, transform_indices = @transform_20, window_bounds = array<i64: 1, 64>}, {pipeline_mode = #tpu.pipeline_mode<synchronous>, transform_indices = @transform_21, window_bounds = array<i64: 64, 128>}, {pipeline_mode = #tpu.pipeline_mode<synchronous>, transform_indices = @transform_22, window_bounds = array<i64: 64, 64>}, {pipeline_mode = #tpu.pipeline_mode<synchronous>, transform_indices = @transform_23, window_bounds = array<i64: 1, 64>}, {pipeline_mode = #tpu.pipeline_mode<synchronous>, transform_indices = @transform_24, window_bounds = array<i64: 1, 64>}, {pipeline_mode = #tpu.pipeline_mode<synchronous>, transform_indices = @transform_25, window_bounds = array<i64: 64, 64>}, {transform_indices = @transform_26, window_bounds = array<i64: 256, 64>}, {transform_indices = @transform_27, window_bounds = array<i64: 256, 64>}, {transform_indices = @transform_28, window_bounds = array<i64: 64, 256>}]} {
    %broadcast_in_dim3A = arith.constant 0.000000e+00 : f32
    %broadcast_in_dim3A_0 = vector.broadcast %broadcast_in_dim3A : f32 to vector<256x64xf32>
    %get3A = arith.constant 0 : index
    %get3A_1 = arith.constant 0 : index
    %get3A_2 = arith.constant 0 : index
    %get3A_3 = vector.load %arg1[%get3A, %get3A_1, %get3A_2] : memref<4x128x256xf32, #tpu.memory_space<vmem>>, vector<1x128x256xf32>
    %get3A_4 = vector.shape_cast %get3A_3 : vector<1x128x256xf32> to vector<128x256xf32>
    %get3A_5 = arith.constant 0 : index
    %get3A_6 = arith.constant 0 : index
    %get3A_7 = vector.load %arg2[%get3A_5, %get3A_6] : memref<64x128xf32, #tpu.memory_space<vmem>>, vector<64x128xf32>
    %dot_general3A = arith.constant dense<0.000000e+00> : vector<256x64xf32>
    %dot_general3A_8 = tpu.matmul %get3A_4, %get3A_7, %dot_general3A {dimension_numbers = #tpu.dot_dimension_numbers<[0], [1], [1], [0], [0, 1, 1, 0], [], []>, transpose_lhs_hint = false} : vector<128x256xf32>, vector<64x128xf32>, vector<256x64xf32> -> vector<256x64xf32>
    %get3A_9 = arith.constant 0 : index
    %get3A_10 = arith.constant 0 : index
    %get3A_11 = vector.load %arg4[%get3A_9, %get3A_10] : memref<1x64xf32, #tpu.memory_space<vmem>>, vector<1x64xf32>
    %add3A = vector.broadcast %get3A_11 : vector<1x64xf32> to vector<256x64xf32>
    %add3A_12 = arith.addf %dot_general3A_8, %add3A : vector<256x64xf32>
    %get3A_13 = arith.constant 0 : index
    %get3A_14 = arith.constant 0 : index
    %get3A_15 = vector.load %arg6[%get3A_13, %get3A_14] : memref<64x128xf32, #tpu.memory_space<vmem>>, vector<64x128xf32>
    %dot_general3A_16 = arith.constant dense<0.000000e+00> : vector<256x64xf32>
    %dot_general3A_17 = tpu.matmul %get3A_4, %get3A_15, %dot_general3A_16 {dimension_numbers = #tpu.dot_dimension_numbers<[0], [1], [1], [0], [0, 1, 1, 0], [], []>, transpose_lhs_hint = false} : vector<128x256xf32>, vector<64x128xf32>, vector<256x64xf32> -> vector<256x64xf32>
    %get3A_18 = arith.constant 0 : index
    %get3A_19 = arith.constant 0 : index
    %get3A_20 = vector.load %arg8[%get3A_18, %get3A_19] : memref<1x64xf32, #tpu.memory_space<vmem>>, vector<1x64xf32>
    %add3A_21 = vector.broadcast %get3A_20 : vector<1x64xf32> to vector<256x64xf32>
    %add3A_22 = arith.addf %dot_general3A_17, %add3A_21 : vector<256x64xf32>
    %get3A_23 = arith.constant 0 : index
    %get3A_24 = arith.constant 0 : index
    %get3A_25 = vector.load %arg10[%get3A_23, %get3A_24] : memref<64x128xf32, #tpu.memory_space<vmem>>, vector<64x128xf32>
    %dot_general3A_26 = arith.constant dense<0.000000e+00> : vector<256x64xf32>
    %dot_general3A_27 = tpu.matmul %get3A_4, %get3A_25, %dot_general3A_26 {dimension_numbers = #tpu.dot_dimension_numbers<[0], [1], [1], [0], [0, 1, 1, 0], [], []>, transpose_lhs_hint = false} : vector<128x256xf32>, vector<64x128xf32>, vector<256x64xf32> -> vector<256x64xf32>
    %get3A_28 = arith.constant 0 : index
    %get3A_29 = arith.constant 0 : index
    %get3A_30 = vector.load %arg12[%get3A_28, %get3A_29] : memref<1x64xf32, #tpu.memory_space<vmem>>, vector<1x64xf32>
    %add3A_31 = vector.broadcast %get3A_30 : vector<1x64xf32> to vector<256x64xf32>
    %add3A_32 = arith.addf %dot_general3A_27, %add3A_31 : vector<256x64xf32>
    %get3A_33 = arith.constant 0 : index
    %get3A_34 = arith.constant 0 : index
    %get3A_35 = vector.load %arg3[%get3A_33, %get3A_34] : memref<64x64xf32, #tpu.memory_space<vmem>>, vector<64x64xf32>
    %dot_general3A_36 = arith.constant dense<0.000000e+00> : vector<256x64xf32>
    %dot_general3A_37 = tpu.matmul %broadcast_in_dim3A_0, %get3A_35, %dot_general3A_36 {dimension_numbers = #tpu.dot_dimension_numbers<[1], [1], [0], [0], [0, 0, 1, 0], [], []>, transpose_lhs_hint = false} : vector<256x64xf32>, vector<64x64xf32>, vector<256x64xf32> -> vector<256x64xf32>
    %get3A_38 = arith.constant 0 : index
    %get3A_39 = arith.constant 0 : index
    %get3A_40 = vector.load %arg5[%get3A_38, %get3A_39] : memref<1x64xf32, #tpu.memory_space<vmem>>, vector<1x64xf32>
    %add3A_41 = vector.broadcast %get3A_40 : vector<1x64xf32> to vector<256x64xf32>
    %add3A_42 = arith.addf %dot_general3A_37, %add3A_41 : vector<256x64xf32>
    %get3A_43 = arith.constant 0 : index
    %get3A_44 = arith.constant 0 : index
    %get3A_45 = vector.load %arg7[%get3A_43, %get3A_44] : memref<64x64xf32, #tpu.memory_space<vmem>>, vector<64x64xf32>
    %dot_general3A_46 = arith.constant dense<0.000000e+00> : vector<256x64xf32>
    %dot_general3A_47 = tpu.matmul %broadcast_in_dim3A_0, %get3A_45, %dot_general3A_46 {dimension_numbers = #tpu.dot_dimension_numbers<[1], [1], [0], [0], [0, 0, 1, 0], [], []>, transpose_lhs_hint = false} : vector<256x64xf32>, vector<64x64xf32>, vector<256x64xf32> -> vector<256x64xf32>
    %get3A_48 = arith.constant 0 : index
    %get3A_49 = arith.constant 0 : index
    %get3A_50 = vector.load %arg9[%get3A_48, %get3A_49] : memref<1x64xf32, #tpu.memory_space<vmem>>, vector<1x64xf32>
    %add3A_51 = vector.broadcast %get3A_50 : vector<1x64xf32> to vector<256x64xf32>
    %add3A_52 = arith.addf %dot_general3A_47, %add3A_51 : vector<256x64xf32>
    %get3A_53 = arith.constant 0 : index
    %get3A_54 = arith.constant 0 : index
    %get3A_55 = vector.load %arg11[%get3A_53, %get3A_54] : memref<64x64xf32, #tpu.memory_space<vmem>>, vector<64x64xf32>
    %dot_general3A_56 = arith.constant dense<0.000000e+00> : vector<256x64xf32>
    %dot_general3A_57 = tpu.matmul %broadcast_in_dim3A_0, %get3A_55, %dot_general3A_56 {dimension_numbers = #tpu.dot_dimension_numbers<[1], [1], [0], [0], [0, 0, 1, 0], [], []>, transpose_lhs_hint = false} : vector<256x64xf32>, vector<64x64xf32>, vector<256x64xf32> -> vector<256x64xf32>
    %get3A_58 = arith.constant 0 : index
    %get3A_59 = arith.constant 0 : index
    %get3A_60 = vector.load %arg13[%get3A_58, %get3A_59] : memref<1x64xf32, #tpu.memory_space<vmem>>, vector<1x64xf32>
    %add3A_61 = vector.broadcast %get3A_60 : vector<1x64xf32> to vector<256x64xf32>
    %add3A_62 = arith.addf %dot_general3A_57, %add3A_61 : vector<256x64xf32>
    %add3A_63 = arith.addf %add3A_12, %add3A_42 : vector<256x64xf32>
    %logistic3A = arith.negf %add3A_63 : vector<256x64xf32>
    %logistic3A_64 = math.exp %logistic3A : vector<256x64xf32>
    %logistic3A_65 = arith.constant 1.000000e+00 : f32
    %logistic3A_66 = vector.broadcast %logistic3A_65 : f32 to vector<256x64xf32>
    %logistic3A_67 = arith.addf %logistic3A_66, %logistic3A_64 : vector<256x64xf32>
    %logistic3A_68 = arith.divf %logistic3A_66, %logistic3A_67 : vector<256x64xf32>
    %add3A_69 = arith.addf %add3A_22, %add3A_52 : vector<256x64xf32>
    %logistic3A_70 = arith.negf %add3A_69 : vector<256x64xf32>
    %logistic3A_71 = math.exp %logistic3A_70 : vector<256x64xf32>
    %logistic3A_72 = arith.constant 1.000000e+00 : f32
    %logistic3A_73 = vector.broadcast %logistic3A_72 : f32 to vector<256x64xf32>
    %logistic3A_74 = arith.addf %logistic3A_73, %logistic3A_71 : vector<256x64xf32>
    %logistic3A_75 = arith.divf %logistic3A_73, %logistic3A_74 : vector<256x64xf32>
    %mul3A = arith.mulf %logistic3A_68, %add3A_62 : vector<256x64xf32>
    %add3A_76 = arith.addf %add3A_32, %mul3A : vector<256x64xf32>
    %tanh3A = math.tanh %add3A_76 : vector<256x64xf32>
    %sub3A = arith.constant 1.000000e+00 : f32
    %sub3A_77 = vector.broadcast %sub3A : f32 to vector<256x64xf32>
    %sub3A_78 = arith.subf %sub3A_77, %logistic3A_75 : vector<256x64xf32>
    %mul3A_79 = arith.mulf %sub3A_78, %tanh3A : vector<256x64xf32>
    %mul3A_80 = arith.mulf %logistic3A_75, %broadcast_in_dim3A_0 : vector<256x64xf32>
    %add3A_81 = arith.addf %mul3A_79, %mul3A_80 : vector<256x64xf32>
    %get3A_82 = arith.constant 1 : index
    %get3A_83 = arith.constant 0 : index
    %get3A_84 = arith.constant 0 : index
    %get3A_85 = vector.load %arg1[%get3A_82, %get3A_83, %get3A_84] : memref<4x128x256xf32, #tpu.memory_space<vmem>>, vector<1x128x256xf32>
    %get3A_86 = vector.shape_cast %get3A_85 : vector<1x128x256xf32> to vector<128x256xf32>
    %get3A_87 = arith.constant 0 : index
    %get3A_88 = arith.constant 0 : index
    %get3A_89 = vector.load %arg2[%get3A_87, %get3A_88] : memref<64x128xf32, #tpu.memory_space<vmem>>, vector<64x128xf32>
    %dot_general3A_90 = arith.constant dense<0.000000e+00> : vector<256x64xf32>
    %dot_general3A_91 = tpu.matmul %get3A_86, %get3A_89, %dot_general3A_90 {dimension_numbers = #tpu.dot_dimension_numbers<[0], [1], [1], [0], [0, 1, 1, 0], [], []>, transpose_lhs_hint = false} : vector<128x256xf32>, vector<64x128xf32>, vector<256x64xf32> -> vector<256x64xf32>
    %get3A_92 = arith.constant 0 : index
    %get3A_93 = arith.constant 0 : index
    %get3A_94 = vector.load %arg4[%get3A_92, %get3A_93] : memref<1x64xf32, #tpu.memory_space<vmem>>, vector<1x64xf32>
    %add3A_95 = vector.broadcast %get3A_94 : vector<1x64xf32> to vector<256x64xf32>
    %add3A_96 = arith.addf %dot_general3A_91, %add3A_95 : vector<256x64xf32>
    %get3A_97 = arith.constant 0 : index
    %get3A_98 = arith.constant 0 : index
    %get3A_99 = vector.load %arg6[%get3A_97, %get3A_98] : memref<64x128xf32, #tpu.memory_space<vmem>>, vector<64x128xf32>
    %dot_general3A_100 = arith.constant dense<0.000000e+00> : vector<256x64xf32>
    %dot_general3A_101 = tpu.matmul %get3A_86, %get3A_99, %dot_general3A_100 {dimension_numbers = #tpu.dot_dimension_numbers<[0], [1], [1], [0], [0, 1, 1, 0], [], []>, transpose_lhs_hint = false} : vector<128x256xf32>, vector<64x128xf32>, vector<256x64xf32> -> vector<256x64xf32>
    %get3A_102 = arith.constant 0 : index
    %get3A_103 = arith.constant 0 : index
    %get3A_104 = vector.load %arg8[%get3A_102, %get3A_103] : memref<1x64xf32, #tpu.memory_space<vmem>>, vector<1x64xf32>
    %add3A_105 = vector.broadcast %get3A_104 : vector<1x64xf32> to vector<256x64xf32>
    %add3A_106 = arith.addf %dot_general3A_101, %add3A_105 : vector<256x64xf32>
    %get3A_107 = arith.constant 0 : index
    %get3A_108 = arith.constant 0 : index
    %get3A_109 = vector.load %arg10[%get3A_107, %get3A_108] : memref<64x128xf32, #tpu.memory_space<vmem>>, vector<64x128xf32>
    %dot_general3A_110 = arith.constant dense<0.000000e+00> : vector<256x64xf32>
    %dot_general3A_111 = tpu.matmul %get3A_86, %get3A_109, %dot_general3A_110 {dimension_numbers = #tpu.dot_dimension_numbers<[0], [1], [1], [0], [0, 1, 1, 0], [], []>, transpose_lhs_hint = false} : vector<128x256xf32>, vector<64x128xf32>, vector<256x64xf32> -> vector<256x64xf32>
    %get3A_112 = arith.constant 0 : index
    %get3A_113 = arith.constant 0 : index
    %get3A_114 = vector.load %arg12[%get3A_112, %get3A_113] : memref<1x64xf32, #tpu.memory_space<vmem>>, vector<1x64xf32>
    %add3A_115 = vector.broadcast %get3A_114 : vector<1x64xf32> to vector<256x64xf32>
    %add3A_116 = arith.addf %dot_general3A_111, %add3A_115 : vector<256x64xf32>
    %get3A_117 = arith.constant 0 : index
    %get3A_118 = arith.constant 0 : index
    %get3A_119 = vector.load %arg3[%get3A_117, %get3A_118] : memref<64x64xf32, #tpu.memory_space<vmem>>, vector<64x64xf32>
    %dot_general3A_120 = arith.constant dense<0.000000e+00> : vector<256x64xf32>
    %dot_general3A_121 = tpu.matmul %add3A_81, %get3A_119, %dot_general3A_120 {dimension_numbers = #tpu.dot_dimension_numbers<[1], [1], [0], [0], [0, 0, 1, 0], [], []>, transpose_lhs_hint = false} : vector<256x64xf32>, vector<64x64xf32>, vector<256x64xf32> -> vector<256x64xf32>
    %get3A_122 = arith.constant 0 : index
    %get3A_123 = arith.constant 0 : index
    %get3A_124 = vector.load %arg5[%get3A_122, %get3A_123] : memref<1x64xf32, #tpu.memory_space<vmem>>, vector<1x64xf32>
    %add3A_125 = vector.broadcast %get3A_124 : vector<1x64xf32> to vector<256x64xf32>
    %add3A_126 = arith.addf %dot_general3A_121, %add3A_125 : vector<256x64xf32>
    %get3A_127 = arith.constant 0 : index
    %get3A_128 = arith.constant 0 : index
    %get3A_129 = vector.load %arg7[%get3A_127, %get3A_128] : memref<64x64xf32, #tpu.memory_space<vmem>>, vector<64x64xf32>
    %dot_general3A_130 = arith.constant dense<0.000000e+00> : vector<256x64xf32>
    %dot_general3A_131 = tpu.matmul %add3A_81, %get3A_129, %dot_general3A_130 {dimension_numbers = #tpu.dot_dimension_numbers<[1], [1], [0], [0], [0, 0, 1, 0], [], []>, transpose_lhs_hint = false} : vector<256x64xf32>, vector<64x64xf32>, vector<256x64xf32> -> vector<256x64xf32>
    %get3A_132 = arith.constant 0 : index
    %get3A_133 = arith.constant 0 : index
    %get3A_134 = vector.load %arg9[%get3A_132, %get3A_133] : memref<1x64xf32, #tpu.memory_space<vmem>>, vector<1x64xf32>
    %add3A_135 = vector.broadcast %get3A_134 : vector<1x64xf32> to vector<256x64xf32>
    %add3A_136 = arith.addf %dot_general3A_131, %add3A_135 : vector<256x64xf32>
    %get3A_137 = arith.constant 0 : index
    %get3A_138 = arith.constant 0 : index
    %get3A_139 = vector.load %arg11[%get3A_137, %get3A_138] : memref<64x64xf32, #tpu.memory_space<vmem>>, vector<64x64xf32>
    %dot_general3A_140 = arith.constant dense<0.000000e+00> : vector<256x64xf32>
    %dot_general3A_141 = tpu.matmul %add3A_81, %get3A_139, %dot_general3A_140 {dimension_numbers = #tpu.dot_dimension_numbers<[1], [1], [0], [0], [0, 0, 1, 0], [], []>, transpose_lhs_hint = false} : vector<256x64xf32>, vector<64x64xf32>, vector<256x64xf32> -> vector<256x64xf32>
    %get3A_142 = arith.constant 0 : index
    %get3A_143 = arith.constant 0 : index
    %get3A_144 = vector.load %arg13[%get3A_142, %get3A_143] : memref<1x64xf32, #tpu.memory_space<vmem>>, vector<1x64xf32>
    %add3A_145 = vector.broadcast %get3A_144 : vector<1x64xf32> to vector<256x64xf32>
    %add3A_146 = arith.addf %dot_general3A_141, %add3A_145 : vector<256x64xf32>
    %add3A_147 = arith.addf %add3A_96, %add3A_126 : vector<256x64xf32>
    %logistic3A_148 = arith.negf %add3A_147 : vector<256x64xf32>
    %logistic3A_149 = math.exp %logistic3A_148 : vector<256x64xf32>
    %logistic3A_150 = arith.constant 1.000000e+00 : f32
    %logistic3A_151 = vector.broadcast %logistic3A_150 : f32 to vector<256x64xf32>
    %logistic3A_152 = arith.addf %logistic3A_151, %logistic3A_149 : vector<256x64xf32>
    %logistic3A_153 = arith.divf %logistic3A_151, %logistic3A_152 : vector<256x64xf32>
    %add3A_154 = arith.addf %add3A_106, %add3A_136 : vector<256x64xf32>
    %logistic3A_155 = arith.negf %add3A_154 : vector<256x64xf32>
    %logistic3A_156 = math.exp %logistic3A_155 : vector<256x64xf32>
    %logistic3A_157 = arith.constant 1.000000e+00 : f32
    %logistic3A_158 = vector.broadcast %logistic3A_157 : f32 to vector<256x64xf32>
    %logistic3A_159 = arith.addf %logistic3A_158, %logistic3A_156 : vector<256x64xf32>
    %logistic3A_160 = arith.divf %logistic3A_158, %logistic3A_159 : vector<256x64xf32>
    %mul3A_161 = arith.mulf %logistic3A_153, %add3A_146 : vector<256x64xf32>
    %add3A_162 = arith.addf %add3A_116, %mul3A_161 : vector<256x64xf32>
    %tanh3A_163 = math.tanh %add3A_162 : vector<256x64xf32>
    %sub3A_164 = arith.constant 1.000000e+00 : f32
    %sub3A_165 = vector.broadcast %sub3A_164 : f32 to vector<256x64xf32>
    %sub3A_166 = arith.subf %sub3A_165, %logistic3A_160 : vector<256x64xf32>
    %mul3A_167 = arith.mulf %sub3A_166, %tanh3A_163 : vector<256x64xf32>
    %mul3A_168 = arith.mulf %logistic3A_160, %add3A_81 : vector<256x64xf32>
    %add3A_169 = arith.addf %mul3A_167, %mul3A_168 : vector<256x64xf32>
    %get3A_170 = arith.constant 2 : index
    %get3A_171 = arith.constant 0 : index
    %get3A_172 = arith.constant 0 : index
    %get3A_173 = vector.load %arg1[%get3A_170, %get3A_171, %get3A_172] : memref<4x128x256xf32, #tpu.memory_space<vmem>>, vector<1x128x256xf32>
    %get3A_174 = vector.shape_cast %get3A_173 : vector<1x128x256xf32> to vector<128x256xf32>
    %get3A_175 = arith.constant 0 : index
    %get3A_176 = arith.constant 0 : index
    %get3A_177 = vector.load %arg2[%get3A_175, %get3A_176] : memref<64x128xf32, #tpu.memory_space<vmem>>, vector<64x128xf32>
    %dot_general3A_178 = arith.constant dense<0.000000e+00> : vector<256x64xf32>
    %dot_general3A_179 = tpu.matmul %get3A_174, %get3A_177, %dot_general3A_178 {dimension_numbers = #tpu.dot_dimension_numbers<[0], [1], [1], [0], [0, 1, 1, 0], [], []>, transpose_lhs_hint = false} : vector<128x256xf32>, vector<64x128xf32>, vector<256x64xf32> -> vector<256x64xf32>
    %get3A_180 = arith.constant 0 : index
    %get3A_181 = arith.constant 0 : index
    %get3A_182 = vector.load %arg4[%get3A_180, %get3A_181] : memref<1x64xf32, #tpu.memory_space<vmem>>, vector<1x64xf32>
    %add3A_183 = vector.broadcast %get3A_182 : vector<1x64xf32> to vector<256x64xf32>
    %add3A_184 = arith.addf %dot_general3A_179, %add3A_183 : vector<256x64xf32>
    %get3A_185 = arith.constant 0 : index
    %get3A_186 = arith.constant 0 : index
    %get3A_187 = vector.load %arg6[%get3A_185, %get3A_186] : memref<64x128xf32, #tpu.memory_space<vmem>>, vector<64x128xf32>
    %dot_general3A_188 = arith.constant dense<0.000000e+00> : vector<256x64xf32>
    %dot_general3A_189 = tpu.matmul %get3A_174, %get3A_187, %dot_general3A_188 {dimension_numbers = #tpu.dot_dimension_numbers<[0], [1], [1], [0], [0, 1, 1, 0], [], []>, transpose_lhs_hint = false} : vector<128x256xf32>, vector<64x128xf32>, vector<256x64xf32> -> vector<256x64xf32>
    %get3A_190 = arith.constant 0 : index
    %get3A_191 = arith.constant 0 : index
    %get3A_192 = vector.load %arg8[%get3A_190, %get3A_191] : memref<1x64xf32, #tpu.memory_space<vmem>>, vector<1x64xf32>
    %add3A_193 = vector.broadcast %get3A_192 : vector<1x64xf32> to vector<256x64xf32>
    %add3A_194 = arith.addf %dot_general3A_189, %add3A_193 : vector<256x64xf32>
    %get3A_195 = arith.constant 0 : index
    %get3A_196 = arith.constant 0 : index
    %get3A_197 = vector.load %arg10[%get3A_195, %get3A_196] : memref<64x128xf32, #tpu.memory_space<vmem>>, vector<64x128xf32>
    %dot_general3A_198 = arith.constant dense<0.000000e+00> : vector<256x64xf32>
    %dot_general3A_199 = tpu.matmul %get3A_174, %get3A_197, %dot_general3A_198 {dimension_numbers = #tpu.dot_dimension_numbers<[0], [1], [1], [0], [0, 1, 1, 0], [], []>, transpose_lhs_hint = false} : vector<128x256xf32>, vector<64x128xf32>, vector<256x64xf32> -> vector<256x64xf32>
    %get3A_200 = arith.constant 0 : index
    %get3A_201 = arith.constant 0 : index
    %get3A_202 = vector.load %arg12[%get3A_200, %get3A_201] : memref<1x64xf32, #tpu.memory_space<vmem>>, vector<1x64xf32>
    %add3A_203 = vector.broadcast %get3A_202 : vector<1x64xf32> to vector<256x64xf32>
    %add3A_204 = arith.addf %dot_general3A_199, %add3A_203 : vector<256x64xf32>
    %get3A_205 = arith.constant 0 : index
    %get3A_206 = arith.constant 0 : index
    %get3A_207 = vector.load %arg3[%get3A_205, %get3A_206] : memref<64x64xf32, #tpu.memory_space<vmem>>, vector<64x64xf32>
    %dot_general3A_208 = arith.constant dense<0.000000e+00> : vector<256x64xf32>
    %dot_general3A_209 = tpu.matmul %add3A_169, %get3A_207, %dot_general3A_208 {dimension_numbers = #tpu.dot_dimension_numbers<[1], [1], [0], [0], [0, 0, 1, 0], [], []>, transpose_lhs_hint = false} : vector<256x64xf32>, vector<64x64xf32>, vector<256x64xf32> -> vector<256x64xf32>
    %get3A_210 = arith.constant 0 : index
    %get3A_211 = arith.constant 0 : index
    %get3A_212 = vector.load %arg5[%get3A_210, %get3A_211] : memref<1x64xf32, #tpu.memory_space<vmem>>, vector<1x64xf32>
    %add3A_213 = vector.broadcast %get3A_212 : vector<1x64xf32> to vector<256x64xf32>
    %add3A_214 = arith.addf %dot_general3A_209, %add3A_213 : vector<256x64xf32>
    %get3A_215 = arith.constant 0 : index
    %get3A_216 = arith.constant 0 : index
    %get3A_217 = vector.load %arg7[%get3A_215, %get3A_216] : memref<64x64xf32, #tpu.memory_space<vmem>>, vector<64x64xf32>
    %dot_general3A_218 = arith.constant dense<0.000000e+00> : vector<256x64xf32>
    %dot_general3A_219 = tpu.matmul %add3A_169, %get3A_217, %dot_general3A_218 {dimension_numbers = #tpu.dot_dimension_numbers<[1], [1], [0], [0], [0, 0, 1, 0], [], []>, transpose_lhs_hint = false} : vector<256x64xf32>, vector<64x64xf32>, vector<256x64xf32> -> vector<256x64xf32>
    %get3A_220 = arith.constant 0 : index
    %get3A_221 = arith.constant 0 : index
    %get3A_222 = vector.load %arg9[%get3A_220, %get3A_221] : memref<1x64xf32, #tpu.memory_space<vmem>>, vector<1x64xf32>
    %add3A_223 = vector.broadcast %get3A_222 : vector<1x64xf32> to vector<256x64xf32>
    %add3A_224 = arith.addf %dot_general3A_219, %add3A_223 : vector<256x64xf32>
    %get3A_225 = arith.constant 0 : index
    %get3A_226 = arith.constant 0 : index
    %get3A_227 = vector.load %arg11[%get3A_225, %get3A_226] : memref<64x64xf32, #tpu.memory_space<vmem>>, vector<64x64xf32>
    %dot_general3A_228 = arith.constant dense<0.000000e+00> : vector<256x64xf32>
    %dot_general3A_229 = tpu.matmul %add3A_169, %get3A_227, %dot_general3A_228 {dimension_numbers = #tpu.dot_dimension_numbers<[1], [1], [0], [0], [0, 0, 1, 0], [], []>, transpose_lhs_hint = false} : vector<256x64xf32>, vector<64x64xf32>, vector<256x64xf32> -> vector<256x64xf32>
    %get3A_230 = arith.constant 0 : index
    %get3A_231 = arith.constant 0 : index
    %get3A_232 = vector.load %arg13[%get3A_230, %get3A_231] : memref<1x64xf32, #tpu.memory_space<vmem>>, vector<1x64xf32>
    %add3A_233 = vector.broadcast %get3A_232 : vector<1x64xf32> to vector<256x64xf32>
    %add3A_234 = arith.addf %dot_general3A_229, %add3A_233 : vector<256x64xf32>
    %add3A_235 = arith.addf %add3A_184, %add3A_214 : vector<256x64xf32>
    %logistic3A_236 = arith.negf %add3A_235 : vector<256x64xf32>
    %logistic3A_237 = math.exp %logistic3A_236 : vector<256x64xf32>
    %logistic3A_238 = arith.constant 1.000000e+00 : f32
    %logistic3A_239 = vector.broadcast %logistic3A_238 : f32 to vector<256x64xf32>
    %logistic3A_240 = arith.addf %logistic3A_239, %logistic3A_237 : vector<256x64xf32>
    %logistic3A_241 = arith.divf %logistic3A_239, %logistic3A_240 : vector<256x64xf32>
    %add3A_242 = arith.addf %add3A_194, %add3A_224 : vector<256x64xf32>
    %logistic3A_243 = arith.negf %add3A_242 : vector<256x64xf32>
    %logistic3A_244 = math.exp %logistic3A_243 : vector<256x64xf32>
    %logistic3A_245 = arith.constant 1.000000e+00 : f32
    %logistic3A_246 = vector.broadcast %logistic3A_245 : f32 to vector<256x64xf32>
    %logistic3A_247 = arith.addf %logistic3A_246, %logistic3A_244 : vector<256x64xf32>
    %logistic3A_248 = arith.divf %logistic3A_246, %logistic3A_247 : vector<256x64xf32>
    %mul3A_249 = arith.mulf %logistic3A_241, %add3A_234 : vector<256x64xf32>
    %add3A_250 = arith.addf %add3A_204, %mul3A_249 : vector<256x64xf32>
    %tanh3A_251 = math.tanh %add3A_250 : vector<256x64xf32>
    %sub3A_252 = arith.constant 1.000000e+00 : f32
    %sub3A_253 = vector.broadcast %sub3A_252 : f32 to vector<256x64xf32>
    %sub3A_254 = arith.subf %sub3A_253, %logistic3A_248 : vector<256x64xf32>
    %mul3A_255 = arith.mulf %sub3A_254, %tanh3A_251 : vector<256x64xf32>
    %mul3A_256 = arith.mulf %logistic3A_248, %add3A_169 : vector<256x64xf32>
    %add3A_257 = arith.addf %mul3A_255, %mul3A_256 : vector<256x64xf32>
    %get3A_258 = arith.constant 3 : index
    %get3A_259 = arith.constant 0 : index
    %get3A_260 = arith.constant 0 : index
    %get3A_261 = vector.load %arg1[%get3A_258, %get3A_259, %get3A_260] : memref<4x128x256xf32, #tpu.memory_space<vmem>>, vector<1x128x256xf32>
    %get3A_262 = vector.shape_cast %get3A_261 : vector<1x128x256xf32> to vector<128x256xf32>
    %get3A_263 = arith.constant 0 : index
    %get3A_264 = arith.constant 0 : index
    %get3A_265 = vector.load %arg2[%get3A_263, %get3A_264] : memref<64x128xf32, #tpu.memory_space<vmem>>, vector<64x128xf32>
    %dot_general3A_266 = arith.constant dense<0.000000e+00> : vector<256x64xf32>
    %dot_general3A_267 = tpu.matmul %get3A_262, %get3A_265, %dot_general3A_266 {dimension_numbers = #tpu.dot_dimension_numbers<[0], [1], [1], [0], [0, 1, 1, 0], [], []>, transpose_lhs_hint = false} : vector<128x256xf32>, vector<64x128xf32>, vector<256x64xf32> -> vector<256x64xf32>
    %get3A_268 = arith.constant 0 : index
    %get3A_269 = arith.constant 0 : index
    %get3A_270 = vector.load %arg4[%get3A_268, %get3A_269] : memref<1x64xf32, #tpu.memory_space<vmem>>, vector<1x64xf32>
    %add3A_271 = vector.broadcast %get3A_270 : vector<1x64xf32> to vector<256x64xf32>
    %add3A_272 = arith.addf %dot_general3A_267, %add3A_271 : vector<256x64xf32>
    %get3A_273 = arith.constant 0 : index
    %get3A_274 = arith.constant 0 : index
    %get3A_275 = vector.load %arg6[%get3A_273, %get3A_274] : memref<64x128xf32, #tpu.memory_space<vmem>>, vector<64x128xf32>
    %dot_general3A_276 = arith.constant dense<0.000000e+00> : vector<256x64xf32>
    %dot_general3A_277 = tpu.matmul %get3A_262, %get3A_275, %dot_general3A_276 {dimension_numbers = #tpu.dot_dimension_numbers<[0], [1], [1], [0], [0, 1, 1, 0], [], []>, transpose_lhs_hint = false} : vector<128x256xf32>, vector<64x128xf32>, vector<256x64xf32> -> vector<256x64xf32>
    %get3A_278 = arith.constant 0 : index
    %get3A_279 = arith.constant 0 : index
    %get3A_280 = vector.load %arg8[%get3A_278, %get3A_279] : memref<1x64xf32, #tpu.memory_space<vmem>>, vector<1x64xf32>
    %add3A_281 = vector.broadcast %get3A_280 : vector<1x64xf32> to vector<256x64xf32>
    %add3A_282 = arith.addf %dot_general3A_277, %add3A_281 : vector<256x64xf32>
    %get3A_283 = arith.constant 0 : index
    %get3A_284 = arith.constant 0 : index
    %get3A_285 = vector.load %arg10[%get3A_283, %get3A_284] : memref<64x128xf32, #tpu.memory_space<vmem>>, vector<64x128xf32>
    %dot_general3A_286 = arith.constant dense<0.000000e+00> : vector<256x64xf32>
    %dot_general3A_287 = tpu.matmul %get3A_262, %get3A_285, %dot_general3A_286 {dimension_numbers = #tpu.dot_dimension_numbers<[0], [1], [1], [0], [0, 1, 1, 0], [], []>, transpose_lhs_hint = false} : vector<128x256xf32>, vector<64x128xf32>, vector<256x64xf32> -> vector<256x64xf32>
    %get3A_288 = arith.constant 0 : index
    %get3A_289 = arith.constant 0 : index
    %get3A_290 = vector.load %arg12[%get3A_288, %get3A_289] : memref<1x64xf32, #tpu.memory_space<vmem>>, vector<1x64xf32>
    %add3A_291 = vector.broadcast %get3A_290 : vector<1x64xf32> to vector<256x64xf32>
    %add3A_292 = arith.addf %dot_general3A_287, %add3A_291 : vector<256x64xf32>
    %get3A_293 = arith.constant 0 : index
    %get3A_294 = arith.constant 0 : index
    %get3A_295 = vector.load %arg3[%get3A_293, %get3A_294] : memref<64x64xf32, #tpu.memory_space<vmem>>, vector<64x64xf32>
    %dot_general3A_296 = arith.constant dense<0.000000e+00> : vector<256x64xf32>
    %dot_general3A_297 = tpu.matmul %add3A_257, %get3A_295, %dot_general3A_296 {dimension_numbers = #tpu.dot_dimension_numbers<[1], [1], [0], [0], [0, 0, 1, 0], [], []>, transpose_lhs_hint = false} : vector<256x64xf32>, vector<64x64xf32>, vector<256x64xf32> -> vector<256x64xf32>
    %get3A_298 = arith.constant 0 : index
    %get3A_299 = arith.constant 0 : index
    %get3A_300 = vector.load %arg5[%get3A_298, %get3A_299] : memref<1x64xf32, #tpu.memory_space<vmem>>, vector<1x64xf32>
    %add3A_301 = vector.broadcast %get3A_300 : vector<1x64xf32> to vector<256x64xf32>
    %add3A_302 = arith.addf %dot_general3A_297, %add3A_301 : vector<256x64xf32>
    %get3A_303 = arith.constant 0 : index
    %get3A_304 = arith.constant 0 : index
    %get3A_305 = vector.load %arg7[%get3A_303, %get3A_304] : memref<64x64xf32, #tpu.memory_space<vmem>>, vector<64x64xf32>
    %dot_general3A_306 = arith.constant dense<0.000000e+00> : vector<256x64xf32>
    %dot_general3A_307 = tpu.matmul %add3A_257, %get3A_305, %dot_general3A_306 {dimension_numbers = #tpu.dot_dimension_numbers<[1], [1], [0], [0], [0, 0, 1, 0], [], []>, transpose_lhs_hint = false} : vector<256x64xf32>, vector<64x64xf32>, vector<256x64xf32> -> vector<256x64xf32>
    %get3A_308 = arith.constant 0 : index
    %get3A_309 = arith.constant 0 : index
    %get3A_310 = vector.load %arg9[%get3A_308, %get3A_309] : memref<1x64xf32, #tpu.memory_space<vmem>>, vector<1x64xf32>
    %add3A_311 = vector.broadcast %get3A_310 : vector<1x64xf32> to vector<256x64xf32>
    %add3A_312 = arith.addf %dot_general3A_307, %add3A_311 : vector<256x64xf32>
    %get3A_313 = arith.constant 0 : index
    %get3A_314 = arith.constant 0 : index
    %get3A_315 = vector.load %arg11[%get3A_313, %get3A_314] : memref<64x64xf32, #tpu.memory_space<vmem>>, vector<64x64xf32>
    %dot_general3A_316 = arith.constant dense<0.000000e+00> : vector<256x64xf32>
    %dot_general3A_317 = tpu.matmul %add3A_257, %get3A_315, %dot_general3A_316 {dimension_numbers = #tpu.dot_dimension_numbers<[1], [1], [0], [0], [0, 0, 1, 0], [], []>, transpose_lhs_hint = false} : vector<256x64xf32>, vector<64x64xf32>, vector<256x64xf32> -> vector<256x64xf32>
    %get3A_318 = arith.constant 0 : index
    %get3A_319 = arith.constant 0 : index
    %get3A_320 = vector.load %arg13[%get3A_318, %get3A_319] : memref<1x64xf32, #tpu.memory_space<vmem>>, vector<1x64xf32>
    %add3A_321 = vector.broadcast %get3A_320 : vector<1x64xf32> to vector<256x64xf32>
    %add3A_322 = arith.addf %dot_general3A_317, %add3A_321 : vector<256x64xf32>
    %add3A_323 = arith.addf %add3A_272, %add3A_302 : vector<256x64xf32>
    %logistic3A_324 = arith.negf %add3A_323 : vector<256x64xf32>
    %logistic3A_325 = math.exp %logistic3A_324 : vector<256x64xf32>
    %logistic3A_326 = arith.constant 1.000000e+00 : f32
    %logistic3A_327 = vector.broadcast %logistic3A_326 : f32 to vector<256x64xf32>
    %logistic3A_328 = arith.addf %logistic3A_327, %logistic3A_325 : vector<256x64xf32>
    %logistic3A_329 = arith.divf %logistic3A_327, %logistic3A_328 : vector<256x64xf32>
    %add3A_330 = arith.addf %add3A_282, %add3A_312 : vector<256x64xf32>
    %logistic3A_331 = arith.negf %add3A_330 : vector<256x64xf32>
    %logistic3A_332 = math.exp %logistic3A_331 : vector<256x64xf32>
    %logistic3A_333 = arith.constant 1.000000e+00 : f32
    %logistic3A_334 = vector.broadcast %logistic3A_333 : f32 to vector<256x64xf32>
    %logistic3A_335 = arith.addf %logistic3A_334, %logistic3A_332 : vector<256x64xf32>
    %logistic3A_336 = arith.divf %logistic3A_334, %logistic3A_335 : vector<256x64xf32>
    %mul3A_337 = arith.mulf %logistic3A_329, %add3A_322 : vector<256x64xf32>
    %add3A_338 = arith.addf %add3A_292, %mul3A_337 : vector<256x64xf32>
    %tanh3A_339 = math.tanh %add3A_338 : vector<256x64xf32>
    %sub3A_340 = arith.constant 1.000000e+00 : f32
    %sub3A_341 = vector.broadcast %sub3A_340 : f32 to vector<256x64xf32>
    %sub3A_342 = arith.subf %sub3A_341, %logistic3A_336 : vector<256x64xf32>
    %mul3A_343 = arith.mulf %sub3A_342, %tanh3A_339 : vector<256x64xf32>
    %mul3A_344 = arith.mulf %logistic3A_336, %add3A_257 : vector<256x64xf32>
    %add3A_345 = arith.addf %mul3A_343, %mul3A_344 : vector<256x64xf32>
    %broadcast_in_dim3A_346 = arith.constant 0.000000e+00 : f32
    %broadcast_in_dim3A_347 = vector.broadcast %broadcast_in_dim3A_346 : f32 to vector<256x64xf32>
    %get3A_348 = arith.constant 0 : index
    %get3A_349 = arith.constant 0 : index
    %get3A_350 = arith.constant 0 : index
    %get3A_351 = vector.load %arg1[%get3A_348, %get3A_349, %get3A_350] : memref<4x128x256xf32, #tpu.memory_space<vmem>>, vector<1x128x256xf32>
    %get3A_352 = vector.shape_cast %get3A_351 : vector<1x128x256xf32> to vector<128x256xf32>
    %get3A_353 = arith.constant 0 : index
    %get3A_354 = arith.constant 0 : index
    %get3A_355 = vector.load %arg14[%get3A_353, %get3A_354] : memref<64x128xf32, #tpu.memory_space<vmem>>, vector<64x128xf32>
    %dot_general3A_356 = arith.constant dense<0.000000e+00> : vector<256x64xf32>
    %dot_general3A_357 = tpu.matmul %get3A_352, %get3A_355, %dot_general3A_356 {dimension_numbers = #tpu.dot_dimension_numbers<[0], [1], [1], [0], [0, 1, 1, 0], [], []>, transpose_lhs_hint = false} : vector<128x256xf32>, vector<64x128xf32>, vector<256x64xf32> -> vector<256x64xf32>
    %get3A_358 = arith.constant 0 : index
    %get3A_359 = arith.constant 0 : index
    %get3A_360 = vector.load %arg16[%get3A_358, %get3A_359] : memref<1x64xf32, #tpu.memory_space<vmem>>, vector<1x64xf32>
    %add3A_361 = vector.broadcast %get3A_360 : vector<1x64xf32> to vector<256x64xf32>
    %add3A_362 = arith.addf %dot_general3A_357, %add3A_361 : vector<256x64xf32>
    %get3A_363 = arith.constant 0 : index
    %get3A_364 = arith.constant 0 : index
    %get3A_365 = vector.load %arg18[%get3A_363, %get3A_364] : memref<64x128xf32, #tpu.memory_space<vmem>>, vector<64x128xf32>
    %dot_general3A_366 = arith.constant dense<0.000000e+00> : vector<256x64xf32>
    %dot_general3A_367 = tpu.matmul %get3A_352, %get3A_365, %dot_general3A_366 {dimension_numbers = #tpu.dot_dimension_numbers<[0], [1], [1], [0], [0, 1, 1, 0], [], []>, transpose_lhs_hint = false} : vector<128x256xf32>, vector<64x128xf32>, vector<256x64xf32> -> vector<256x64xf32>
    %get3A_368 = arith.constant 0 : index
    %get3A_369 = arith.constant 0 : index
    %get3A_370 = vector.load %arg20[%get3A_368, %get3A_369] : memref<1x64xf32, #tpu.memory_space<vmem>>, vector<1x64xf32>
    %add3A_371 = vector.broadcast %get3A_370 : vector<1x64xf32> to vector<256x64xf32>
    %add3A_372 = arith.addf %dot_general3A_367, %add3A_371 : vector<256x64xf32>
    %get3A_373 = arith.constant 0 : index
    %get3A_374 = arith.constant 0 : index
    %get3A_375 = vector.load %arg22[%get3A_373, %get3A_374] : memref<64x128xf32, #tpu.memory_space<vmem>>, vector<64x128xf32>
    %dot_general3A_376 = arith.constant dense<0.000000e+00> : vector<256x64xf32>
    %dot_general3A_377 = tpu.matmul %get3A_352, %get3A_375, %dot_general3A_376 {dimension_numbers = #tpu.dot_dimension_numbers<[0], [1], [1], [0], [0, 1, 1, 0], [], []>, transpose_lhs_hint = false} : vector<128x256xf32>, vector<64x128xf32>, vector<256x64xf32> -> vector<256x64xf32>
    %get3A_378 = arith.constant 0 : index
    %get3A_379 = arith.constant 0 : index
    %get3A_380 = vector.load %arg24[%get3A_378, %get3A_379] : memref<1x64xf32, #tpu.memory_space<vmem>>, vector<1x64xf32>
    %add3A_381 = vector.broadcast %get3A_380 : vector<1x64xf32> to vector<256x64xf32>
    %add3A_382 = arith.addf %dot_general3A_377, %add3A_381 : vector<256x64xf32>
    %get3A_383 = arith.constant 0 : index
    %get3A_384 = arith.constant 0 : index
    %get3A_385 = vector.load %arg15[%get3A_383, %get3A_384] : memref<64x64xf32, #tpu.memory_space<vmem>>, vector<64x64xf32>
    %dot_general3A_386 = arith.constant dense<0.000000e+00> : vector<256x64xf32>
    %dot_general3A_387 = tpu.matmul %broadcast_in_dim3A_347, %get3A_385, %dot_general3A_386 {dimension_numbers = #tpu.dot_dimension_numbers<[1], [1], [0], [0], [0, 0, 1, 0], [], []>, transpose_lhs_hint = false} : vector<256x64xf32>, vector<64x64xf32>, vector<256x64xf32> -> vector<256x64xf32>
    %get3A_388 = arith.constant 0 : index
    %get3A_389 = arith.constant 0 : index
    %get3A_390 = vector.load %arg17[%get3A_388, %get3A_389] : memref<1x64xf32, #tpu.memory_space<vmem>>, vector<1x64xf32>
    %add3A_391 = vector.broadcast %get3A_390 : vector<1x64xf32> to vector<256x64xf32>
    %add3A_392 = arith.addf %dot_general3A_387, %add3A_391 : vector<256x64xf32>
    %get3A_393 = arith.constant 0 : index
    %get3A_394 = arith.constant 0 : index
    %get3A_395 = vector.load %arg19[%get3A_393, %get3A_394] : memref<64x64xf32, #tpu.memory_space<vmem>>, vector<64x64xf32>
    %dot_general3A_396 = arith.constant dense<0.000000e+00> : vector<256x64xf32>
    %dot_general3A_397 = tpu.matmul %broadcast_in_dim3A_347, %get3A_395, %dot_general3A_396 {dimension_numbers = #tpu.dot_dimension_numbers<[1], [1], [0], [0], [0, 0, 1, 0], [], []>, transpose_lhs_hint = false} : vector<256x64xf32>, vector<64x64xf32>, vector<256x64xf32> -> vector<256x64xf32>
    %get3A_398 = arith.constant 0 : index
    %get3A_399 = arith.constant 0 : index
    %get3A_400 = vector.load %arg21[%get3A_398, %get3A_399] : memref<1x64xf32, #tpu.memory_space<vmem>>, vector<1x64xf32>
    %add3A_401 = vector.broadcast %get3A_400 : vector<1x64xf32> to vector<256x64xf32>
    %add3A_402 = arith.addf %dot_general3A_397, %add3A_401 : vector<256x64xf32>
    %get3A_403 = arith.constant 0 : index
    %get3A_404 = arith.constant 0 : index
    %get3A_405 = vector.load %arg23[%get3A_403, %get3A_404] : memref<64x64xf32, #tpu.memory_space<vmem>>, vector<64x64xf32>
    %dot_general3A_406 = arith.constant dense<0.000000e+00> : vector<256x64xf32>
    %dot_general3A_407 = tpu.matmul %broadcast_in_dim3A_347, %get3A_405, %dot_general3A_406 {dimension_numbers = #tpu.dot_dimension_numbers<[1], [1], [0], [0], [0, 0, 1, 0], [], []>, transpose_lhs_hint = false} : vector<256x64xf32>, vector<64x64xf32>, vector<256x64xf32> -> vector<256x64xf32>
    %get3A_408 = arith.constant 0 : index
    %get3A_409 = arith.constant 0 : index
    %get3A_410 = vector.load %arg25[%get3A_408, %get3A_409] : memref<1x64xf32, #tpu.memory_space<vmem>>, vector<1x64xf32>
    %add3A_411 = vector.broadcast %get3A_410 : vector<1x64xf32> to vector<256x64xf32>
    %add3A_412 = arith.addf %dot_general3A_407, %add3A_411 : vector<256x64xf32>
    %add3A_413 = arith.addf %add3A_362, %add3A_392 : vector<256x64xf32>
    %logistic3A_414 = arith.negf %add3A_413 : vector<256x64xf32>
    %logistic3A_415 = math.exp %logistic3A_414 : vector<256x64xf32>
    %logistic3A_416 = arith.constant 1.000000e+00 : f32
    %logistic3A_417 = vector.broadcast %logistic3A_416 : f32 to vector<256x64xf32>
    %logistic3A_418 = arith.addf %logistic3A_417, %logistic3A_415 : vector<256x64xf32>
    %logistic3A_419 = arith.divf %logistic3A_417, %logistic3A_418 : vector<256x64xf32>
    %add3A_420 = arith.addf %add3A_372, %add3A_402 : vector<256x64xf32>
    %logistic3A_421 = arith.negf %add3A_420 : vector<256x64xf32>
    %logistic3A_422 = math.exp %logistic3A_421 : vector<256x64xf32>
    %logistic3A_423 = arith.constant 1.000000e+00 : f32
    %logistic3A_424 = vector.broadcast %logistic3A_423 : f32 to vector<256x64xf32>
    %logistic3A_425 = arith.addf %logistic3A_424, %logistic3A_422 : vector<256x64xf32>
    %logistic3A_426 = arith.divf %logistic3A_424, %logistic3A_425 : vector<256x64xf32>
    %mul3A_427 = arith.mulf %logistic3A_419, %add3A_412 : vector<256x64xf32>
    %add3A_428 = arith.addf %add3A_382, %mul3A_427 : vector<256x64xf32>
    %tanh3A_429 = math.tanh %add3A_428 : vector<256x64xf32>
    %sub3A_430 = arith.constant 1.000000e+00 : f32
    %sub3A_431 = vector.broadcast %sub3A_430 : f32 to vector<256x64xf32>
    %sub3A_432 = arith.subf %sub3A_431, %logistic3A_426 : vector<256x64xf32>
    %mul3A_433 = arith.mulf %sub3A_432, %tanh3A_429 : vector<256x64xf32>
    %mul3A_434 = arith.mulf %logistic3A_426, %broadcast_in_dim3A_347 : vector<256x64xf32>
    %add3A_435 = arith.addf %mul3A_433, %mul3A_434 : vector<256x64xf32>
    %get3A_436 = arith.constant 1 : index
    %get3A_437 = arith.constant 0 : index
    %get3A_438 = arith.constant 0 : index
    %get3A_439 = vector.load %arg1[%get3A_436, %get3A_437, %get3A_438] : memref<4x128x256xf32, #tpu.memory_space<vmem>>, vector<1x128x256xf32>
    %get3A_440 = vector.shape_cast %get3A_439 : vector<1x128x256xf32> to vector<128x256xf32>
    %get3A_441 = arith.constant 0 : index
    %get3A_442 = arith.constant 0 : index
    %get3A_443 = vector.load %arg14[%get3A_441, %get3A_442] : memref<64x128xf32, #tpu.memory_space<vmem>>, vector<64x128xf32>
    %dot_general3A_444 = arith.constant dense<0.000000e+00> : vector<256x64xf32>
    %dot_general3A_445 = tpu.matmul %get3A_440, %get3A_443, %dot_general3A_444 {dimension_numbers = #tpu.dot_dimension_numbers<[0], [1], [1], [0], [0, 1, 1, 0], [], []>, transpose_lhs_hint = false} : vector<128x256xf32>, vector<64x128xf32>, vector<256x64xf32> -> vector<256x64xf32>
    %get3A_446 = arith.constant 0 : index
    %get3A_447 = arith.constant 0 : index
    %get3A_448 = vector.load %arg16[%get3A_446, %get3A_447] : memref<1x64xf32, #tpu.memory_space<vmem>>, vector<1x64xf32>
    %add3A_449 = vector.broadcast %get3A_448 : vector<1x64xf32> to vector<256x64xf32>
    %add3A_450 = arith.addf %dot_general3A_445, %add3A_449 : vector<256x64xf32>
    %get3A_451 = arith.constant 0 : index
    %get3A_452 = arith.constant 0 : index
    %get3A_453 = vector.load %arg18[%get3A_451, %get3A_452] : memref<64x128xf32, #tpu.memory_space<vmem>>, vector<64x128xf32>
    %dot_general3A_454 = arith.constant dense<0.000000e+00> : vector<256x64xf32>
    %dot_general3A_455 = tpu.matmul %get3A_440, %get3A_453, %dot_general3A_454 {dimension_numbers = #tpu.dot_dimension_numbers<[0], [1], [1], [0], [0, 1, 1, 0], [], []>, transpose_lhs_hint = false} : vector<128x256xf32>, vector<64x128xf32>, vector<256x64xf32> -> vector<256x64xf32>
    %get3A_456 = arith.constant 0 : index
    %get3A_457 = arith.constant 0 : index
    %get3A_458 = vector.load %arg20[%get3A_456, %get3A_457] : memref<1x64xf32, #tpu.memory_space<vmem>>, vector<1x64xf32>
    %add3A_459 = vector.broadcast %get3A_458 : vector<1x64xf32> to vector<256x64xf32>
    %add3A_460 = arith.addf %dot_general3A_455, %add3A_459 : vector<256x64xf32>
    %get3A_461 = arith.constant 0 : index
    %get3A_462 = arith.constant 0 : index
    %get3A_463 = vector.load %arg22[%get3A_461, %get3A_462] : memref<64x128xf32, #tpu.memory_space<vmem>>, vector<64x128xf32>
    %dot_general3A_464 = arith.constant dense<0.000000e+00> : vector<256x64xf32>
    %dot_general3A_465 = tpu.matmul %get3A_440, %get3A_463, %dot_general3A_464 {dimension_numbers = #tpu.dot_dimension_numbers<[0], [1], [1], [0], [0, 1, 1, 0], [], []>, transpose_lhs_hint = false} : vector<128x256xf32>, vector<64x128xf32>, vector<256x64xf32> -> vector<256x64xf32>
    %get3A_466 = arith.constant 0 : index
    %get3A_467 = arith.constant 0 : index
    %get3A_468 = vector.load %arg24[%get3A_466, %get3A_467] : memref<1x64xf32, #tpu.memory_space<vmem>>, vector<1x64xf32>
    %add3A_469 = vector.broadcast %get3A_468 : vector<1x64xf32> to vector<256x64xf32>
    %add3A_470 = arith.addf %dot_general3A_465, %add3A_469 : vector<256x64xf32>
    %get3A_471 = arith.constant 0 : index
    %get3A_472 = arith.constant 0 : index
    %get3A_473 = vector.load %arg15[%get3A_471, %get3A_472] : memref<64x64xf32, #tpu.memory_space<vmem>>, vector<64x64xf32>
    %dot_general3A_474 = arith.constant dense<0.000000e+00> : vector<256x64xf32>
    %dot_general3A_475 = tpu.matmul %add3A_435, %get3A_473, %dot_general3A_474 {dimension_numbers = #tpu.dot_dimension_numbers<[1], [1], [0], [0], [0, 0, 1, 0], [], []>, transpose_lhs_hint = false} : vector<256x64xf32>, vector<64x64xf32>, vector<256x64xf32> -> vector<256x64xf32>
    %get3A_476 = arith.constant 0 : index
    %get3A_477 = arith.constant 0 : index
    %get3A_478 = vector.load %arg17[%get3A_476, %get3A_477] : memref<1x64xf32, #tpu.memory_space<vmem>>, vector<1x64xf32>
    %add3A_479 = vector.broadcast %get3A_478 : vector<1x64xf32> to vector<256x64xf32>
    %add3A_480 = arith.addf %dot_general3A_475, %add3A_479 : vector<256x64xf32>
    %get3A_481 = arith.constant 0 : index
    %get3A_482 = arith.constant 0 : index
    %get3A_483 = vector.load %arg19[%get3A_481, %get3A_482] : memref<64x64xf32, #tpu.memory_space<vmem>>, vector<64x64xf32>
    %dot_general3A_484 = arith.constant dense<0.000000e+00> : vector<256x64xf32>
    %dot_general3A_485 = tpu.matmul %add3A_435, %get3A_483, %dot_general3A_484 {dimension_numbers = #tpu.dot_dimension_numbers<[1], [1], [0], [0], [0, 0, 1, 0], [], []>, transpose_lhs_hint = false} : vector<256x64xf32>, vector<64x64xf32>, vector<256x64xf32> -> vector<256x64xf32>
    %get3A_486 = arith.constant 0 : index
    %get3A_487 = arith.constant 0 : index
    %get3A_488 = vector.load %arg21[%get3A_486, %get3A_487] : memref<1x64xf32, #tpu.memory_space<vmem>>, vector<1x64xf32>
    %add3A_489 = vector.broadcast %get3A_488 : vector<1x64xf32> to vector<256x64xf32>
    %add3A_490 = arith.addf %dot_general3A_485, %add3A_489 : vector<256x64xf32>
    %get3A_491 = arith.constant 0 : index
    %get3A_492 = arith.constant 0 : index
    %get3A_493 = vector.load %arg23[%get3A_491, %get3A_492] : memref<64x64xf32, #tpu.memory_space<vmem>>, vector<64x64xf32>
    %dot_general3A_494 = arith.constant dense<0.000000e+00> : vector<256x64xf32>
    %dot_general3A_495 = tpu.matmul %add3A_435, %get3A_493, %dot_general3A_494 {dimension_numbers = #tpu.dot_dimension_numbers<[1], [1], [0], [0], [0, 0, 1, 0], [], []>, transpose_lhs_hint = false} : vector<256x64xf32>, vector<64x64xf32>, vector<256x64xf32> -> vector<256x64xf32>
    %get3A_496 = arith.constant 0 : index
    %get3A_497 = arith.constant 0 : index
    %get3A_498 = vector.load %arg25[%get3A_496, %get3A_497] : memref<1x64xf32, #tpu.memory_space<vmem>>, vector<1x64xf32>
    %add3A_499 = vector.broadcast %get3A_498 : vector<1x64xf32> to vector<256x64xf32>
    %add3A_500 = arith.addf %dot_general3A_495, %add3A_499 : vector<256x64xf32>
    %add3A_501 = arith.addf %add3A_450, %add3A_480 : vector<256x64xf32>
    %logistic3A_502 = arith.negf %add3A_501 : vector<256x64xf32>
    %logistic3A_503 = math.exp %logistic3A_502 : vector<256x64xf32>
    %logistic3A_504 = arith.constant 1.000000e+00 : f32
    %logistic3A_505 = vector.broadcast %logistic3A_504 : f32 to vector<256x64xf32>
    %logistic3A_506 = arith.addf %logistic3A_505, %logistic3A_503 : vector<256x64xf32>
    %logistic3A_507 = arith.divf %logistic3A_505, %logistic3A_506 : vector<256x64xf32>
    %add3A_508 = arith.addf %add3A_460, %add3A_490 : vector<256x64xf32>
    %logistic3A_509 = arith.negf %add3A_508 : vector<256x64xf32>
    %logistic3A_510 = math.exp %logistic3A_509 : vector<256x64xf32>
    %logistic3A_511 = arith.constant 1.000000e+00 : f32
    %logistic3A_512 = vector.broadcast %logistic3A_511 : f32 to vector<256x64xf32>
    %logistic3A_513 = arith.addf %logistic3A_512, %logistic3A_510 : vector<256x64xf32>
    %logistic3A_514 = arith.divf %logistic3A_512, %logistic3A_513 : vector<256x64xf32>
    %mul3A_515 = arith.mulf %logistic3A_507, %add3A_500 : vector<256x64xf32>
    %add3A_516 = arith.addf %add3A_470, %mul3A_515 : vector<256x64xf32>
    %tanh3A_517 = math.tanh %add3A_516 : vector<256x64xf32>
    %sub3A_518 = arith.constant 1.000000e+00 : f32
    %sub3A_519 = vector.broadcast %sub3A_518 : f32 to vector<256x64xf32>
    %sub3A_520 = arith.subf %sub3A_519, %logistic3A_514 : vector<256x64xf32>
    %mul3A_521 = arith.mulf %sub3A_520, %tanh3A_517 : vector<256x64xf32>
    %mul3A_522 = arith.mulf %logistic3A_514, %add3A_435 : vector<256x64xf32>
    %add3A_523 = arith.addf %mul3A_521, %mul3A_522 : vector<256x64xf32>
    %get3A_524 = arith.constant 2 : index
    %get3A_525 = arith.constant 0 : index
    %get3A_526 = arith.constant 0 : index
    %get3A_527 = vector.load %arg1[%get3A_524, %get3A_525, %get3A_526] : memref<4x128x256xf32, #tpu.memory_space<vmem>>, vector<1x128x256xf32>
    %get3A_528 = vector.shape_cast %get3A_527 : vector<1x128x256xf32> to vector<128x256xf32>
    %get3A_529 = arith.constant 0 : index
    %get3A_530 = arith.constant 0 : index
    %get3A_531 = vector.load %arg14[%get3A_529, %get3A_530] : memref<64x128xf32, #tpu.memory_space<vmem>>, vector<64x128xf32>
    %dot_general3A_532 = arith.constant dense<0.000000e+00> : vector<256x64xf32>
    %dot_general3A_533 = tpu.matmul %get3A_528, %get3A_531, %dot_general3A_532 {dimension_numbers = #tpu.dot_dimension_numbers<[0], [1], [1], [0], [0, 1, 1, 0], [], []>, transpose_lhs_hint = false} : vector<128x256xf32>, vector<64x128xf32>, vector<256x64xf32> -> vector<256x64xf32>
    %get3A_534 = arith.constant 0 : index
    %get3A_535 = arith.constant 0 : index
    %get3A_536 = vector.load %arg16[%get3A_534, %get3A_535] : memref<1x64xf32, #tpu.memory_space<vmem>>, vector<1x64xf32>
    %add3A_537 = vector.broadcast %get3A_536 : vector<1x64xf32> to vector<256x64xf32>
    %add3A_538 = arith.addf %dot_general3A_533, %add3A_537 : vector<256x64xf32>
    %get3A_539 = arith.constant 0 : index
    %get3A_540 = arith.constant 0 : index
    %get3A_541 = vector.load %arg18[%get3A_539, %get3A_540] : memref<64x128xf32, #tpu.memory_space<vmem>>, vector<64x128xf32>
    %dot_general3A_542 = arith.constant dense<0.000000e+00> : vector<256x64xf32>
    %dot_general3A_543 = tpu.matmul %get3A_528, %get3A_541, %dot_general3A_542 {dimension_numbers = #tpu.dot_dimension_numbers<[0], [1], [1], [0], [0, 1, 1, 0], [], []>, transpose_lhs_hint = false} : vector<128x256xf32>, vector<64x128xf32>, vector<256x64xf32> -> vector<256x64xf32>
    %get3A_544 = arith.constant 0 : index
    %get3A_545 = arith.constant 0 : index
    %get3A_546 = vector.load %arg20[%get3A_544, %get3A_545] : memref<1x64xf32, #tpu.memory_space<vmem>>, vector<1x64xf32>
    %add3A_547 = vector.broadcast %get3A_546 : vector<1x64xf32> to vector<256x64xf32>
    %add3A_548 = arith.addf %dot_general3A_543, %add3A_547 : vector<256x64xf32>
    %get3A_549 = arith.constant 0 : index
    %get3A_550 = arith.constant 0 : index
    %get3A_551 = vector.load %arg22[%get3A_549, %get3A_550] : memref<64x128xf32, #tpu.memory_space<vmem>>, vector<64x128xf32>
    %dot_general3A_552 = arith.constant dense<0.000000e+00> : vector<256x64xf32>
    %dot_general3A_553 = tpu.matmul %get3A_528, %get3A_551, %dot_general3A_552 {dimension_numbers = #tpu.dot_dimension_numbers<[0], [1], [1], [0], [0, 1, 1, 0], [], []>, transpose_lhs_hint = false} : vector<128x256xf32>, vector<64x128xf32>, vector<256x64xf32> -> vector<256x64xf32>
    %get3A_554 = arith.constant 0 : index
    %get3A_555 = arith.constant 0 : index
    %get3A_556 = vector.load %arg24[%get3A_554, %get3A_555] : memref<1x64xf32, #tpu.memory_space<vmem>>, vector<1x64xf32>
    %add3A_557 = vector.broadcast %get3A_556 : vector<1x64xf32> to vector<256x64xf32>
    %add3A_558 = arith.addf %dot_general3A_553, %add3A_557 : vector<256x64xf32>
    %get3A_559 = arith.constant 0 : index
    %get3A_560 = arith.constant 0 : index
    %get3A_561 = vector.load %arg15[%get3A_559, %get3A_560] : memref<64x64xf32, #tpu.memory_space<vmem>>, vector<64x64xf32>
    %dot_general3A_562 = arith.constant dense<0.000000e+00> : vector<256x64xf32>
    %dot_general3A_563 = tpu.matmul %add3A_523, %get3A_561, %dot_general3A_562 {dimension_numbers = #tpu.dot_dimension_numbers<[1], [1], [0], [0], [0, 0, 1, 0], [], []>, transpose_lhs_hint = false} : vector<256x64xf32>, vector<64x64xf32>, vector<256x64xf32> -> vector<256x64xf32>
    %get3A_564 = arith.constant 0 : index
    %get3A_565 = arith.constant 0 : index
    %get3A_566 = vector.load %arg17[%get3A_564, %get3A_565] : memref<1x64xf32, #tpu.memory_space<vmem>>, vector<1x64xf32>
    %add3A_567 = vector.broadcast %get3A_566 : vector<1x64xf32> to vector<256x64xf32>
    %add3A_568 = arith.addf %dot_general3A_563, %add3A_567 : vector<256x64xf32>
    %get3A_569 = arith.constant 0 : index
    %get3A_570 = arith.constant 0 : index
    %get3A_571 = vector.load %arg19[%get3A_569, %get3A_570] : memref<64x64xf32, #tpu.memory_space<vmem>>, vector<64x64xf32>
    %dot_general3A_572 = arith.constant dense<0.000000e+00> : vector<256x64xf32>
    %dot_general3A_573 = tpu.matmul %add3A_523, %get3A_571, %dot_general3A_572 {dimension_numbers = #tpu.dot_dimension_numbers<[1], [1], [0], [0], [0, 0, 1, 0], [], []>, transpose_lhs_hint = false} : vector<256x64xf32>, vector<64x64xf32>, vector<256x64xf32> -> vector<256x64xf32>
    %get3A_574 = arith.constant 0 : index
    %get3A_575 = arith.constant 0 : index
    %get3A_576 = vector.load %arg21[%get3A_574, %get3A_575] : memref<1x64xf32, #tpu.memory_space<vmem>>, vector<1x64xf32>
    %add3A_577 = vector.broadcast %get3A_576 : vector<1x64xf32> to vector<256x64xf32>
    %add3A_578 = arith.addf %dot_general3A_573, %add3A_577 : vector<256x64xf32>
    %get3A_579 = arith.constant 0 : index
    %get3A_580 = arith.constant 0 : index
    %get3A_581 = vector.load %arg23[%get3A_579, %get3A_580] : memref<64x64xf32, #tpu.memory_space<vmem>>, vector<64x64xf32>
    %dot_general3A_582 = arith.constant dense<0.000000e+00> : vector<256x64xf32>
    %dot_general3A_583 = tpu.matmul %add3A_523, %get3A_581, %dot_general3A_582 {dimension_numbers = #tpu.dot_dimension_numbers<[1], [1], [0], [0], [0, 0, 1, 0], [], []>, transpose_lhs_hint = false} : vector<256x64xf32>, vector<64x64xf32>, vector<256x64xf32> -> vector<256x64xf32>
    %get3A_584 = arith.constant 0 : index
    %get3A_585 = arith.constant 0 : index
    %get3A_586 = vector.load %arg25[%get3A_584, %get3A_585] : memref<1x64xf32, #tpu.memory_space<vmem>>, vector<1x64xf32>
    %add3A_587 = vector.broadcast %get3A_586 : vector<1x64xf32> to vector<256x64xf32>
    %add3A_588 = arith.addf %dot_general3A_583, %add3A_587 : vector<256x64xf32>
    %add3A_589 = arith.addf %add3A_538, %add3A_568 : vector<256x64xf32>
    %logistic3A_590 = arith.negf %add3A_589 : vector<256x64xf32>
    %logistic3A_591 = math.exp %logistic3A_590 : vector<256x64xf32>
    %logistic3A_592 = arith.constant 1.000000e+00 : f32
    %logistic3A_593 = vector.broadcast %logistic3A_592 : f32 to vector<256x64xf32>
    %logistic3A_594 = arith.addf %logistic3A_593, %logistic3A_591 : vector<256x64xf32>
    %logistic3A_595 = arith.divf %logistic3A_593, %logistic3A_594 : vector<256x64xf32>
    %add3A_596 = arith.addf %add3A_548, %add3A_578 : vector<256x64xf32>
    %logistic3A_597 = arith.negf %add3A_596 : vector<256x64xf32>
    %logistic3A_598 = math.exp %logistic3A_597 : vector<256x64xf32>
    %logistic3A_599 = arith.constant 1.000000e+00 : f32
    %logistic3A_600 = vector.broadcast %logistic3A_599 : f32 to vector<256x64xf32>
    %logistic3A_601 = arith.addf %logistic3A_600, %logistic3A_598 : vector<256x64xf32>
    %logistic3A_602 = arith.divf %logistic3A_600, %logistic3A_601 : vector<256x64xf32>
    %mul3A_603 = arith.mulf %logistic3A_595, %add3A_588 : vector<256x64xf32>
    %add3A_604 = arith.addf %add3A_558, %mul3A_603 : vector<256x64xf32>
    %tanh3A_605 = math.tanh %add3A_604 : vector<256x64xf32>
    %sub3A_606 = arith.constant 1.000000e+00 : f32
    %sub3A_607 = vector.broadcast %sub3A_606 : f32 to vector<256x64xf32>
    %sub3A_608 = arith.subf %sub3A_607, %logistic3A_602 : vector<256x64xf32>
    %mul3A_609 = arith.mulf %sub3A_608, %tanh3A_605 : vector<256x64xf32>
    %mul3A_610 = arith.mulf %logistic3A_602, %add3A_523 : vector<256x64xf32>
    %add3A_611 = arith.addf %mul3A_609, %mul3A_610 : vector<256x64xf32>
    %get3A_612 = arith.constant 3 : index
    %get3A_613 = arith.constant 0 : index
    %get3A_614 = arith.constant 0 : index
    %get3A_615 = vector.load %arg1[%get3A_612, %get3A_613, %get3A_614] : memref<4x128x256xf32, #tpu.memory_space<vmem>>, vector<1x128x256xf32>
    %get3A_616 = vector.shape_cast %get3A_615 : vector<1x128x256xf32> to vector<128x256xf32>
    %get3A_617 = arith.constant 0 : index
    %get3A_618 = arith.constant 0 : index
    %get3A_619 = vector.load %arg14[%get3A_617, %get3A_618] : memref<64x128xf32, #tpu.memory_space<vmem>>, vector<64x128xf32>
    %dot_general3A_620 = arith.constant dense<0.000000e+00> : vector<256x64xf32>
    %dot_general3A_621 = tpu.matmul %get3A_616, %get3A_619, %dot_general3A_620 {dimension_numbers = #tpu.dot_dimension_numbers<[0], [1], [1], [0], [0, 1, 1, 0], [], []>, transpose_lhs_hint = false} : vector<128x256xf32>, vector<64x128xf32>, vector<256x64xf32> -> vector<256x64xf32>
    %get3A_622 = arith.constant 0 : index
    %get3A_623 = arith.constant 0 : index
    %get3A_624 = vector.load %arg16[%get3A_622, %get3A_623] : memref<1x64xf32, #tpu.memory_space<vmem>>, vector<1x64xf32>
    %add3A_625 = vector.broadcast %get3A_624 : vector<1x64xf32> to vector<256x64xf32>
    %add3A_626 = arith.addf %dot_general3A_621, %add3A_625 : vector<256x64xf32>
    %get3A_627 = arith.constant 0 : index
    %get3A_628 = arith.constant 0 : index
    %get3A_629 = vector.load %arg18[%get3A_627, %get3A_628] : memref<64x128xf32, #tpu.memory_space<vmem>>, vector<64x128xf32>
    %dot_general3A_630 = arith.constant dense<0.000000e+00> : vector<256x64xf32>
    %dot_general3A_631 = tpu.matmul %get3A_616, %get3A_629, %dot_general3A_630 {dimension_numbers = #tpu.dot_dimension_numbers<[0], [1], [1], [0], [0, 1, 1, 0], [], []>, transpose_lhs_hint = false} : vector<128x256xf32>, vector<64x128xf32>, vector<256x64xf32> -> vector<256x64xf32>
    %get3A_632 = arith.constant 0 : index
    %get3A_633 = arith.constant 0 : index
    %get3A_634 = vector.load %arg20[%get3A_632, %get3A_633] : memref<1x64xf32, #tpu.memory_space<vmem>>, vector<1x64xf32>
    %add3A_635 = vector.broadcast %get3A_634 : vector<1x64xf32> to vector<256x64xf32>
    %add3A_636 = arith.addf %dot_general3A_631, %add3A_635 : vector<256x64xf32>
    %get3A_637 = arith.constant 0 : index
    %get3A_638 = arith.constant 0 : index
    %get3A_639 = vector.load %arg22[%get3A_637, %get3A_638] : memref<64x128xf32, #tpu.memory_space<vmem>>, vector<64x128xf32>
    %dot_general3A_640 = arith.constant dense<0.000000e+00> : vector<256x64xf32>
    %dot_general3A_641 = tpu.matmul %get3A_616, %get3A_639, %dot_general3A_640 {dimension_numbers = #tpu.dot_dimension_numbers<[0], [1], [1], [0], [0, 1, 1, 0], [], []>, transpose_lhs_hint = false} : vector<128x256xf32>, vector<64x128xf32>, vector<256x64xf32> -> vector<256x64xf32>
    %get3A_642 = arith.constant 0 : index
    %get3A_643 = arith.constant 0 : index
    %get3A_644 = vector.load %arg24[%get3A_642, %get3A_643] : memref<1x64xf32, #tpu.memory_space<vmem>>, vector<1x64xf32>
    %add3A_645 = vector.broadcast %get3A_644 : vector<1x64xf32> to vector<256x64xf32>
    %add3A_646 = arith.addf %dot_general3A_641, %add3A_645 : vector<256x64xf32>
    %get3A_647 = arith.constant 0 : index
    %get3A_648 = arith.constant 0 : index
    %get3A_649 = vector.load %arg15[%get3A_647, %get3A_648] : memref<64x64xf32, #tpu.memory_space<vmem>>, vector<64x64xf32>
    %dot_general3A_650 = arith.constant dense<0.000000e+00> : vector<256x64xf32>
    %dot_general3A_651 = tpu.matmul %add3A_611, %get3A_649, %dot_general3A_650 {dimension_numbers = #tpu.dot_dimension_numbers<[1], [1], [0], [0], [0, 0, 1, 0], [], []>, transpose_lhs_hint = false} : vector<256x64xf32>, vector<64x64xf32>, vector<256x64xf32> -> vector<256x64xf32>
    %get3A_652 = arith.constant 0 : index
    %get3A_653 = arith.constant 0 : index
    %get3A_654 = vector.load %arg17[%get3A_652, %get3A_653] : memref<1x64xf32, #tpu.memory_space<vmem>>, vector<1x64xf32>
    %add3A_655 = vector.broadcast %get3A_654 : vector<1x64xf32> to vector<256x64xf32>
    %add3A_656 = arith.addf %dot_general3A_651, %add3A_655 : vector<256x64xf32>
    %get3A_657 = arith.constant 0 : index
    %get3A_658 = arith.constant 0 : index
    %get3A_659 = vector.load %arg19[%get3A_657, %get3A_658] : memref<64x64xf32, #tpu.memory_space<vmem>>, vector<64x64xf32>
    %dot_general3A_660 = arith.constant dense<0.000000e+00> : vector<256x64xf32>
    %dot_general3A_661 = tpu.matmul %add3A_611, %get3A_659, %dot_general3A_660 {dimension_numbers = #tpu.dot_dimension_numbers<[1], [1], [0], [0], [0, 0, 1, 0], [], []>, transpose_lhs_hint = false} : vector<256x64xf32>, vector<64x64xf32>, vector<256x64xf32> -> vector<256x64xf32>
    %get3A_662 = arith.constant 0 : index
    %get3A_663 = arith.constant 0 : index
    %get3A_664 = vector.load %arg21[%get3A_662, %get3A_663] : memref<1x64xf32, #tpu.memory_space<vmem>>, vector<1x64xf32>
    %add3A_665 = vector.broadcast %get3A_664 : vector<1x64xf32> to vector<256x64xf32>
    %add3A_666 = arith.addf %dot_general3A_661, %add3A_665 : vector<256x64xf32>
    %get3A_667 = arith.constant 0 : index
    %get3A_668 = arith.constant 0 : index
    %get3A_669 = vector.load %arg23[%get3A_667, %get3A_668] : memref<64x64xf32, #tpu.memory_space<vmem>>, vector<64x64xf32>
    %dot_general3A_670 = arith.constant dense<0.000000e+00> : vector<256x64xf32>
    %dot_general3A_671 = tpu.matmul %add3A_611, %get3A_669, %dot_general3A_670 {dimension_numbers = #tpu.dot_dimension_numbers<[1], [1], [0], [0], [0, 0, 1, 0], [], []>, transpose_lhs_hint = false} : vector<256x64xf32>, vector<64x64xf32>, vector<256x64xf32> -> vector<256x64xf32>
    %get3A_672 = arith.constant 0 : index
    %get3A_673 = arith.constant 0 : index
    %get3A_674 = vector.load %arg25[%get3A_672, %get3A_673] : memref<1x64xf32, #tpu.memory_space<vmem>>, vector<1x64xf32>
    %add3A_675 = vector.broadcast %get3A_674 : vector<1x64xf32> to vector<256x64xf32>
    %add3A_676 = arith.addf %dot_general3A_671, %add3A_675 : vector<256x64xf32>
    %add3A_677 = arith.addf %add3A_626, %add3A_656 : vector<256x64xf32>
    %logistic3A_678 = arith.negf %add3A_677 : vector<256x64xf32>
    %logistic3A_679 = math.exp %logistic3A_678 : vector<256x64xf32>
    %logistic3A_680 = arith.constant 1.000000e+00 : f32
    %logistic3A_681 = vector.broadcast %logistic3A_680 : f32 to vector<256x64xf32>
    %logistic3A_682 = arith.addf %logistic3A_681, %logistic3A_679 : vector<256x64xf32>
    %logistic3A_683 = arith.divf %logistic3A_681, %logistic3A_682 : vector<256x64xf32>
    %add3A_684 = arith.addf %add3A_636, %add3A_666 : vector<256x64xf32>
    %logistic3A_685 = arith.negf %add3A_684 : vector<256x64xf32>
    %logistic3A_686 = math.exp %logistic3A_685 : vector<256x64xf32>
    %logistic3A_687 = arith.constant 1.000000e+00 : f32
    %logistic3A_688 = vector.broadcast %logistic3A_687 : f32 to vector<256x64xf32>
    %logistic3A_689 = arith.addf %logistic3A_688, %logistic3A_686 : vector<256x64xf32>
    %logistic3A_690 = arith.divf %logistic3A_688, %logistic3A_689 : vector<256x64xf32>
    %mul3A_691 = arith.mulf %logistic3A_683, %add3A_676 : vector<256x64xf32>
    %add3A_692 = arith.addf %add3A_646, %mul3A_691 : vector<256x64xf32>
    %tanh3A_693 = math.tanh %add3A_692 : vector<256x64xf32>
    %sub3A_694 = arith.constant 1.000000e+00 : f32
    %sub3A_695 = vector.broadcast %sub3A_694 : f32 to vector<256x64xf32>
    %sub3A_696 = arith.subf %sub3A_695, %logistic3A_690 : vector<256x64xf32>
    %mul3A_697 = arith.mulf %sub3A_696, %tanh3A_693 : vector<256x64xf32>
    %mul3A_698 = arith.mulf %logistic3A_690, %add3A_611 : vector<256x64xf32>
    %add3A_699 = arith.addf %mul3A_697, %mul3A_698 : vector<256x64xf32>
    %swap3A = arith.constant 0 : index
    %swap3A_700 = arith.constant 0 : index
    %swap3A_701 = vector.load %arg27[%swap3A, %swap3A_700] : memref<256x64xf32, #tpu.memory_space<vmem>>, vector<256x64xf32>
    tpu.vector_store %arg27[%swap3A, %swap3A_700], %add3A_345 {strides = array<i32>} : memref<256x64xf32, #tpu.memory_space<vmem>>, vector<256x64xf32>,
    %get3A_702 = arith.constant 0 : index
    %get3A_703 = arith.constant 0 : index
    %get3A_704 = vector.load %arg26[%get3A_702, %get3A_703] : memref<64x64xf32, #tpu.memory_space<vmem>>, vector<64x64xf32>
    %dot_general3A_705 = arith.constant dense<0.000000e+00> : vector<256x64xf32>
    %dot_general3A_706 = tpu.matmul %add3A_699, %get3A_704, %dot_general3A_705 {dimension_numbers = #tpu.dot_dimension_numbers<[1], [1], [0], [0], [0, 0, 1, 0], [], []>, transpose_lhs_hint = false} : vector<256x64xf32>, vector<64x64xf32>, vector<256x64xf32> -> vector<256x64xf32>
    %swap3A_707 = arith.constant 0 : index
    %swap3A_708 = arith.constant 0 : index
    %swap3A_709 = vector.load %arg28[%swap3A_707, %swap3A_708] : memref<256x64xf32, #tpu.memory_space<vmem>>, vector<256x64xf32>
    tpu.vector_store %arg28[%swap3A_707, %swap3A_708], %dot_general3A_706 {strides = array<i32>} : memref<256x64xf32, #tpu.memory_space<vmem>>, vector<256x64xf32>,
    %transpose3A = tpu.transpose %dot_general3A_706, [1, 0] : vector<256x64xf32> -> vector<64x256xf32>
    %swap3A_710 = arith.constant 0 : index
    %swap3A_711 = arith.constant 0 : index
    %swap3A_712 = vector.load %arg29[%swap3A_710, %swap3A_711] : memref<64x256xf32, #tpu.memory_space<vmem>>, vector<64x256xf32>
    tpu.vector_store %arg29[%swap3A_710, %swap3A_711], %transpose3A {strides = array<i32>} : memref<64x256xf32, #tpu.memory_space<vmem>>, vector<64x256xf32>,
    return
  }
  func.func @transform_0(%arg0: i32) -> (i32, i32, i32) {
    %c0_i32 = arith.constant 0 : i32
    %c0_i32_0 = arith.constant 0 : i32
    %c0_i32_1 = arith.constant 0 : i32
    return %c0_i32, %c0_i32_0, %arg0 : i32, i32, i32
  }
  func.func @transform_1(%arg0: i32) -> (i32, i32) {
    %c0_i32 = arith.constant 0 : i32
    %c0_i32_0 = arith.constant 0 : i32
    %c0_i32_1 = arith.constant 0 : i32
    return %c0_i32, %c0_i32_0 : i32, i32
  }
  func.func @transform_2(%arg0: i32) -> (i32, i32) {
    %c0_i32 = arith.constant 0 : i32
    %c0_i32_0 = arith.constant 0 : i32
    %c0_i32_1 = arith.constant 0 : i32
    return %c0_i32, %c0_i32_0 : i32, i32
  }
  func.func @transform_3(%arg0: i32) -> (i32, i32) {
    %c0_i32 = arith.constant 0 : i32
    %c0_i32_0 = arith.constant 0 : i32
    %c0_i32_1 = arith.constant 0 : i32
    return %c0_i32, %c0_i32_0 : i32, i32
  }
  func.func @transform_4(%arg0: i32) -> (i32, i32) {
    %c0_i32 = arith.constant 0 : i32
    %c0_i32_0 = arith.constant 0 : i32
    %c0_i32_1 = arith.constant 0 : i32
    return %c0_i32, %c0_i32_0 : i32, i32
  }
  func.func @transform_5(%arg0: i32) -> (i32, i32) {
    %c0_i32 = arith.constant 0 : i32
    %c0_i32_0 = arith.constant 0 : i32
    %c0_i32_1 = arith.constant 0 : i32
    return %c0_i32, %c0_i32_0 : i32, i32
  }
  func.func @transform_6(%arg0: i32) -> (i32, i32) {
    %c0_i32 = arith.constant 0 : i32
    %c0_i32_0 = arith.constant 0 : i32
    %c0_i32_1 = arith.constant 0 : i32
    return %c0_i32, %c0_i32_0 : i32, i32
  }
  func.func @transform_7(%arg0: i32) -> (i32, i32) {
    %c0_i32 = arith.constant 0 : i32
    %c0_i32_0 = arith.constant 0 : i32
    %c0_i32_1 = arith.constant 0 : i32
    return %c0_i32, %c0_i32_0 : i32, i32
  }
  func.func @transform_8(%arg0: i32) -> (i32, i32) {
    %c0_i32 = arith.constant 0 : i32
    %c0_i32_0 = arith.constant 0 : i32
    %c0_i32_1 = arith.constant 0 : i32
    return %c0_i32, %c0_i32_0 : i32, i32
  }
  func.func @transform_9(%arg0: i32) -> (i32, i32) {
    %c0_i32 = arith.constant 0 : i32
    %c0_i32_0 = arith.constant 0 : i32
    %c0_i32_1 = arith.constant 0 : i32
    return %c0_i32, %c0_i32_0 : i32, i32
  }
  func.func @transform_10(%arg0: i32) -> (i32, i32) {
    %c0_i32 = arith.constant 0 : i32
    %c0_i32_0 = arith.constant 0 : i32
    %c0_i32_1 = arith.constant 0 : i32
    return %c0_i32, %c0_i32_0 : i32, i32
  }
  func.func @transform_11(%arg0: i32) -> (i32, i32) {
    %c0_i32 = arith.constant 0 : i32
    %c0_i32_0 = arith.constant 0 : i32
    %c0_i32_1 = arith.constant 0 : i32
    return %c0_i32, %c0_i32_0 : i32, i32
  }
  func.func @transform_12(%arg0: i32) -> (i32, i32) {
    %c0_i32 = arith.constant 0 : i32
    %c0_i32_0 = arith.constant 0 : i32
    %c0_i32_1 = arith.constant 0 : i32
    return %c0_i32, %c0_i32_0 : i32, i32
  }
  func.func @transform_13(%arg0: i32) -> (i32, i32) {
    %c0_i32 = arith.constant 0 : i32
    %c0_i32_0 = arith.constant 0 : i32
    %c0_i32_1 = arith.constant 0 : i32
    return %c0_i32, %c0_i32_0 : i32, i32
  }
  func.func @transform_14(%arg0: i32) -> (i32, i32) {
    %c0_i32 = arith.constant 0 : i32
    %c0_i32_0 = arith.constant 0 : i32
    %c0_i32_1 = arith.constant 0 : i32
    return %c0_i32, %c0_i32_0 : i32, i32
  }
  func.func @transform_15(%arg0: i32) -> (i32, i32) {
    %c0_i32 = arith.constant 0 : i32
    %c0_i32_0 = arith.constant 0 : i32
    %c0_i32_1 = arith.constant 0 : i32
    return %c0_i32, %c0_i32_0 : i32, i32
  }
  func.func @transform_16(%arg0: i32) -> (i32, i32) {
    %c0_i32 = arith.constant 0 : i32
    %c0_i32_0 = arith.constant 0 : i32
    %c0_i32_1 = arith.constant 0 : i32
    return %c0_i32, %c0_i32_0 : i32, i32
  }
  func.func @transform_17(%arg0: i32) -> (i32, i32) {
    %c0_i32 = arith.constant 0 : i32
    %c0_i32_0 = arith.constant 0 : i32
    %c0_i32_1 = arith.constant 0 : i32
    return %c0_i32, %c0_i32_0 : i32, i32
  }
  func.func @transform_18(%arg0: i32) -> (i32, i32) {
    %c0_i32 = arith.constant 0 : i32
    %c0_i32_0 = arith.constant 0 : i32
    %c0_i32_1 = arith.constant 0 : i32
    return %c0_i32, %c0_i32_0 : i32, i32
  }
  func.func @transform_19(%arg0: i32) -> (i32, i32) {
    %c0_i32 = arith.constant 0 : i32
    %c0_i32_0 = arith.constant 0 : i32
    %c0_i32_1 = arith.constant 0 : i32
    return %c0_i32, %c0_i32_0 : i32, i32
  }
  func.func @transform_20(%arg0: i32) -> (i32, i32) {
    %c0_i32 = arith.constant 0 : i32
    %c0_i32_0 = arith.constant 0 : i32
    %c0_i32_1 = arith.constant 0 : i32
    return %c0_i32, %c0_i32_0 : i32, i32
  }
  func.func @transform_21(%arg0: i32) -> (i32, i32) {
    %c0_i32 = arith.constant 0 : i32
    %c0_i32_0 = arith.constant 0 : i32
    %c0_i32_1 = arith.constant 0 : i32
    return %c0_i32, %c0_i32_0 : i32, i32
  }
  func.func @transform_22(%arg0: i32) -> (i32, i32) {
    %c0_i32 = arith.constant 0 : i32
    %c0_i32_0 = arith.constant 0 : i32
    %c0_i32_1 = arith.constant 0 : i32
    return %c0_i32, %c0_i32_0 : i32, i32
  }
  func.func @transform_23(%arg0: i32) -> (i32, i32) {
    %c0_i32 = arith.constant 0 : i32
    %c0_i32_0 = arith.constant 0 : i32
    %c0_i32_1 = arith.constant 0 : i32
    return %c0_i32, %c0_i32_0 : i32, i32
  }
  func.func @transform_24(%arg0: i32) -> (i32, i32) {
    %c0_i32 = arith.constant 0 : i32
    %c0_i32_0 = arith.constant 0 : i32
    %c0_i32_1 = arith.constant 0 : i32
    return %c0_i32, %c0_i32_0 : i32, i32
  }
  func.func @transform_25(%arg0: i32) -> (i32, i32) {
    %c0_i32 = arith.constant 0 : i32
    %c0_i32_0 = arith.constant 0 : i32
    %c0_i32_1 = arith.constant 0 : i32
    return %c0_i32, %c0_i32_0 : i32, i32
  }
  func.func @transform_26(%arg0: i32) -> (i32, i32) {
    %c0_i32 = arith.constant 0 : i32
    %c0_i32_0 = arith.constant 0 : i32
    return %arg0, %c0_i32 : i32, i32
  }
  func.func @transform_27(%arg0: i32) -> (i32, i32) {
    %c0_i32 = arith.constant 0 : i32
    %c0_i32_0 = arith.constant 0 : i32
    return %arg0, %c0_i32 : i32, i32
  }
  func.func @transform_28(%arg0: i32) -> (i32, i32) {
    %c0_i32 = arith.constant 0 : i32
    %c0_i32_0 = arith.constant 0 : i32
    return %c0_i32, %arg0 : i32, i32
  }
}

module attributes {stable_mosaic.version = 14 : i64} {
  func.func @_simtopk_body(%arg0: i32, %arg1: memref<256x64xf32, #tpu.memory_space<vmem>>, %arg2: memref<10240x64xf32, #tpu.memory_space<vmem>>, %arg3: memref<256x8xf32, #tpu.memory_space<vmem>>, %arg4: memref<256x8xi32, #tpu.memory_space<vmem>>, %arg5: memref<256x10240xf32, #tpu.memory_space<vmem>>, %arg6: memref<256x8xi32, #tpu.memory_space<vmem>>, %arg7: memref<256x1024xf32, #tpu.memory_space<vmem>>) attributes {dimension_semantics = [#tpu.dimension_semantics<arbitrary>], iteration_bounds = array<i64: 40>, scalar_prefetch = 0 : i64, scratch_operands = 3 : i64, tpu.core_type = #tpu.core_type<tc>, window_params = [{transform_indices = @transform_0, window_bounds = array<i64: 256, 64>}, {pipeline_mode = #tpu.pipeline_mode<synchronous>, transform_indices = @transform_1, window_bounds = array<i64: 10240, 64>}, {transform_indices = @transform_2, window_bounds = array<i64: 256, 8>}, {transform_indices = @transform_3, window_bounds = array<i64: 256, 8>}]} {
    %get3A = arith.constant 0 : index
    %get3A_0 = arith.constant 0 : index
    %get3A_1 = vector.load %arg1[%get3A, %get3A_0] : memref<256x64xf32, #tpu.memory_space<vmem>>, vector<256x64xf32>
    %get3A_2 = arith.constant 0 : index
    %get3A_3 = arith.constant 0 : index
    %get3A_4 = vector.load %arg2[%get3A_2, %get3A_3] : memref<10240x64xf32, #tpu.memory_space<vmem>>, vector<2048x64xf32>
    %dot_general3A = arith.constant dense<0.000000e+00> : vector<256x2048xf32>
    %dot_general3A_5 = tpu.matmul %get3A_1, %get3A_4, %dot_general3A {dimension_numbers = #tpu.dot_dimension_numbers<[1], [1], [0], [0], [0, 0, 1, 0], [], []>, transpose_lhs_hint = false} : vector<256x64xf32>, vector<2048x64xf32>, vector<256x2048xf32> -> vector<256x2048xf32>
    %iota3A = tpu.iota {dimensions = array<i32: 1>} : vector<256x2048xi32>
    %add3A = arith.constant 0 : i32
    %add3A_6 = vector.broadcast %add3A : i32 to vector<256x2048xi32>
    %add3A_7 = arith.addi %iota3A, %add3A_6 : vector<256x2048xi32>
    %iota3A_8 = tpu.iota {dimensions = array<i32: 0>} : vector<256x2048xi32>
    %mul3A = arith.constant 256 : i32
    %mul3A_9 = arith.muli %arg0, %mul3A : i32
    %add3A_10 = vector.broadcast %mul3A_9 : i32 to vector<256x2048xi32>
    %add3A_11 = arith.addi %iota3A_8, %add3A_10 : vector<256x2048xi32>
    %eq3A = arith.cmpi eq, %add3A_7, %add3A_11 : vector<256x2048xi32>
    %jit3A = arith.constant -1.000000e+09 : f32
    %broadcast_in_dim3A = vector.broadcast %jit3A : f32 to vector<256x2048xf32>
    %select_n3A = arith.select %eq3A, %broadcast_in_dim3A, %dot_general3A_5 : vector<256x2048xi1>, vector<256x2048xf32>
    %ge3A = arith.constant 10000 : i32
    %ge3A_12 = vector.broadcast %ge3A : i32 to vector<256x2048xi32>
    %ge3A_13 = arith.cmpi sge, %add3A_7, %ge3A_12 : vector<256x2048xi32>
    %jit3A_14 = arith.constant -3.000000e+38 : f32
    %broadcast_in_dim3A_15 = vector.broadcast %jit3A_14 : f32 to vector<256x2048xf32>
    %select_n3A_16 = arith.select %ge3A_13, %broadcast_in_dim3A_15, %select_n3A : vector<256x2048xi1>, vector<256x2048xf32>
    %swap3A = arith.constant 0 : index
    %swap3A_17 = arith.constant 0 : index
    %swap3A_18 = vector.load %arg5[%swap3A, %swap3A_17] : memref<256x10240xf32, #tpu.memory_space<vmem>>, vector<256x2048xf32>
    tpu.vector_store %arg5[%swap3A, %swap3A_17], %select_n3A_16 {strides = array<i32>} : memref<256x10240xf32, #tpu.memory_space<vmem>>, vector<256x2048xf32>,
    %reshape3A = vector.shape_cast %select_n3A_16 : vector<256x2048xf32> to vector<256x16x128xf32>
    %reduce_max3A = arith.constant dense<0xFF800000> : vector<256x16xf32>
    %reduce_max3A_19 = vector.multi_reduction <maximumf>, %reshape3A, %reduce_max3A [2] : vector<256x16x128xf32> to vector<256x16xf32>
    %get3A_20 = arith.constant 2048 : index
    %get3A_21 = arith.constant 0 : index
    %get3A_22 = vector.load %arg2[%get3A_20, %get3A_21] : memref<10240x64xf32, #tpu.memory_space<vmem>>, vector<2048x64xf32>
    %dot_general3A_23 = arith.constant dense<0.000000e+00> : vector<256x2048xf32>
    %dot_general3A_24 = tpu.matmul %get3A_1, %get3A_22, %dot_general3A_23 {dimension_numbers = #tpu.dot_dimension_numbers<[1], [1], [0], [0], [0, 0, 1, 0], [], []>, transpose_lhs_hint = false} : vector<256x64xf32>, vector<2048x64xf32>, vector<256x2048xf32> -> vector<256x2048xf32>
    %iota3A_25 = tpu.iota {dimensions = array<i32: 1>} : vector<256x2048xi32>
    %add3A_26 = arith.constant 2048 : i32
    %add3A_27 = vector.broadcast %add3A_26 : i32 to vector<256x2048xi32>
    %add3A_28 = arith.addi %iota3A_25, %add3A_27 : vector<256x2048xi32>
    %iota3A_29 = tpu.iota {dimensions = array<i32: 0>} : vector<256x2048xi32>
    %mul3A_30 = arith.constant 256 : i32
    %mul3A_31 = arith.muli %arg0, %mul3A_30 : i32
    %add3A_32 = vector.broadcast %mul3A_31 : i32 to vector<256x2048xi32>
    %add3A_33 = arith.addi %iota3A_29, %add3A_32 : vector<256x2048xi32>
    %eq3A_34 = arith.cmpi eq, %add3A_28, %add3A_33 : vector<256x2048xi32>
    %jit3A_35 = arith.constant -1.000000e+09 : f32
    %broadcast_in_dim3A_36 = vector.broadcast %jit3A_35 : f32 to vector<256x2048xf32>
    %select_n3A_37 = arith.select %eq3A_34, %broadcast_in_dim3A_36, %dot_general3A_24 : vector<256x2048xi1>, vector<256x2048xf32>
    %ge3A_38 = arith.constant 10000 : i32
    %ge3A_39 = vector.broadcast %ge3A_38 : i32 to vector<256x2048xi32>
    %ge3A_40 = arith.cmpi sge, %add3A_28, %ge3A_39 : vector<256x2048xi32>
    %jit3A_41 = arith.constant -3.000000e+38 : f32
    %broadcast_in_dim3A_42 = vector.broadcast %jit3A_41 : f32 to vector<256x2048xf32>
    %select_n3A_43 = arith.select %ge3A_40, %broadcast_in_dim3A_42, %select_n3A_37 : vector<256x2048xi1>, vector<256x2048xf32>
    %swap3A_44 = arith.constant 0 : index
    %swap3A_45 = arith.constant 2048 : index
    %swap3A_46 = vector.load %arg5[%swap3A_44, %swap3A_45] : memref<256x10240xf32, #tpu.memory_space<vmem>>, vector<256x2048xf32>
    tpu.vector_store %arg5[%swap3A_44, %swap3A_45], %select_n3A_43 {strides = array<i32>} : memref<256x10240xf32, #tpu.memory_space<vmem>>, vector<256x2048xf32>,
    %reshape3A_47 = vector.shape_cast %select_n3A_43 : vector<256x2048xf32> to vector<256x16x128xf32>
    %reduce_max3A_48 = arith.constant dense<0xFF800000> : vector<256x16xf32>
    %reduce_max3A_49 = vector.multi_reduction <maximumf>, %reshape3A_47, %reduce_max3A_48 [2] : vector<256x16x128xf32> to vector<256x16xf32>
    %get3A_50 = arith.constant 4096 : index
    %get3A_51 = arith.constant 0 : index
    %get3A_52 = vector.load %arg2[%get3A_50, %get3A_51] : memref<10240x64xf32, #tpu.memory_space<vmem>>, vector<2048x64xf32>
    %dot_general3A_53 = arith.constant dense<0.000000e+00> : vector<256x2048xf32>
    %dot_general3A_54 = tpu.matmul %get3A_1, %get3A_52, %dot_general3A_53 {dimension_numbers = #tpu.dot_dimension_numbers<[1], [1], [0], [0], [0, 0, 1, 0], [], []>, transpose_lhs_hint = false} : vector<256x64xf32>, vector<2048x64xf32>, vector<256x2048xf32> -> vector<256x2048xf32>
    %iota3A_55 = tpu.iota {dimensions = array<i32: 1>} : vector<256x2048xi32>
    %add3A_56 = arith.constant 4096 : i32
    %add3A_57 = vector.broadcast %add3A_56 : i32 to vector<256x2048xi32>
    %add3A_58 = arith.addi %iota3A_55, %add3A_57 : vector<256x2048xi32>
    %iota3A_59 = tpu.iota {dimensions = array<i32: 0>} : vector<256x2048xi32>
    %mul3A_60 = arith.constant 256 : i32
    %mul3A_61 = arith.muli %arg0, %mul3A_60 : i32
    %add3A_62 = vector.broadcast %mul3A_61 : i32 to vector<256x2048xi32>
    %add3A_63 = arith.addi %iota3A_59, %add3A_62 : vector<256x2048xi32>
    %eq3A_64 = arith.cmpi eq, %add3A_58, %add3A_63 : vector<256x2048xi32>
    %jit3A_65 = arith.constant -1.000000e+09 : f32
    %broadcast_in_dim3A_66 = vector.broadcast %jit3A_65 : f32 to vector<256x2048xf32>
    %select_n3A_67 = arith.select %eq3A_64, %broadcast_in_dim3A_66, %dot_general3A_54 : vector<256x2048xi1>, vector<256x2048xf32>
    %ge3A_68 = arith.constant 10000 : i32
    %ge3A_69 = vector.broadcast %ge3A_68 : i32 to vector<256x2048xi32>
    %ge3A_70 = arith.cmpi sge, %add3A_58, %ge3A_69 : vector<256x2048xi32>
    %jit3A_71 = arith.constant -3.000000e+38 : f32
    %broadcast_in_dim3A_72 = vector.broadcast %jit3A_71 : f32 to vector<256x2048xf32>
    %select_n3A_73 = arith.select %ge3A_70, %broadcast_in_dim3A_72, %select_n3A_67 : vector<256x2048xi1>, vector<256x2048xf32>
    %swap3A_74 = arith.constant 0 : index
    %swap3A_75 = arith.constant 4096 : index
    %swap3A_76 = vector.load %arg5[%swap3A_74, %swap3A_75] : memref<256x10240xf32, #tpu.memory_space<vmem>>, vector<256x2048xf32>
    tpu.vector_store %arg5[%swap3A_74, %swap3A_75], %select_n3A_73 {strides = array<i32>} : memref<256x10240xf32, #tpu.memory_space<vmem>>, vector<256x2048xf32>,
    %reshape3A_77 = vector.shape_cast %select_n3A_73 : vector<256x2048xf32> to vector<256x16x128xf32>
    %reduce_max3A_78 = arith.constant dense<0xFF800000> : vector<256x16xf32>
    %reduce_max3A_79 = vector.multi_reduction <maximumf>, %reshape3A_77, %reduce_max3A_78 [2] : vector<256x16x128xf32> to vector<256x16xf32>
    %get3A_80 = arith.constant 6144 : index
    %get3A_81 = arith.constant 0 : index
    %get3A_82 = vector.load %arg2[%get3A_80, %get3A_81] : memref<10240x64xf32, #tpu.memory_space<vmem>>, vector<2048x64xf32>
    %dot_general3A_83 = arith.constant dense<0.000000e+00> : vector<256x2048xf32>
    %dot_general3A_84 = tpu.matmul %get3A_1, %get3A_82, %dot_general3A_83 {dimension_numbers = #tpu.dot_dimension_numbers<[1], [1], [0], [0], [0, 0, 1, 0], [], []>, transpose_lhs_hint = false} : vector<256x64xf32>, vector<2048x64xf32>, vector<256x2048xf32> -> vector<256x2048xf32>
    %iota3A_85 = tpu.iota {dimensions = array<i32: 1>} : vector<256x2048xi32>
    %add3A_86 = arith.constant 6144 : i32
    %add3A_87 = vector.broadcast %add3A_86 : i32 to vector<256x2048xi32>
    %add3A_88 = arith.addi %iota3A_85, %add3A_87 : vector<256x2048xi32>
    %iota3A_89 = tpu.iota {dimensions = array<i32: 0>} : vector<256x2048xi32>
    %mul3A_90 = arith.constant 256 : i32
    %mul3A_91 = arith.muli %arg0, %mul3A_90 : i32
    %add3A_92 = vector.broadcast %mul3A_91 : i32 to vector<256x2048xi32>
    %add3A_93 = arith.addi %iota3A_89, %add3A_92 : vector<256x2048xi32>
    %eq3A_94 = arith.cmpi eq, %add3A_88, %add3A_93 : vector<256x2048xi32>
    %jit3A_95 = arith.constant -1.000000e+09 : f32
    %broadcast_in_dim3A_96 = vector.broadcast %jit3A_95 : f32 to vector<256x2048xf32>
    %select_n3A_97 = arith.select %eq3A_94, %broadcast_in_dim3A_96, %dot_general3A_84 : vector<256x2048xi1>, vector<256x2048xf32>
    %ge3A_98 = arith.constant 10000 : i32
    %ge3A_99 = vector.broadcast %ge3A_98 : i32 to vector<256x2048xi32>
    %ge3A_100 = arith.cmpi sge, %add3A_88, %ge3A_99 : vector<256x2048xi32>
    %jit3A_101 = arith.constant -3.000000e+38 : f32
    %broadcast_in_dim3A_102 = vector.broadcast %jit3A_101 : f32 to vector<256x2048xf32>
    %select_n3A_103 = arith.select %ge3A_100, %broadcast_in_dim3A_102, %select_n3A_97 : vector<256x2048xi1>, vector<256x2048xf32>
    %swap3A_104 = arith.constant 0 : index
    %swap3A_105 = arith.constant 6144 : index
    %swap3A_106 = vector.load %arg5[%swap3A_104, %swap3A_105] : memref<256x10240xf32, #tpu.memory_space<vmem>>, vector<256x2048xf32>
    tpu.vector_store %arg5[%swap3A_104, %swap3A_105], %select_n3A_103 {strides = array<i32>} : memref<256x10240xf32, #tpu.memory_space<vmem>>, vector<256x2048xf32>,
    %reshape3A_107 = vector.shape_cast %select_n3A_103 : vector<256x2048xf32> to vector<256x16x128xf32>
    %reduce_max3A_108 = arith.constant dense<0xFF800000> : vector<256x16xf32>
    %reduce_max3A_109 = vector.multi_reduction <maximumf>, %reshape3A_107, %reduce_max3A_108 [2] : vector<256x16x128xf32> to vector<256x16xf32>
    %get3A_110 = arith.constant 8192 : index
    %get3A_111 = arith.constant 0 : index
    %get3A_112 = vector.load %arg2[%get3A_110, %get3A_111] : memref<10240x64xf32, #tpu.memory_space<vmem>>, vector<2048x64xf32>
    %dot_general3A_113 = arith.constant dense<0.000000e+00> : vector<256x2048xf32>
    %dot_general3A_114 = tpu.matmul %get3A_1, %get3A_112, %dot_general3A_113 {dimension_numbers = #tpu.dot_dimension_numbers<[1], [1], [0], [0], [0, 0, 1, 0], [], []>, transpose_lhs_hint = false} : vector<256x64xf32>, vector<2048x64xf32>, vector<256x2048xf32> -> vector<256x2048xf32>
    %iota3A_115 = tpu.iota {dimensions = array<i32: 1>} : vector<256x2048xi32>
    %add3A_116 = arith.constant 8192 : i32
    %add3A_117 = vector.broadcast %add3A_116 : i32 to vector<256x2048xi32>
    %add3A_118 = arith.addi %iota3A_115, %add3A_117 : vector<256x2048xi32>
    %iota3A_119 = tpu.iota {dimensions = array<i32: 0>} : vector<256x2048xi32>
    %mul3A_120 = arith.constant 256 : i32
    %mul3A_121 = arith.muli %arg0, %mul3A_120 : i32
    %add3A_122 = vector.broadcast %mul3A_121 : i32 to vector<256x2048xi32>
    %add3A_123 = arith.addi %iota3A_119, %add3A_122 : vector<256x2048xi32>
    %eq3A_124 = arith.cmpi eq, %add3A_118, %add3A_123 : vector<256x2048xi32>
    %jit3A_125 = arith.constant -1.000000e+09 : f32
    %broadcast_in_dim3A_126 = vector.broadcast %jit3A_125 : f32 to vector<256x2048xf32>
    %select_n3A_127 = arith.select %eq3A_124, %broadcast_in_dim3A_126, %dot_general3A_114 : vector<256x2048xi1>, vector<256x2048xf32>
    %ge3A_128 = arith.constant 10000 : i32
    %ge3A_129 = vector.broadcast %ge3A_128 : i32 to vector<256x2048xi32>
    %ge3A_130 = arith.cmpi sge, %add3A_118, %ge3A_129 : vector<256x2048xi32>
    %jit3A_131 = arith.constant -3.000000e+38 : f32
    %broadcast_in_dim3A_132 = vector.broadcast %jit3A_131 : f32 to vector<256x2048xf32>
    %select_n3A_133 = arith.select %ge3A_130, %broadcast_in_dim3A_132, %select_n3A_127 : vector<256x2048xi1>, vector<256x2048xf32>
    %swap3A_134 = arith.constant 0 : index
    %swap3A_135 = arith.constant 8192 : index
    %swap3A_136 = vector.load %arg5[%swap3A_134, %swap3A_135] : memref<256x10240xf32, #tpu.memory_space<vmem>>, vector<256x2048xf32>
    tpu.vector_store %arg5[%swap3A_134, %swap3A_135], %select_n3A_133 {strides = array<i32>} : memref<256x10240xf32, #tpu.memory_space<vmem>>, vector<256x2048xf32>,
    %reshape3A_137 = vector.shape_cast %select_n3A_133 : vector<256x2048xf32> to vector<256x16x128xf32>
    %reduce_max3A_138 = arith.constant dense<0xFF800000> : vector<256x16xf32>
    %reduce_max3A_139 = vector.multi_reduction <maximumf>, %reshape3A_137, %reduce_max3A_138 [2] : vector<256x16x128xf32> to vector<256x16xf32>
    %concatenate3A = tpu.concatenate %reduce_max3A_19, %reduce_max3A_49, %reduce_max3A_79, %reduce_max3A_109, %reduce_max3A_139 in 1 : vector<256x16xf32>, vector<256x16xf32>, vector<256x16xf32>, vector<256x16xf32>, vector<256x16xf32> -> vector<256x80xf32>
    %iota3A_140 = tpu.iota {dimensions = array<i32: 1>} : vector<256x80xi32>
    %iota3A_141 = tpu.iota {dimensions = array<i32: 1>} : vector<256x8xi32>
    %broadcast_in_dim3A_142 = arith.constant 0 : i32
    %broadcast_in_dim3A_143 = vector.broadcast %broadcast_in_dim3A_142 : i32 to vector<256x8xi32>
    %reduce_max3A_144 = arith.constant dense<0xFF800000> : vector<256xf32>
    %reduce_max3A_145 = vector.multi_reduction <maximumf>, %concatenate3A, %reduce_max3A_144 [1] : vector<256x80xf32> to vector<256xf32>
    %broadcast_in_dim3A_146 = vector.shape_cast %reduce_max3A_145 : vector<256xf32> to vector<256x1xf32>
    %eq3A_147 = vector.broadcast %broadcast_in_dim3A_146 : vector<256x1xf32> to vector<256x80xf32>
    %eq3A_148 = arith.cmpf oeq, %concatenate3A, %eq3A_147 : vector<256x80xf32>
    %jit3A_149 = arith.constant 1073741824 : i32
    %broadcast_in_dim3A_150 = vector.broadcast %jit3A_149 : i32 to vector<256x80xi32>
    %select_n3A_151 = arith.select %eq3A_148, %iota3A_140, %broadcast_in_dim3A_150 : vector<256x80xi1>, vector<256x80xi32>
    %reduce_min3A = arith.constant dense<2147483647> : vector<256xi32>
    %reduce_min3A_152 = vector.multi_reduction <minsi>, %select_n3A_151, %reduce_min3A [1] : vector<256x80xi32> to vector<256xi32>
    %broadcast_in_dim3A_153 = vector.shape_cast %reduce_min3A_152 : vector<256xi32> to vector<256x1xi32>
    %eq3A_154 = arith.constant 0 : i32
    %eq3A_155 = vector.broadcast %eq3A_154 : i32 to vector<256x8xi32>
    %eq3A_156 = arith.cmpi eq, %iota3A_141, %eq3A_155 : vector<256x8xi32>
    %broadcast_in_dim3A_157 = vector.shape_cast %broadcast_in_dim3A_153 : vector<256x1xi32> to vector<256x1xi32>
    %broadcast_in_dim3A_158 = vector.broadcast %broadcast_in_dim3A_157 : vector<256x1xi32> to vector<256x8xi32>
    %select_n3A_159 = arith.select %eq3A_156, %broadcast_in_dim3A_158, %broadcast_in_dim3A_143 : vector<256x8xi1>, vector<256x8xi32>
    %eq3A_160 = vector.broadcast %broadcast_in_dim3A_153 : vector<256x1xi32> to vector<256x80xi32>
    %eq3A_161 = arith.cmpi eq, %iota3A_140, %eq3A_160 : vector<256x80xi32>
    %jit3A_162 = arith.constant -3.000000e+38 : f32
    %broadcast_in_dim3A_163 = vector.broadcast %jit3A_162 : f32 to vector<256x80xf32>
    %select_n3A_164 = arith.select %eq3A_161, %broadcast_in_dim3A_163, %concatenate3A : vector<256x80xi1>, vector<256x80xf32>
    %reduce_max3A_165 = arith.constant dense<0xFF800000> : vector<256xf32>
    %reduce_max3A_166 = vector.multi_reduction <maximumf>, %select_n3A_164, %reduce_max3A_165 [1] : vector<256x80xf32> to vector<256xf32>
    %broadcast_in_dim3A_167 = vector.shape_cast %reduce_max3A_166 : vector<256xf32> to vector<256x1xf32>
    %eq3A_168 = vector.broadcast %broadcast_in_dim3A_167 : vector<256x1xf32> to vector<256x80xf32>
    %eq3A_169 = arith.cmpf oeq, %select_n3A_164, %eq3A_168 : vector<256x80xf32>
    %jit3A_170 = arith.constant 1073741824 : i32
    %broadcast_in_dim3A_171 = vector.broadcast %jit3A_170 : i32 to vector<256x80xi32>
    %select_n3A_172 = arith.select %eq3A_169, %iota3A_140, %broadcast_in_dim3A_171 : vector<256x80xi1>, vector<256x80xi32>
    %reduce_min3A_173 = arith.constant dense<2147483647> : vector<256xi32>
    %reduce_min3A_174 = vector.multi_reduction <minsi>, %select_n3A_172, %reduce_min3A_173 [1] : vector<256x80xi32> to vector<256xi32>
    %broadcast_in_dim3A_175 = vector.shape_cast %reduce_min3A_174 : vector<256xi32> to vector<256x1xi32>
    %eq3A_176 = arith.constant 1 : i32
    %eq3A_177 = vector.broadcast %eq3A_176 : i32 to vector<256x8xi32>
    %eq3A_178 = arith.cmpi eq, %iota3A_141, %eq3A_177 : vector<256x8xi32>
    %broadcast_in_dim3A_179 = vector.shape_cast %broadcast_in_dim3A_175 : vector<256x1xi32> to vector<256x1xi32>
    %broadcast_in_dim3A_180 = vector.broadcast %broadcast_in_dim3A_179 : vector<256x1xi32> to vector<256x8xi32>
    %select_n3A_181 = arith.select %eq3A_178, %broadcast_in_dim3A_180, %select_n3A_159 : vector<256x8xi1>, vector<256x8xi32>
    %eq3A_182 = vector.broadcast %broadcast_in_dim3A_175 : vector<256x1xi32> to vector<256x80xi32>
    %eq3A_183 = arith.cmpi eq, %iota3A_140, %eq3A_182 : vector<256x80xi32>
    %jit3A_184 = arith.constant -3.000000e+38 : f32
    %broadcast_in_dim3A_185 = vector.broadcast %jit3A_184 : f32 to vector<256x80xf32>
    %select_n3A_186 = arith.select %eq3A_183, %broadcast_in_dim3A_185, %select_n3A_164 : vector<256x80xi1>, vector<256x80xf32>
    %reduce_max3A_187 = arith.constant dense<0xFF800000> : vector<256xf32>
    %reduce_max3A_188 = vector.multi_reduction <maximumf>, %select_n3A_186, %reduce_max3A_187 [1] : vector<256x80xf32> to vector<256xf32>
    %broadcast_in_dim3A_189 = vector.shape_cast %reduce_max3A_188 : vector<256xf32> to vector<256x1xf32>
    %eq3A_190 = vector.broadcast %broadcast_in_dim3A_189 : vector<256x1xf32> to vector<256x80xf32>
    %eq3A_191 = arith.cmpf oeq, %select_n3A_186, %eq3A_190 : vector<256x80xf32>
    %jit3A_192 = arith.constant 1073741824 : i32
    %broadcast_in_dim3A_193 = vector.broadcast %jit3A_192 : i32 to vector<256x80xi32>
    %select_n3A_194 = arith.select %eq3A_191, %iota3A_140, %broadcast_in_dim3A_193 : vector<256x80xi1>, vector<256x80xi32>
    %reduce_min3A_195 = arith.constant dense<2147483647> : vector<256xi32>
    %reduce_min3A_196 = vector.multi_reduction <minsi>, %select_n3A_194, %reduce_min3A_195 [1] : vector<256x80xi32> to vector<256xi32>
    %broadcast_in_dim3A_197 = vector.shape_cast %reduce_min3A_196 : vector<256xi32> to vector<256x1xi32>
    %eq3A_198 = arith.constant 2 : i32
    %eq3A_199 = vector.broadcast %eq3A_198 : i32 to vector<256x8xi32>
    %eq3A_200 = arith.cmpi eq, %iota3A_141, %eq3A_199 : vector<256x8xi32>
    %broadcast_in_dim3A_201 = vector.shape_cast %broadcast_in_dim3A_197 : vector<256x1xi32> to vector<256x1xi32>
    %broadcast_in_dim3A_202 = vector.broadcast %broadcast_in_dim3A_201 : vector<256x1xi32> to vector<256x8xi32>
    %select_n3A_203 = arith.select %eq3A_200, %broadcast_in_dim3A_202, %select_n3A_181 : vector<256x8xi1>, vector<256x8xi32>
    %eq3A_204 = vector.broadcast %broadcast_in_dim3A_197 : vector<256x1xi32> to vector<256x80xi32>
    %eq3A_205 = arith.cmpi eq, %iota3A_140, %eq3A_204 : vector<256x80xi32>
    %jit3A_206 = arith.constant -3.000000e+38 : f32
    %broadcast_in_dim3A_207 = vector.broadcast %jit3A_206 : f32 to vector<256x80xf32>
    %select_n3A_208 = arith.select %eq3A_205, %broadcast_in_dim3A_207, %select_n3A_186 : vector<256x80xi1>, vector<256x80xf32>
    %reduce_max3A_209 = arith.constant dense<0xFF800000> : vector<256xf32>
    %reduce_max3A_210 = vector.multi_reduction <maximumf>, %select_n3A_208, %reduce_max3A_209 [1] : vector<256x80xf32> to vector<256xf32>
    %broadcast_in_dim3A_211 = vector.shape_cast %reduce_max3A_210 : vector<256xf32> to vector<256x1xf32>
    %eq3A_212 = vector.broadcast %broadcast_in_dim3A_211 : vector<256x1xf32> to vector<256x80xf32>
    %eq3A_213 = arith.cmpf oeq, %select_n3A_208, %eq3A_212 : vector<256x80xf32>
    %jit3A_214 = arith.constant 1073741824 : i32
    %broadcast_in_dim3A_215 = vector.broadcast %jit3A_214 : i32 to vector<256x80xi32>
    %select_n3A_216 = arith.select %eq3A_213, %iota3A_140, %broadcast_in_dim3A_215 : vector<256x80xi1>, vector<256x80xi32>
    %reduce_min3A_217 = arith.constant dense<2147483647> : vector<256xi32>
    %reduce_min3A_218 = vector.multi_reduction <minsi>, %select_n3A_216, %reduce_min3A_217 [1] : vector<256x80xi32> to vector<256xi32>
    %broadcast_in_dim3A_219 = vector.shape_cast %reduce_min3A_218 : vector<256xi32> to vector<256x1xi32>
    %eq3A_220 = arith.constant 3 : i32
    %eq3A_221 = vector.broadcast %eq3A_220 : i32 to vector<256x8xi32>
    %eq3A_222 = arith.cmpi eq, %iota3A_141, %eq3A_221 : vector<256x8xi32>
    %broadcast_in_dim3A_223 = vector.shape_cast %broadcast_in_dim3A_219 : vector<256x1xi32> to vector<256x1xi32>
    %broadcast_in_dim3A_224 = vector.broadcast %broadcast_in_dim3A_223 : vector<256x1xi32> to vector<256x8xi32>
    %select_n3A_225 = arith.select %eq3A_222, %broadcast_in_dim3A_224, %select_n3A_203 : vector<256x8xi1>, vector<256x8xi32>
    %eq3A_226 = vector.broadcast %broadcast_in_dim3A_219 : vector<256x1xi32> to vector<256x80xi32>
    %eq3A_227 = arith.cmpi eq, %iota3A_140, %eq3A_226 : vector<256x80xi32>
    %jit3A_228 = arith.constant -3.000000e+38 : f32
    %broadcast_in_dim3A_229 = vector.broadcast %jit3A_228 : f32 to vector<256x80xf32>
    %select_n3A_230 = arith.select %eq3A_227, %broadcast_in_dim3A_229, %select_n3A_208 : vector<256x80xi1>, vector<256x80xf32>
    %reduce_max3A_231 = arith.constant dense<0xFF800000> : vector<256xf32>
    %reduce_max3A_232 = vector.multi_reduction <maximumf>, %select_n3A_230, %reduce_max3A_231 [1] : vector<256x80xf32> to vector<256xf32>
    %broadcast_in_dim3A_233 = vector.shape_cast %reduce_max3A_232 : vector<256xf32> to vector<256x1xf32>
    %eq3A_234 = vector.broadcast %broadcast_in_dim3A_233 : vector<256x1xf32> to vector<256x80xf32>
    %eq3A_235 = arith.cmpf oeq, %select_n3A_230, %eq3A_234 : vector<256x80xf32>
    %jit3A_236 = arith.constant 1073741824 : i32
    %broadcast_in_dim3A_237 = vector.broadcast %jit3A_236 : i32 to vector<256x80xi32>
    %select_n3A_238 = arith.select %eq3A_235, %iota3A_140, %broadcast_in_dim3A_237 : vector<256x80xi1>, vector<256x80xi32>
    %reduce_min3A_239 = arith.constant dense<2147483647> : vector<256xi32>
    %reduce_min3A_240 = vector.multi_reduction <minsi>, %select_n3A_238, %reduce_min3A_239 [1] : vector<256x80xi32> to vector<256xi32>
    %broadcast_in_dim3A_241 = vector.shape_cast %reduce_min3A_240 : vector<256xi32> to vector<256x1xi32>
    %eq3A_242 = arith.constant 4 : i32
    %eq3A_243 = vector.broadcast %eq3A_242 : i32 to vector<256x8xi32>
    %eq3A_244 = arith.cmpi eq, %iota3A_141, %eq3A_243 : vector<256x8xi32>
    %broadcast_in_dim3A_245 = vector.shape_cast %broadcast_in_dim3A_241 : vector<256x1xi32> to vector<256x1xi32>
    %broadcast_in_dim3A_246 = vector.broadcast %broadcast_in_dim3A_245 : vector<256x1xi32> to vector<256x8xi32>
    %select_n3A_247 = arith.select %eq3A_244, %broadcast_in_dim3A_246, %select_n3A_225 : vector<256x8xi1>, vector<256x8xi32>
    %eq3A_248 = vector.broadcast %broadcast_in_dim3A_241 : vector<256x1xi32> to vector<256x80xi32>
    %eq3A_249 = arith.cmpi eq, %iota3A_140, %eq3A_248 : vector<256x80xi32>
    %jit3A_250 = arith.constant -3.000000e+38 : f32
    %broadcast_in_dim3A_251 = vector.broadcast %jit3A_250 : f32 to vector<256x80xf32>
    %select_n3A_252 = arith.select %eq3A_249, %broadcast_in_dim3A_251, %select_n3A_230 : vector<256x80xi1>, vector<256x80xf32>
    %reduce_max3A_253 = arith.constant dense<0xFF800000> : vector<256xf32>
    %reduce_max3A_254 = vector.multi_reduction <maximumf>, %select_n3A_252, %reduce_max3A_253 [1] : vector<256x80xf32> to vector<256xf32>
    %broadcast_in_dim3A_255 = vector.shape_cast %reduce_max3A_254 : vector<256xf32> to vector<256x1xf32>
    %eq3A_256 = vector.broadcast %broadcast_in_dim3A_255 : vector<256x1xf32> to vector<256x80xf32>
    %eq3A_257 = arith.cmpf oeq, %select_n3A_252, %eq3A_256 : vector<256x80xf32>
    %jit3A_258 = arith.constant 1073741824 : i32
    %broadcast_in_dim3A_259 = vector.broadcast %jit3A_258 : i32 to vector<256x80xi32>
    %select_n3A_260 = arith.select %eq3A_257, %iota3A_140, %broadcast_in_dim3A_259 : vector<256x80xi1>, vector<256x80xi32>
    %reduce_min3A_261 = arith.constant dense<2147483647> : vector<256xi32>
    %reduce_min3A_262 = vector.multi_reduction <minsi>, %select_n3A_260, %reduce_min3A_261 [1] : vector<256x80xi32> to vector<256xi32>
    %broadcast_in_dim3A_263 = vector.shape_cast %reduce_min3A_262 : vector<256xi32> to vector<256x1xi32>
    %eq3A_264 = arith.constant 5 : i32
    %eq3A_265 = vector.broadcast %eq3A_264 : i32 to vector<256x8xi32>
    %eq3A_266 = arith.cmpi eq, %iota3A_141, %eq3A_265 : vector<256x8xi32>
    %broadcast_in_dim3A_267 = vector.shape_cast %broadcast_in_dim3A_263 : vector<256x1xi32> to vector<256x1xi32>
    %broadcast_in_dim3A_268 = vector.broadcast %broadcast_in_dim3A_267 : vector<256x1xi32> to vector<256x8xi32>
    %select_n3A_269 = arith.select %eq3A_266, %broadcast_in_dim3A_268, %select_n3A_247 : vector<256x8xi1>, vector<256x8xi32>
    %eq3A_270 = vector.broadcast %broadcast_in_dim3A_263 : vector<256x1xi32> to vector<256x80xi32>
    %eq3A_271 = arith.cmpi eq, %iota3A_140, %eq3A_270 : vector<256x80xi32>
    %jit3A_272 = arith.constant -3.000000e+38 : f32
    %broadcast_in_dim3A_273 = vector.broadcast %jit3A_272 : f32 to vector<256x80xf32>
    %select_n3A_274 = arith.select %eq3A_271, %broadcast_in_dim3A_273, %select_n3A_252 : vector<256x80xi1>, vector<256x80xf32>
    %reduce_max3A_275 = arith.constant dense<0xFF800000> : vector<256xf32>
    %reduce_max3A_276 = vector.multi_reduction <maximumf>, %select_n3A_274, %reduce_max3A_275 [1] : vector<256x80xf32> to vector<256xf32>
    %broadcast_in_dim3A_277 = vector.shape_cast %reduce_max3A_276 : vector<256xf32> to vector<256x1xf32>
    %eq3A_278 = vector.broadcast %broadcast_in_dim3A_277 : vector<256x1xf32> to vector<256x80xf32>
    %eq3A_279 = arith.cmpf oeq, %select_n3A_274, %eq3A_278 : vector<256x80xf32>
    %jit3A_280 = arith.constant 1073741824 : i32
    %broadcast_in_dim3A_281 = vector.broadcast %jit3A_280 : i32 to vector<256x80xi32>
    %select_n3A_282 = arith.select %eq3A_279, %iota3A_140, %broadcast_in_dim3A_281 : vector<256x80xi1>, vector<256x80xi32>
    %reduce_min3A_283 = arith.constant dense<2147483647> : vector<256xi32>
    %reduce_min3A_284 = vector.multi_reduction <minsi>, %select_n3A_282, %reduce_min3A_283 [1] : vector<256x80xi32> to vector<256xi32>
    %broadcast_in_dim3A_285 = vector.shape_cast %reduce_min3A_284 : vector<256xi32> to vector<256x1xi32>
    %eq3A_286 = arith.constant 6 : i32
    %eq3A_287 = vector.broadcast %eq3A_286 : i32 to vector<256x8xi32>
    %eq3A_288 = arith.cmpi eq, %iota3A_141, %eq3A_287 : vector<256x8xi32>
    %broadcast_in_dim3A_289 = vector.shape_cast %broadcast_in_dim3A_285 : vector<256x1xi32> to vector<256x1xi32>
    %broadcast_in_dim3A_290 = vector.broadcast %broadcast_in_dim3A_289 : vector<256x1xi32> to vector<256x8xi32>
    %select_n3A_291 = arith.select %eq3A_288, %broadcast_in_dim3A_290, %select_n3A_269 : vector<256x8xi1>, vector<256x8xi32>
    %eq3A_292 = vector.broadcast %broadcast_in_dim3A_285 : vector<256x1xi32> to vector<256x80xi32>
    %eq3A_293 = arith.cmpi eq, %iota3A_140, %eq3A_292 : vector<256x80xi32>
    %jit3A_294 = arith.constant -3.000000e+38 : f32
    %broadcast_in_dim3A_295 = vector.broadcast %jit3A_294 : f32 to vector<256x80xf32>
    %select_n3A_296 = arith.select %eq3A_293, %broadcast_in_dim3A_295, %select_n3A_274 : vector<256x80xi1>, vector<256x80xf32>
    %reduce_max3A_297 = arith.constant dense<0xFF800000> : vector<256xf32>
    %reduce_max3A_298 = vector.multi_reduction <maximumf>, %select_n3A_296, %reduce_max3A_297 [1] : vector<256x80xf32> to vector<256xf32>
    %broadcast_in_dim3A_299 = vector.shape_cast %reduce_max3A_298 : vector<256xf32> to vector<256x1xf32>
    %eq3A_300 = vector.broadcast %broadcast_in_dim3A_299 : vector<256x1xf32> to vector<256x80xf32>
    %eq3A_301 = arith.cmpf oeq, %select_n3A_296, %eq3A_300 : vector<256x80xf32>
    %jit3A_302 = arith.constant 1073741824 : i32
    %broadcast_in_dim3A_303 = vector.broadcast %jit3A_302 : i32 to vector<256x80xi32>
    %select_n3A_304 = arith.select %eq3A_301, %iota3A_140, %broadcast_in_dim3A_303 : vector<256x80xi1>, vector<256x80xi32>
    %reduce_min3A_305 = arith.constant dense<2147483647> : vector<256xi32>
    %reduce_min3A_306 = vector.multi_reduction <minsi>, %select_n3A_304, %reduce_min3A_305 [1] : vector<256x80xi32> to vector<256xi32>
    %broadcast_in_dim3A_307 = vector.shape_cast %reduce_min3A_306 : vector<256xi32> to vector<256x1xi32>
    %eq3A_308 = arith.constant 7 : i32
    %eq3A_309 = vector.broadcast %eq3A_308 : i32 to vector<256x8xi32>
    %eq3A_310 = arith.cmpi eq, %iota3A_141, %eq3A_309 : vector<256x8xi32>
    %broadcast_in_dim3A_311 = vector.shape_cast %broadcast_in_dim3A_307 : vector<256x1xi32> to vector<256x1xi32>
    %broadcast_in_dim3A_312 = vector.broadcast %broadcast_in_dim3A_311 : vector<256x1xi32> to vector<256x8xi32>
    %select_n3A_313 = arith.select %eq3A_310, %broadcast_in_dim3A_312, %select_n3A_291 : vector<256x8xi1>, vector<256x8xi32>
    %swap3A_314 = arith.constant 0 : index
    %swap3A_315 = arith.constant 0 : index
    %swap3A_316 = vector.load %arg6[%swap3A_314, %swap3A_315] : memref<256x8xi32, #tpu.memory_space<vmem>>, vector<256x8xi32>
    tpu.vector_store %arg6[%swap3A_314, %swap3A_315], %select_n3A_313 {strides = array<i32>} : memref<256x8xi32, #tpu.memory_space<vmem>>, vector<256x8xi32>,
    %iota3A_317 = tpu.iota {dimensions = array<i32: 0>} : vector<8x128xi32>
    %scan3A = arith.constant 0 : i32
    %scan3A_318 = arith.constant 32 : i32
    %scan3A_319 = arith.addi %scan3A, %scan3A_318 : i32
    %scan3A_320 = arith.constant 1 : i32
    scf.for %scan3A_576 = %scan3A to %scan3A_319 step %scan3A_320  : i32 {
      %mul3A_577 = arith.constant 8 : i32
      %mul3A_578 = arith.muli %scan3A_576, %mul3A_577 : i32
      %multiple_of3A = tpu.assume_multiple %mul3A_578, 8 : i32
      %broadcast_in_dim3A_579 = arith.constant 0.000000e+00 : f32
      %broadcast_in_dim3A_580 = vector.broadcast %broadcast_in_dim3A_579 : f32 to vector<8x128xf32>
      %mul3A_581 = arith.constant 8 : i32
      %mul3A_582 = arith.muli %scan3A_576, %mul3A_581 : i32
      %add3A_583 = arith.constant 0 : i32
      %add3A_584 = arith.addi %mul3A_582, %add3A_583 : i32
      %get3A_585 = arith.index_cast %add3A_584 : i32 to index
      %get3A_586 = arith.constant 0 : index
      %get3A_587 = vector.load %arg6[%get3A_585, %get3A_586] : memref<256x8xi32, #tpu.memory_space<vmem>>, vector<1x1xi32>
      %get3A_588 = vector.extract %get3A_587[0, 0] : i32 from vector<1x1xi32>
      %mul3A_589 = arith.constant 128 : i32
      %mul3A_590 = arith.muli %get3A_588, %mul3A_589 : i32
      %multiple_of3A_591 = tpu.assume_multiple %mul3A_590, 128 : i32
      %get3A_592 = arith.index_cast %multiple_of3A : i32 to index
      %get3A_593 = arith.index_cast %multiple_of3A_591 : i32 to index
      %get3A_594 = vector.load %arg5[%get3A_592, %get3A_593] : memref<256x10240xf32, #tpu.memory_space<vmem>>, vector<8x128xf32>
      %eq3A_595 = arith.constant 0 : i32
      %eq3A_596 = vector.broadcast %eq3A_595 : i32 to vector<8x128xi32>
      %eq3A_597 = arith.cmpi eq, %iota3A_317, %eq3A_596 : vector<8x128xi32>
      %select_n3A_598 = arith.select %eq3A_597, %get3A_594, %broadcast_in_dim3A_580 : vector<8x128xi1>, vector<8x128xf32>
      %mul3A_599 = arith.constant 8 : i32
      %mul3A_600 = arith.muli %scan3A_576, %mul3A_599 : i32
      %add3A_601 = arith.constant 1 : i32
      %add3A_602 = arith.addi %mul3A_600, %add3A_601 : i32
      %get3A_603 = arith.index_cast %add3A_602 : i32 to index
      %get3A_604 = arith.constant 0 : index
      %get3A_605 = vector.load %arg6[%get3A_603, %get3A_604] : memref<256x8xi32, #tpu.memory_space<vmem>>, vector<1x1xi32>
      %get3A_606 = vector.extract %get3A_605[0, 0] : i32 from vector<1x1xi32>
      %mul3A_607 = arith.constant 128 : i32
      %mul3A_608 = arith.muli %get3A_606, %mul3A_607 : i32
      %multiple_of3A_609 = tpu.assume_multiple %mul3A_608, 128 : i32
      %get3A_610 = arith.index_cast %multiple_of3A : i32 to index
      %get3A_611 = arith.index_cast %multiple_of3A_609 : i32 to index
      %get3A_612 = vector.load %arg5[%get3A_610, %get3A_611] : memref<256x10240xf32, #tpu.memory_space<vmem>>, vector<8x128xf32>
      %eq3A_613 = arith.constant 1 : i32
      %eq3A_614 = vector.broadcast %eq3A_613 : i32 to vector<8x128xi32>
      %eq3A_615 = arith.cmpi eq, %iota3A_317, %eq3A_614 : vector<8x128xi32>
      %select_n3A_616 = arith.select %eq3A_615, %get3A_612, %select_n3A_598 : vector<8x128xi1>, vector<8x128xf32>
      %mul3A_617 = arith.constant 8 : i32
      %mul3A_618 = arith.muli %scan3A_576, %mul3A_617 : i32
      %add3A_619 = arith.constant 2 : i32
      %add3A_620 = arith.addi %mul3A_618, %add3A_619 : i32
      %get3A_621 = arith.index_cast %add3A_620 : i32 to index
      %get3A_622 = arith.constant 0 : index
      %get3A_623 = vector.load %arg6[%get3A_621, %get3A_622] : memref<256x8xi32, #tpu.memory_space<vmem>>, vector<1x1xi32>
      %get3A_624 = vector.extract %get3A_623[0, 0] : i32 from vector<1x1xi32>
      %mul3A_625 = arith.constant 128 : i32
      %mul3A_626 = arith.muli %get3A_624, %mul3A_625 : i32
      %multiple_of3A_627 = tpu.assume_multiple %mul3A_626, 128 : i32
      %get3A_628 = arith.index_cast %multiple_of3A : i32 to index
      %get3A_629 = arith.index_cast %multiple_of3A_627 : i32 to index
      %get3A_630 = vector.load %arg5[%get3A_628, %get3A_629] : memref<256x10240xf32, #tpu.memory_space<vmem>>, vector<8x128xf32>
      %eq3A_631 = arith.constant 2 : i32
      %eq3A_632 = vector.broadcast %eq3A_631 : i32 to vector<8x128xi32>
      %eq3A_633 = arith.cmpi eq, %iota3A_317, %eq3A_632 : vector<8x128xi32>
      %select_n3A_634 = arith.select %eq3A_633, %get3A_630, %select_n3A_616 : vector<8x128xi1>, vector<8x128xf32>
      %mul3A_635 = arith.constant 8 : i32
      %mul3A_636 = arith.muli %scan3A_576, %mul3A_635 : i32
      %add3A_637 = arith.constant 3 : i32
      %add3A_638 = arith.addi %mul3A_636, %add3A_637 : i32
      %get3A_639 = arith.index_cast %add3A_638 : i32 to index
      %get3A_640 = arith.constant 0 : index
      %get3A_641 = vector.load %arg6[%get3A_639, %get3A_640] : memref<256x8xi32, #tpu.memory_space<vmem>>, vector<1x1xi32>
      %get3A_642 = vector.extract %get3A_641[0, 0] : i32 from vector<1x1xi32>
      %mul3A_643 = arith.constant 128 : i32
      %mul3A_644 = arith.muli %get3A_642, %mul3A_643 : i32
      %multiple_of3A_645 = tpu.assume_multiple %mul3A_644, 128 : i32
      %get3A_646 = arith.index_cast %multiple_of3A : i32 to index
      %get3A_647 = arith.index_cast %multiple_of3A_645 : i32 to index
      %get3A_648 = vector.load %arg5[%get3A_646, %get3A_647] : memref<256x10240xf32, #tpu.memory_space<vmem>>, vector<8x128xf32>
      %eq3A_649 = arith.constant 3 : i32
      %eq3A_650 = vector.broadcast %eq3A_649 : i32 to vector<8x128xi32>
      %eq3A_651 = arith.cmpi eq, %iota3A_317, %eq3A_650 : vector<8x128xi32>
      %select_n3A_652 = arith.select %eq3A_651, %get3A_648, %select_n3A_634 : vector<8x128xi1>, vector<8x128xf32>
      %mul3A_653 = arith.constant 8 : i32
      %mul3A_654 = arith.muli %scan3A_576, %mul3A_653 : i32
      %add3A_655 = arith.constant 4 : i32
      %add3A_656 = arith.addi %mul3A_654, %add3A_655 : i32
      %get3A_657 = arith.index_cast %add3A_656 : i32 to index
      %get3A_658 = arith.constant 0 : index
      %get3A_659 = vector.load %arg6[%get3A_657, %get3A_658] : memref<256x8xi32, #tpu.memory_space<vmem>>, vector<1x1xi32>
      %get3A_660 = vector.extract %get3A_659[0, 0] : i32 from vector<1x1xi32>
      %mul3A_661 = arith.constant 128 : i32
      %mul3A_662 = arith.muli %get3A_660, %mul3A_661 : i32
      %multiple_of3A_663 = tpu.assume_multiple %mul3A_662, 128 : i32
      %get3A_664 = arith.index_cast %multiple_of3A : i32 to index
      %get3A_665 = arith.index_cast %multiple_of3A_663 : i32 to index
      %get3A_666 = vector.load %arg5[%get3A_664, %get3A_665] : memref<256x10240xf32, #tpu.memory_space<vmem>>, vector<8x128xf32>
      %eq3A_667 = arith.constant 4 : i32
      %eq3A_668 = vector.broadcast %eq3A_667 : i32 to vector<8x128xi32>
      %eq3A_669 = arith.cmpi eq, %iota3A_317, %eq3A_668 : vector<8x128xi32>
      %select_n3A_670 = arith.select %eq3A_669, %get3A_666, %select_n3A_652 : vector<8x128xi1>, vector<8x128xf32>
      %mul3A_671 = arith.constant 8 : i32
      %mul3A_672 = arith.muli %scan3A_576, %mul3A_671 : i32
      %add3A_673 = arith.constant 5 : i32
      %add3A_674 = arith.addi %mul3A_672, %add3A_673 : i32
      %get3A_675 = arith.index_cast %add3A_674 : i32 to index
      %get3A_676 = arith.constant 0 : index
      %get3A_677 = vector.load %arg6[%get3A_675, %get3A_676] : memref<256x8xi32, #tpu.memory_space<vmem>>, vector<1x1xi32>
      %get3A_678 = vector.extract %get3A_677[0, 0] : i32 from vector<1x1xi32>
      %mul3A_679 = arith.constant 128 : i32
      %mul3A_680 = arith.muli %get3A_678, %mul3A_679 : i32
      %multiple_of3A_681 = tpu.assume_multiple %mul3A_680, 128 : i32
      %get3A_682 = arith.index_cast %multiple_of3A : i32 to index
      %get3A_683 = arith.index_cast %multiple_of3A_681 : i32 to index
      %get3A_684 = vector.load %arg5[%get3A_682, %get3A_683] : memref<256x10240xf32, #tpu.memory_space<vmem>>, vector<8x128xf32>
      %eq3A_685 = arith.constant 5 : i32
      %eq3A_686 = vector.broadcast %eq3A_685 : i32 to vector<8x128xi32>
      %eq3A_687 = arith.cmpi eq, %iota3A_317, %eq3A_686 : vector<8x128xi32>
      %select_n3A_688 = arith.select %eq3A_687, %get3A_684, %select_n3A_670 : vector<8x128xi1>, vector<8x128xf32>
      %mul3A_689 = arith.constant 8 : i32
      %mul3A_690 = arith.muli %scan3A_576, %mul3A_689 : i32
      %add3A_691 = arith.constant 6 : i32
      %add3A_692 = arith.addi %mul3A_690, %add3A_691 : i32
      %get3A_693 = arith.index_cast %add3A_692 : i32 to index
      %get3A_694 = arith.constant 0 : index
      %get3A_695 = vector.load %arg6[%get3A_693, %get3A_694] : memref<256x8xi32, #tpu.memory_space<vmem>>, vector<1x1xi32>
      %get3A_696 = vector.extract %get3A_695[0, 0] : i32 from vector<1x1xi32>
      %mul3A_697 = arith.constant 128 : i32
      %mul3A_698 = arith.muli %get3A_696, %mul3A_697 : i32
      %multiple_of3A_699 = tpu.assume_multiple %mul3A_698, 128 : i32
      %get3A_700 = arith.index_cast %multiple_of3A : i32 to index
      %get3A_701 = arith.index_cast %multiple_of3A_699 : i32 to index
      %get3A_702 = vector.load %arg5[%get3A_700, %get3A_701] : memref<256x10240xf32, #tpu.memory_space<vmem>>, vector<8x128xf32>
      %eq3A_703 = arith.constant 6 : i32
      %eq3A_704 = vector.broadcast %eq3A_703 : i32 to vector<8x128xi32>
      %eq3A_705 = arith.cmpi eq, %iota3A_317, %eq3A_704 : vector<8x128xi32>
      %select_n3A_706 = arith.select %eq3A_705, %get3A_702, %select_n3A_688 : vector<8x128xi1>, vector<8x128xf32>
      %mul3A_707 = arith.constant 8 : i32
      %mul3A_708 = arith.muli %scan3A_576, %mul3A_707 : i32
      %add3A_709 = arith.constant 7 : i32
      %add3A_710 = arith.addi %mul3A_708, %add3A_709 : i32
      %get3A_711 = arith.index_cast %add3A_710 : i32 to index
      %get3A_712 = arith.constant 0 : index
      %get3A_713 = vector.load %arg6[%get3A_711, %get3A_712] : memref<256x8xi32, #tpu.memory_space<vmem>>, vector<1x1xi32>
      %get3A_714 = vector.extract %get3A_713[0, 0] : i32 from vector<1x1xi32>
      %mul3A_715 = arith.constant 128 : i32
      %mul3A_716 = arith.muli %get3A_714, %mul3A_715 : i32
      %multiple_of3A_717 = tpu.assume_multiple %mul3A_716, 128 : i32
      %get3A_718 = arith.index_cast %multiple_of3A : i32 to index
      %get3A_719 = arith.index_cast %multiple_of3A_717 : i32 to index
      %get3A_720 = vector.load %arg5[%get3A_718, %get3A_719] : memref<256x10240xf32, #tpu.memory_space<vmem>>, vector<8x128xf32>
      %eq3A_721 = arith.constant 7 : i32
      %eq3A_722 = vector.broadcast %eq3A_721 : i32 to vector<8x128xi32>
      %eq3A_723 = arith.cmpi eq, %iota3A_317, %eq3A_722 : vector<8x128xi32>
      %select_n3A_724 = arith.select %eq3A_723, %get3A_720, %select_n3A_706 : vector<8x128xi1>, vector<8x128xf32>
      %swap3A_725 = arith.index_cast %multiple_of3A : i32 to index
      %swap3A_726 = arith.constant 0 : index
      %swap3A_727 = vector.load %arg7[%swap3A_725, %swap3A_726] : memref<256x1024xf32, #tpu.memory_space<vmem>>, vector<8x128xf32>
      tpu.vector_store %arg7[%swap3A_725, %swap3A_726], %select_n3A_724 {strides = array<i32>} : memref<256x1024xf32, #tpu.memory_space<vmem>>, vector<8x128xf32>,
      %broadcast_in_dim3A_728 = arith.constant 0.000000e+00 : f32
      %broadcast_in_dim3A_729 = vector.broadcast %broadcast_in_dim3A_728 : f32 to vector<8x128xf32>
      %mul3A_730 = arith.constant 8 : i32
      %mul3A_731 = arith.muli %scan3A_576, %mul3A_730 : i32
      %add3A_732 = arith.constant 0 : i32
      %add3A_733 = arith.addi %mul3A_731, %add3A_732 : i32
      %get3A_734 = arith.index_cast %add3A_733 : i32 to index
      %get3A_735 = arith.constant 1 : index
      %get3A_736 = vector.load %arg6[%get3A_734, %get3A_735] : memref<256x8xi32, #tpu.memory_space<vmem>>, vector<1x1xi32>
      %get3A_737 = vector.extract %get3A_736[0, 0] : i32 from vector<1x1xi32>
      %mul3A_738 = arith.constant 128 : i32
      %mul3A_739 = arith.muli %get3A_737, %mul3A_738 : i32
      %multiple_of3A_740 = tpu.assume_multiple %mul3A_739, 128 : i32
      %get3A_741 = arith.index_cast %multiple_of3A : i32 to index
      %get3A_742 = arith.index_cast %multiple_of3A_740 : i32 to index
      %get3A_743 = vector.load %arg5[%get3A_741, %get3A_742] : memref<256x10240xf32, #tpu.memory_space<vmem>>, vector<8x128xf32>
      %eq3A_744 = arith.constant 0 : i32
      %eq3A_745 = vector.broadcast %eq3A_744 : i32 to vector<8x128xi32>
      %eq3A_746 = arith.cmpi eq, %iota3A_317, %eq3A_745 : vector<8x128xi32>
      %select_n3A_747 = arith.select %eq3A_746, %get3A_743, %broadcast_in_dim3A_729 : vector<8x128xi1>, vector<8x128xf32>
      %mul3A_748 = arith.constant 8 : i32
      %mul3A_749 = arith.muli %scan3A_576, %mul3A_748 : i32
      %add3A_750 = arith.constant 1 : i32
      %add3A_751 = arith.addi %mul3A_749, %add3A_750 : i32
      %get3A_752 = arith.index_cast %add3A_751 : i32 to index
      %get3A_753 = arith.constant 1 : index
      %get3A_754 = vector.load %arg6[%get3A_752, %get3A_753] : memref<256x8xi32, #tpu.memory_space<vmem>>, vector<1x1xi32>
      %get3A_755 = vector.extract %get3A_754[0, 0] : i32 from vector<1x1xi32>
      %mul3A_756 = arith.constant 128 : i32
      %mul3A_757 = arith.muli %get3A_755, %mul3A_756 : i32
      %multiple_of3A_758 = tpu.assume_multiple %mul3A_757, 128 : i32
      %get3A_759 = arith.index_cast %multiple_of3A : i32 to index
      %get3A_760 = arith.index_cast %multiple_of3A_758 : i32 to index
      %get3A_761 = vector.load %arg5[%get3A_759, %get3A_760] : memref<256x10240xf32, #tpu.memory_space<vmem>>, vector<8x128xf32>
      %eq3A_762 = arith.constant 1 : i32
      %eq3A_763 = vector.broadcast %eq3A_762 : i32 to vector<8x128xi32>
      %eq3A_764 = arith.cmpi eq, %iota3A_317, %eq3A_763 : vector<8x128xi32>
      %select_n3A_765 = arith.select %eq3A_764, %get3A_761, %select_n3A_747 : vector<8x128xi1>, vector<8x128xf32>
      %mul3A_766 = arith.constant 8 : i32
      %mul3A_767 = arith.muli %scan3A_576, %mul3A_766 : i32
      %add3A_768 = arith.constant 2 : i32
      %add3A_769 = arith.addi %mul3A_767, %add3A_768 : i32
      %get3A_770 = arith.index_cast %add3A_769 : i32 to index
      %get3A_771 = arith.constant 1 : index
      %get3A_772 = vector.load %arg6[%get3A_770, %get3A_771] : memref<256x8xi32, #tpu.memory_space<vmem>>, vector<1x1xi32>
      %get3A_773 = vector.extract %get3A_772[0, 0] : i32 from vector<1x1xi32>
      %mul3A_774 = arith.constant 128 : i32
      %mul3A_775 = arith.muli %get3A_773, %mul3A_774 : i32
      %multiple_of3A_776 = tpu.assume_multiple %mul3A_775, 128 : i32
      %get3A_777 = arith.index_cast %multiple_of3A : i32 to index
      %get3A_778 = arith.index_cast %multiple_of3A_776 : i32 to index
      %get3A_779 = vector.load %arg5[%get3A_777, %get3A_778] : memref<256x10240xf32, #tpu.memory_space<vmem>>, vector<8x128xf32>
      %eq3A_780 = arith.constant 2 : i32
      %eq3A_781 = vector.broadcast %eq3A_780 : i32 to vector<8x128xi32>
      %eq3A_782 = arith.cmpi eq, %iota3A_317, %eq3A_781 : vector<8x128xi32>
      %select_n3A_783 = arith.select %eq3A_782, %get3A_779, %select_n3A_765 : vector<8x128xi1>, vector<8x128xf32>
      %mul3A_784 = arith.constant 8 : i32
      %mul3A_785 = arith.muli %scan3A_576, %mul3A_784 : i32
      %add3A_786 = arith.constant 3 : i32
      %add3A_787 = arith.addi %mul3A_785, %add3A_786 : i32
      %get3A_788 = arith.index_cast %add3A_787 : i32 to index
      %get3A_789 = arith.constant 1 : index
      %get3A_790 = vector.load %arg6[%get3A_788, %get3A_789] : memref<256x8xi32, #tpu.memory_space<vmem>>, vector<1x1xi32>
      %get3A_791 = vector.extract %get3A_790[0, 0] : i32 from vector<1x1xi32>
      %mul3A_792 = arith.constant 128 : i32
      %mul3A_793 = arith.muli %get3A_791, %mul3A_792 : i32
      %multiple_of3A_794 = tpu.assume_multiple %mul3A_793, 128 : i32
      %get3A_795 = arith.index_cast %multiple_of3A : i32 to index
      %get3A_796 = arith.index_cast %multiple_of3A_794 : i32 to index
      %get3A_797 = vector.load %arg5[%get3A_795, %get3A_796] : memref<256x10240xf32, #tpu.memory_space<vmem>>, vector<8x128xf32>
      %eq3A_798 = arith.constant 3 : i32
      %eq3A_799 = vector.broadcast %eq3A_798 : i32 to vector<8x128xi32>
      %eq3A_800 = arith.cmpi eq, %iota3A_317, %eq3A_799 : vector<8x128xi32>
      %select_n3A_801 = arith.select %eq3A_800, %get3A_797, %select_n3A_783 : vector<8x128xi1>, vector<8x128xf32>
      %mul3A_802 = arith.constant 8 : i32
      %mul3A_803 = arith.muli %scan3A_576, %mul3A_802 : i32
      %add3A_804 = arith.constant 4 : i32
      %add3A_805 = arith.addi %mul3A_803, %add3A_804 : i32
      %get3A_806 = arith.index_cast %add3A_805 : i32 to index
      %get3A_807 = arith.constant 1 : index
      %get3A_808 = vector.load %arg6[%get3A_806, %get3A_807] : memref<256x8xi32, #tpu.memory_space<vmem>>, vector<1x1xi32>
      %get3A_809 = vector.extract %get3A_808[0, 0] : i32 from vector<1x1xi32>
      %mul3A_810 = arith.constant 128 : i32
      %mul3A_811 = arith.muli %get3A_809, %mul3A_810 : i32
      %multiple_of3A_812 = tpu.assume_multiple %mul3A_811, 128 : i32
      %get3A_813 = arith.index_cast %multiple_of3A : i32 to index
      %get3A_814 = arith.index_cast %multiple_of3A_812 : i32 to index
      %get3A_815 = vector.load %arg5[%get3A_813, %get3A_814] : memref<256x10240xf32, #tpu.memory_space<vmem>>, vector<8x128xf32>
      %eq3A_816 = arith.constant 4 : i32
      %eq3A_817 = vector.broadcast %eq3A_816 : i32 to vector<8x128xi32>
      %eq3A_818 = arith.cmpi eq, %iota3A_317, %eq3A_817 : vector<8x128xi32>
      %select_n3A_819 = arith.select %eq3A_818, %get3A_815, %select_n3A_801 : vector<8x128xi1>, vector<8x128xf32>
      %mul3A_820 = arith.constant 8 : i32
      %mul3A_821 = arith.muli %scan3A_576, %mul3A_820 : i32
      %add3A_822 = arith.constant 5 : i32
      %add3A_823 = arith.addi %mul3A_821, %add3A_822 : i32
      %get3A_824 = arith.index_cast %add3A_823 : i32 to index
      %get3A_825 = arith.constant 1 : index
      %get3A_826 = vector.load %arg6[%get3A_824, %get3A_825] : memref<256x8xi32, #tpu.memory_space<vmem>>, vector<1x1xi32>
      %get3A_827 = vector.extract %get3A_826[0, 0] : i32 from vector<1x1xi32>
      %mul3A_828 = arith.constant 128 : i32
      %mul3A_829 = arith.muli %get3A_827, %mul3A_828 : i32
      %multiple_of3A_830 = tpu.assume_multiple %mul3A_829, 128 : i32
      %get3A_831 = arith.index_cast %multiple_of3A : i32 to index
      %get3A_832 = arith.index_cast %multiple_of3A_830 : i32 to index
      %get3A_833 = vector.load %arg5[%get3A_831, %get3A_832] : memref<256x10240xf32, #tpu.memory_space<vmem>>, vector<8x128xf32>
      %eq3A_834 = arith.constant 5 : i32
      %eq3A_835 = vector.broadcast %eq3A_834 : i32 to vector<8x128xi32>
      %eq3A_836 = arith.cmpi eq, %iota3A_317, %eq3A_835 : vector<8x128xi32>
      %select_n3A_837 = arith.select %eq3A_836, %get3A_833, %select_n3A_819 : vector<8x128xi1>, vector<8x128xf32>
      %mul3A_838 = arith.constant 8 : i32
      %mul3A_839 = arith.muli %scan3A_576, %mul3A_838 : i32
      %add3A_840 = arith.constant 6 : i32
      %add3A_841 = arith.addi %mul3A_839, %add3A_840 : i32
      %get3A_842 = arith.index_cast %add3A_841 : i32 to index
      %get3A_843 = arith.constant 1 : index
      %get3A_844 = vector.load %arg6[%get3A_842, %get3A_843] : memref<256x8xi32, #tpu.memory_space<vmem>>, vector<1x1xi32>
      %get3A_845 = vector.extract %get3A_844[0, 0] : i32 from vector<1x1xi32>
      %mul3A_846 = arith.constant 128 : i32
      %mul3A_847 = arith.muli %get3A_845, %mul3A_846 : i32
      %multiple_of3A_848 = tpu.assume_multiple %mul3A_847, 128 : i32
      %get3A_849 = arith.index_cast %multiple_of3A : i32 to index
      %get3A_850 = arith.index_cast %multiple_of3A_848 : i32 to index
      %get3A_851 = vector.load %arg5[%get3A_849, %get3A_850] : memref<256x10240xf32, #tpu.memory_space<vmem>>, vector<8x128xf32>
      %eq3A_852 = arith.constant 6 : i32
      %eq3A_853 = vector.broadcast %eq3A_852 : i32 to vector<8x128xi32>
      %eq3A_854 = arith.cmpi eq, %iota3A_317, %eq3A_853 : vector<8x128xi32>
      %select_n3A_855 = arith.select %eq3A_854, %get3A_851, %select_n3A_837 : vector<8x128xi1>, vector<8x128xf32>
      %mul3A_856 = arith.constant 8 : i32
      %mul3A_857 = arith.muli %scan3A_576, %mul3A_856 : i32
      %add3A_858 = arith.constant 7 : i32
      %add3A_859 = arith.addi %mul3A_857, %add3A_858 : i32
      %get3A_860 = arith.index_cast %add3A_859 : i32 to index
      %get3A_861 = arith.constant 1 : index
      %get3A_862 = vector.load %arg6[%get3A_860, %get3A_861] : memref<256x8xi32, #tpu.memory_space<vmem>>, vector<1x1xi32>
      %get3A_863 = vector.extract %get3A_862[0, 0] : i32 from vector<1x1xi32>
      %mul3A_864 = arith.constant 128 : i32
      %mul3A_865 = arith.muli %get3A_863, %mul3A_864 : i32
      %multiple_of3A_866 = tpu.assume_multiple %mul3A_865, 128 : i32
      %get3A_867 = arith.index_cast %multiple_of3A : i32 to index
      %get3A_868 = arith.index_cast %multiple_of3A_866 : i32 to index
      %get3A_869 = vector.load %arg5[%get3A_867, %get3A_868] : memref<256x10240xf32, #tpu.memory_space<vmem>>, vector<8x128xf32>
      %eq3A_870 = arith.constant 7 : i32
      %eq3A_871 = vector.broadcast %eq3A_870 : i32 to vector<8x128xi32>
      %eq3A_872 = arith.cmpi eq, %iota3A_317, %eq3A_871 : vector<8x128xi32>
      %select_n3A_873 = arith.select %eq3A_872, %get3A_869, %select_n3A_855 : vector<8x128xi1>, vector<8x128xf32>
      %swap3A_874 = arith.index_cast %multiple_of3A : i32 to index
      %swap3A_875 = arith.constant 128 : index
      %swap3A_876 = vector.load %arg7[%swap3A_874, %swap3A_875] : memref<256x1024xf32, #tpu.memory_space<vmem>>, vector<8x128xf32>
      tpu.vector_store %arg7[%swap3A_874, %swap3A_875], %select_n3A_873 {strides = array<i32>} : memref<256x1024xf32, #tpu.memory_space<vmem>>, vector<8x128xf32>,
      %broadcast_in_dim3A_877 = arith.constant 0.000000e+00 : f32
      %broadcast_in_dim3A_878 = vector.broadcast %broadcast_in_dim3A_877 : f32 to vector<8x128xf32>
      %mul3A_879 = arith.constant 8 : i32
      %mul3A_880 = arith.muli %scan3A_576, %mul3A_879 : i32
      %add3A_881 = arith.constant 0 : i32
      %add3A_882 = arith.addi %mul3A_880, %add3A_881 : i32
      %get3A_883 = arith.index_cast %add3A_882 : i32 to index
      %get3A_884 = arith.constant 2 : index
      %get3A_885 = vector.load %arg6[%get3A_883, %get3A_884] : memref<256x8xi32, #tpu.memory_space<vmem>>, vector<1x1xi32>
      %get3A_886 = vector.extract %get3A_885[0, 0] : i32 from vector<1x1xi32>
      %mul3A_887 = arith.constant 128 : i32
      %mul3A_888 = arith.muli %get3A_886, %mul3A_887 : i32
      %multiple_of3A_889 = tpu.assume_multiple %mul3A_888, 128 : i32
      %get3A_890 = arith.index_cast %multiple_of3A : i32 to index
      %get3A_891 = arith.index_cast %multiple_of3A_889 : i32 to index
      %get3A_892 = vector.load %arg5[%get3A_890, %get3A_891] : memref<256x10240xf32, #tpu.memory_space<vmem>>, vector<8x128xf32>
      %eq3A_893 = arith.constant 0 : i32
      %eq3A_894 = vector.broadcast %eq3A_893 : i32 to vector<8x128xi32>
      %eq3A_895 = arith.cmpi eq, %iota3A_317, %eq3A_894 : vector<8x128xi32>
      %select_n3A_896 = arith.select %eq3A_895, %get3A_892, %broadcast_in_dim3A_878 : vector<8x128xi1>, vector<8x128xf32>
      %mul3A_897 = arith.constant 8 : i32
      %mul3A_898 = arith.muli %scan3A_576, %mul3A_897 : i32
      %add3A_899 = arith.constant 1 : i32
      %add3A_900 = arith.addi %mul3A_898, %add3A_899 : i32
      %get3A_901 = arith.index_cast %add3A_900 : i32 to index
      %get3A_902 = arith.constant 2 : index
      %get3A_903 = vector.load %arg6[%get3A_901, %get3A_902] : memref<256x8xi32, #tpu.memory_space<vmem>>, vector<1x1xi32>
      %get3A_904 = vector.extract %get3A_903[0, 0] : i32 from vector<1x1xi32>
      %mul3A_905 = arith.constant 128 : i32
      %mul3A_906 = arith.muli %get3A_904, %mul3A_905 : i32
      %multiple_of3A_907 = tpu.assume_multiple %mul3A_906, 128 : i32
      %get3A_908 = arith.index_cast %multiple_of3A : i32 to index
      %get3A_909 = arith.index_cast %multiple_of3A_907 : i32 to index
      %get3A_910 = vector.load %arg5[%get3A_908, %get3A_909] : memref<256x10240xf32, #tpu.memory_space<vmem>>, vector<8x128xf32>
      %eq3A_911 = arith.constant 1 : i32
      %eq3A_912 = vector.broadcast %eq3A_911 : i32 to vector<8x128xi32>
      %eq3A_913 = arith.cmpi eq, %iota3A_317, %eq3A_912 : vector<8x128xi32>
      %select_n3A_914 = arith.select %eq3A_913, %get3A_910, %select_n3A_896 : vector<8x128xi1>, vector<8x128xf32>
      %mul3A_915 = arith.constant 8 : i32
      %mul3A_916 = arith.muli %scan3A_576, %mul3A_915 : i32
      %add3A_917 = arith.constant 2 : i32
      %add3A_918 = arith.addi %mul3A_916, %add3A_917 : i32
      %get3A_919 = arith.index_cast %add3A_918 : i32 to index
      %get3A_920 = arith.constant 2 : index
      %get3A_921 = vector.load %arg6[%get3A_919, %get3A_920] : memref<256x8xi32, #tpu.memory_space<vmem>>, vector<1x1xi32>
      %get3A_922 = vector.extract %get3A_921[0, 0] : i32 from vector<1x1xi32>
      %mul3A_923 = arith.constant 128 : i32
      %mul3A_924 = arith.muli %get3A_922, %mul3A_923 : i32
      %multiple_of3A_925 = tpu.assume_multiple %mul3A_924, 128 : i32
      %get3A_926 = arith.index_cast %multiple_of3A : i32 to index
      %get3A_927 = arith.index_cast %multiple_of3A_925 : i32 to index
      %get3A_928 = vector.load %arg5[%get3A_926, %get3A_927] : memref<256x10240xf32, #tpu.memory_space<vmem>>, vector<8x128xf32>
      %eq3A_929 = arith.constant 2 : i32
      %eq3A_930 = vector.broadcast %eq3A_929 : i32 to vector<8x128xi32>
      %eq3A_931 = arith.cmpi eq, %iota3A_317, %eq3A_930 : vector<8x128xi32>
      %select_n3A_932 = arith.select %eq3A_931, %get3A_928, %select_n3A_914 : vector<8x128xi1>, vector<8x128xf32>
      %mul3A_933 = arith.constant 8 : i32
      %mul3A_934 = arith.muli %scan3A_576, %mul3A_933 : i32
      %add3A_935 = arith.constant 3 : i32
      %add3A_936 = arith.addi %mul3A_934, %add3A_935 : i32
      %get3A_937 = arith.index_cast %add3A_936 : i32 to index
      %get3A_938 = arith.constant 2 : index
      %get3A_939 = vector.load %arg6[%get3A_937, %get3A_938] : memref<256x8xi32, #tpu.memory_space<vmem>>, vector<1x1xi32>
      %get3A_940 = vector.extract %get3A_939[0, 0] : i32 from vector<1x1xi32>
      %mul3A_941 = arith.constant 128 : i32
      %mul3A_942 = arith.muli %get3A_940, %mul3A_941 : i32
      %multiple_of3A_943 = tpu.assume_multiple %mul3A_942, 128 : i32
      %get3A_944 = arith.index_cast %multiple_of3A : i32 to index
      %get3A_945 = arith.index_cast %multiple_of3A_943 : i32 to index
      %get3A_946 = vector.load %arg5[%get3A_944, %get3A_945] : memref<256x10240xf32, #tpu.memory_space<vmem>>, vector<8x128xf32>
      %eq3A_947 = arith.constant 3 : i32
      %eq3A_948 = vector.broadcast %eq3A_947 : i32 to vector<8x128xi32>
      %eq3A_949 = arith.cmpi eq, %iota3A_317, %eq3A_948 : vector<8x128xi32>
      %select_n3A_950 = arith.select %eq3A_949, %get3A_946, %select_n3A_932 : vector<8x128xi1>, vector<8x128xf32>
      %mul3A_951 = arith.constant 8 : i32
      %mul3A_952 = arith.muli %scan3A_576, %mul3A_951 : i32
      %add3A_953 = arith.constant 4 : i32
      %add3A_954 = arith.addi %mul3A_952, %add3A_953 : i32
      %get3A_955 = arith.index_cast %add3A_954 : i32 to index
      %get3A_956 = arith.constant 2 : index
      %get3A_957 = vector.load %arg6[%get3A_955, %get3A_956] : memref<256x8xi32, #tpu.memory_space<vmem>>, vector<1x1xi32>
      %get3A_958 = vector.extract %get3A_957[0, 0] : i32 from vector<1x1xi32>
      %mul3A_959 = arith.constant 128 : i32
      %mul3A_960 = arith.muli %get3A_958, %mul3A_959 : i32
      %multiple_of3A_961 = tpu.assume_multiple %mul3A_960, 128 : i32
      %get3A_962 = arith.index_cast %multiple_of3A : i32 to index
      %get3A_963 = arith.index_cast %multiple_of3A_961 : i32 to index
      %get3A_964 = vector.load %arg5[%get3A_962, %get3A_963] : memref<256x10240xf32, #tpu.memory_space<vmem>>, vector<8x128xf32>
      %eq3A_965 = arith.constant 4 : i32
      %eq3A_966 = vector.broadcast %eq3A_965 : i32 to vector<8x128xi32>
      %eq3A_967 = arith.cmpi eq, %iota3A_317, %eq3A_966 : vector<8x128xi32>
      %select_n3A_968 = arith.select %eq3A_967, %get3A_964, %select_n3A_950 : vector<8x128xi1>, vector<8x128xf32>
      %mul3A_969 = arith.constant 8 : i32
      %mul3A_970 = arith.muli %scan3A_576, %mul3A_969 : i32
      %add3A_971 = arith.constant 5 : i32
      %add3A_972 = arith.addi %mul3A_970, %add3A_971 : i32
      %get3A_973 = arith.index_cast %add3A_972 : i32 to index
      %get3A_974 = arith.constant 2 : index
      %get3A_975 = vector.load %arg6[%get3A_973, %get3A_974] : memref<256x8xi32, #tpu.memory_space<vmem>>, vector<1x1xi32>
      %get3A_976 = vector.extract %get3A_975[0, 0] : i32 from vector<1x1xi32>
      %mul3A_977 = arith.constant 128 : i32
      %mul3A_978 = arith.muli %get3A_976, %mul3A_977 : i32
      %multiple_of3A_979 = tpu.assume_multiple %mul3A_978, 128 : i32
      %get3A_980 = arith.index_cast %multiple_of3A : i32 to index
      %get3A_981 = arith.index_cast %multiple_of3A_979 : i32 to index
      %get3A_982 = vector.load %arg5[%get3A_980, %get3A_981] : memref<256x10240xf32, #tpu.memory_space<vmem>>, vector<8x128xf32>
      %eq3A_983 = arith.constant 5 : i32
      %eq3A_984 = vector.broadcast %eq3A_983 : i32 to vector<8x128xi32>
      %eq3A_985 = arith.cmpi eq, %iota3A_317, %eq3A_984 : vector<8x128xi32>
      %select_n3A_986 = arith.select %eq3A_985, %get3A_982, %select_n3A_968 : vector<8x128xi1>, vector<8x128xf32>
      %mul3A_987 = arith.constant 8 : i32
      %mul3A_988 = arith.muli %scan3A_576, %mul3A_987 : i32
      %add3A_989 = arith.constant 6 : i32
      %add3A_990 = arith.addi %mul3A_988, %add3A_989 : i32
      %get3A_991 = arith.index_cast %add3A_990 : i32 to index
      %get3A_992 = arith.constant 2 : index
      %get3A_993 = vector.load %arg6[%get3A_991, %get3A_992] : memref<256x8xi32, #tpu.memory_space<vmem>>, vector<1x1xi32>
      %get3A_994 = vector.extract %get3A_993[0, 0] : i32 from vector<1x1xi32>
      %mul3A_995 = arith.constant 128 : i32
      %mul3A_996 = arith.muli %get3A_994, %mul3A_995 : i32
      %multiple_of3A_997 = tpu.assume_multiple %mul3A_996, 128 : i32
      %get3A_998 = arith.index_cast %multiple_of3A : i32 to index
      %get3A_999 = arith.index_cast %multiple_of3A_997 : i32 to index
      %get3A_1000 = vector.load %arg5[%get3A_998, %get3A_999] : memref<256x10240xf32, #tpu.memory_space<vmem>>, vector<8x128xf32>
      %eq3A_1001 = arith.constant 6 : i32
      %eq3A_1002 = vector.broadcast %eq3A_1001 : i32 to vector<8x128xi32>
      %eq3A_1003 = arith.cmpi eq, %iota3A_317, %eq3A_1002 : vector<8x128xi32>
      %select_n3A_1004 = arith.select %eq3A_1003, %get3A_1000, %select_n3A_986 : vector<8x128xi1>, vector<8x128xf32>
      %mul3A_1005 = arith.constant 8 : i32
      %mul3A_1006 = arith.muli %scan3A_576, %mul3A_1005 : i32
      %add3A_1007 = arith.constant 7 : i32
      %add3A_1008 = arith.addi %mul3A_1006, %add3A_1007 : i32
      %get3A_1009 = arith.index_cast %add3A_1008 : i32 to index
      %get3A_1010 = arith.constant 2 : index
      %get3A_1011 = vector.load %arg6[%get3A_1009, %get3A_1010] : memref<256x8xi32, #tpu.memory_space<vmem>>, vector<1x1xi32>
      %get3A_1012 = vector.extract %get3A_1011[0, 0] : i32 from vector<1x1xi32>
      %mul3A_1013 = arith.constant 128 : i32
      %mul3A_1014 = arith.muli %get3A_1012, %mul3A_1013 : i32
      %multiple_of3A_1015 = tpu.assume_multiple %mul3A_1014, 128 : i32
      %get3A_1016 = arith.index_cast %multiple_of3A : i32 to index
      %get3A_1017 = arith.index_cast %multiple_of3A_1015 : i32 to index
      %get3A_1018 = vector.load %arg5[%get3A_1016, %get3A_1017] : memref<256x10240xf32, #tpu.memory_space<vmem>>, vector<8x128xf32>
      %eq3A_1019 = arith.constant 7 : i32
      %eq3A_1020 = vector.broadcast %eq3A_1019 : i32 to vector<8x128xi32>
      %eq3A_1021 = arith.cmpi eq, %iota3A_317, %eq3A_1020 : vector<8x128xi32>
      %select_n3A_1022 = arith.select %eq3A_1021, %get3A_1018, %select_n3A_1004 : vector<8x128xi1>, vector<8x128xf32>
      %swap3A_1023 = arith.index_cast %multiple_of3A : i32 to index
      %swap3A_1024 = arith.constant 256 : index
      %swap3A_1025 = vector.load %arg7[%swap3A_1023, %swap3A_1024] : memref<256x1024xf32, #tpu.memory_space<vmem>>, vector<8x128xf32>
      tpu.vector_store %arg7[%swap3A_1023, %swap3A_1024], %select_n3A_1022 {strides = array<i32>} : memref<256x1024xf32, #tpu.memory_space<vmem>>, vector<8x128xf32>,
      %broadcast_in_dim3A_1026 = arith.constant 0.000000e+00 : f32
      %broadcast_in_dim3A_1027 = vector.broadcast %broadcast_in_dim3A_1026 : f32 to vector<8x128xf32>
      %mul3A_1028 = arith.constant 8 : i32
      %mul3A_1029 = arith.muli %scan3A_576, %mul3A_1028 : i32
      %add3A_1030 = arith.constant 0 : i32
      %add3A_1031 = arith.addi %mul3A_1029, %add3A_1030 : i32
      %get3A_1032 = arith.index_cast %add3A_1031 : i32 to index
      %get3A_1033 = arith.constant 3 : index
      %get3A_1034 = vector.load %arg6[%get3A_1032, %get3A_1033] : memref<256x8xi32, #tpu.memory_space<vmem>>, vector<1x1xi32>
      %get3A_1035 = vector.extract %get3A_1034[0, 0] : i32 from vector<1x1xi32>
      %mul3A_1036 = arith.constant 128 : i32
      %mul3A_1037 = arith.muli %get3A_1035, %mul3A_1036 : i32
      %multiple_of3A_1038 = tpu.assume_multiple %mul3A_1037, 128 : i32
      %get3A_1039 = arith.index_cast %multiple_of3A : i32 to index
      %get3A_1040 = arith.index_cast %multiple_of3A_1038 : i32 to index
      %get3A_1041 = vector.load %arg5[%get3A_1039, %get3A_1040] : memref<256x10240xf32, #tpu.memory_space<vmem>>, vector<8x128xf32>
      %eq3A_1042 = arith.constant 0 : i32
      %eq3A_1043 = vector.broadcast %eq3A_1042 : i32 to vector<8x128xi32>
      %eq3A_1044 = arith.cmpi eq, %iota3A_317, %eq3A_1043 : vector<8x128xi32>
      %select_n3A_1045 = arith.select %eq3A_1044, %get3A_1041, %broadcast_in_dim3A_1027 : vector<8x128xi1>, vector<8x128xf32>
      %mul3A_1046 = arith.constant 8 : i32
      %mul3A_1047 = arith.muli %scan3A_576, %mul3A_1046 : i32
      %add3A_1048 = arith.constant 1 : i32
      %add3A_1049 = arith.addi %mul3A_1047, %add3A_1048 : i32
      %get3A_1050 = arith.index_cast %add3A_1049 : i32 to index
      %get3A_1051 = arith.constant 3 : index
      %get3A_1052 = vector.load %arg6[%get3A_1050, %get3A_1051] : memref<256x8xi32, #tpu.memory_space<vmem>>, vector<1x1xi32>
      %get3A_1053 = vector.extract %get3A_1052[0, 0] : i32 from vector<1x1xi32>
      %mul3A_1054 = arith.constant 128 : i32
      %mul3A_1055 = arith.muli %get3A_1053, %mul3A_1054 : i32
      %multiple_of3A_1056 = tpu.assume_multiple %mul3A_1055, 128 : i32
      %get3A_1057 = arith.index_cast %multiple_of3A : i32 to index
      %get3A_1058 = arith.index_cast %multiple_of3A_1056 : i32 to index
      %get3A_1059 = vector.load %arg5[%get3A_1057, %get3A_1058] : memref<256x10240xf32, #tpu.memory_space<vmem>>, vector<8x128xf32>
      %eq3A_1060 = arith.constant 1 : i32
      %eq3A_1061 = vector.broadcast %eq3A_1060 : i32 to vector<8x128xi32>
      %eq3A_1062 = arith.cmpi eq, %iota3A_317, %eq3A_1061 : vector<8x128xi32>
      %select_n3A_1063 = arith.select %eq3A_1062, %get3A_1059, %select_n3A_1045 : vector<8x128xi1>, vector<8x128xf32>
      %mul3A_1064 = arith.constant 8 : i32
      %mul3A_1065 = arith.muli %scan3A_576, %mul3A_1064 : i32
      %add3A_1066 = arith.constant 2 : i32
      %add3A_1067 = arith.addi %mul3A_1065, %add3A_1066 : i32
      %get3A_1068 = arith.index_cast %add3A_1067 : i32 to index
      %get3A_1069 = arith.constant 3 : index
      %get3A_1070 = vector.load %arg6[%get3A_1068, %get3A_1069] : memref<256x8xi32, #tpu.memory_space<vmem>>, vector<1x1xi32>
      %get3A_1071 = vector.extract %get3A_1070[0, 0] : i32 from vector<1x1xi32>
      %mul3A_1072 = arith.constant 128 : i32
      %mul3A_1073 = arith.muli %get3A_1071, %mul3A_1072 : i32
      %multiple_of3A_1074 = tpu.assume_multiple %mul3A_1073, 128 : i32
      %get3A_1075 = arith.index_cast %multiple_of3A : i32 to index
      %get3A_1076 = arith.index_cast %multiple_of3A_1074 : i32 to index
      %get3A_1077 = vector.load %arg5[%get3A_1075, %get3A_1076] : memref<256x10240xf32, #tpu.memory_space<vmem>>, vector<8x128xf32>
      %eq3A_1078 = arith.constant 2 : i32
      %eq3A_1079 = vector.broadcast %eq3A_1078 : i32 to vector<8x128xi32>
      %eq3A_1080 = arith.cmpi eq, %iota3A_317, %eq3A_1079 : vector<8x128xi32>
      %select_n3A_1081 = arith.select %eq3A_1080, %get3A_1077, %select_n3A_1063 : vector<8x128xi1>, vector<8x128xf32>
      %mul3A_1082 = arith.constant 8 : i32
      %mul3A_1083 = arith.muli %scan3A_576, %mul3A_1082 : i32
      %add3A_1084 = arith.constant 3 : i32
      %add3A_1085 = arith.addi %mul3A_1083, %add3A_1084 : i32
      %get3A_1086 = arith.index_cast %add3A_1085 : i32 to index
      %get3A_1087 = arith.constant 3 : index
      %get3A_1088 = vector.load %arg6[%get3A_1086, %get3A_1087] : memref<256x8xi32, #tpu.memory_space<vmem>>, vector<1x1xi32>
      %get3A_1089 = vector.extract %get3A_1088[0, 0] : i32 from vector<1x1xi32>
      %mul3A_1090 = arith.constant 128 : i32
      %mul3A_1091 = arith.muli %get3A_1089, %mul3A_1090 : i32
      %multiple_of3A_1092 = tpu.assume_multiple %mul3A_1091, 128 : i32
      %get3A_1093 = arith.index_cast %multiple_of3A : i32 to index
      %get3A_1094 = arith.index_cast %multiple_of3A_1092 : i32 to index
      %get3A_1095 = vector.load %arg5[%get3A_1093, %get3A_1094] : memref<256x10240xf32, #tpu.memory_space<vmem>>, vector<8x128xf32>
      %eq3A_1096 = arith.constant 3 : i32
      %eq3A_1097 = vector.broadcast %eq3A_1096 : i32 to vector<8x128xi32>
      %eq3A_1098 = arith.cmpi eq, %iota3A_317, %eq3A_1097 : vector<8x128xi32>
      %select_n3A_1099 = arith.select %eq3A_1098, %get3A_1095, %select_n3A_1081 : vector<8x128xi1>, vector<8x128xf32>
      %mul3A_1100 = arith.constant 8 : i32
      %mul3A_1101 = arith.muli %scan3A_576, %mul3A_1100 : i32
      %add3A_1102 = arith.constant 4 : i32
      %add3A_1103 = arith.addi %mul3A_1101, %add3A_1102 : i32
      %get3A_1104 = arith.index_cast %add3A_1103 : i32 to index
      %get3A_1105 = arith.constant 3 : index
      %get3A_1106 = vector.load %arg6[%get3A_1104, %get3A_1105] : memref<256x8xi32, #tpu.memory_space<vmem>>, vector<1x1xi32>
      %get3A_1107 = vector.extract %get3A_1106[0, 0] : i32 from vector<1x1xi32>
      %mul3A_1108 = arith.constant 128 : i32
      %mul3A_1109 = arith.muli %get3A_1107, %mul3A_1108 : i32
      %multiple_of3A_1110 = tpu.assume_multiple %mul3A_1109, 128 : i32
      %get3A_1111 = arith.index_cast %multiple_of3A : i32 to index
      %get3A_1112 = arith.index_cast %multiple_of3A_1110 : i32 to index
      %get3A_1113 = vector.load %arg5[%get3A_1111, %get3A_1112] : memref<256x10240xf32, #tpu.memory_space<vmem>>, vector<8x128xf32>
      %eq3A_1114 = arith.constant 4 : i32
      %eq3A_1115 = vector.broadcast %eq3A_1114 : i32 to vector<8x128xi32>
      %eq3A_1116 = arith.cmpi eq, %iota3A_317, %eq3A_1115 : vector<8x128xi32>
      %select_n3A_1117 = arith.select %eq3A_1116, %get3A_1113, %select_n3A_1099 : vector<8x128xi1>, vector<8x128xf32>
      %mul3A_1118 = arith.constant 8 : i32
      %mul3A_1119 = arith.muli %scan3A_576, %mul3A_1118 : i32
      %add3A_1120 = arith.constant 5 : i32
      %add3A_1121 = arith.addi %mul3A_1119, %add3A_1120 : i32
      %get3A_1122 = arith.index_cast %add3A_1121 : i32 to index
      %get3A_1123 = arith.constant 3 : index
      %get3A_1124 = vector.load %arg6[%get3A_1122, %get3A_1123] : memref<256x8xi32, #tpu.memory_space<vmem>>, vector<1x1xi32>
      %get3A_1125 = vector.extract %get3A_1124[0, 0] : i32 from vector<1x1xi32>
      %mul3A_1126 = arith.constant 128 : i32
      %mul3A_1127 = arith.muli %get3A_1125, %mul3A_1126 : i32
      %multiple_of3A_1128 = tpu.assume_multiple %mul3A_1127, 128 : i32
      %get3A_1129 = arith.index_cast %multiple_of3A : i32 to index
      %get3A_1130 = arith.index_cast %multiple_of3A_1128 : i32 to index
      %get3A_1131 = vector.load %arg5[%get3A_1129, %get3A_1130] : memref<256x10240xf32, #tpu.memory_space<vmem>>, vector<8x128xf32>
      %eq3A_1132 = arith.constant 5 : i32
      %eq3A_1133 = vector.broadcast %eq3A_1132 : i32 to vector<8x128xi32>
      %eq3A_1134 = arith.cmpi eq, %iota3A_317, %eq3A_1133 : vector<8x128xi32>
      %select_n3A_1135 = arith.select %eq3A_1134, %get3A_1131, %select_n3A_1117 : vector<8x128xi1>, vector<8x128xf32>
      %mul3A_1136 = arith.constant 8 : i32
      %mul3A_1137 = arith.muli %scan3A_576, %mul3A_1136 : i32
      %add3A_1138 = arith.constant 6 : i32
      %add3A_1139 = arith.addi %mul3A_1137, %add3A_1138 : i32
      %get3A_1140 = arith.index_cast %add3A_1139 : i32 to index
      %get3A_1141 = arith.constant 3 : index
      %get3A_1142 = vector.load %arg6[%get3A_1140, %get3A_1141] : memref<256x8xi32, #tpu.memory_space<vmem>>, vector<1x1xi32>
      %get3A_1143 = vector.extract %get3A_1142[0, 0] : i32 from vector<1x1xi32>
      %mul3A_1144 = arith.constant 128 : i32
      %mul3A_1145 = arith.muli %get3A_1143, %mul3A_1144 : i32
      %multiple_of3A_1146 = tpu.assume_multiple %mul3A_1145, 128 : i32
      %get3A_1147 = arith.index_cast %multiple_of3A : i32 to index
      %get3A_1148 = arith.index_cast %multiple_of3A_1146 : i32 to index
      %get3A_1149 = vector.load %arg5[%get3A_1147, %get3A_1148] : memref<256x10240xf32, #tpu.memory_space<vmem>>, vector<8x128xf32>
      %eq3A_1150 = arith.constant 6 : i32
      %eq3A_1151 = vector.broadcast %eq3A_1150 : i32 to vector<8x128xi32>
      %eq3A_1152 = arith.cmpi eq, %iota3A_317, %eq3A_1151 : vector<8x128xi32>
      %select_n3A_1153 = arith.select %eq3A_1152, %get3A_1149, %select_n3A_1135 : vector<8x128xi1>, vector<8x128xf32>
      %mul3A_1154 = arith.constant 8 : i32
      %mul3A_1155 = arith.muli %scan3A_576, %mul3A_1154 : i32
      %add3A_1156 = arith.constant 7 : i32
      %add3A_1157 = arith.addi %mul3A_1155, %add3A_1156 : i32
      %get3A_1158 = arith.index_cast %add3A_1157 : i32 to index
      %get3A_1159 = arith.constant 3 : index
      %get3A_1160 = vector.load %arg6[%get3A_1158, %get3A_1159] : memref<256x8xi32, #tpu.memory_space<vmem>>, vector<1x1xi32>
      %get3A_1161 = vector.extract %get3A_1160[0, 0] : i32 from vector<1x1xi32>
      %mul3A_1162 = arith.constant 128 : i32
      %mul3A_1163 = arith.muli %get3A_1161, %mul3A_1162 : i32
      %multiple_of3A_1164 = tpu.assume_multiple %mul3A_1163, 128 : i32
      %get3A_1165 = arith.index_cast %multiple_of3A : i32 to index
      %get3A_1166 = arith.index_cast %multiple_of3A_1164 : i32 to index
      %get3A_1167 = vector.load %arg5[%get3A_1165, %get3A_1166] : memref<256x10240xf32, #tpu.memory_space<vmem>>, vector<8x128xf32>
      %eq3A_1168 = arith.constant 7 : i32
      %eq3A_1169 = vector.broadcast %eq3A_1168 : i32 to vector<8x128xi32>
      %eq3A_1170 = arith.cmpi eq, %iota3A_317, %eq3A_1169 : vector<8x128xi32>
      %select_n3A_1171 = arith.select %eq3A_1170, %get3A_1167, %select_n3A_1153 : vector<8x128xi1>, vector<8x128xf32>
      %swap3A_1172 = arith.index_cast %multiple_of3A : i32 to index
      %swap3A_1173 = arith.constant 384 : index
      %swap3A_1174 = vector.load %arg7[%swap3A_1172, %swap3A_1173] : memref<256x1024xf32, #tpu.memory_space<vmem>>, vector<8x128xf32>
      tpu.vector_store %arg7[%swap3A_1172, %swap3A_1173], %select_n3A_1171 {strides = array<i32>} : memref<256x1024xf32, #tpu.memory_space<vmem>>, vector<8x128xf32>,
      %broadcast_in_dim3A_1175 = arith.constant 0.000000e+00 : f32
      %broadcast_in_dim3A_1176 = vector.broadcast %broadcast_in_dim3A_1175 : f32 to vector<8x128xf32>
      %mul3A_1177 = arith.constant 8 : i32
      %mul3A_1178 = arith.muli %scan3A_576, %mul3A_1177 : i32
      %add3A_1179 = arith.constant 0 : i32
      %add3A_1180 = arith.addi %mul3A_1178, %add3A_1179 : i32
      %get3A_1181 = arith.index_cast %add3A_1180 : i32 to index
      %get3A_1182 = arith.constant 4 : index
      %get3A_1183 = vector.load %arg6[%get3A_1181, %get3A_1182] : memref<256x8xi32, #tpu.memory_space<vmem>>, vector<1x1xi32>
      %get3A_1184 = vector.extract %get3A_1183[0, 0] : i32 from vector<1x1xi32>
      %mul3A_1185 = arith.constant 128 : i32
      %mul3A_1186 = arith.muli %get3A_1184, %mul3A_1185 : i32
      %multiple_of3A_1187 = tpu.assume_multiple %mul3A_1186, 128 : i32
      %get3A_1188 = arith.index_cast %multiple_of3A : i32 to index
      %get3A_1189 = arith.index_cast %multiple_of3A_1187 : i32 to index
      %get3A_1190 = vector.load %arg5[%get3A_1188, %get3A_1189] : memref<256x10240xf32, #tpu.memory_space<vmem>>, vector<8x128xf32>
      %eq3A_1191 = arith.constant 0 : i32
      %eq3A_1192 = vector.broadcast %eq3A_1191 : i32 to vector<8x128xi32>
      %eq3A_1193 = arith.cmpi eq, %iota3A_317, %eq3A_1192 : vector<8x128xi32>
      %select_n3A_1194 = arith.select %eq3A_1193, %get3A_1190, %broadcast_in_dim3A_1176 : vector<8x128xi1>, vector<8x128xf32>
      %mul3A_1195 = arith.constant 8 : i32
      %mul3A_1196 = arith.muli %scan3A_576, %mul3A_1195 : i32
      %add3A_1197 = arith.constant 1 : i32
      %add3A_1198 = arith.addi %mul3A_1196, %add3A_1197 : i32
      %get3A_1199 = arith.index_cast %add3A_1198 : i32 to index
      %get3A_1200 = arith.constant 4 : index
      %get3A_1201 = vector.load %arg6[%get3A_1199, %get3A_1200] : memref<256x8xi32, #tpu.memory_space<vmem>>, vector<1x1xi32>
      %get3A_1202 = vector.extract %get3A_1201[0, 0] : i32 from vector<1x1xi32>
      %mul3A_1203 = arith.constant 128 : i32
      %mul3A_1204 = arith.muli %get3A_1202, %mul3A_1203 : i32
      %multiple_of3A_1205 = tpu.assume_multiple %mul3A_1204, 128 : i32
      %get3A_1206 = arith.index_cast %multiple_of3A : i32 to index
      %get3A_1207 = arith.index_cast %multiple_of3A_1205 : i32 to index
      %get3A_1208 = vector.load %arg5[%get3A_1206, %get3A_1207] : memref<256x10240xf32, #tpu.memory_space<vmem>>, vector<8x128xf32>
      %eq3A_1209 = arith.constant 1 : i32
      %eq3A_1210 = vector.broadcast %eq3A_1209 : i32 to vector<8x128xi32>
      %eq3A_1211 = arith.cmpi eq, %iota3A_317, %eq3A_1210 : vector<8x128xi32>
      %select_n3A_1212 = arith.select %eq3A_1211, %get3A_1208, %select_n3A_1194 : vector<8x128xi1>, vector<8x128xf32>
      %mul3A_1213 = arith.constant 8 : i32
      %mul3A_1214 = arith.muli %scan3A_576, %mul3A_1213 : i32
      %add3A_1215 = arith.constant 2 : i32
      %add3A_1216 = arith.addi %mul3A_1214, %add3A_1215 : i32
      %get3A_1217 = arith.index_cast %add3A_1216 : i32 to index
      %get3A_1218 = arith.constant 4 : index
      %get3A_1219 = vector.load %arg6[%get3A_1217, %get3A_1218] : memref<256x8xi32, #tpu.memory_space<vmem>>, vector<1x1xi32>
      %get3A_1220 = vector.extract %get3A_1219[0, 0] : i32 from vector<1x1xi32>
      %mul3A_1221 = arith.constant 128 : i32
      %mul3A_1222 = arith.muli %get3A_1220, %mul3A_1221 : i32
      %multiple_of3A_1223 = tpu.assume_multiple %mul3A_1222, 128 : i32
      %get3A_1224 = arith.index_cast %multiple_of3A : i32 to index
      %get3A_1225 = arith.index_cast %multiple_of3A_1223 : i32 to index
      %get3A_1226 = vector.load %arg5[%get3A_1224, %get3A_1225] : memref<256x10240xf32, #tpu.memory_space<vmem>>, vector<8x128xf32>
      %eq3A_1227 = arith.constant 2 : i32
      %eq3A_1228 = vector.broadcast %eq3A_1227 : i32 to vector<8x128xi32>
      %eq3A_1229 = arith.cmpi eq, %iota3A_317, %eq3A_1228 : vector<8x128xi32>
      %select_n3A_1230 = arith.select %eq3A_1229, %get3A_1226, %select_n3A_1212 : vector<8x128xi1>, vector<8x128xf32>
      %mul3A_1231 = arith.constant 8 : i32
      %mul3A_1232 = arith.muli %scan3A_576, %mul3A_1231 : i32
      %add3A_1233 = arith.constant 3 : i32
      %add3A_1234 = arith.addi %mul3A_1232, %add3A_1233 : i32
      %get3A_1235 = arith.index_cast %add3A_1234 : i32 to index
      %get3A_1236 = arith.constant 4 : index
      %get3A_1237 = vector.load %arg6[%get3A_1235, %get3A_1236] : memref<256x8xi32, #tpu.memory_space<vmem>>, vector<1x1xi32>
      %get3A_1238 = vector.extract %get3A_1237[0, 0] : i32 from vector<1x1xi32>
      %mul3A_1239 = arith.constant 128 : i32
      %mul3A_1240 = arith.muli %get3A_1238, %mul3A_1239 : i32
      %multiple_of3A_1241 = tpu.assume_multiple %mul3A_1240, 128 : i32
      %get3A_1242 = arith.index_cast %multiple_of3A : i32 to index
      %get3A_1243 = arith.index_cast %multiple_of3A_1241 : i32 to index
      %get3A_1244 = vector.load %arg5[%get3A_1242, %get3A_1243] : memref<256x10240xf32, #tpu.memory_space<vmem>>, vector<8x128xf32>
      %eq3A_1245 = arith.constant 3 : i32
      %eq3A_1246 = vector.broadcast %eq3A_1245 : i32 to vector<8x128xi32>
      %eq3A_1247 = arith.cmpi eq, %iota3A_317, %eq3A_1246 : vector<8x128xi32>
      %select_n3A_1248 = arith.select %eq3A_1247, %get3A_1244, %select_n3A_1230 : vector<8x128xi1>, vector<8x128xf32>
      %mul3A_1249 = arith.constant 8 : i32
      %mul3A_1250 = arith.muli %scan3A_576, %mul3A_1249 : i32
      %add3A_1251 = arith.constant 4 : i32
      %add3A_1252 = arith.addi %mul3A_1250, %add3A_1251 : i32
      %get3A_1253 = arith.index_cast %add3A_1252 : i32 to index
      %get3A_1254 = arith.constant 4 : index
      %get3A_1255 = vector.load %arg6[%get3A_1253, %get3A_1254] : memref<256x8xi32, #tpu.memory_space<vmem>>, vector<1x1xi32>
      %get3A_1256 = vector.extract %get3A_1255[0, 0] : i32 from vector<1x1xi32>
      %mul3A_1257 = arith.constant 128 : i32
      %mul3A_1258 = arith.muli %get3A_1256, %mul3A_1257 : i32
      %multiple_of3A_1259 = tpu.assume_multiple %mul3A_1258, 128 : i32
      %get3A_1260 = arith.index_cast %multiple_of3A : i32 to index
      %get3A_1261 = arith.index_cast %multiple_of3A_1259 : i32 to index
      %get3A_1262 = vector.load %arg5[%get3A_1260, %get3A_1261] : memref<256x10240xf32, #tpu.memory_space<vmem>>, vector<8x128xf32>
      %eq3A_1263 = arith.constant 4 : i32
      %eq3A_1264 = vector.broadcast %eq3A_1263 : i32 to vector<8x128xi32>
      %eq3A_1265 = arith.cmpi eq, %iota3A_317, %eq3A_1264 : vector<8x128xi32>
      %select_n3A_1266 = arith.select %eq3A_1265, %get3A_1262, %select_n3A_1248 : vector<8x128xi1>, vector<8x128xf32>
      %mul3A_1267 = arith.constant 8 : i32
      %mul3A_1268 = arith.muli %scan3A_576, %mul3A_1267 : i32
      %add3A_1269 = arith.constant 5 : i32
      %add3A_1270 = arith.addi %mul3A_1268, %add3A_1269 : i32
      %get3A_1271 = arith.index_cast %add3A_1270 : i32 to index
      %get3A_1272 = arith.constant 4 : index
      %get3A_1273 = vector.load %arg6[%get3A_1271, %get3A_1272] : memref<256x8xi32, #tpu.memory_space<vmem>>, vector<1x1xi32>
      %get3A_1274 = vector.extract %get3A_1273[0, 0] : i32 from vector<1x1xi32>
      %mul3A_1275 = arith.constant 128 : i32
      %mul3A_1276 = arith.muli %get3A_1274, %mul3A_1275 : i32
      %multiple_of3A_1277 = tpu.assume_multiple %mul3A_1276, 128 : i32
      %get3A_1278 = arith.index_cast %multiple_of3A : i32 to index
      %get3A_1279 = arith.index_cast %multiple_of3A_1277 : i32 to index
      %get3A_1280 = vector.load %arg5[%get3A_1278, %get3A_1279] : memref<256x10240xf32, #tpu.memory_space<vmem>>, vector<8x128xf32>
      %eq3A_1281 = arith.constant 5 : i32
      %eq3A_1282 = vector.broadcast %eq3A_1281 : i32 to vector<8x128xi32>
      %eq3A_1283 = arith.cmpi eq, %iota3A_317, %eq3A_1282 : vector<8x128xi32>
      %select_n3A_1284 = arith.select %eq3A_1283, %get3A_1280, %select_n3A_1266 : vector<8x128xi1>, vector<8x128xf32>
      %mul3A_1285 = arith.constant 8 : i32
      %mul3A_1286 = arith.muli %scan3A_576, %mul3A_1285 : i32
      %add3A_1287 = arith.constant 6 : i32
      %add3A_1288 = arith.addi %mul3A_1286, %add3A_1287 : i32
      %get3A_1289 = arith.index_cast %add3A_1288 : i32 to index
      %get3A_1290 = arith.constant 4 : index
      %get3A_1291 = vector.load %arg6[%get3A_1289, %get3A_1290] : memref<256x8xi32, #tpu.memory_space<vmem>>, vector<1x1xi32>
      %get3A_1292 = vector.extract %get3A_1291[0, 0] : i32 from vector<1x1xi32>
      %mul3A_1293 = arith.constant 128 : i32
      %mul3A_1294 = arith.muli %get3A_1292, %mul3A_1293 : i32
      %multiple_of3A_1295 = tpu.assume_multiple %mul3A_1294, 128 : i32
      %get3A_1296 = arith.index_cast %multiple_of3A : i32 to index
      %get3A_1297 = arith.index_cast %multiple_of3A_1295 : i32 to index
      %get3A_1298 = vector.load %arg5[%get3A_1296, %get3A_1297] : memref<256x10240xf32, #tpu.memory_space<vmem>>, vector<8x128xf32>
      %eq3A_1299 = arith.constant 6 : i32
      %eq3A_1300 = vector.broadcast %eq3A_1299 : i32 to vector<8x128xi32>
      %eq3A_1301 = arith.cmpi eq, %iota3A_317, %eq3A_1300 : vector<8x128xi32>
      %select_n3A_1302 = arith.select %eq3A_1301, %get3A_1298, %select_n3A_1284 : vector<8x128xi1>, vector<8x128xf32>
      %mul3A_1303 = arith.constant 8 : i32
      %mul3A_1304 = arith.muli %scan3A_576, %mul3A_1303 : i32
      %add3A_1305 = arith.constant 7 : i32
      %add3A_1306 = arith.addi %mul3A_1304, %add3A_1305 : i32
      %get3A_1307 = arith.index_cast %add3A_1306 : i32 to index
      %get3A_1308 = arith.constant 4 : index
      %get3A_1309 = vector.load %arg6[%get3A_1307, %get3A_1308] : memref<256x8xi32, #tpu.memory_space<vmem>>, vector<1x1xi32>
      %get3A_1310 = vector.extract %get3A_1309[0, 0] : i32 from vector<1x1xi32>
      %mul3A_1311 = arith.constant 128 : i32
      %mul3A_1312 = arith.muli %get3A_1310, %mul3A_1311 : i32
      %multiple_of3A_1313 = tpu.assume_multiple %mul3A_1312, 128 : i32
      %get3A_1314 = arith.index_cast %multiple_of3A : i32 to index
      %get3A_1315 = arith.index_cast %multiple_of3A_1313 : i32 to index
      %get3A_1316 = vector.load %arg5[%get3A_1314, %get3A_1315] : memref<256x10240xf32, #tpu.memory_space<vmem>>, vector<8x128xf32>
      %eq3A_1317 = arith.constant 7 : i32
      %eq3A_1318 = vector.broadcast %eq3A_1317 : i32 to vector<8x128xi32>
      %eq3A_1319 = arith.cmpi eq, %iota3A_317, %eq3A_1318 : vector<8x128xi32>
      %select_n3A_1320 = arith.select %eq3A_1319, %get3A_1316, %select_n3A_1302 : vector<8x128xi1>, vector<8x128xf32>
      %swap3A_1321 = arith.index_cast %multiple_of3A : i32 to index
      %swap3A_1322 = arith.constant 512 : index
      %swap3A_1323 = vector.load %arg7[%swap3A_1321, %swap3A_1322] : memref<256x1024xf32, #tpu.memory_space<vmem>>, vector<8x128xf32>
      tpu.vector_store %arg7[%swap3A_1321, %swap3A_1322], %select_n3A_1320 {strides = array<i32>} : memref<256x1024xf32, #tpu.memory_space<vmem>>, vector<8x128xf32>,
      %broadcast_in_dim3A_1324 = arith.constant 0.000000e+00 : f32
      %broadcast_in_dim3A_1325 = vector.broadcast %broadcast_in_dim3A_1324 : f32 to vector<8x128xf32>
      %mul3A_1326 = arith.constant 8 : i32
      %mul3A_1327 = arith.muli %scan3A_576, %mul3A_1326 : i32
      %add3A_1328 = arith.constant 0 : i32
      %add3A_1329 = arith.addi %mul3A_1327, %add3A_1328 : i32
      %get3A_1330 = arith.index_cast %add3A_1329 : i32 to index
      %get3A_1331 = arith.constant 5 : index
      %get3A_1332 = vector.load %arg6[%get3A_1330, %get3A_1331] : memref<256x8xi32, #tpu.memory_space<vmem>>, vector<1x1xi32>
      %get3A_1333 = vector.extract %get3A_1332[0, 0] : i32 from vector<1x1xi32>
      %mul3A_1334 = arith.constant 128 : i32
      %mul3A_1335 = arith.muli %get3A_1333, %mul3A_1334 : i32
      %multiple_of3A_1336 = tpu.assume_multiple %mul3A_1335, 128 : i32
      %get3A_1337 = arith.index_cast %multiple_of3A : i32 to index
      %get3A_1338 = arith.index_cast %multiple_of3A_1336 : i32 to index
      %get3A_1339 = vector.load %arg5[%get3A_1337, %get3A_1338] : memref<256x10240xf32, #tpu.memory_space<vmem>>, vector<8x128xf32>
      %eq3A_1340 = arith.constant 0 : i32
      %eq3A_1341 = vector.broadcast %eq3A_1340 : i32 to vector<8x128xi32>
      %eq3A_1342 = arith.cmpi eq, %iota3A_317, %eq3A_1341 : vector<8x128xi32>
      %select_n3A_1343 = arith.select %eq3A_1342, %get3A_1339, %broadcast_in_dim3A_1325 : vector<8x128xi1>, vector<8x128xf32>
      %mul3A_1344 = arith.constant 8 : i32
      %mul3A_1345 = arith.muli %scan3A_576, %mul3A_1344 : i32
      %add3A_1346 = arith.constant 1 : i32
      %add3A_1347 = arith.addi %mul3A_1345, %add3A_1346 : i32
      %get3A_1348 = arith.index_cast %add3A_1347 : i32 to index
      %get3A_1349 = arith.constant 5 : index
      %get3A_1350 = vector.load %arg6[%get3A_1348, %get3A_1349] : memref<256x8xi32, #tpu.memory_space<vmem>>, vector<1x1xi32>
      %get3A_1351 = vector.extract %get3A_1350[0, 0] : i32 from vector<1x1xi32>
      %mul3A_1352 = arith.constant 128 : i32
      %mul3A_1353 = arith.muli %get3A_1351, %mul3A_1352 : i32
      %multiple_of3A_1354 = tpu.assume_multiple %mul3A_1353, 128 : i32
      %get3A_1355 = arith.index_cast %multiple_of3A : i32 to index
      %get3A_1356 = arith.index_cast %multiple_of3A_1354 : i32 to index
      %get3A_1357 = vector.load %arg5[%get3A_1355, %get3A_1356] : memref<256x10240xf32, #tpu.memory_space<vmem>>, vector<8x128xf32>
      %eq3A_1358 = arith.constant 1 : i32
      %eq3A_1359 = vector.broadcast %eq3A_1358 : i32 to vector<8x128xi32>
      %eq3A_1360 = arith.cmpi eq, %iota3A_317, %eq3A_1359 : vector<8x128xi32>
      %select_n3A_1361 = arith.select %eq3A_1360, %get3A_1357, %select_n3A_1343 : vector<8x128xi1>, vector<8x128xf32>
      %mul3A_1362 = arith.constant 8 : i32
      %mul3A_1363 = arith.muli %scan3A_576, %mul3A_1362 : i32
      %add3A_1364 = arith.constant 2 : i32
      %add3A_1365 = arith.addi %mul3A_1363, %add3A_1364 : i32
      %get3A_1366 = arith.index_cast %add3A_1365 : i32 to index
      %get3A_1367 = arith.constant 5 : index
      %get3A_1368 = vector.load %arg6[%get3A_1366, %get3A_1367] : memref<256x8xi32, #tpu.memory_space<vmem>>, vector<1x1xi32>
      %get3A_1369 = vector.extract %get3A_1368[0, 0] : i32 from vector<1x1xi32>
      %mul3A_1370 = arith.constant 128 : i32
      %mul3A_1371 = arith.muli %get3A_1369, %mul3A_1370 : i32
      %multiple_of3A_1372 = tpu.assume_multiple %mul3A_1371, 128 : i32
      %get3A_1373 = arith.index_cast %multiple_of3A : i32 to index
      %get3A_1374 = arith.index_cast %multiple_of3A_1372 : i32 to index
      %get3A_1375 = vector.load %arg5[%get3A_1373, %get3A_1374] : memref<256x10240xf32, #tpu.memory_space<vmem>>, vector<8x128xf32>
      %eq3A_1376 = arith.constant 2 : i32
      %eq3A_1377 = vector.broadcast %eq3A_1376 : i32 to vector<8x128xi32>
      %eq3A_1378 = arith.cmpi eq, %iota3A_317, %eq3A_1377 : vector<8x128xi32>
      %select_n3A_1379 = arith.select %eq3A_1378, %get3A_1375, %select_n3A_1361 : vector<8x128xi1>, vector<8x128xf32>
      %mul3A_1380 = arith.constant 8 : i32
      %mul3A_1381 = arith.muli %scan3A_576, %mul3A_1380 : i32
      %add3A_1382 = arith.constant 3 : i32
      %add3A_1383 = arith.addi %mul3A_1381, %add3A_1382 : i32
      %get3A_1384 = arith.index_cast %add3A_1383 : i32 to index
      %get3A_1385 = arith.constant 5 : index
      %get3A_1386 = vector.load %arg6[%get3A_1384, %get3A_1385] : memref<256x8xi32, #tpu.memory_space<vmem>>, vector<1x1xi32>
      %get3A_1387 = vector.extract %get3A_1386[0, 0] : i32 from vector<1x1xi32>
      %mul3A_1388 = arith.constant 128 : i32
      %mul3A_1389 = arith.muli %get3A_1387, %mul3A_1388 : i32
      %multiple_of3A_1390 = tpu.assume_multiple %mul3A_1389, 128 : i32
      %get3A_1391 = arith.index_cast %multiple_of3A : i32 to index
      %get3A_1392 = arith.index_cast %multiple_of3A_1390 : i32 to index
      %get3A_1393 = vector.load %arg5[%get3A_1391, %get3A_1392] : memref<256x10240xf32, #tpu.memory_space<vmem>>, vector<8x128xf32>
      %eq3A_1394 = arith.constant 3 : i32
      %eq3A_1395 = vector.broadcast %eq3A_1394 : i32 to vector<8x128xi32>
      %eq3A_1396 = arith.cmpi eq, %iota3A_317, %eq3A_1395 : vector<8x128xi32>
      %select_n3A_1397 = arith.select %eq3A_1396, %get3A_1393, %select_n3A_1379 : vector<8x128xi1>, vector<8x128xf32>
      %mul3A_1398 = arith.constant 8 : i32
      %mul3A_1399 = arith.muli %scan3A_576, %mul3A_1398 : i32
      %add3A_1400 = arith.constant 4 : i32
      %add3A_1401 = arith.addi %mul3A_1399, %add3A_1400 : i32
      %get3A_1402 = arith.index_cast %add3A_1401 : i32 to index
      %get3A_1403 = arith.constant 5 : index
      %get3A_1404 = vector.load %arg6[%get3A_1402, %get3A_1403] : memref<256x8xi32, #tpu.memory_space<vmem>>, vector<1x1xi32>
      %get3A_1405 = vector.extract %get3A_1404[0, 0] : i32 from vector<1x1xi32>
      %mul3A_1406 = arith.constant 128 : i32
      %mul3A_1407 = arith.muli %get3A_1405, %mul3A_1406 : i32
      %multiple_of3A_1408 = tpu.assume_multiple %mul3A_1407, 128 : i32
      %get3A_1409 = arith.index_cast %multiple_of3A : i32 to index
      %get3A_1410 = arith.index_cast %multiple_of3A_1408 : i32 to index
      %get3A_1411 = vector.load %arg5[%get3A_1409, %get3A_1410] : memref<256x10240xf32, #tpu.memory_space<vmem>>, vector<8x128xf32>
      %eq3A_1412 = arith.constant 4 : i32
      %eq3A_1413 = vector.broadcast %eq3A_1412 : i32 to vector<8x128xi32>
      %eq3A_1414 = arith.cmpi eq, %iota3A_317, %eq3A_1413 : vector<8x128xi32>
      %select_n3A_1415 = arith.select %eq3A_1414, %get3A_1411, %select_n3A_1397 : vector<8x128xi1>, vector<8x128xf32>
      %mul3A_1416 = arith.constant 8 : i32
      %mul3A_1417 = arith.muli %scan3A_576, %mul3A_1416 : i32
      %add3A_1418 = arith.constant 5 : i32
      %add3A_1419 = arith.addi %mul3A_1417, %add3A_1418 : i32
      %get3A_1420 = arith.index_cast %add3A_1419 : i32 to index
      %get3A_1421 = arith.constant 5 : index
      %get3A_1422 = vector.load %arg6[%get3A_1420, %get3A_1421] : memref<256x8xi32, #tpu.memory_space<vmem>>, vector<1x1xi32>
      %get3A_1423 = vector.extract %get3A_1422[0, 0] : i32 from vector<1x1xi32>
      %mul3A_1424 = arith.constant 128 : i32
      %mul3A_1425 = arith.muli %get3A_1423, %mul3A_1424 : i32
      %multiple_of3A_1426 = tpu.assume_multiple %mul3A_1425, 128 : i32
      %get3A_1427 = arith.index_cast %multiple_of3A : i32 to index
      %get3A_1428 = arith.index_cast %multiple_of3A_1426 : i32 to index
      %get3A_1429 = vector.load %arg5[%get3A_1427, %get3A_1428] : memref<256x10240xf32, #tpu.memory_space<vmem>>, vector<8x128xf32>
      %eq3A_1430 = arith.constant 5 : i32
      %eq3A_1431 = vector.broadcast %eq3A_1430 : i32 to vector<8x128xi32>
      %eq3A_1432 = arith.cmpi eq, %iota3A_317, %eq3A_1431 : vector<8x128xi32>
      %select_n3A_1433 = arith.select %eq3A_1432, %get3A_1429, %select_n3A_1415 : vector<8x128xi1>, vector<8x128xf32>
      %mul3A_1434 = arith.constant 8 : i32
      %mul3A_1435 = arith.muli %scan3A_576, %mul3A_1434 : i32
      %add3A_1436 = arith.constant 6 : i32
      %add3A_1437 = arith.addi %mul3A_1435, %add3A_1436 : i32
      %get3A_1438 = arith.index_cast %add3A_1437 : i32 to index
      %get3A_1439 = arith.constant 5 : index
      %get3A_1440 = vector.load %arg6[%get3A_1438, %get3A_1439] : memref<256x8xi32, #tpu.memory_space<vmem>>, vector<1x1xi32>
      %get3A_1441 = vector.extract %get3A_1440[0, 0] : i32 from vector<1x1xi32>
      %mul3A_1442 = arith.constant 128 : i32
      %mul3A_1443 = arith.muli %get3A_1441, %mul3A_1442 : i32
      %multiple_of3A_1444 = tpu.assume_multiple %mul3A_1443, 128 : i32
      %get3A_1445 = arith.index_cast %multiple_of3A : i32 to index
      %get3A_1446 = arith.index_cast %multiple_of3A_1444 : i32 to index
      %get3A_1447 = vector.load %arg5[%get3A_1445, %get3A_1446] : memref<256x10240xf32, #tpu.memory_space<vmem>>, vector<8x128xf32>
      %eq3A_1448 = arith.constant 6 : i32
      %eq3A_1449 = vector.broadcast %eq3A_1448 : i32 to vector<8x128xi32>
      %eq3A_1450 = arith.cmpi eq, %iota3A_317, %eq3A_1449 : vector<8x128xi32>
      %select_n3A_1451 = arith.select %eq3A_1450, %get3A_1447, %select_n3A_1433 : vector<8x128xi1>, vector<8x128xf32>
      %mul3A_1452 = arith.constant 8 : i32
      %mul3A_1453 = arith.muli %scan3A_576, %mul3A_1452 : i32
      %add3A_1454 = arith.constant 7 : i32
      %add3A_1455 = arith.addi %mul3A_1453, %add3A_1454 : i32
      %get3A_1456 = arith.index_cast %add3A_1455 : i32 to index
      %get3A_1457 = arith.constant 5 : index
      %get3A_1458 = vector.load %arg6[%get3A_1456, %get3A_1457] : memref<256x8xi32, #tpu.memory_space<vmem>>, vector<1x1xi32>
      %get3A_1459 = vector.extract %get3A_1458[0, 0] : i32 from vector<1x1xi32>
      %mul3A_1460 = arith.constant 128 : i32
      %mul3A_1461 = arith.muli %get3A_1459, %mul3A_1460 : i32
      %multiple_of3A_1462 = tpu.assume_multiple %mul3A_1461, 128 : i32
      %get3A_1463 = arith.index_cast %multiple_of3A : i32 to index
      %get3A_1464 = arith.index_cast %multiple_of3A_1462 : i32 to index
      %get3A_1465 = vector.load %arg5[%get3A_1463, %get3A_1464] : memref<256x10240xf32, #tpu.memory_space<vmem>>, vector<8x128xf32>
      %eq3A_1466 = arith.constant 7 : i32
      %eq3A_1467 = vector.broadcast %eq3A_1466 : i32 to vector<8x128xi32>
      %eq3A_1468 = arith.cmpi eq, %iota3A_317, %eq3A_1467 : vector<8x128xi32>
      %select_n3A_1469 = arith.select %eq3A_1468, %get3A_1465, %select_n3A_1451 : vector<8x128xi1>, vector<8x128xf32>
      %swap3A_1470 = arith.index_cast %multiple_of3A : i32 to index
      %swap3A_1471 = arith.constant 640 : index
      %swap3A_1472 = vector.load %arg7[%swap3A_1470, %swap3A_1471] : memref<256x1024xf32, #tpu.memory_space<vmem>>, vector<8x128xf32>
      tpu.vector_store %arg7[%swap3A_1470, %swap3A_1471], %select_n3A_1469 {strides = array<i32>} : memref<256x1024xf32, #tpu.memory_space<vmem>>, vector<8x128xf32>,
      %broadcast_in_dim3A_1473 = arith.constant 0.000000e+00 : f32
      %broadcast_in_dim3A_1474 = vector.broadcast %broadcast_in_dim3A_1473 : f32 to vector<8x128xf32>
      %mul3A_1475 = arith.constant 8 : i32
      %mul3A_1476 = arith.muli %scan3A_576, %mul3A_1475 : i32
      %add3A_1477 = arith.constant 0 : i32
      %add3A_1478 = arith.addi %mul3A_1476, %add3A_1477 : i32
      %get3A_1479 = arith.index_cast %add3A_1478 : i32 to index
      %get3A_1480 = arith.constant 6 : index
      %get3A_1481 = vector.load %arg6[%get3A_1479, %get3A_1480] : memref<256x8xi32, #tpu.memory_space<vmem>>, vector<1x1xi32>
      %get3A_1482 = vector.extract %get3A_1481[0, 0] : i32 from vector<1x1xi32>
      %mul3A_1483 = arith.constant 128 : i32
      %mul3A_1484 = arith.muli %get3A_1482, %mul3A_1483 : i32
      %multiple_of3A_1485 = tpu.assume_multiple %mul3A_1484, 128 : i32
      %get3A_1486 = arith.index_cast %multiple_of3A : i32 to index
      %get3A_1487 = arith.index_cast %multiple_of3A_1485 : i32 to index
      %get3A_1488 = vector.load %arg5[%get3A_1486, %get3A_1487] : memref<256x10240xf32, #tpu.memory_space<vmem>>, vector<8x128xf32>
      %eq3A_1489 = arith.constant 0 : i32
      %eq3A_1490 = vector.broadcast %eq3A_1489 : i32 to vector<8x128xi32>
      %eq3A_1491 = arith.cmpi eq, %iota3A_317, %eq3A_1490 : vector<8x128xi32>
      %select_n3A_1492 = arith.select %eq3A_1491, %get3A_1488, %broadcast_in_dim3A_1474 : vector<8x128xi1>, vector<8x128xf32>
      %mul3A_1493 = arith.constant 8 : i32
      %mul3A_1494 = arith.muli %scan3A_576, %mul3A_1493 : i32
      %add3A_1495 = arith.constant 1 : i32
      %add3A_1496 = arith.addi %mul3A_1494, %add3A_1495 : i32
      %get3A_1497 = arith.index_cast %add3A_1496 : i32 to index
      %get3A_1498 = arith.constant 6 : index
      %get3A_1499 = vector.load %arg6[%get3A_1497, %get3A_1498] : memref<256x8xi32, #tpu.memory_space<vmem>>, vector<1x1xi32>
      %get3A_1500 = vector.extract %get3A_1499[0, 0] : i32 from vector<1x1xi32>
      %mul3A_1501 = arith.constant 128 : i32
      %mul3A_1502 = arith.muli %get3A_1500, %mul3A_1501 : i32
      %multiple_of3A_1503 = tpu.assume_multiple %mul3A_1502, 128 : i32
      %get3A_1504 = arith.index_cast %multiple_of3A : i32 to index
      %get3A_1505 = arith.index_cast %multiple_of3A_1503 : i32 to index
      %get3A_1506 = vector.load %arg5[%get3A_1504, %get3A_1505] : memref<256x10240xf32, #tpu.memory_space<vmem>>, vector<8x128xf32>
      %eq3A_1507 = arith.constant 1 : i32
      %eq3A_1508 = vector.broadcast %eq3A_1507 : i32 to vector<8x128xi32>
      %eq3A_1509 = arith.cmpi eq, %iota3A_317, %eq3A_1508 : vector<8x128xi32>
      %select_n3A_1510 = arith.select %eq3A_1509, %get3A_1506, %select_n3A_1492 : vector<8x128xi1>, vector<8x128xf32>
      %mul3A_1511 = arith.constant 8 : i32
      %mul3A_1512 = arith.muli %scan3A_576, %mul3A_1511 : i32
      %add3A_1513 = arith.constant 2 : i32
      %add3A_1514 = arith.addi %mul3A_1512, %add3A_1513 : i32
      %get3A_1515 = arith.index_cast %add3A_1514 : i32 to index
      %get3A_1516 = arith.constant 6 : index
      %get3A_1517 = vector.load %arg6[%get3A_1515, %get3A_1516] : memref<256x8xi32, #tpu.memory_space<vmem>>, vector<1x1xi32>
      %get3A_1518 = vector.extract %get3A_1517[0, 0] : i32 from vector<1x1xi32>
      %mul3A_1519 = arith.constant 128 : i32
      %mul3A_1520 = arith.muli %get3A_1518, %mul3A_1519 : i32
      %multiple_of3A_1521 = tpu.assume_multiple %mul3A_1520, 128 : i32
      %get3A_1522 = arith.index_cast %multiple_of3A : i32 to index
      %get3A_1523 = arith.index_cast %multiple_of3A_1521 : i32 to index
      %get3A_1524 = vector.load %arg5[%get3A_1522, %get3A_1523] : memref<256x10240xf32, #tpu.memory_space<vmem>>, vector<8x128xf32>
      %eq3A_1525 = arith.constant 2 : i32
      %eq3A_1526 = vector.broadcast %eq3A_1525 : i32 to vector<8x128xi32>
      %eq3A_1527 = arith.cmpi eq, %iota3A_317, %eq3A_1526 : vector<8x128xi32>
      %select_n3A_1528 = arith.select %eq3A_1527, %get3A_1524, %select_n3A_1510 : vector<8x128xi1>, vector<8x128xf32>
      %mul3A_1529 = arith.constant 8 : i32
      %mul3A_1530 = arith.muli %scan3A_576, %mul3A_1529 : i32
      %add3A_1531 = arith.constant 3 : i32
      %add3A_1532 = arith.addi %mul3A_1530, %add3A_1531 : i32
      %get3A_1533 = arith.index_cast %add3A_1532 : i32 to index
      %get3A_1534 = arith.constant 6 : index
      %get3A_1535 = vector.load %arg6[%get3A_1533, %get3A_1534] : memref<256x8xi32, #tpu.memory_space<vmem>>, vector<1x1xi32>
      %get3A_1536 = vector.extract %get3A_1535[0, 0] : i32 from vector<1x1xi32>
      %mul3A_1537 = arith.constant 128 : i32
      %mul3A_1538 = arith.muli %get3A_1536, %mul3A_1537 : i32
      %multiple_of3A_1539 = tpu.assume_multiple %mul3A_1538, 128 : i32
      %get3A_1540 = arith.index_cast %multiple_of3A : i32 to index
      %get3A_1541 = arith.index_cast %multiple_of3A_1539 : i32 to index
      %get3A_1542 = vector.load %arg5[%get3A_1540, %get3A_1541] : memref<256x10240xf32, #tpu.memory_space<vmem>>, vector<8x128xf32>
      %eq3A_1543 = arith.constant 3 : i32
      %eq3A_1544 = vector.broadcast %eq3A_1543 : i32 to vector<8x128xi32>
      %eq3A_1545 = arith.cmpi eq, %iota3A_317, %eq3A_1544 : vector<8x128xi32>
      %select_n3A_1546 = arith.select %eq3A_1545, %get3A_1542, %select_n3A_1528 : vector<8x128xi1>, vector<8x128xf32>
      %mul3A_1547 = arith.constant 8 : i32
      %mul3A_1548 = arith.muli %scan3A_576, %mul3A_1547 : i32
      %add3A_1549 = arith.constant 4 : i32
      %add3A_1550 = arith.addi %mul3A_1548, %add3A_1549 : i32
      %get3A_1551 = arith.index_cast %add3A_1550 : i32 to index
      %get3A_1552 = arith.constant 6 : index
      %get3A_1553 = vector.load %arg6[%get3A_1551, %get3A_1552] : memref<256x8xi32, #tpu.memory_space<vmem>>, vector<1x1xi32>
      %get3A_1554 = vector.extract %get3A_1553[0, 0] : i32 from vector<1x1xi32>
      %mul3A_1555 = arith.constant 128 : i32
      %mul3A_1556 = arith.muli %get3A_1554, %mul3A_1555 : i32
      %multiple_of3A_1557 = tpu.assume_multiple %mul3A_1556, 128 : i32
      %get3A_1558 = arith.index_cast %multiple_of3A : i32 to index
      %get3A_1559 = arith.index_cast %multiple_of3A_1557 : i32 to index
      %get3A_1560 = vector.load %arg5[%get3A_1558, %get3A_1559] : memref<256x10240xf32, #tpu.memory_space<vmem>>, vector<8x128xf32>
      %eq3A_1561 = arith.constant 4 : i32
      %eq3A_1562 = vector.broadcast %eq3A_1561 : i32 to vector<8x128xi32>
      %eq3A_1563 = arith.cmpi eq, %iota3A_317, %eq3A_1562 : vector<8x128xi32>
      %select_n3A_1564 = arith.select %eq3A_1563, %get3A_1560, %select_n3A_1546 : vector<8x128xi1>, vector<8x128xf32>
      %mul3A_1565 = arith.constant 8 : i32
      %mul3A_1566 = arith.muli %scan3A_576, %mul3A_1565 : i32
      %add3A_1567 = arith.constant 5 : i32
      %add3A_1568 = arith.addi %mul3A_1566, %add3A_1567 : i32
      %get3A_1569 = arith.index_cast %add3A_1568 : i32 to index
      %get3A_1570 = arith.constant 6 : index
      %get3A_1571 = vector.load %arg6[%get3A_1569, %get3A_1570] : memref<256x8xi32, #tpu.memory_space<vmem>>, vector<1x1xi32>
      %get3A_1572 = vector.extract %get3A_1571[0, 0] : i32 from vector<1x1xi32>
      %mul3A_1573 = arith.constant 128 : i32
      %mul3A_1574 = arith.muli %get3A_1572, %mul3A_1573 : i32
      %multiple_of3A_1575 = tpu.assume_multiple %mul3A_1574, 128 : i32
      %get3A_1576 = arith.index_cast %multiple_of3A : i32 to index
      %get3A_1577 = arith.index_cast %multiple_of3A_1575 : i32 to index
      %get3A_1578 = vector.load %arg5[%get3A_1576, %get3A_1577] : memref<256x10240xf32, #tpu.memory_space<vmem>>, vector<8x128xf32>
      %eq3A_1579 = arith.constant 5 : i32
      %eq3A_1580 = vector.broadcast %eq3A_1579 : i32 to vector<8x128xi32>
      %eq3A_1581 = arith.cmpi eq, %iota3A_317, %eq3A_1580 : vector<8x128xi32>
      %select_n3A_1582 = arith.select %eq3A_1581, %get3A_1578, %select_n3A_1564 : vector<8x128xi1>, vector<8x128xf32>
      %mul3A_1583 = arith.constant 8 : i32
      %mul3A_1584 = arith.muli %scan3A_576, %mul3A_1583 : i32
      %add3A_1585 = arith.constant 6 : i32
      %add3A_1586 = arith.addi %mul3A_1584, %add3A_1585 : i32
      %get3A_1587 = arith.index_cast %add3A_1586 : i32 to index
      %get3A_1588 = arith.constant 6 : index
      %get3A_1589 = vector.load %arg6[%get3A_1587, %get3A_1588] : memref<256x8xi32, #tpu.memory_space<vmem>>, vector<1x1xi32>
      %get3A_1590 = vector.extract %get3A_1589[0, 0] : i32 from vector<1x1xi32>
      %mul3A_1591 = arith.constant 128 : i32
      %mul3A_1592 = arith.muli %get3A_1590, %mul3A_1591 : i32
      %multiple_of3A_1593 = tpu.assume_multiple %mul3A_1592, 128 : i32
      %get3A_1594 = arith.index_cast %multiple_of3A : i32 to index
      %get3A_1595 = arith.index_cast %multiple_of3A_1593 : i32 to index
      %get3A_1596 = vector.load %arg5[%get3A_1594, %get3A_1595] : memref<256x10240xf32, #tpu.memory_space<vmem>>, vector<8x128xf32>
      %eq3A_1597 = arith.constant 6 : i32
      %eq3A_1598 = vector.broadcast %eq3A_1597 : i32 to vector<8x128xi32>
      %eq3A_1599 = arith.cmpi eq, %iota3A_317, %eq3A_1598 : vector<8x128xi32>
      %select_n3A_1600 = arith.select %eq3A_1599, %get3A_1596, %select_n3A_1582 : vector<8x128xi1>, vector<8x128xf32>
      %mul3A_1601 = arith.constant 8 : i32
      %mul3A_1602 = arith.muli %scan3A_576, %mul3A_1601 : i32
      %add3A_1603 = arith.constant 7 : i32
      %add3A_1604 = arith.addi %mul3A_1602, %add3A_1603 : i32
      %get3A_1605 = arith.index_cast %add3A_1604 : i32 to index
      %get3A_1606 = arith.constant 6 : index
      %get3A_1607 = vector.load %arg6[%get3A_1605, %get3A_1606] : memref<256x8xi32, #tpu.memory_space<vmem>>, vector<1x1xi32>
      %get3A_1608 = vector.extract %get3A_1607[0, 0] : i32 from vector<1x1xi32>
      %mul3A_1609 = arith.constant 128 : i32
      %mul3A_1610 = arith.muli %get3A_1608, %mul3A_1609 : i32
      %multiple_of3A_1611 = tpu.assume_multiple %mul3A_1610, 128 : i32
      %get3A_1612 = arith.index_cast %multiple_of3A : i32 to index
      %get3A_1613 = arith.index_cast %multiple_of3A_1611 : i32 to index
      %get3A_1614 = vector.load %arg5[%get3A_1612, %get3A_1613] : memref<256x10240xf32, #tpu.memory_space<vmem>>, vector<8x128xf32>
      %eq3A_1615 = arith.constant 7 : i32
      %eq3A_1616 = vector.broadcast %eq3A_1615 : i32 to vector<8x128xi32>
      %eq3A_1617 = arith.cmpi eq, %iota3A_317, %eq3A_1616 : vector<8x128xi32>
      %select_n3A_1618 = arith.select %eq3A_1617, %get3A_1614, %select_n3A_1600 : vector<8x128xi1>, vector<8x128xf32>
      %swap3A_1619 = arith.index_cast %multiple_of3A : i32 to index
      %swap3A_1620 = arith.constant 768 : index
      %swap3A_1621 = vector.load %arg7[%swap3A_1619, %swap3A_1620] : memref<256x1024xf32, #tpu.memory_space<vmem>>, vector<8x128xf32>
      tpu.vector_store %arg7[%swap3A_1619, %swap3A_1620], %select_n3A_1618 {strides = array<i32>} : memref<256x1024xf32, #tpu.memory_space<vmem>>, vector<8x128xf32>,
      %broadcast_in_dim3A_1622 = arith.constant 0.000000e+00 : f32
      %broadcast_in_dim3A_1623 = vector.broadcast %broadcast_in_dim3A_1622 : f32 to vector<8x128xf32>
      %mul3A_1624 = arith.constant 8 : i32
      %mul3A_1625 = arith.muli %scan3A_576, %mul3A_1624 : i32
      %add3A_1626 = arith.constant 0 : i32
      %add3A_1627 = arith.addi %mul3A_1625, %add3A_1626 : i32
      %get3A_1628 = arith.index_cast %add3A_1627 : i32 to index
      %get3A_1629 = arith.constant 7 : index
      %get3A_1630 = vector.load %arg6[%get3A_1628, %get3A_1629] : memref<256x8xi32, #tpu.memory_space<vmem>>, vector<1x1xi32>
      %get3A_1631 = vector.extract %get3A_1630[0, 0] : i32 from vector<1x1xi32>
      %mul3A_1632 = arith.constant 128 : i32
      %mul3A_1633 = arith.muli %get3A_1631, %mul3A_1632 : i32
      %multiple_of3A_1634 = tpu.assume_multiple %mul3A_1633, 128 : i32
      %get3A_1635 = arith.index_cast %multiple_of3A : i32 to index
      %get3A_1636 = arith.index_cast %multiple_of3A_1634 : i32 to index
      %get3A_1637 = vector.load %arg5[%get3A_1635, %get3A_1636] : memref<256x10240xf32, #tpu.memory_space<vmem>>, vector<8x128xf32>
      %eq3A_1638 = arith.constant 0 : i32
      %eq3A_1639 = vector.broadcast %eq3A_1638 : i32 to vector<8x128xi32>
      %eq3A_1640 = arith.cmpi eq, %iota3A_317, %eq3A_1639 : vector<8x128xi32>
      %select_n3A_1641 = arith.select %eq3A_1640, %get3A_1637, %broadcast_in_dim3A_1623 : vector<8x128xi1>, vector<8x128xf32>
      %mul3A_1642 = arith.constant 8 : i32
      %mul3A_1643 = arith.muli %scan3A_576, %mul3A_1642 : i32
      %add3A_1644 = arith.constant 1 : i32
      %add3A_1645 = arith.addi %mul3A_1643, %add3A_1644 : i32
      %get3A_1646 = arith.index_cast %add3A_1645 : i32 to index
      %get3A_1647 = arith.constant 7 : index
      %get3A_1648 = vector.load %arg6[%get3A_1646, %get3A_1647] : memref<256x8xi32, #tpu.memory_space<vmem>>, vector<1x1xi32>
      %get3A_1649 = vector.extract %get3A_1648[0, 0] : i32 from vector<1x1xi32>
      %mul3A_1650 = arith.constant 128 : i32
      %mul3A_1651 = arith.muli %get3A_1649, %mul3A_1650 : i32
      %multiple_of3A_1652 = tpu.assume_multiple %mul3A_1651, 128 : i32
      %get3A_1653 = arith.index_cast %multiple_of3A : i32 to index
      %get3A_1654 = arith.index_cast %multiple_of3A_1652 : i32 to index
      %get3A_1655 = vector.load %arg5[%get3A_1653, %get3A_1654] : memref<256x10240xf32, #tpu.memory_space<vmem>>, vector<8x128xf32>
      %eq3A_1656 = arith.constant 1 : i32
      %eq3A_1657 = vector.broadcast %eq3A_1656 : i32 to vector<8x128xi32>
      %eq3A_1658 = arith.cmpi eq, %iota3A_317, %eq3A_1657 : vector<8x128xi32>
      %select_n3A_1659 = arith.select %eq3A_1658, %get3A_1655, %select_n3A_1641 : vector<8x128xi1>, vector<8x128xf32>
      %mul3A_1660 = arith.constant 8 : i32
      %mul3A_1661 = arith.muli %scan3A_576, %mul3A_1660 : i32
      %add3A_1662 = arith.constant 2 : i32
      %add3A_1663 = arith.addi %mul3A_1661, %add3A_1662 : i32
      %get3A_1664 = arith.index_cast %add3A_1663 : i32 to index
      %get3A_1665 = arith.constant 7 : index
      %get3A_1666 = vector.load %arg6[%get3A_1664, %get3A_1665] : memref<256x8xi32, #tpu.memory_space<vmem>>, vector<1x1xi32>
      %get3A_1667 = vector.extract %get3A_1666[0, 0] : i32 from vector<1x1xi32>
      %mul3A_1668 = arith.constant 128 : i32
      %mul3A_1669 = arith.muli %get3A_1667, %mul3A_1668 : i32
      %multiple_of3A_1670 = tpu.assume_multiple %mul3A_1669, 128 : i32
      %get3A_1671 = arith.index_cast %multiple_of3A : i32 to index
      %get3A_1672 = arith.index_cast %multiple_of3A_1670 : i32 to index
      %get3A_1673 = vector.load %arg5[%get3A_1671, %get3A_1672] : memref<256x10240xf32, #tpu.memory_space<vmem>>, vector<8x128xf32>
      %eq3A_1674 = arith.constant 2 : i32
      %eq3A_1675 = vector.broadcast %eq3A_1674 : i32 to vector<8x128xi32>
      %eq3A_1676 = arith.cmpi eq, %iota3A_317, %eq3A_1675 : vector<8x128xi32>
      %select_n3A_1677 = arith.select %eq3A_1676, %get3A_1673, %select_n3A_1659 : vector<8x128xi1>, vector<8x128xf32>
      %mul3A_1678 = arith.constant 8 : i32
      %mul3A_1679 = arith.muli %scan3A_576, %mul3A_1678 : i32
      %add3A_1680 = arith.constant 3 : i32
      %add3A_1681 = arith.addi %mul3A_1679, %add3A_1680 : i32
      %get3A_1682 = arith.index_cast %add3A_1681 : i32 to index
      %get3A_1683 = arith.constant 7 : index
      %get3A_1684 = vector.load %arg6[%get3A_1682, %get3A_1683] : memref<256x8xi32, #tpu.memory_space<vmem>>, vector<1x1xi32>
      %get3A_1685 = vector.extract %get3A_1684[0, 0] : i32 from vector<1x1xi32>
      %mul3A_1686 = arith.constant 128 : i32
      %mul3A_1687 = arith.muli %get3A_1685, %mul3A_1686 : i32
      %multiple_of3A_1688 = tpu.assume_multiple %mul3A_1687, 128 : i32
      %get3A_1689 = arith.index_cast %multiple_of3A : i32 to index
      %get3A_1690 = arith.index_cast %multiple_of3A_1688 : i32 to index
      %get3A_1691 = vector.load %arg5[%get3A_1689, %get3A_1690] : memref<256x10240xf32, #tpu.memory_space<vmem>>, vector<8x128xf32>
      %eq3A_1692 = arith.constant 3 : i32
      %eq3A_1693 = vector.broadcast %eq3A_1692 : i32 to vector<8x128xi32>
      %eq3A_1694 = arith.cmpi eq, %iota3A_317, %eq3A_1693 : vector<8x128xi32>
      %select_n3A_1695 = arith.select %eq3A_1694, %get3A_1691, %select_n3A_1677 : vector<8x128xi1>, vector<8x128xf32>
      %mul3A_1696 = arith.constant 8 : i32
      %mul3A_1697 = arith.muli %scan3A_576, %mul3A_1696 : i32
      %add3A_1698 = arith.constant 4 : i32
      %add3A_1699 = arith.addi %mul3A_1697, %add3A_1698 : i32
      %get3A_1700 = arith.index_cast %add3A_1699 : i32 to index
      %get3A_1701 = arith.constant 7 : index
      %get3A_1702 = vector.load %arg6[%get3A_1700, %get3A_1701] : memref<256x8xi32, #tpu.memory_space<vmem>>, vector<1x1xi32>
      %get3A_1703 = vector.extract %get3A_1702[0, 0] : i32 from vector<1x1xi32>
      %mul3A_1704 = arith.constant 128 : i32
      %mul3A_1705 = arith.muli %get3A_1703, %mul3A_1704 : i32
      %multiple_of3A_1706 = tpu.assume_multiple %mul3A_1705, 128 : i32
      %get3A_1707 = arith.index_cast %multiple_of3A : i32 to index
      %get3A_1708 = arith.index_cast %multiple_of3A_1706 : i32 to index
      %get3A_1709 = vector.load %arg5[%get3A_1707, %get3A_1708] : memref<256x10240xf32, #tpu.memory_space<vmem>>, vector<8x128xf32>
      %eq3A_1710 = arith.constant 4 : i32
      %eq3A_1711 = vector.broadcast %eq3A_1710 : i32 to vector<8x128xi32>
      %eq3A_1712 = arith.cmpi eq, %iota3A_317, %eq3A_1711 : vector<8x128xi32>
      %select_n3A_1713 = arith.select %eq3A_1712, %get3A_1709, %select_n3A_1695 : vector<8x128xi1>, vector<8x128xf32>
      %mul3A_1714 = arith.constant 8 : i32
      %mul3A_1715 = arith.muli %scan3A_576, %mul3A_1714 : i32
      %add3A_1716 = arith.constant 5 : i32
      %add3A_1717 = arith.addi %mul3A_1715, %add3A_1716 : i32
      %get3A_1718 = arith.index_cast %add3A_1717 : i32 to index
      %get3A_1719 = arith.constant 7 : index
      %get3A_1720 = vector.load %arg6[%get3A_1718, %get3A_1719] : memref<256x8xi32, #tpu.memory_space<vmem>>, vector<1x1xi32>
      %get3A_1721 = vector.extract %get3A_1720[0, 0] : i32 from vector<1x1xi32>
      %mul3A_1722 = arith.constant 128 : i32
      %mul3A_1723 = arith.muli %get3A_1721, %mul3A_1722 : i32
      %multiple_of3A_1724 = tpu.assume_multiple %mul3A_1723, 128 : i32
      %get3A_1725 = arith.index_cast %multiple_of3A : i32 to index
      %get3A_1726 = arith.index_cast %multiple_of3A_1724 : i32 to index
      %get3A_1727 = vector.load %arg5[%get3A_1725, %get3A_1726] : memref<256x10240xf32, #tpu.memory_space<vmem>>, vector<8x128xf32>
      %eq3A_1728 = arith.constant 5 : i32
      %eq3A_1729 = vector.broadcast %eq3A_1728 : i32 to vector<8x128xi32>
      %eq3A_1730 = arith.cmpi eq, %iota3A_317, %eq3A_1729 : vector<8x128xi32>
      %select_n3A_1731 = arith.select %eq3A_1730, %get3A_1727, %select_n3A_1713 : vector<8x128xi1>, vector<8x128xf32>
      %mul3A_1732 = arith.constant 8 : i32
      %mul3A_1733 = arith.muli %scan3A_576, %mul3A_1732 : i32
      %add3A_1734 = arith.constant 6 : i32
      %add3A_1735 = arith.addi %mul3A_1733, %add3A_1734 : i32
      %get3A_1736 = arith.index_cast %add3A_1735 : i32 to index
      %get3A_1737 = arith.constant 7 : index
      %get3A_1738 = vector.load %arg6[%get3A_1736, %get3A_1737] : memref<256x8xi32, #tpu.memory_space<vmem>>, vector<1x1xi32>
      %get3A_1739 = vector.extract %get3A_1738[0, 0] : i32 from vector<1x1xi32>
      %mul3A_1740 = arith.constant 128 : i32
      %mul3A_1741 = arith.muli %get3A_1739, %mul3A_1740 : i32
      %multiple_of3A_1742 = tpu.assume_multiple %mul3A_1741, 128 : i32
      %get3A_1743 = arith.index_cast %multiple_of3A : i32 to index
      %get3A_1744 = arith.index_cast %multiple_of3A_1742 : i32 to index
      %get3A_1745 = vector.load %arg5[%get3A_1743, %get3A_1744] : memref<256x10240xf32, #tpu.memory_space<vmem>>, vector<8x128xf32>
      %eq3A_1746 = arith.constant 6 : i32
      %eq3A_1747 = vector.broadcast %eq3A_1746 : i32 to vector<8x128xi32>
      %eq3A_1748 = arith.cmpi eq, %iota3A_317, %eq3A_1747 : vector<8x128xi32>
      %select_n3A_1749 = arith.select %eq3A_1748, %get3A_1745, %select_n3A_1731 : vector<8x128xi1>, vector<8x128xf32>
      %mul3A_1750 = arith.constant 8 : i32
      %mul3A_1751 = arith.muli %scan3A_576, %mul3A_1750 : i32
      %add3A_1752 = arith.constant 7 : i32
      %add3A_1753 = arith.addi %mul3A_1751, %add3A_1752 : i32
      %get3A_1754 = arith.index_cast %add3A_1753 : i32 to index
      %get3A_1755 = arith.constant 7 : index
      %get3A_1756 = vector.load %arg6[%get3A_1754, %get3A_1755] : memref<256x8xi32, #tpu.memory_space<vmem>>, vector<1x1xi32>
      %get3A_1757 = vector.extract %get3A_1756[0, 0] : i32 from vector<1x1xi32>
      %mul3A_1758 = arith.constant 128 : i32
      %mul3A_1759 = arith.muli %get3A_1757, %mul3A_1758 : i32
      %multiple_of3A_1760 = tpu.assume_multiple %mul3A_1759, 128 : i32
      %get3A_1761 = arith.index_cast %multiple_of3A : i32 to index
      %get3A_1762 = arith.index_cast %multiple_of3A_1760 : i32 to index
      %get3A_1763 = vector.load %arg5[%get3A_1761, %get3A_1762] : memref<256x10240xf32, #tpu.memory_space<vmem>>, vector<8x128xf32>
      %eq3A_1764 = arith.constant 7 : i32
      %eq3A_1765 = vector.broadcast %eq3A_1764 : i32 to vector<8x128xi32>
      %eq3A_1766 = arith.cmpi eq, %iota3A_317, %eq3A_1765 : vector<8x128xi32>
      %select_n3A_1767 = arith.select %eq3A_1766, %get3A_1763, %select_n3A_1749 : vector<8x128xi1>, vector<8x128xf32>
      %swap3A_1768 = arith.index_cast %multiple_of3A : i32 to index
      %swap3A_1769 = arith.constant 896 : index
      %swap3A_1770 = vector.load %arg7[%swap3A_1768, %swap3A_1769] : memref<256x1024xf32, #tpu.memory_space<vmem>>, vector<8x128xf32>
      tpu.vector_store %arg7[%swap3A_1768, %swap3A_1769], %select_n3A_1767 {strides = array<i32>} : memref<256x1024xf32, #tpu.memory_space<vmem>>, vector<8x128xf32>,
    }
    %scan3A_321 = arith.constant 32 : i32
    %broadcast_in_dim3A_322 = arith.constant 0.000000e+00 : f32
    %broadcast_in_dim3A_323 = vector.broadcast %broadcast_in_dim3A_322 : f32 to vector<256x8xf32>
    %broadcast_in_dim3A_324 = arith.constant 0 : i32
    %broadcast_in_dim3A_325 = vector.broadcast %broadcast_in_dim3A_324 : i32 to vector<256x8xi32>
    %broadcast_in_dim3A_326 = vector.shape_cast %select_n3A_313 : vector<256x8xi32> to vector<256x8x1xi32>
    %broadcast_in_dim3A_327 = vector.shape_cast %broadcast_in_dim3A_326 : vector<256x8x1xi32> to vector<256x8x1xi32>
    %broadcast_in_dim3A_328 = vector.broadcast %broadcast_in_dim3A_327 : vector<256x8x1xi32> to vector<256x8x128xi32>
    %mul3A_329 = arith.constant 128 : i32
    %mul3A_330 = vector.broadcast %mul3A_329 : i32 to vector<256x8x128xi32>
    %mul3A_331 = arith.muli %broadcast_in_dim3A_328, %mul3A_330 : vector<256x8x128xi32>
    %iota3A_332 = tpu.iota {dimensions = array<i32: 2>} : vector<256x8x128xi32>
    %add3A_333 = arith.addi %mul3A_331, %iota3A_332 : vector<256x8x128xi32>
    %reshape3A_334 = vector.shape_cast %add3A_333 : vector<256x8x128xi32> to vector<256x1024xi32>
    %get3A_335 = arith.constant 0 : index
    %get3A_336 = arith.constant 0 : index
    %get3A_337 = vector.load %arg7[%get3A_335, %get3A_336] : memref<256x1024xf32, #tpu.memory_space<vmem>>, vector<256x1024xf32>
    %reduce_max3A_338 = arith.constant dense<0xFF800000> : vector<256xf32>
    %reduce_max3A_339 = vector.multi_reduction <maximumf>, %get3A_337, %reduce_max3A_338 [1] : vector<256x1024xf32> to vector<256xf32>
    %broadcast_in_dim3A_340 = vector.shape_cast %reduce_max3A_339 : vector<256xf32> to vector<256x1xf32>
    %eq3A_341 = vector.broadcast %broadcast_in_dim3A_340 : vector<256x1xf32> to vector<256x1024xf32>
    %eq3A_342 = arith.cmpf oeq, %get3A_337, %eq3A_341 : vector<256x1024xf32>
    %jit3A_343 = arith.constant 1073741824 : i32
    %broadcast_in_dim3A_344 = vector.broadcast %jit3A_343 : i32 to vector<256x1024xi32>
    %select_n3A_345 = arith.select %eq3A_342, %reshape3A_334, %broadcast_in_dim3A_344 : vector<256x1024xi1>, vector<256x1024xi32>
    %reduce_min3A_346 = arith.constant dense<2147483647> : vector<256xi32>
    %reduce_min3A_347 = vector.multi_reduction <minsi>, %select_n3A_345, %reduce_min3A_346 [1] : vector<256x1024xi32> to vector<256xi32>
    %broadcast_in_dim3A_348 = vector.shape_cast %reduce_min3A_347 : vector<256xi32> to vector<256x1xi32>
    %eq3A_349 = arith.constant 0 : i32
    %eq3A_350 = vector.broadcast %eq3A_349 : i32 to vector<256x8xi32>
    %eq3A_351 = arith.cmpi eq, %iota3A_141, %eq3A_350 : vector<256x8xi32>
    %broadcast_in_dim3A_352 = vector.shape_cast %broadcast_in_dim3A_340 : vector<256x1xf32> to vector<256x1xf32>
    %broadcast_in_dim3A_353 = vector.broadcast %broadcast_in_dim3A_352 : vector<256x1xf32> to vector<256x8xf32>
    %select_n3A_354 = arith.select %eq3A_351, %broadcast_in_dim3A_353, %broadcast_in_dim3A_323 : vector<256x8xi1>, vector<256x8xf32>
    %eq3A_355 = arith.constant 0 : i32
    %eq3A_356 = vector.broadcast %eq3A_355 : i32 to vector<256x8xi32>
    %eq3A_357 = arith.cmpi eq, %iota3A_141, %eq3A_356 : vector<256x8xi32>
    %broadcast_in_dim3A_358 = vector.shape_cast %broadcast_in_dim3A_348 : vector<256x1xi32> to vector<256x1xi32>
    %broadcast_in_dim3A_359 = vector.broadcast %broadcast_in_dim3A_358 : vector<256x1xi32> to vector<256x8xi32>
    %select_n3A_360 = arith.select %eq3A_357, %broadcast_in_dim3A_359, %broadcast_in_dim3A_325 : vector<256x8xi1>, vector<256x8xi32>
    %eq3A_361 = vector.broadcast %broadcast_in_dim3A_348 : vector<256x1xi32> to vector<256x1024xi32>
    %eq3A_362 = arith.cmpi eq, %reshape3A_334, %eq3A_361 : vector<256x1024xi32>
    %jit3A_363 = arith.constant -3.000000e+38 : f32
    %broadcast_in_dim3A_364 = vector.broadcast %jit3A_363 : f32 to vector<256x1024xf32>
    %select_n3A_365 = arith.select %eq3A_362, %broadcast_in_dim3A_364, %get3A_337 : vector<256x1024xi1>, vector<256x1024xf32>
    %reduce_max3A_366 = arith.constant dense<0xFF800000> : vector<256xf32>
    %reduce_max3A_367 = vector.multi_reduction <maximumf>, %select_n3A_365, %reduce_max3A_366 [1] : vector<256x1024xf32> to vector<256xf32>
    %broadcast_in_dim3A_368 = vector.shape_cast %reduce_max3A_367 : vector<256xf32> to vector<256x1xf32>
    %eq3A_369 = vector.broadcast %broadcast_in_dim3A_368 : vector<256x1xf32> to vector<256x1024xf32>
    %eq3A_370 = arith.cmpf oeq, %select_n3A_365, %eq3A_369 : vector<256x1024xf32>
    %jit3A_371 = arith.constant 1073741824 : i32
    %broadcast_in_dim3A_372 = vector.broadcast %jit3A_371 : i32 to vector<256x1024xi32>
    %select_n3A_373 = arith.select %eq3A_370, %reshape3A_334, %broadcast_in_dim3A_372 : vector<256x1024xi1>, vector<256x1024xi32>
    %reduce_min3A_374 = arith.constant dense<2147483647> : vector<256xi32>
    %reduce_min3A_375 = vector.multi_reduction <minsi>, %select_n3A_373, %reduce_min3A_374 [1] : vector<256x1024xi32> to vector<256xi32>
    %broadcast_in_dim3A_376 = vector.shape_cast %reduce_min3A_375 : vector<256xi32> to vector<256x1xi32>
    %eq3A_377 = arith.constant 1 : i32
    %eq3A_378 = vector.broadcast %eq3A_377 : i32 to vector<256x8xi32>
    %eq3A_379 = arith.cmpi eq, %iota3A_141, %eq3A_378 : vector<256x8xi32>
    %broadcast_in_dim3A_380 = vector.shape_cast %broadcast_in_dim3A_368 : vector<256x1xf32> to vector<256x1xf32>
    %broadcast_in_dim3A_381 = vector.broadcast %broadcast_in_dim3A_380 : vector<256x1xf32> to vector<256x8xf32>
    %select_n3A_382 = arith.select %eq3A_379, %broadcast_in_dim3A_381, %select_n3A_354 : vector<256x8xi1>, vector<256x8xf32>
    %eq3A_383 = arith.constant 1 : i32
    %eq3A_384 = vector.broadcast %eq3A_383 : i32 to vector<256x8xi32>
    %eq3A_385 = arith.cmpi eq, %iota3A_141, %eq3A_384 : vector<256x8xi32>
    %broadcast_in_dim3A_386 = vector.shape_cast %broadcast_in_dim3A_376 : vector<256x1xi32> to vector<256x1xi32>
    %broadcast_in_dim3A_387 = vector.broadcast %broadcast_in_dim3A_386 : vector<256x1xi32> to vector<256x8xi32>
    %select_n3A_388 = arith.select %eq3A_385, %broadcast_in_dim3A_387, %select_n3A_360 : vector<256x8xi1>, vector<256x8xi32>
    %eq3A_389 = vector.broadcast %broadcast_in_dim3A_376 : vector<256x1xi32> to vector<256x1024xi32>
    %eq3A_390 = arith.cmpi eq, %reshape3A_334, %eq3A_389 : vector<256x1024xi32>
    %jit3A_391 = arith.constant -3.000000e+38 : f32
    %broadcast_in_dim3A_392 = vector.broadcast %jit3A_391 : f32 to vector<256x1024xf32>
    %select_n3A_393 = arith.select %eq3A_390, %broadcast_in_dim3A_392, %select_n3A_365 : vector<256x1024xi1>, vector<256x1024xf32>
    %reduce_max3A_394 = arith.constant dense<0xFF800000> : vector<256xf32>
    %reduce_max3A_395 = vector.multi_reduction <maximumf>, %select_n3A_393, %reduce_max3A_394 [1] : vector<256x1024xf32> to vector<256xf32>
    %broadcast_in_dim3A_396 = vector.shape_cast %reduce_max3A_395 : vector<256xf32> to vector<256x1xf32>
    %eq3A_397 = vector.broadcast %broadcast_in_dim3A_396 : vector<256x1xf32> to vector<256x1024xf32>
    %eq3A_398 = arith.cmpf oeq, %select_n3A_393, %eq3A_397 : vector<256x1024xf32>
    %jit3A_399 = arith.constant 1073741824 : i32
    %broadcast_in_dim3A_400 = vector.broadcast %jit3A_399 : i32 to vector<256x1024xi32>
    %select_n3A_401 = arith.select %eq3A_398, %reshape3A_334, %broadcast_in_dim3A_400 : vector<256x1024xi1>, vector<256x1024xi32>
    %reduce_min3A_402 = arith.constant dense<2147483647> : vector<256xi32>
    %reduce_min3A_403 = vector.multi_reduction <minsi>, %select_n3A_401, %reduce_min3A_402 [1] : vector<256x1024xi32> to vector<256xi32>
    %broadcast_in_dim3A_404 = vector.shape_cast %reduce_min3A_403 : vector<256xi32> to vector<256x1xi32>
    %eq3A_405 = arith.constant 2 : i32
    %eq3A_406 = vector.broadcast %eq3A_405 : i32 to vector<256x8xi32>
    %eq3A_407 = arith.cmpi eq, %iota3A_141, %eq3A_406 : vector<256x8xi32>
    %broadcast_in_dim3A_408 = vector.shape_cast %broadcast_in_dim3A_396 : vector<256x1xf32> to vector<256x1xf32>
    %broadcast_in_dim3A_409 = vector.broadcast %broadcast_in_dim3A_408 : vector<256x1xf32> to vector<256x8xf32>
    %select_n3A_410 = arith.select %eq3A_407, %broadcast_in_dim3A_409, %select_n3A_382 : vector<256x8xi1>, vector<256x8xf32>
    %eq3A_411 = arith.constant 2 : i32
    %eq3A_412 = vector.broadcast %eq3A_411 : i32 to vector<256x8xi32>
    %eq3A_413 = arith.cmpi eq, %iota3A_141, %eq3A_412 : vector<256x8xi32>
    %broadcast_in_dim3A_414 = vector.shape_cast %broadcast_in_dim3A_404 : vector<256x1xi32> to vector<256x1xi32>
    %broadcast_in_dim3A_415 = vector.broadcast %broadcast_in_dim3A_414 : vector<256x1xi32> to vector<256x8xi32>
    %select_n3A_416 = arith.select %eq3A_413, %broadcast_in_dim3A_415, %select_n3A_388 : vector<256x8xi1>, vector<256x8xi32>
    %eq3A_417 = vector.broadcast %broadcast_in_dim3A_404 : vector<256x1xi32> to vector<256x1024xi32>
    %eq3A_418 = arith.cmpi eq, %reshape3A_334, %eq3A_417 : vector<256x1024xi32>
    %jit3A_419 = arith.constant -3.000000e+38 : f32
    %broadcast_in_dim3A_420 = vector.broadcast %jit3A_419 : f32 to vector<256x1024xf32>
    %select_n3A_421 = arith.select %eq3A_418, %broadcast_in_dim3A_420, %select_n3A_393 : vector<256x1024xi1>, vector<256x1024xf32>
    %reduce_max3A_422 = arith.constant dense<0xFF800000> : vector<256xf32>
    %reduce_max3A_423 = vector.multi_reduction <maximumf>, %select_n3A_421, %reduce_max3A_422 [1] : vector<256x1024xf32> to vector<256xf32>
    %broadcast_in_dim3A_424 = vector.shape_cast %reduce_max3A_423 : vector<256xf32> to vector<256x1xf32>
    %eq3A_425 = vector.broadcast %broadcast_in_dim3A_424 : vector<256x1xf32> to vector<256x1024xf32>
    %eq3A_426 = arith.cmpf oeq, %select_n3A_421, %eq3A_425 : vector<256x1024xf32>
    %jit3A_427 = arith.constant 1073741824 : i32
    %broadcast_in_dim3A_428 = vector.broadcast %jit3A_427 : i32 to vector<256x1024xi32>
    %select_n3A_429 = arith.select %eq3A_426, %reshape3A_334, %broadcast_in_dim3A_428 : vector<256x1024xi1>, vector<256x1024xi32>
    %reduce_min3A_430 = arith.constant dense<2147483647> : vector<256xi32>
    %reduce_min3A_431 = vector.multi_reduction <minsi>, %select_n3A_429, %reduce_min3A_430 [1] : vector<256x1024xi32> to vector<256xi32>
    %broadcast_in_dim3A_432 = vector.shape_cast %reduce_min3A_431 : vector<256xi32> to vector<256x1xi32>
    %eq3A_433 = arith.constant 3 : i32
    %eq3A_434 = vector.broadcast %eq3A_433 : i32 to vector<256x8xi32>
    %eq3A_435 = arith.cmpi eq, %iota3A_141, %eq3A_434 : vector<256x8xi32>
    %broadcast_in_dim3A_436 = vector.shape_cast %broadcast_in_dim3A_424 : vector<256x1xf32> to vector<256x1xf32>
    %broadcast_in_dim3A_437 = vector.broadcast %broadcast_in_dim3A_436 : vector<256x1xf32> to vector<256x8xf32>
    %select_n3A_438 = arith.select %eq3A_435, %broadcast_in_dim3A_437, %select_n3A_410 : vector<256x8xi1>, vector<256x8xf32>
    %eq3A_439 = arith.constant 3 : i32
    %eq3A_440 = vector.broadcast %eq3A_439 : i32 to vector<256x8xi32>
    %eq3A_441 = arith.cmpi eq, %iota3A_141, %eq3A_440 : vector<256x8xi32>
    %broadcast_in_dim3A_442 = vector.shape_cast %broadcast_in_dim3A_432 : vector<256x1xi32> to vector<256x1xi32>
    %broadcast_in_dim3A_443 = vector.broadcast %broadcast_in_dim3A_442 : vector<256x1xi32> to vector<256x8xi32>
    %select_n3A_444 = arith.select %eq3A_441, %broadcast_in_dim3A_443, %select_n3A_416 : vector<256x8xi1>, vector<256x8xi32>
    %eq3A_445 = vector.broadcast %broadcast_in_dim3A_432 : vector<256x1xi32> to vector<256x1024xi32>
    %eq3A_446 = arith.cmpi eq, %reshape3A_334, %eq3A_445 : vector<256x1024xi32>
    %jit3A_447 = arith.constant -3.000000e+38 : f32
    %broadcast_in_dim3A_448 = vector.broadcast %jit3A_447 : f32 to vector<256x1024xf32>
    %select_n3A_449 = arith.select %eq3A_446, %broadcast_in_dim3A_448, %select_n3A_421 : vector<256x1024xi1>, vector<256x1024xf32>
    %reduce_max3A_450 = arith.constant dense<0xFF800000> : vector<256xf32>
    %reduce_max3A_451 = vector.multi_reduction <maximumf>, %select_n3A_449, %reduce_max3A_450 [1] : vector<256x1024xf32> to vector<256xf32>
    %broadcast_in_dim3A_452 = vector.shape_cast %reduce_max3A_451 : vector<256xf32> to vector<256x1xf32>
    %eq3A_453 = vector.broadcast %broadcast_in_dim3A_452 : vector<256x1xf32> to vector<256x1024xf32>
    %eq3A_454 = arith.cmpf oeq, %select_n3A_449, %eq3A_453 : vector<256x1024xf32>
    %jit3A_455 = arith.constant 1073741824 : i32
    %broadcast_in_dim3A_456 = vector.broadcast %jit3A_455 : i32 to vector<256x1024xi32>
    %select_n3A_457 = arith.select %eq3A_454, %reshape3A_334, %broadcast_in_dim3A_456 : vector<256x1024xi1>, vector<256x1024xi32>
    %reduce_min3A_458 = arith.constant dense<2147483647> : vector<256xi32>
    %reduce_min3A_459 = vector.multi_reduction <minsi>, %select_n3A_457, %reduce_min3A_458 [1] : vector<256x1024xi32> to vector<256xi32>
    %broadcast_in_dim3A_460 = vector.shape_cast %reduce_min3A_459 : vector<256xi32> to vector<256x1xi32>
    %eq3A_461 = arith.constant 4 : i32
    %eq3A_462 = vector.broadcast %eq3A_461 : i32 to vector<256x8xi32>
    %eq3A_463 = arith.cmpi eq, %iota3A_141, %eq3A_462 : vector<256x8xi32>
    %broadcast_in_dim3A_464 = vector.shape_cast %broadcast_in_dim3A_452 : vector<256x1xf32> to vector<256x1xf32>
    %broadcast_in_dim3A_465 = vector.broadcast %broadcast_in_dim3A_464 : vector<256x1xf32> to vector<256x8xf32>
    %select_n3A_466 = arith.select %eq3A_463, %broadcast_in_dim3A_465, %select_n3A_438 : vector<256x8xi1>, vector<256x8xf32>
    %eq3A_467 = arith.constant 4 : i32
    %eq3A_468 = vector.broadcast %eq3A_467 : i32 to vector<256x8xi32>
    %eq3A_469 = arith.cmpi eq, %iota3A_141, %eq3A_468 : vector<256x8xi32>
    %broadcast_in_dim3A_470 = vector.shape_cast %broadcast_in_dim3A_460 : vector<256x1xi32> to vector<256x1xi32>
    %broadcast_in_dim3A_471 = vector.broadcast %broadcast_in_dim3A_470 : vector<256x1xi32> to vector<256x8xi32>
    %select_n3A_472 = arith.select %eq3A_469, %broadcast_in_dim3A_471, %select_n3A_444 : vector<256x8xi1>, vector<256x8xi32>
    %eq3A_473 = vector.broadcast %broadcast_in_dim3A_460 : vector<256x1xi32> to vector<256x1024xi32>
    %eq3A_474 = arith.cmpi eq, %reshape3A_334, %eq3A_473 : vector<256x1024xi32>
    %jit3A_475 = arith.constant -3.000000e+38 : f32
    %broadcast_in_dim3A_476 = vector.broadcast %jit3A_475 : f32 to vector<256x1024xf32>
    %select_n3A_477 = arith.select %eq3A_474, %broadcast_in_dim3A_476, %select_n3A_449 : vector<256x1024xi1>, vector<256x1024xf32>
    %reduce_max3A_478 = arith.constant dense<0xFF800000> : vector<256xf32>
    %reduce_max3A_479 = vector.multi_reduction <maximumf>, %select_n3A_477, %reduce_max3A_478 [1] : vector<256x1024xf32> to vector<256xf32>
    %broadcast_in_dim3A_480 = vector.shape_cast %reduce_max3A_479 : vector<256xf32> to vector<256x1xf32>
    %eq3A_481 = vector.broadcast %broadcast_in_dim3A_480 : vector<256x1xf32> to vector<256x1024xf32>
    %eq3A_482 = arith.cmpf oeq, %select_n3A_477, %eq3A_481 : vector<256x1024xf32>
    %jit3A_483 = arith.constant 1073741824 : i32
    %broadcast_in_dim3A_484 = vector.broadcast %jit3A_483 : i32 to vector<256x1024xi32>
    %select_n3A_485 = arith.select %eq3A_482, %reshape3A_334, %broadcast_in_dim3A_484 : vector<256x1024xi1>, vector<256x1024xi32>
    %reduce_min3A_486 = arith.constant dense<2147483647> : vector<256xi32>
    %reduce_min3A_487 = vector.multi_reduction <minsi>, %select_n3A_485, %reduce_min3A_486 [1] : vector<256x1024xi32> to vector<256xi32>
    %broadcast_in_dim3A_488 = vector.shape_cast %reduce_min3A_487 : vector<256xi32> to vector<256x1xi32>
    %eq3A_489 = arith.constant 5 : i32
    %eq3A_490 = vector.broadcast %eq3A_489 : i32 to vector<256x8xi32>
    %eq3A_491 = arith.cmpi eq, %iota3A_141, %eq3A_490 : vector<256x8xi32>
    %broadcast_in_dim3A_492 = vector.shape_cast %broadcast_in_dim3A_480 : vector<256x1xf32> to vector<256x1xf32>
    %broadcast_in_dim3A_493 = vector.broadcast %broadcast_in_dim3A_492 : vector<256x1xf32> to vector<256x8xf32>
    %select_n3A_494 = arith.select %eq3A_491, %broadcast_in_dim3A_493, %select_n3A_466 : vector<256x8xi1>, vector<256x8xf32>
    %eq3A_495 = arith.constant 5 : i32
    %eq3A_496 = vector.broadcast %eq3A_495 : i32 to vector<256x8xi32>
    %eq3A_497 = arith.cmpi eq, %iota3A_141, %eq3A_496 : vector<256x8xi32>
    %broadcast_in_dim3A_498 = vector.shape_cast %broadcast_in_dim3A_488 : vector<256x1xi32> to vector<256x1xi32>
    %broadcast_in_dim3A_499 = vector.broadcast %broadcast_in_dim3A_498 : vector<256x1xi32> to vector<256x8xi32>
    %select_n3A_500 = arith.select %eq3A_497, %broadcast_in_dim3A_499, %select_n3A_472 : vector<256x8xi1>, vector<256x8xi32>
    %eq3A_501 = vector.broadcast %broadcast_in_dim3A_488 : vector<256x1xi32> to vector<256x1024xi32>
    %eq3A_502 = arith.cmpi eq, %reshape3A_334, %eq3A_501 : vector<256x1024xi32>
    %jit3A_503 = arith.constant -3.000000e+38 : f32
    %broadcast_in_dim3A_504 = vector.broadcast %jit3A_503 : f32 to vector<256x1024xf32>
    %select_n3A_505 = arith.select %eq3A_502, %broadcast_in_dim3A_504, %select_n3A_477 : vector<256x1024xi1>, vector<256x1024xf32>
    %reduce_max3A_506 = arith.constant dense<0xFF800000> : vector<256xf32>
    %reduce_max3A_507 = vector.multi_reduction <maximumf>, %select_n3A_505, %reduce_max3A_506 [1] : vector<256x1024xf32> to vector<256xf32>
    %broadcast_in_dim3A_508 = vector.shape_cast %reduce_max3A_507 : vector<256xf32> to vector<256x1xf32>
    %eq3A_509 = vector.broadcast %broadcast_in_dim3A_508 : vector<256x1xf32> to vector<256x1024xf32>
    %eq3A_510 = arith.cmpf oeq, %select_n3A_505, %eq3A_509 : vector<256x1024xf32>
    %jit3A_511 = arith.constant 1073741824 : i32
    %broadcast_in_dim3A_512 = vector.broadcast %jit3A_511 : i32 to vector<256x1024xi32>
    %select_n3A_513 = arith.select %eq3A_510, %reshape3A_334, %broadcast_in_dim3A_512 : vector<256x1024xi1>, vector<256x1024xi32>
    %reduce_min3A_514 = arith.constant dense<2147483647> : vector<256xi32>
    %reduce_min3A_515 = vector.multi_reduction <minsi>, %select_n3A_513, %reduce_min3A_514 [1] : vector<256x1024xi32> to vector<256xi32>
    %broadcast_in_dim3A_516 = vector.shape_cast %reduce_min3A_515 : vector<256xi32> to vector<256x1xi32>
    %eq3A_517 = arith.constant 6 : i32
    %eq3A_518 = vector.broadcast %eq3A_517 : i32 to vector<256x8xi32>
    %eq3A_519 = arith.cmpi eq, %iota3A_141, %eq3A_518 : vector<256x8xi32>
    %broadcast_in_dim3A_520 = vector.shape_cast %broadcast_in_dim3A_508 : vector<256x1xf32> to vector<256x1xf32>
    %broadcast_in_dim3A_521 = vector.broadcast %broadcast_in_dim3A_520 : vector<256x1xf32> to vector<256x8xf32>
    %select_n3A_522 = arith.select %eq3A_519, %broadcast_in_dim3A_521, %select_n3A_494 : vector<256x8xi1>, vector<256x8xf32>
    %eq3A_523 = arith.constant 6 : i32
    %eq3A_524 = vector.broadcast %eq3A_523 : i32 to vector<256x8xi32>
    %eq3A_525 = arith.cmpi eq, %iota3A_141, %eq3A_524 : vector<256x8xi32>
    %broadcast_in_dim3A_526 = vector.shape_cast %broadcast_in_dim3A_516 : vector<256x1xi32> to vector<256x1xi32>
    %broadcast_in_dim3A_527 = vector.broadcast %broadcast_in_dim3A_526 : vector<256x1xi32> to vector<256x8xi32>
    %select_n3A_528 = arith.select %eq3A_525, %broadcast_in_dim3A_527, %select_n3A_500 : vector<256x8xi1>, vector<256x8xi32>
    %eq3A_529 = vector.broadcast %broadcast_in_dim3A_516 : vector<256x1xi32> to vector<256x1024xi32>
    %eq3A_530 = arith.cmpi eq, %reshape3A_334, %eq3A_529 : vector<256x1024xi32>
    %jit3A_531 = arith.constant -3.000000e+38 : f32
    %broadcast_in_dim3A_532 = vector.broadcast %jit3A_531 : f32 to vector<256x1024xf32>
    %select_n3A_533 = arith.select %eq3A_530, %broadcast_in_dim3A_532, %select_n3A_505 : vector<256x1024xi1>, vector<256x1024xf32>
    %reduce_max3A_534 = arith.constant dense<0xFF800000> : vector<256xf32>
    %reduce_max3A_535 = vector.multi_reduction <maximumf>, %select_n3A_533, %reduce_max3A_534 [1] : vector<256x1024xf32> to vector<256xf32>
    %broadcast_in_dim3A_536 = vector.shape_cast %reduce_max3A_535 : vector<256xf32> to vector<256x1xf32>
    %eq3A_537 = vector.broadcast %broadcast_in_dim3A_536 : vector<256x1xf32> to vector<256x1024xf32>
    %eq3A_538 = arith.cmpf oeq, %select_n3A_533, %eq3A_537 : vector<256x1024xf32>
    %jit3A_539 = arith.constant 1073741824 : i32
    %broadcast_in_dim3A_540 = vector.broadcast %jit3A_539 : i32 to vector<256x1024xi32>
    %select_n3A_541 = arith.select %eq3A_538, %reshape3A_334, %broadcast_in_dim3A_540 : vector<256x1024xi1>, vector<256x1024xi32>
    %reduce_min3A_542 = arith.constant dense<2147483647> : vector<256xi32>
    %reduce_min3A_543 = vector.multi_reduction <minsi>, %select_n3A_541, %reduce_min3A_542 [1] : vector<256x1024xi32> to vector<256xi32>
    %broadcast_in_dim3A_544 = vector.shape_cast %reduce_min3A_543 : vector<256xi32> to vector<256x1xi32>
    %eq3A_545 = arith.constant 7 : i32
    %eq3A_546 = vector.broadcast %eq3A_545 : i32 to vector<256x8xi32>
    %eq3A_547 = arith.cmpi eq, %iota3A_141, %eq3A_546 : vector<256x8xi32>
    %broadcast_in_dim3A_548 = vector.shape_cast %broadcast_in_dim3A_536 : vector<256x1xf32> to vector<256x1xf32>
    %broadcast_in_dim3A_549 = vector.broadcast %broadcast_in_dim3A_548 : vector<256x1xf32> to vector<256x8xf32>
    %select_n3A_550 = arith.select %eq3A_547, %broadcast_in_dim3A_549, %select_n3A_522 : vector<256x8xi1>, vector<256x8xf32>
    %eq3A_551 = arith.constant 7 : i32
    %eq3A_552 = vector.broadcast %eq3A_551 : i32 to vector<256x8xi32>
    %eq3A_553 = arith.cmpi eq, %iota3A_141, %eq3A_552 : vector<256x8xi32>
    %broadcast_in_dim3A_554 = vector.shape_cast %broadcast_in_dim3A_544 : vector<256x1xi32> to vector<256x1xi32>
    %broadcast_in_dim3A_555 = vector.broadcast %broadcast_in_dim3A_554 : vector<256x1xi32> to vector<256x8xi32>
    %select_n3A_556 = arith.select %eq3A_553, %broadcast_in_dim3A_555, %select_n3A_528 : vector<256x8xi1>, vector<256x8xi32>
    %iota3A_557 = tpu.iota {dimensions = array<i32: 0>} : vector<256x8xi32>
    %mul3A_558 = arith.constant 256 : i32
    %mul3A_559 = arith.muli %arg0, %mul3A_558 : i32
    %add3A_560 = vector.broadcast %mul3A_559 : i32 to vector<256x8xi32>
    %add3A_561 = arith.addi %iota3A_557, %add3A_560 : vector<256x8xi32>
    %lt3A = arith.constant 10000 : i32
    %lt3A_562 = vector.broadcast %lt3A : i32 to vector<256x8xi32>
    %lt3A_563 = arith.cmpi slt, %add3A_561, %lt3A_562 : vector<256x8xi32>
    %jit3A_564 = arith.constant 0.000000e+00 : f32
    %broadcast_in_dim3A_565 = vector.broadcast %jit3A_564 : f32 to vector<256x8xf32>
    %select_n3A_566 = arith.select %lt3A_563, %select_n3A_550, %broadcast_in_dim3A_565 : vector<256x8xi1>, vector<256x8xf32>
    %swap3A_567 = arith.constant 0 : index
    %swap3A_568 = arith.constant 0 : index
    %swap3A_569 = vector.load %arg3[%swap3A_567, %swap3A_568] : memref<256x8xf32, #tpu.memory_space<vmem>>, vector<256x8xf32>
    tpu.vector_store %arg3[%swap3A_567, %swap3A_568], %select_n3A_566 {strides = array<i32>} : memref<256x8xf32, #tpu.memory_space<vmem>>, vector<256x8xf32>,
    %jit3A_570 = arith.constant 0 : i32
    %broadcast_in_dim3A_571 = vector.broadcast %jit3A_570 : i32 to vector<256x8xi32>
    %select_n3A_572 = arith.select %lt3A_563, %select_n3A_556, %broadcast_in_dim3A_571 : vector<256x8xi1>, vector<256x8xi32>
    %swap3A_573 = arith.constant 0 : index
    %swap3A_574 = arith.constant 0 : index
    %swap3A_575 = vector.load %arg4[%swap3A_573, %swap3A_574] : memref<256x8xi32, #tpu.memory_space<vmem>>, vector<256x8xi32>
    tpu.vector_store %arg4[%swap3A_573, %swap3A_574], %select_n3A_572 {strides = array<i32>} : memref<256x8xi32, #tpu.memory_space<vmem>>, vector<256x8xi32>,
    return
  }
  func.func @transform_0(%arg0: i32) -> (i32, i32) {
    %c0_i32 = arith.constant 0 : i32
    %c0_i32_0 = arith.constant 0 : i32
    return %arg0, %c0_i32 : i32, i32
  }
  func.func @transform_1(%arg0: i32) -> (i32, i32) {
    %c0_i32 = arith.constant 0 : i32
    %c0_i32_0 = arith.constant 0 : i32
    %c0_i32_1 = arith.constant 0 : i32
    return %c0_i32, %c0_i32_0 : i32, i32
  }
  func.func @transform_2(%arg0: i32) -> (i32, i32) {
    %c0_i32 = arith.constant 0 : i32
    %c0_i32_0 = arith.constant 0 : i32
    return %arg0, %c0_i32 : i32, i32
  }
  func.func @transform_3(%arg0: i32) -> (i32, i32) {
    %c0_i32 = arith.constant 0 : i32
    %c0_i32_0 = arith.constant 0 : i32
    return %arg0, %c0_i32 : i32, i32
  }
}

module attributes {stable_mosaic.version = 14 : i64} {
  func.func @_dinv_body(%arg0: i32, %arg1: memref<32x1024xf32, #tpu.memory_space<vmem>>, %arg2: memref<1x1024xf32, #tpu.memory_space<vmem>>) attributes {dimension_semantics = [#tpu.dimension_semantics<arbitrary>], iteration_bounds = array<i64: 10>, scalar_prefetch = 0 : i64, scratch_operands = 0 : i64, tpu.core_type = #tpu.core_type<tc>, window_params = [{transform_indices = @transform_0, window_bounds = array<i64: 32, 1024>}, {transform_indices = @transform_1, window_bounds = array<i64: 1, 1024>}]} {
    %get3A = arith.constant 0 : index
    %get3A_0 = arith.constant 0 : index
    %get3A_1 = vector.load %arg1[%get3A, %get3A_0] : memref<32x1024xf32, #tpu.memory_space<vmem>>, vector<32x1024xf32>
    %reduce_sum3A = arith.constant dense<0.000000e+00> : vector<1024xf32>
    %reduce_sum3A_2 = vector.multi_reduction <add>, %get3A_1, %reduce_sum3A [0] : vector<32x1024xf32> to vector<1024xf32>
    %broadcast_in_dim3A = vector.shape_cast %reduce_sum3A_2 : vector<1024xf32> to vector<1x1024xf32>
    %iota3A = tpu.iota {dimensions = array<i32: 1>} : vector<1x1024xi32>
    %mul3A = arith.constant 1024 : i32
    %mul3A_3 = arith.muli %arg0, %mul3A : i32
    %add3A = vector.broadcast %mul3A_3 : i32 to vector<1x1024xi32>
    %add3A_4 = arith.addi %iota3A, %add3A : vector<1x1024xi32>
    %lt3A = arith.constant 10000 : i32
    %lt3A_5 = vector.broadcast %lt3A : i32 to vector<1x1024xi32>
    %lt3A_6 = arith.cmpi slt, %add3A_4, %lt3A_5 : vector<1x1024xi32>
    %jit3A = arith.constant 1.000000e+00 : f32
    %jit3A_7 = arith.constant 0.000000e+00 : f32
    %broadcast_in_dim3A_8 = vector.broadcast %jit3A : f32 to vector<1x1024xf32>
    %broadcast_in_dim3A_9 = vector.broadcast %jit3A_7 : f32 to vector<1x1024xf32>
    %select_n3A = arith.select %lt3A_6, %broadcast_in_dim3A_8, %broadcast_in_dim3A_9 : vector<1x1024xi1>, vector<1x1024xf32>
    %add3A_10 = arith.addf %broadcast_in_dim3A, %select_n3A : vector<1x1024xf32>
    %gt3A = arith.constant 0.000000e+00 : f32
    %gt3A_11 = vector.broadcast %gt3A : f32 to vector<1x1024xf32>
    %gt3A_12 = arith.cmpf ogt, %add3A_10, %gt3A_11 : vector<1x1024xf32>
    %rsqrt3A = math.rsqrt %add3A_10 : vector<1x1024xf32>
    %jit3A_13 = arith.constant 0.000000e+00 : f32
    %broadcast_in_dim3A_14 = vector.broadcast %jit3A_13 : f32 to vector<1x1024xf32>
    %select_n3A_15 = arith.select %gt3A_12, %rsqrt3A, %broadcast_in_dim3A_14 : vector<1x1024xi1>, vector<1x1024xf32>
    %swap3A = arith.constant 0 : index
    %swap3A_16 = arith.constant 0 : index
    %swap3A_17 = vector.load %arg2[%swap3A, %swap3A_16] : memref<1x1024xf32, #tpu.memory_space<vmem>>, vector<1x1024xf32>
    tpu.vector_store %arg2[%swap3A, %swap3A_16], %select_n3A_15 {strides = array<i32>} : memref<1x1024xf32, #tpu.memory_space<vmem>>, vector<1x1024xf32>,
    return
  }
  func.func @transform_0(%arg0: i32) -> (i32, i32) {
    %c0_i32 = arith.constant 0 : i32
    %c0_i32_0 = arith.constant 0 : i32
    return %c0_i32, %arg0 : i32, i32
  }
  func.func @transform_1(%arg0: i32) -> (i32, i32) {
    %c0_i32 = arith.constant 0 : i32
    %c0_i32_0 = arith.constant 0 : i32
    return %c0_i32, %arg0 : i32, i32
  }
}

module attributes {stable_mosaic.version = 14 : i64} {
  func.func @_combine_body(%arg0: i32, %arg1: memref<64x256xf32, #tpu.memory_space<vmem>>, %arg2: memref<256x64xf32, #tpu.memory_space<vmem>>, %arg3: memref<256x1xf32, #tpu.memory_space<vmem>>, %arg4: memref<1x64xf32, #tpu.memory_space<vmem>>, %arg5: memref<64x64xf32, #tpu.memory_space<vmem>>, %arg6: memref<256x64xf32, #tpu.memory_space<vmem>>, %arg7: memref<64x256xf32, #tpu.memory_space<vmem>>) attributes {dimension_semantics = [#tpu.dimension_semantics<arbitrary>], iteration_bounds = array<i64: 40>, scalar_prefetch = 0 : i64, scratch_operands = 0 : i64, tpu.core_type = #tpu.core_type<tc>, window_params = [{transform_indices = @transform_0, window_bounds = array<i64: 64, 256>}, {transform_indices = @transform_1, window_bounds = array<i64: 256, 64>}, {transform_indices = @transform_2, window_bounds = array<i64: 256, 1>}, {pipeline_mode = #tpu.pipeline_mode<synchronous>, transform_indices = @transform_3, window_bounds = array<i64: 1, 64>}, {pipeline_mode = #tpu.pipeline_mode<synchronous>, transform_indices = @transform_4, window_bounds = array<i64: 64, 64>}, {transform_indices = @transform_5, window_bounds = array<i64: 256, 64>}, {transform_indices = @transform_6, window_bounds = array<i64: 64, 256>}]} {
    %get3A = arith.constant 0 : index
    %get3A_0 = arith.constant 0 : index
    %get3A_1 = vector.load %arg1[%get3A, %get3A_0] : memref<64x256xf32, #tpu.memory_space<vmem>>, vector<64x256xf32>
    %transpose3A = tpu.transpose %get3A_1, [1, 0] : vector<64x256xf32> -> vector<256x64xf32>
    %get3A_2 = arith.constant 0 : index
    %get3A_3 = arith.constant 0 : index
    %get3A_4 = vector.load %arg3[%get3A_2, %get3A_3] : memref<256x1xf32, #tpu.memory_space<vmem>>, vector<256x1xf32>
    %mul3A = arith.mulf %get3A_4, %get3A_4 : vector<256x1xf32>
    %get3A_5 = arith.constant 0 : index
    %get3A_6 = arith.constant 0 : index
    %get3A_7 = vector.load %arg2[%get3A_5, %get3A_6] : memref<256x64xf32, #tpu.memory_space<vmem>>, vector<256x64xf32>
    %mul3A_8 = vector.broadcast %mul3A : vector<256x1xf32> to vector<256x64xf32>
    %mul3A_9 = arith.mulf %mul3A_8, %get3A_7 : vector<256x64xf32>
    %add3A = arith.addf %transpose3A, %mul3A_9 : vector<256x64xf32>
    %get3A_10 = arith.constant 0 : index
    %get3A_11 = arith.constant 0 : index
    %get3A_12 = vector.load %arg4[%get3A_10, %get3A_11] : memref<1x64xf32, #tpu.memory_space<vmem>>, vector<1x64xf32>
    %add3A_13 = vector.broadcast %get3A_12 : vector<1x64xf32> to vector<256x64xf32>
    %add3A_14 = arith.addf %add3A, %add3A_13 : vector<256x64xf32>
    %max3A = arith.constant 0.000000e+00 : f32
    %max3A_15 = vector.broadcast %max3A : f32 to vector<256x64xf32>
    %max3A_16 = arith.maximumf %add3A_14, %max3A_15 : vector<256x64xf32>
    %get3A_17 = arith.constant 0 : index
    %get3A_18 = arith.constant 0 : index
    %get3A_19 = vector.load %arg5[%get3A_17, %get3A_18] : memref<64x64xf32, #tpu.memory_space<vmem>>, vector<64x64xf32>
    %dot_general3A = arith.constant dense<0.000000e+00> : vector<256x64xf32>
    %dot_general3A_20 = tpu.matmul %max3A_16, %get3A_19, %dot_general3A {dimension_numbers = #tpu.dot_dimension_numbers<[1], [1], [0], [0], [0, 0, 1, 0], [], []>, transpose_lhs_hint = false} : vector<256x64xf32>, vector<64x64xf32>, vector<256x64xf32> -> vector<256x64xf32>
    %swap3A = arith.constant 0 : index
    %swap3A_21 = arith.constant 0 : index
    %swap3A_22 = vector.load %arg6[%swap3A, %swap3A_21] : memref<256x64xf32, #tpu.memory_space<vmem>>, vector<256x64xf32>
    tpu.vector_store %arg6[%swap3A, %swap3A_21], %dot_general3A_20 {strides = array<i32>} : memref<256x64xf32, #tpu.memory_space<vmem>>, vector<256x64xf32>,
    %transpose3A_23 = tpu.transpose %dot_general3A_20, [1, 0] : vector<256x64xf32> -> vector<64x256xf32>
    %swap3A_24 = arith.constant 0 : index
    %swap3A_25 = arith.constant 0 : index
    %swap3A_26 = vector.load %arg7[%swap3A_24, %swap3A_25] : memref<64x256xf32, #tpu.memory_space<vmem>>, vector<64x256xf32>
    tpu.vector_store %arg7[%swap3A_24, %swap3A_25], %transpose3A_23 {strides = array<i32>} : memref<64x256xf32, #tpu.memory_space<vmem>>, vector<64x256xf32>,
    return
  }
  func.func @transform_0(%arg0: i32) -> (i32, i32) {
    %c0_i32 = arith.constant 0 : i32
    %c0_i32_0 = arith.constant 0 : i32
    return %c0_i32, %arg0 : i32, i32
  }
  func.func @transform_1(%arg0: i32) -> (i32, i32) {
    %c0_i32 = arith.constant 0 : i32
    %c0_i32_0 = arith.constant 0 : i32
    return %arg0, %c0_i32 : i32, i32
  }
  func.func @transform_2(%arg0: i32) -> (i32, i32) {
    %c0_i32 = arith.constant 0 : i32
    %c0_i32_0 = arith.constant 0 : i32
    return %arg0, %c0_i32 : i32, i32
  }
  func.func @transform_3(%arg0: i32) -> (i32, i32) {
    %c0_i32 = arith.constant 0 : i32
    %c0_i32_0 = arith.constant 0 : i32
    %c0_i32_1 = arith.constant 0 : i32
    return %c0_i32, %c0_i32_0 : i32, i32
  }
  func.func @transform_4(%arg0: i32) -> (i32, i32) {
    %c0_i32 = arith.constant 0 : i32
    %c0_i32_0 = arith.constant 0 : i32
    %c0_i32_1 = arith.constant 0 : i32
    return %c0_i32, %c0_i32_0 : i32, i32
  }
  func.func @transform_5(%arg0: i32) -> (i32, i32) {
    %c0_i32 = arith.constant 0 : i32
    %c0_i32_0 = arith.constant 0 : i32
    return %arg0, %c0_i32 : i32, i32
  }
  func.func @transform_6(%arg0: i32) -> (i32, i32) {
    %c0_i32 = arith.constant 0 : i32
    %c0_i32_0 = arith.constant 0 : i32
    return %c0_i32, %arg0 : i32, i32
  }
}

module attributes {stable_mosaic.version = 14 : i64} {
  func.func @_final_relu_body(%arg0: i32, %arg1: memref<64x256xf32, #tpu.memory_space<vmem>>, %arg2: memref<256x64xf32, #tpu.memory_space<vmem>>, %arg3: memref<256x1xf32, #tpu.memory_space<vmem>>, %arg4: memref<1x64xf32, #tpu.memory_space<vmem>>, %arg5: memref<256x64xf32, #tpu.memory_space<vmem>>, %arg6: memref<1x2x64xf32, #tpu.memory_space<vmem>>) attributes {dimension_semantics = [#tpu.dimension_semantics<arbitrary>], iteration_bounds = array<i64: 40>, scalar_prefetch = 0 : i64, scratch_operands = 0 : i64, tpu.core_type = #tpu.core_type<tc>, window_params = [{transform_indices = @transform_0, window_bounds = array<i64: 64, 256>}, {transform_indices = @transform_1, window_bounds = array<i64: 256, 64>}, {transform_indices = @transform_2, window_bounds = array<i64: 256, 1>}, {pipeline_mode = #tpu.pipeline_mode<synchronous>, transform_indices = @transform_3, window_bounds = array<i64: 1, 64>}, {transform_indices = @transform_4, window_bounds = array<i64: 256, 64>}, {transform_indices = @transform_5, window_bounds = array<i64: 1, 2, 64>}]} {
    %get3A = arith.constant 0 : index
    %get3A_0 = arith.constant 0 : index
    %get3A_1 = vector.load %arg1[%get3A, %get3A_0] : memref<64x256xf32, #tpu.memory_space<vmem>>, vector<64x256xf32>
    %transpose3A = tpu.transpose %get3A_1, [1, 0] : vector<64x256xf32> -> vector<256x64xf32>
    %get3A_2 = arith.constant 0 : index
    %get3A_3 = arith.constant 0 : index
    %get3A_4 = vector.load %arg3[%get3A_2, %get3A_3] : memref<256x1xf32, #tpu.memory_space<vmem>>, vector<256x1xf32>
    %mul3A = arith.mulf %get3A_4, %get3A_4 : vector<256x1xf32>
    %get3A_5 = arith.constant 0 : index
    %get3A_6 = arith.constant 0 : index
    %get3A_7 = vector.load %arg2[%get3A_5, %get3A_6] : memref<256x64xf32, #tpu.memory_space<vmem>>, vector<256x64xf32>
    %mul3A_8 = vector.broadcast %mul3A : vector<256x1xf32> to vector<256x64xf32>
    %mul3A_9 = arith.mulf %mul3A_8, %get3A_7 : vector<256x64xf32>
    %add3A = arith.addf %transpose3A, %mul3A_9 : vector<256x64xf32>
    %get3A_10 = arith.constant 0 : index
    %get3A_11 = arith.constant 0 : index
    %get3A_12 = vector.load %arg4[%get3A_10, %get3A_11] : memref<1x64xf32, #tpu.memory_space<vmem>>, vector<1x64xf32>
    %add3A_13 = vector.broadcast %get3A_12 : vector<1x64xf32> to vector<256x64xf32>
    %add3A_14 = arith.addf %add3A, %add3A_13 : vector<256x64xf32>
    %max3A = arith.constant 0.000000e+00 : f32
    %max3A_15 = vector.broadcast %max3A : f32 to vector<256x64xf32>
    %max3A_16 = arith.maximumf %add3A_14, %max3A_15 : vector<256x64xf32>
    %swap3A = arith.constant 0 : index
    %swap3A_17 = arith.constant 0 : index
    %swap3A_18 = vector.load %arg5[%swap3A, %swap3A_17] : memref<256x64xf32, #tpu.memory_space<vmem>>, vector<256x64xf32>
    tpu.vector_store %arg5[%swap3A, %swap3A_17], %max3A_16 {strides = array<i32>} : memref<256x64xf32, #tpu.memory_space<vmem>>, vector<256x64xf32>,
    %iota3A = tpu.iota {dimensions = array<i32: 0>} : vector<256x64xi32>
    %mul3A_19 = arith.constant 256 : i32
    %mul3A_20 = arith.muli %arg0, %mul3A_19 : i32
    %add3A_21 = vector.broadcast %mul3A_20 : i32 to vector<256x64xi32>
    %add3A_22 = arith.addi %iota3A, %add3A_21 : vector<256x64xi32>
    %lt3A = arith.constant 10000 : i32
    %lt3A_23 = vector.broadcast %lt3A : i32 to vector<256x64xi32>
    %lt3A_24 = arith.cmpi slt, %add3A_22, %lt3A_23 : vector<256x64xi32>
    %jit3A = arith.constant 0.000000e+00 : f32
    %broadcast_in_dim3A = vector.broadcast %jit3A : f32 to vector<256x64xf32>
    %select_n3A = arith.select %lt3A_24, %max3A_16, %broadcast_in_dim3A : vector<256x64xi1>, vector<256x64xf32>
    %reduce_sum3A = arith.constant dense<0.000000e+00> : vector<64xf32>
    %reduce_sum3A_25 = vector.multi_reduction <add>, %select_n3A, %reduce_sum3A [0] : vector<256x64xf32> to vector<64xf32>
    %swap3A_26 = arith.constant 0 : index
    %swap3A_27 = arith.constant 0 : index
    %swap3A_28 = arith.constant 0 : index
    %swap3A_29 = vector.load %arg6[%swap3A_26, %swap3A_27, %swap3A_28] : memref<1x2x64xf32, #tpu.memory_space<vmem>>, vector<1x1x64xf32>
    %swap3A_30 = vector.shape_cast %swap3A_29 : vector<1x1x64xf32> to vector<64xf32>
    %swap3A_31 = vector.shape_cast %reduce_sum3A_25 : vector<64xf32> to vector<1x1x64xf32>
    tpu.vector_store %arg6[%swap3A_26, %swap3A_27, %swap3A_28], %swap3A_31 {strides = array<i32>} : memref<1x2x64xf32, #tpu.memory_space<vmem>>, vector<1x1x64xf32>,
    %mul3A_32 = arith.mulf %select_n3A, %select_n3A : vector<256x64xf32>
    %reduce_sum3A_33 = arith.constant dense<0.000000e+00> : vector<64xf32>
    %reduce_sum3A_34 = vector.multi_reduction <add>, %mul3A_32, %reduce_sum3A_33 [0] : vector<256x64xf32> to vector<64xf32>
    %swap3A_35 = arith.constant 0 : index
    %swap3A_36 = arith.constant 1 : index
    %swap3A_37 = arith.constant 0 : index
    %swap3A_38 = vector.load %arg6[%swap3A_35, %swap3A_36, %swap3A_37] : memref<1x2x64xf32, #tpu.memory_space<vmem>>, vector<1x1x64xf32>
    %swap3A_39 = vector.shape_cast %swap3A_38 : vector<1x1x64xf32> to vector<64xf32>
    %swap3A_40 = vector.shape_cast %reduce_sum3A_34 : vector<64xf32> to vector<1x1x64xf32>
    tpu.vector_store %arg6[%swap3A_35, %swap3A_36, %swap3A_37], %swap3A_40 {strides = array<i32>} : memref<1x2x64xf32, #tpu.memory_space<vmem>>, vector<1x1x64xf32>,
    return
  }
  func.func @transform_0(%arg0: i32) -> (i32, i32) {
    %c0_i32 = arith.constant 0 : i32
    %c0_i32_0 = arith.constant 0 : i32
    return %c0_i32, %arg0 : i32, i32
  }
  func.func @transform_1(%arg0: i32) -> (i32, i32) {
    %c0_i32 = arith.constant 0 : i32
    %c0_i32_0 = arith.constant 0 : i32
    return %arg0, %c0_i32 : i32, i32
  }
  func.func @transform_2(%arg0: i32) -> (i32, i32) {
    %c0_i32 = arith.constant 0 : i32
    %c0_i32_0 = arith.constant 0 : i32
    return %arg0, %c0_i32 : i32, i32
  }
  func.func @transform_3(%arg0: i32) -> (i32, i32) {
    %c0_i32 = arith.constant 0 : i32
    %c0_i32_0 = arith.constant 0 : i32
    %c0_i32_1 = arith.constant 0 : i32
    return %c0_i32, %c0_i32_0 : i32, i32
  }
  func.func @transform_4(%arg0: i32) -> (i32, i32) {
    %c0_i32 = arith.constant 0 : i32
    %c0_i32_0 = arith.constant 0 : i32
    return %arg0, %c0_i32 : i32, i32
  }
  func.func @transform_5(%arg0: i32) -> (i32, i32, i32) {
    %c0_i32 = arith.constant 0 : i32
    %c0_i32_0 = arith.constant 0 : i32
    %c0_i32_1 = arith.constant 0 : i32
    return %arg0, %c0_i32, %c0_i32_0 : i32, i32, i32
  }
}

module attributes {stable_mosaic.version = 14 : i64} {
  func.func @_norm_proj_body(%arg0: i32, %arg1: memref<256x64xf32, #tpu.memory_space<vmem>>, %arg2: memref<40x2x64xf32, #tpu.memory_space<vmem>>, %arg3: memref<1x64xf32, #tpu.memory_space<vmem>>, %arg4: memref<1x64xf32, #tpu.memory_space<vmem>>, %arg5: memref<32x64xf32, #tpu.memory_space<vmem>>, %arg6: memref<1x32xf32, #tpu.memory_space<vmem>>, %arg7: memref<256x32xf32, #tpu.memory_space<vmem>>) attributes {dimension_semantics = [#tpu.dimension_semantics<arbitrary>], iteration_bounds = array<i64: 40>, scalar_prefetch = 0 : i64, scratch_operands = 0 : i64, tpu.core_type = #tpu.core_type<tc>, window_params = [{transform_indices = @transform_0, window_bounds = array<i64: 256, 64>}, {pipeline_mode = #tpu.pipeline_mode<synchronous>, transform_indices = @transform_1, window_bounds = array<i64: 40, 2, 64>}, {pipeline_mode = #tpu.pipeline_mode<synchronous>, transform_indices = @transform_2, window_bounds = array<i64: 1, 64>}, {pipeline_mode = #tpu.pipeline_mode<synchronous>, transform_indices = @transform_3, window_bounds = array<i64: 1, 64>}, {pipeline_mode = #tpu.pipeline_mode<synchronous>, transform_indices = @transform_4, window_bounds = array<i64: 32, 64>}, {pipeline_mode = #tpu.pipeline_mode<synchronous>, transform_indices = @transform_5, window_bounds = array<i64: 1, 32>}, {transform_indices = @transform_6, window_bounds = array<i64: 256, 32>}]} {
    %get3A = arith.constant 0 : index
    %get3A_0 = arith.constant 0 : index
    %get3A_1 = arith.constant 0 : index
    %get3A_2 = vector.load %arg2[%get3A, %get3A_0, %get3A_1] : memref<40x2x64xf32, #tpu.memory_space<vmem>>, vector<40x2x64xf32>
    %reduce_sum3A = arith.constant dense<0.000000e+00> : vector<2x64xf32>
    %reduce_sum3A_3 = vector.multi_reduction <add>, %get3A_2, %reduce_sum3A [0] : vector<40x2x64xf32> to vector<2x64xf32>
    %slice3A = vector.extract_strided_slice %reduce_sum3A_3 {offsets = [0, 0], sizes = [1, 64], strides = [1, 1]} : vector<2x64xf32> to vector<1x64xf32>
    %div3A = arith.constant 1.000000e+04 : f32
    %div3A_4 = vector.broadcast %div3A : f32 to vector<1x64xf32>
    %div3A_5 = arith.divf %slice3A, %div3A_4 : vector<1x64xf32>
    %slice3A_6 = vector.extract_strided_slice %reduce_sum3A_3 {offsets = [1, 0], sizes = [1, 64], strides = [1, 1]} : vector<2x64xf32> to vector<1x64xf32>
    %div3A_7 = arith.constant 1.000000e+04 : f32
    %div3A_8 = vector.broadcast %div3A_7 : f32 to vector<1x64xf32>
    %div3A_9 = arith.divf %slice3A_6, %div3A_8 : vector<1x64xf32>
    %mul3A = arith.mulf %div3A_5, %div3A_5 : vector<1x64xf32>
    %sub3A = arith.subf %div3A_9, %mul3A : vector<1x64xf32>
    %get3A_10 = arith.constant 0 : index
    %get3A_11 = arith.constant 0 : index
    %get3A_12 = vector.load %arg1[%get3A_10, %get3A_11] : memref<256x64xf32, #tpu.memory_space<vmem>>, vector<256x64xf32>
    %sub3A_13 = vector.broadcast %div3A_5 : vector<1x64xf32> to vector<256x64xf32>
    %sub3A_14 = arith.subf %get3A_12, %sub3A_13 : vector<256x64xf32>
    %add3A = arith.constant 9.99999974E-6 : f32
    %add3A_15 = vector.broadcast %add3A : f32 to vector<1x64xf32>
    %add3A_16 = arith.addf %sub3A, %add3A_15 : vector<1x64xf32>
    %sqrt3A = math.sqrt %add3A_16 : vector<1x64xf32>
    %div3A_17 = vector.broadcast %sqrt3A : vector<1x64xf32> to vector<256x64xf32>
    %div3A_18 = arith.divf %sub3A_14, %div3A_17 : vector<256x64xf32>
    %get3A_19 = arith.constant 0 : index
    %get3A_20 = arith.constant 0 : index
    %get3A_21 = vector.load %arg3[%get3A_19, %get3A_20] : memref<1x64xf32, #tpu.memory_space<vmem>>, vector<1x64xf32>
    %mul3A_22 = vector.broadcast %get3A_21 : vector<1x64xf32> to vector<256x64xf32>
    %mul3A_23 = arith.mulf %div3A_18, %mul3A_22 : vector<256x64xf32>
    %get3A_24 = arith.constant 0 : index
    %get3A_25 = arith.constant 0 : index
    %get3A_26 = vector.load %arg4[%get3A_24, %get3A_25] : memref<1x64xf32, #tpu.memory_space<vmem>>, vector<1x64xf32>
    %add3A_27 = vector.broadcast %get3A_26 : vector<1x64xf32> to vector<256x64xf32>
    %add3A_28 = arith.addf %mul3A_23, %add3A_27 : vector<256x64xf32>
    %get3A_29 = arith.constant 0 : index
    %get3A_30 = arith.constant 0 : index
    %get3A_31 = vector.load %arg5[%get3A_29, %get3A_30] : memref<32x64xf32, #tpu.memory_space<vmem>>, vector<32x64xf32>
    %dot_general3A = arith.constant dense<0.000000e+00> : vector<256x32xf32>
    %dot_general3A_32 = tpu.matmul %add3A_28, %get3A_31, %dot_general3A {dimension_numbers = #tpu.dot_dimension_numbers<[1], [1], [0], [0], [0, 0, 1, 0], [], []>, transpose_lhs_hint = false} : vector<256x64xf32>, vector<32x64xf32>, vector<256x32xf32> -> vector<256x32xf32>
    %get3A_33 = arith.constant 0 : index
    %get3A_34 = arith.constant 0 : index
    %get3A_35 = vector.load %arg6[%get3A_33, %get3A_34] : memref<1x32xf32, #tpu.memory_space<vmem>>, vector<1x32xf32>
    %add3A_36 = vector.broadcast %get3A_35 : vector<1x32xf32> to vector<256x32xf32>
    %add3A_37 = arith.addf %dot_general3A_32, %add3A_36 : vector<256x32xf32>
    %swap3A = arith.constant 0 : index
    %swap3A_38 = arith.constant 0 : index
    %swap3A_39 = vector.load %arg7[%swap3A, %swap3A_38] : memref<256x32xf32, #tpu.memory_space<vmem>>, vector<256x32xf32>
    tpu.vector_store %arg7[%swap3A, %swap3A_38], %add3A_37 {strides = array<i32>} : memref<256x32xf32, #tpu.memory_space<vmem>>, vector<256x32xf32>,
    return
  }
  func.func @transform_0(%arg0: i32) -> (i32, i32) {
    %c0_i32 = arith.constant 0 : i32
    %c0_i32_0 = arith.constant 0 : i32
    return %arg0, %c0_i32 : i32, i32
  }
  func.func @transform_1(%arg0: i32) -> (i32, i32, i32) {
    %c0_i32 = arith.constant 0 : i32
    %c0_i32_0 = arith.constant 0 : i32
    %c0_i32_1 = arith.constant 0 : i32
    %c0_i32_2 = arith.constant 0 : i32
    return %c0_i32, %c0_i32_0, %c0_i32_1 : i32, i32, i32
  }
  func.func @transform_2(%arg0: i32) -> (i32, i32) {
    %c0_i32 = arith.constant 0 : i32
    %c0_i32_0 = arith.constant 0 : i32
    %c0_i32_1 = arith.constant 0 : i32
    return %c0_i32, %c0_i32_0 : i32, i32
  }
  func.func @transform_3(%arg0: i32) -> (i32, i32) {
    %c0_i32 = arith.constant 0 : i32
    %c0_i32_0 = arith.constant 0 : i32
    %c0_i32_1 = arith.constant 0 : i32
    return %c0_i32, %c0_i32_0 : i32, i32
  }
  func.func @transform_4(%arg0: i32) -> (i32, i32) {
    %c0_i32 = arith.constant 0 : i32
    %c0_i32_0 = arith.constant 0 : i32
    %c0_i32_1 = arith.constant 0 : i32
    return %c0_i32, %c0_i32_0 : i32, i32
  }
  func.func @transform_5(%arg0: i32) -> (i32, i32) {
    %c0_i32 = arith.constant 0 : i32
    %c0_i32_0 = arith.constant 0 : i32
    %c0_i32_1 = arith.constant 0 : i32
    return %c0_i32, %c0_i32_0 : i32, i32
  }
  func.func @transform_6(%arg0: i32) -> (i32, i32) {
    %c0_i32 = arith.constant 0 : i32
    %c0_i32_0 = arith.constant 0 : i32
    return %arg0, %c0_i32 : i32, i32
  }
}

</mosaic_0001>

<sc_bundles>
// kernel: kernel.11.cloned.1.call-start
scs
__scs_entry_jumppad:
0x0: {  	(pc) =	sbr.rel $0x88, $3  }
0x1: {  	(tag) =	ssettag $0x0;
	lr =	simm.s32 $0x1  }
0x2: {  	[smem:$0x3F90] =	sst lr;
	_ =	strace $0xD0000000  }
0x3: {  	_ = 	snop  }
0x4: {  	_ = 	snop  }
0x5: {  	_ = 	snop  }
0x6: {  	_ = 	snop  }
0x7: {  	_ = 	snop  }
__scs_overlays_trampoline_lowered:
0x8: {  	[smem:$0x3F9F] =	sst s0  }
0x9: {  	[smem:$0x3FA0] =	sst s1  }
0xa: {  	[smem:$0x3FA1] =	sst s2  }
0xb: {  	[smem:$0x3FA2] =	sst s3  }
0xc: {  	[smem:$0x3FA3] =	sst s4  }
0xd: {  	[smem:$0x3FA4] =	sst s5  }
0xe: {  	[smem:$0x3FA5] =	sst s6  }
0xf: {  	[smem:$0x3FA6] =	sst s7  }
0x10: {  	[smem:$0x3FA7] =	sst s8  }
0x11: {  	[smem:$0x3FA8] =	sst s9;
	s0 =	simm.s32 @!p0 $0x0  }
0x12: {  	s1 =	sld [smem:$0x3F8E];
	s0 =	simm.s32 @p0 $0x1  }
0x13: {  	[smem:$0x3FA9] =	sst s0;
	s0 =	simm.s32 @!p1 $0x0  }
0x14: {  	s2 =	sld [smem:$0x3F8D];
	s0 =	simm.s32 @p1 $0x1  }
0x15: {  	[smem:$0x3FAA] =	sst s0;
	s0 =	simm.s32 @!p2 $0x0  }
0x16: {  	s3 =	sld [smem:$0x3FDB];
	s0 =	simm.s32 @p2 $0x1  }
0x17: {  	s4 =	simm.s32 $0x1BF5;
	[smem:$0x3FAC] =	sst s0  }
0x18: {  	s0 =	sld [smem:$0x3F8F];
	_ =	swait.ge [sflag:s4], $0x0  }
0x19: {  	s7 =	sld [smem:$0x3F90]  }
0x1a: {  	s8 =	sadd.s32 $0xFFFFE003, lr  }
0x1b: {  	s9 =	sadd.s32 $0xFFFFFEF7, lr;
	s5 =	simm.s32 $0xFFFFFFFF;
	p2 =	slt.u32 s8, $0xFFFFF086  }
0x1c: {  	p1 =	slt.u32 s9, $0xF7A;
	s5 =	simm.s32 @!p2 $0x0  }
0x1d: {  	s5 =	simm.s32 @p1 $0x1;
	p0 =	seq.s32 s7, s2  }
0x1e: {  	s7 =	smul.u32 @!p0 $0xF7A, s2;
	p2 =	seq.s32 @!p0 s5, $0x0  }
0x1f: {  	s9 =	smul.u32 $0xF7A, s1;
	s8 =	simm.s32 @!p0 $0x1BF5;
	p2 =	por !p2, p0  }
0x20: {  	[sflag:s8] =	ssyncset.s32 @!p0 $0xFFFFF086;
	s6 =	sadd.s32 @!p0 s3, s7;
	s7 =	simm.s32 @!p0 $0x108  }
0x21: {  	s3 =	sadd.s32 s3, s9;
	s6 =	sadd.s32 @!p0 $0x88, s6;
	s7 =	simm.s32 @p2 $0x1082  }
0x22: {  	[simem:s7], [sflag:s8] =	dma.local @!p0 [hbm:s6], $0xF7A  }
0x23: {  	s9 =	sor.u32 $0xD0000000, s2;
	s6 =	simm.s32 $0x108;
	_ =	swait.ge @!p0 [sflag:s8], $0x0  }
0x24: {  	s3 =	sadd.s32 $0x88, s3;
	s6 =	simm.s32 @!p1 $0x1082;
	[sflag:s4] =	ssyncset.s32 $0xFFFFF086  }
0x25: {  	[simem:s6], [sflag:s4] =	dma.local [hbm:s3], $0xF7A  }
0x26: {  	[smem:$0x3F90] =	sst s1;
	(tag) =	ssettag s2;
	_ =	strace s9  }
0x27: {  	s1 =	sld [smem:$0x3FA0]  }
0x28: {  	s2 =	sld [smem:$0x3FA1]  }
0x29: {  	s4 =	sld [smem:$0x3FA3]  }
0x2a: {  	p0 =	seq.s32 s5, $0x0;
	s5 =	sld [smem:$0x3FA4]  }
0x2b: {  	s6 =	sld [smem:$0x3FA5]  }
0x2c: {  	s7 =	sld [smem:$0x3FA6]  }
0x2d: {  	s3 =	simm.s32 $0x108;
	s8 =	sld [smem:$0x3FA7]  }
0x2e: {  	s3 =	simm.s32 @!p0 $0x1082;
	s9 =	sld [smem:$0x3FA8]  }
0x2f: {  	lr =	sadd.s32 s0, s3;
	s0 =	sld [smem:$0x3F9F]  }
0x30: {  	s3 =	sld [smem:$0x3FA2]  }
0x31: {  	[smem:$0x3FAB] =	sst s10  }
0x32: {  	s10 =	sld [smem:$0x3FA9];
	_ =	sdelay $0x3  }
0x33: {  	p0 =	seq.s32 s10, $0x1;
	s10 =	sld [smem:$0x3FAB];
	_ =	sdelay $0x3  }
0x34: {  	[smem:$0x3FAB] =	sst s10  }
0x35: {  	s10 =	sld [smem:$0x3FAA];
	_ =	sdelay $0x3  }
0x36: {  	p1 =	seq.s32 s10, $0x1;
	s10 =	sld [smem:$0x3FAB];
	_ =	sdelay $0x3  }
0x37: {  	[smem:$0x3FAB] =	sst s10  }
0x38: {  	s10 =	sld [smem:$0x3FAC]  }
0x39: {  	_ = 	snop;
	(pc) =	sbr.ind lr, $3  }
0x3a: {  	_ = 	snop  }
0x3b: {  	_ = 	snop  }
0x3c: {  	p2 =	seq.s32 s10, $0x1;
	s10 =	sld [smem:$0x3FAB]  }
0x3d: {  	_ =	shalt  }
0x3e: {  	_ =	shalt  }
0x3f: {  	_ =	shalt  }
0x40: {  	_ =	shalt  }
0x41: {  	_ =	shalt  }
0x42: {  	_ =	shalt  }
0x43: {  	_ =	shalt  }
0x44: {  	_ =	shalt  }
0x45: {  	_ =	shalt  }
0x46: {  	_ =	shalt  }
0x47: {  	_ =	shalt  }
0x48: {  	_ =	shalt  }
0x49: {  	_ =	shalt  }
0x4a: {  	_ =	shalt  }
0x4b: {  	_ =	shalt  }
0x4c: {  	_ =	shalt  }
0x4d: {  	_ =	shalt  }
0x4e: {  	_ =	shalt  }
0x4f: {  	_ =	shalt  }
0x50: {  	_ =	shalt  }
0x51: {  	_ =	shalt  }
0x52: {  	_ =	shalt  }
0x53: {  	_ =	shalt  }
0x54: {  	_ =	shalt  }
0x55: {  	_ =	shalt  }
0x56: {  	_ =	shalt  }
0x57: {  	_ =	shalt  }
0x58: {  	_ =	shalt  }
0x59: {  	_ =	shalt  }
0x5a: {  	_ =	shalt  }
0x5b: {  	_ =	shalt  }
0x5c: {  	_ =	shalt  }
0x5d: {  	_ =	shalt  }
0x5e: {  	_ =	shalt  }
0x5f: {  	_ =	shalt  }
0x60: {  	_ =	shalt  }
0x61: {  	_ =	shalt  }
0x62: {  	_ =	shalt  }
0x63: {  	_ =	shalt  }
0x64: {  	_ =	shalt  }
0x65: {  	_ =	shalt  }
0x66: {  	_ =	shalt  }
0x67: {  	_ =	shalt  }
0x68: {  	_ =	shalt  }
0x69: {  	_ =	shalt  }
0x6a: {  	_ =	shalt  }
0x6b: {  	_ =	shalt  }
0x6c: {  	_ =	shalt  }
0x6d: {  	_ =	shalt  }
0x6e: {  	_ =	shalt  }
0x6f: {  	_ =	shalt  }
0x70: {  	_ =	shalt  }
0x71: {  	_ =	shalt  }
0x72: {  	_ =	shalt  }
0x73: {  	_ =	shalt  }
0x74: {  	_ =	shalt  }
0x75: {  	_ =	shalt  }
0x76: {  	_ =	shalt  }
0x77: {  	_ =	shalt  }
0x78: {  	_ =	shalt  }
0x79: {  	_ =	shalt  }
0x7a: {  	_ =	shalt  }
0x7b: {  	_ =	shalt  }
0x7c: {  	_ =	shalt  }
0x7d: {  	_ =	shalt  }
0x7e: {  	_ =	shalt  }
0x7f: {  	_ =	shalt  }
0x80: {  	_ =	shalt  }
0x81: {  	_ =	shalt  }
0x82: {  	_ =	shalt  }
0x83: {  	_ =	shalt  }
0x84: {  	_ =	shalt  }
0x85: {  	_ =	shalt  }
0x86: {  	_ =	shalt  }
0x87: {  	_ =	shalt  }
.Lfunc_end0:
.L_simem_size_0:
called_computation_lowered:
.L_overlay_start_0:
0x88: {  	s2 =	sld [smem:$0x3FD9]  }
0x89: {  	s3 =	sld [smem:$0x3FFE];
	_ =	sdelay $0x1  }
0x8a: {  	s1 =	srdreg.scid  }
0x8b: {  	s0 =	sand.u32 $0x1, s1  }
0x8c: {  	s17 =	sshll.u32 s0, $0xA;
	s2 =	sadd.s32 s3, s2  }
0x8d: {  	s2 =	sadd.s32 s2, s17  }
0x8e: {  	[smem:$0x3FB7] =	sst s2  }
0x8f: {  	_ = 	snop  }
0x90: {  	s2 =	sld [smem:$0x3FD0];
	(tm) =	ssettm $0x1  }
0x91: {  	s18 =	sld [smem:$0x3FFB];
	_ =	sdelay $0x3  }
0x92: {  	_ =	strace s18  }
0x93: {  	s3 =	sld [smem:$0x3FFC];
	_ =	sdelay $0x3  }
0x94: {  	_ =	strace s3  }
0x95: {  	s3 =	sld [smem:$0x3FFD];
	_ =	sdelay $0x3  }
0x96: {  	_ =	strace s3  }
0x97: {  	_ =	strace $0x8FFFFFFF  }
0x98: {  	s19 =	sld [smem:$0x3FDB];
	_ =	sdelay $0x1  }
0x99: {  	s4 =	simm.s32 $_scs_section_size  }
0x9a: {  	s5 =	simm.s32 $_size__tile_overlayer_lowered;
	s6 =	simm.s32 $_tile_overlayer_lowered  }
0x9b: {  	s22 =	simm.s32 $0x1BFF;
	s21 =	sshll.u32 s6, $0x1;
	s3 =	sadd.s32 s4, s19  }
0x9c: {  	s7 =	simm.s32 $0x0;
	s20 =	sshll.u32 s5, $0x1;
	s5 =	sadd.s32 s21, s3  }
0x9d: {  	[timem:s7], [sflag:s22] =	dma.local [hbm:s5], s20  }
0x9e: {  	_ =	swait.ge [sflag:s22], s20  }
0x9f: {  	s4 =	ssub.s32 $0x0, s20;
	[sflag:s22] =	ssyncset.done $0x0  }
0xa0: {  	[sflag:s22] =	ssyncadd.s32 s4;
	_ =	sdelay $0x1  }
0xa1: {  	s23 =	simm.s32 $0x1B8B  }
0xa2: {  	_ =	swait.ge [sflag:s23], $0x1  }
0xa3: {  	[sflag:s23] =	ssyncset.done $0x0  }
0xa4: {  	s25 =	simm.s32 $0x1B8E;
	s24 =	sld [smem:$0x3FFE];
	[sflag:s23] =	ssyncadd.s32 $0xFFFFFFFF  }
0xa5: {  	s26 =	simm.s32 $execute0_lowered;
	[smem:$0x3FD2] =	sst s25  }
0xa6: {  	s5 =	sshll.u32 s26, $0x1;
	_ =	strace $0x80000046;
	[dreg:$0x1] =	wrdreg $0xFFFFFFFF  }
0xa7: {  	s28 =	simm.s32 $_size_execute0_lowered;
	s3 =	sadd.s32 s3, s5;
	[dreg:$0x0] =	wrdreg $0x0  }
0xa8: {  	s5 =	sshll.u32 s28, $0x1;
	[dreg:$0x2] =	wrdreg s3  }
0xa9: {  	[dreg:$0x3] =	wrdreg s5  }
0xaa: {  	[dreg:$0x4] =	wrdreg $0xC0  }
0xab: {  	_ =	task [dreg:s7], $0x5FFFF  }
0xac: {  	[dreg:$0x1] =	wrdreg $0xFFFFFFFF  }
0xad: {  	[dreg:$0x0] =	wrdreg $0x60  }
0xae: {  	[dreg:$0x2] =	wrdreg s2  }
0xaf: {  	[dreg:$0x3] =	wrdreg s24  }
0xb0: {  	[dreg:$0x4] =	wrdreg $0x9  }
0xb1: {  	_ =	task.clear_ibuf [dreg:s7], $0x5FFFF;
	_ =	strace $0x90000046  }
0xb2: {  	s29 =	simm.s32 $0x9;
	_ =	strace $0x80000048  }
0xb3: {  	_ =	swait.ge [sflag:s29], $0x1  }
0xb4: {  	[sflag:s29] =	ssyncadd.s32 $0xFFFFFFFF  }
0xb5: {  	_ =	strace $0x90000048  }
0xb6: {  	_ =	sfence  }
0xb7: {  	s30 =	sld [smem:$0x0];
	_ =	sdelay $0x2  }
0xb8: {  	s31 =	sshll.u32 s1, $0xD;
	s1 =	sshrl.u32 s1, $0x2  }
0xb9: {  	s3 =	sand.u32 $0x4000, s31;
	s1 =	sadd.s32 s1, s30  }
0xba: {  	s0 =	sor.u32 s3, s0;
	s1 =	sshll.u32 s1, $0x11  }
0xbb: {  	s0 =	sor.u32 s1, s0  }
0xbc: {  	s0 =	sadd.s32 $0x8F2B, s0  }
0xbd: {  	[sflag:s0] =	ssyncadd.remote.s32 $0x1  }
0xbe: {  	_ =	sfence.sel $0xFFFF  }
0xbf: {  	[dreg:$0x0] =	wrdreg $0xFFFFFFFF;
	(pc) =	sbr.abs _section_cstart, $3  }
0xc0: {  	[dreg:$0x1] =	wrdreg $0xFFFFFFFF  }
0xc1: {  	_ =	task.clear_ibuf [dreg:s7], $0x2FFFF;
	_ =	strace $0x9FFFFFFF  }
0xc2: {  	(tm) =	ssettm $0x7FFFFFFF  }
0xc3: {  	_ =	shalt  }
tec
execute0_lowered:
.L_overlay_start_1:
0x0: {  	(tag) =	ssettag $0x1  }
0x1: {  	s0 =	srdreg.scid  }
0x2: {  	s3 =	sand.u32 $0x1, s0  }
0x3: {  	s4 =	rddreg [dreg:$0x0];
	s0 =	stileid.u32;
	s1 =	sshll.u32 s3, $0x4  }
0x4: {  	s5 =	rddreg [dreg:$0x1];
	s2 =	simm.s32 $0x0;
	s6 =	sor.u32 s0, s1  }
0x5: {  	s9 =	simm.s32 $0x1400;
	s10 =	simm.s32 $0x0;
	s7 =	smul.u32 $0x140, s6  }
0x6: {  	[smem:$0x7FF] =	sst s2;
	s3 =	ssub.s32 $0x2, s3;
	s6 =	smul.u32 $0x500, s6  }
0x7: {  	s1 =	rddreg [dreg:$0x2];
	_ =	strace $0x80000047;
	s31 =	sshrl.u32 s3, $0x1  }
0x8: {  	v0 =	vlaneseq.u32;
	s8 =	sadd.s32 s7, s5;
	s5 =	sadd.s32 s6, s5;
	s6 =	ssub.s32 s3, s31  }
0x9: {  	v1 =	vshrl.u32 v0, $0x3;
	s3 =	sadd.s32 s4, s7;
	s7 =	simm.s32 $0x1;
	s4 =	sadd.s32 $0x4200, s8  }
0xa: {  	v0 =	vimm.f32 $0.0e+00;
	v1 =	vmul.u32 $0x2800, v1;
	s5 =	sadd.s32 $0x6A00, s5;
	s6 =	smax.u32 s6, $0x1;
	s8 =	simm.s32 $0xA00  }
.LBB2_1:
0xb: {  	[tilespmem:s2], [sflag:$0x1] =	stream.linear.gather [hbm4b:s3+s2], $0xA00, $0x38;
	[tilespmem:$0x6400] =	vst v63  }
0xc: {  	_ =	swait.ge [sflag:s7], $0xA00  }
0xd: {  	[sflag:s7] =	ssyncset.done $0x0  }
0xe: {  	[sflag:s7] =	ssyncadd.s32 $0xFFFFF600  }
0xf: {  	[tilespmem:s8], [sflag:$0x1] =	stream.linear.gather [hbm4b:s4+s2], $0xA00, $0x38;
	[tilespmem:$0x6400] =	vst v63  }
0x10: {  	_ =	swait.ge [sflag:s7], $0xA00  }
0x11: {  	[sflag:s7] =	ssyncset.done $0x0  }
0x12: {  	s11 =	simm.s32 $0x40;
	s12 =	simm.s32 $0x0;
	[sflag:s7] =	ssyncadd.s32 $0xFFFFF600  }
.LBB2_2:
0x13: {  	p0 =	sne.s32 s11, $0x13FC0;
	[tilespmem:s12+$0x1400] =	vst v0;
	s12 =	smov.u32 s11;
	s11 =	sadd.s32 $0x40, s11  }
.Ltmp0:
0x14: {  	(pc) =	sbr.rel @p0 .LBB2_2-.Ltmp0, $2  }
0x15: {  	_ =	sdelay $0x2  }
0x16: {  	s12 =	sshra.s32 s12, $0x2  }
0x17: {  	[tilespmem:s12+$0x1400] =	vst v0;
	s12 =	simm.s32 $0x0;
	s14 =	simm.s32 $0x0;
	s13 =	simm.s32 $0x40  }
.LBB2_4:
0x18: {  	p0 =	sne.s32 s13, $0x27C0;
	v2 =	vld [tilespmem:s14+$0x0];
	_ =	sdelay $0x4  }
0x19: {  	v3 =	vld [tilespmem:s14+$0xA00];
	v2 =	vadd.s32 v1, v2  }
.Ltmp1:
0x1a: {  	(pc) =	sbr.rel @p0 .LBB2_4-.Ltmp1, $3  }
0x1b: {  	_ =	sdelay $0x1  }
0x1c: {  	s11 =	simm.s32 $0x1400  }
0x1d: {  	s14 =	sshra.s32 s13, $0x2;
	s13 =	sadd.s32 $0x40, s13;
	[tilespmem:v2+s11+$0x0] =	vst.idx.add.f32.msk $0xffff, v3  }
0x1e: {  	v2 =	vld [tilespmem:s14+$0x0];
	_ =	sdelay $0x4  }
0x1f: {  	v3 =	vld [tilespmem:s14+$0xA00];
	v2 =	vadd.s32 v1, v2;
	_ =	sdelay $0x4  }
0x20: {  	s12 =	sand.u32 $0x3FF0, s12;
	[tilespmem:v2+s11+$0x0] =	vst.idx.add.f32.msk $0xffff, v3  }
0x21: {  	v2 =	vld [tilespmem:s12+$0x3C00];
	s12 =	simm.s32 $0x10  }
.LBB2_6:
0x22: {  	p0 =	sne.s32 s12, $0x27F0;
	v3 =	vld [tilespmem:s11+$0x0];
	_ =	sdelay $0x3  }
.Ltmp2:
0x23: {  	(pc) =	sbr.rel @p0 .LBB2_6-.Ltmp2, $3  }
0x24: {  	v2 =	vadd.f32 v2, v3;
	_ =	sdelay $0x1  }
0x25: {  	s13 =	sand.u32 $0x3FF0, s12;
	[tilespmem:s11+$0x0] =	vst v2  }
0x26: {  	s12 =	sadd.s32 $0x10, s12;
	s11 =	sadd.s32 $0x10, s11;
	v2 =	vld [tilespmem:s13+$0x3C00]  }
0x27: {  	v3 =	vld [tilespmem:s11+$0x0];
	_ =	sdelay $0x4  }
0x28: {  	s10 =	sadd.s32 $0x1, s10;
	v2 =	vadd.f32 v2, v3  }
0x29: {  	p0 =	sne.s32 s10, s6  }
.Ltmp3:
0x2a: {  	[tilespmem:s11+$0x0] =	vst v2;
	(pc) =	sbr.rel @p0 .LBB2_1-.Ltmp3, $4  }
0x2b: {  	[hbm4b:s5+s2] =	stream.linear.scatter [tilespmem:s9], [sflag:$0x1], $0x2800, $0x38;
	[tilespmem:$0x6400] =	vst v63  }
0x2c: {  	_ =	swait.ge [sflag:s7], $0x2800  }
0x2d: {  	[sflag:s7] =	ssyncset.done $0x0  }
0x2e: {  	[sflag:s7] =	ssyncadd.s32 $0xFFFFD800  }
0x2f: {  	_ =	sfence.sel $0x180000  }
0x30: {  	[bflag:$0x0] =	sbarrier.arrive $0xFFFF  }
0x31: {  	p0 =	sne.s32 s0, $0x0;
	_ =	strace $0x90000047  }
0x32: {  	s0 =	sadd.s32 @!p0 $0x100000, s1;
	[bflag:$0x2] =	sbarrier.arrive $0xFFFF  }
0x33: {  	[sflag:s0] =	ssyncadd.tile.s32 @!p0 $0x1;
	_ =	shalt  }
.Lfunc_end2:
_tile_overlayer_lowered:
.L_overlay_start_2:
0x34: {  	(tag) =	ssettag $0x2  }
0x35: {  	s0 =	rddreg [dreg:$0x0];
	s2 =	stileid.u32  }
0x36: {  	s1 =	rddreg [dreg:$0x1];
	p0 =	sne.s32 s2, $0x0  }
0x37: {  	s3 =	rddreg [dreg:$0x2];
	[bflag:$0x3] =	sbarrier.arrive $0xFFFF;
	s2 =	simm.s32 @!p0 $0x1C01  }
0x38: {  	[timem:s3], [sflag:s2] =	dma.local @!p0 [hbm:s0], s1  }
0x39: {  	s0 =	simm.s32 @!p0 $0x1  }
0x3a: {  	_ =	swait.ge @!p0 [sflag:s0], s1  }
0x3b: {  	s1 =	ssub.s32 @!p0 $0x0, s1;
	[sflag:s0] =	ssyncset.done @!p0 $0x0  }
0x3c: {  	[sflag:s0] =	ssyncadd.s32 @!p0 s1  }
0x3d: {  	[bflag:$0x3] =	sbarrier.arrive $0xFFFF  }
0x3e: {  	_ =	shalt  }

// kernel: kernel.14.cloned.1.call-start
scs
__scs_entry_jumppad:
0x0: {  	(pc) =	sbr.rel $0x88, $3  }
0x1: {  	(tag) =	ssettag $0x0;
	lr =	simm.s32 $0x1  }
0x2: {  	[smem:$0x3F90] =	sst lr;
	_ =	strace $0xD0000000  }
0x3: {  	_ = 	snop  }
0x4: {  	_ = 	snop  }
0x5: {  	_ = 	snop  }
0x6: {  	_ = 	snop  }
0x7: {  	_ = 	snop  }
__scs_overlays_trampoline_lowered:
0x8: {  	[smem:$0x3F9F] =	sst s0  }
0x9: {  	[smem:$0x3FA0] =	sst s1  }
0xa: {  	[smem:$0x3FA1] =	sst s2  }
0xb: {  	[smem:$0x3FA2] =	sst s3  }
0xc: {  	[smem:$0x3FA3] =	sst s4  }
0xd: {  	[smem:$0x3FA4] =	sst s5  }
0xe: {  	[smem:$0x3FA5] =	sst s6  }
0xf: {  	[smem:$0x3FA6] =	sst s7  }
0x10: {  	[smem:$0x3FA7] =	sst s8  }
0x11: {  	[smem:$0x3FA8] =	sst s9;
	s0 =	simm.s32 @!p0 $0x0  }
0x12: {  	s1 =	sld [smem:$0x3F8E];
	s0 =	simm.s32 @p0 $0x1  }
0x13: {  	[smem:$0x3FA9] =	sst s0;
	s0 =	simm.s32 @!p1 $0x0  }
0x14: {  	s2 =	sld [smem:$0x3F8D];
	s0 =	simm.s32 @p1 $0x1  }
0x15: {  	[smem:$0x3FAA] =	sst s0;
	s0 =	simm.s32 @!p2 $0x0  }
0x16: {  	s3 =	sld [smem:$0x3FDB];
	s0 =	simm.s32 @p2 $0x1  }
0x17: {  	s4 =	simm.s32 $0x1BF5;
	[smem:$0x3FAC] =	sst s0  }
0x18: {  	s0 =	sld [smem:$0x3F8F];
	_ =	swait.ge [sflag:s4], $0x0  }
0x19: {  	s7 =	sld [smem:$0x3F90]  }
0x1a: {  	s8 =	sadd.s32 $0xFFFFE003, lr  }
0x1b: {  	s9 =	sadd.s32 $0xFFFFFEF7, lr;
	s5 =	simm.s32 $0xFFFFFFFF;
	p2 =	slt.u32 s8, $0xFFFFF086  }
0x1c: {  	p1 =	slt.u32 s9, $0xF7A;
	s5 =	simm.s32 @!p2 $0x0  }
0x1d: {  	s5 =	simm.s32 @p1 $0x1;
	p0 =	seq.s32 s7, s2  }
0x1e: {  	s7 =	smul.u32 @!p0 $0xF7A, s2;
	p2 =	seq.s32 @!p0 s5, $0x0  }
0x1f: {  	s9 =	smul.u32 $0xF7A, s1;
	s8 =	simm.s32 @!p0 $0x1BF5;
	p2 =	por !p2, p0  }
0x20: {  	[sflag:s8] =	ssyncset.s32 @!p0 $0xFFFFF086;
	s6 =	sadd.s32 @!p0 s3, s7;
	s7 =	simm.s32 @!p0 $0x108  }
0x21: {  	s3 =	sadd.s32 s3, s9;
	s6 =	sadd.s32 @!p0 $0x88, s6;
	s7 =	simm.s32 @p2 $0x1082  }
0x22: {  	[simem:s7], [sflag:s8] =	dma.local @!p0 [hbm:s6], $0xF7A  }
0x23: {  	s9 =	sor.u32 $0xD0000000, s2;
	s6 =	simm.s32 $0x108;
	_ =	swait.ge @!p0 [sflag:s8], $0x0  }
0x24: {  	s3 =	sadd.s32 $0x88, s3;
	s6 =	simm.s32 @!p1 $0x1082;
	[sflag:s4] =	ssyncset.s32 $0xFFFFF086  }
0x25: {  	[simem:s6], [sflag:s4] =	dma.local [hbm:s3], $0xF7A  }
0x26: {  	[smem:$0x3F90] =	sst s1;
	(tag) =	ssettag s2;
	_ =	strace s9  }
0x27: {  	s1 =	sld [smem:$0x3FA0]  }
0x28: {  	s2 =	sld [smem:$0x3FA1]  }
0x29: {  	s4 =	sld [smem:$0x3FA3]  }
0x2a: {  	p0 =	seq.s32 s5, $0x0;
	s5 =	sld [smem:$0x3FA4]  }
0x2b: {  	s6 =	sld [smem:$0x3FA5]  }
0x2c: {  	s7 =	sld [smem:$0x3FA6]  }
0x2d: {  	s3 =	simm.s32 $0x108;
	s8 =	sld [smem:$0x3FA7]  }
0x2e: {  	s3 =	simm.s32 @!p0 $0x1082;
	s9 =	sld [smem:$0x3FA8]  }
0x2f: {  	lr =	sadd.s32 s0, s3;
	s0 =	sld [smem:$0x3F9F]  }
0x30: {  	s3 =	sld [smem:$0x3FA2]  }
0x31: {  	[smem:$0x3FAB] =	sst s10  }
0x32: {  	s10 =	sld [smem:$0x3FA9];
	_ =	sdelay $0x3  }
0x33: {  	p0 =	seq.s32 s10, $0x1;
	s10 =	sld [smem:$0x3FAB];
	_ =	sdelay $0x3  }
0x34: {  	[smem:$0x3FAB] =	sst s10  }
0x35: {  	s10 =	sld [smem:$0x3FAA];
	_ =	sdelay $0x3  }
0x36: {  	p1 =	seq.s32 s10, $0x1;
	s10 =	sld [smem:$0x3FAB];
	_ =	sdelay $0x3  }
0x37: {  	[smem:$0x3FAB] =	sst s10  }
0x38: {  	s10 =	sld [smem:$0x3FAC]  }
0x39: {  	_ = 	snop;
	(pc) =	sbr.ind lr, $3  }
0x3a: {  	_ = 	snop  }
0x3b: {  	_ = 	snop  }
0x3c: {  	p2 =	seq.s32 s10, $0x1;
	s10 =	sld [smem:$0x3FAB]  }
0x3d: {  	_ =	shalt  }
0x3e: {  	_ =	shalt  }
0x3f: {  	_ =	shalt  }
0x40: {  	_ =	shalt  }
0x41: {  	_ =	shalt  }
0x42: {  	_ =	shalt  }
0x43: {  	_ =	shalt  }
0x44: {  	_ =	shalt  }
0x45: {  	_ =	shalt  }
0x46: {  	_ =	shalt  }
0x47: {  	_ =	shalt  }
0x48: {  	_ =	shalt  }
0x49: {  	_ =	shalt  }
0x4a: {  	_ =	shalt  }
0x4b: {  	_ =	shalt  }
0x4c: {  	_ =	shalt  }
0x4d: {  	_ =	shalt  }
0x4e: {  	_ =	shalt  }
0x4f: {  	_ =	shalt  }
0x50: {  	_ =	shalt  }
0x51: {  	_ =	shalt  }
0x52: {  	_ =	shalt  }
0x53: {  	_ =	shalt  }
0x54: {  	_ =	shalt  }
0x55: {  	_ =	shalt  }
0x56: {  	_ =	shalt  }
0x57: {  	_ =	shalt  }
0x58: {  	_ =	shalt  }
0x59: {  	_ =	shalt  }
0x5a: {  	_ =	shalt  }
0x5b: {  	_ =	shalt  }
0x5c: {  	_ =	shalt  }
0x5d: {  	_ =	shalt  }
0x5e: {  	_ =	shalt  }
0x5f: {  	_ =	shalt  }
0x60: {  	_ =	shalt  }
0x61: {  	_ =	shalt  }
0x62: {  	_ =	shalt  }
0x63: {  	_ =	shalt  }
0x64: {  	_ =	shalt  }
0x65: {  	_ =	shalt  }
0x66: {  	_ =	shalt  }
0x67: {  	_ =	shalt  }
0x68: {  	_ =	shalt  }
0x69: {  	_ =	shalt  }
0x6a: {  	_ =	shalt  }
0x6b: {  	_ =	shalt  }
0x6c: {  	_ =	shalt  }
0x6d: {  	_ =	shalt  }
0x6e: {  	_ =	shalt  }
0x6f: {  	_ =	shalt  }
0x70: {  	_ =	shalt  }
0x71: {  	_ =	shalt  }
0x72: {  	_ =	shalt  }
0x73: {  	_ =	shalt  }
0x74: {  	_ =	shalt  }
0x75: {  	_ =	shalt  }
0x76: {  	_ =	shalt  }
0x77: {  	_ =	shalt  }
0x78: {  	_ =	shalt  }
0x79: {  	_ =	shalt  }
0x7a: {  	_ =	shalt  }
0x7b: {  	_ =	shalt  }
0x7c: {  	_ =	shalt  }
0x7d: {  	_ =	shalt  }
0x7e: {  	_ =	shalt  }
0x7f: {  	_ =	shalt  }
0x80: {  	_ =	shalt  }
0x81: {  	_ =	shalt  }
0x82: {  	_ =	shalt  }
0x83: {  	_ =	shalt  }
0x84: {  	_ =	shalt  }
0x85: {  	_ =	shalt  }
0x86: {  	_ =	shalt  }
0x87: {  	_ =	shalt  }
.Lfunc_end0:
.L_simem_size_0:
called_computation.1_lowered:
.L_overlay_start_0:
0x88: {  	s2 =	sld [smem:$0x3FD9]  }
0x89: {  	s3 =	sld [smem:$0x3FFE];
	_ =	sdelay $0x1  }
0x8a: {  	s1 =	srdreg.scid  }
0x8b: {  	s0 =	sand.u32 $0x1, s1  }
0x8c: {  	s17 =	sshll.u32 s0, $0xA;
	s2 =	sadd.s32 s3, s2  }
0x8d: {  	s2 =	sadd.s32 s2, s17  }
0x8e: {  	[smem:$0x3FB7] =	sst s2  }
0x8f: {  	_ = 	snop  }
0x90: {  	s2 =	sld [smem:$0x3FD0];
	(tm) =	ssettm $0x1  }
0x91: {  	s18 =	sld [smem:$0x3FFB];
	_ =	sdelay $0x3  }
0x92: {  	_ =	strace s18  }
0x93: {  	s3 =	sld [smem:$0x3FFC];
	_ =	sdelay $0x3  }
0x94: {  	_ =	strace s3  }
0x95: {  	s3 =	sld [smem:$0x3FFD];
	_ =	sdelay $0x3  }
0x96: {  	_ =	strace s3  }
0x97: {  	_ =	strace $0x8FFFFFFF  }
0x98: {  	s19 =	sld [smem:$0x3FDB];
	_ =	sdelay $0x1  }
0x99: {  	s4 =	simm.s32 $_scs_section_size  }
0x9a: {  	s5 =	simm.s32 $_size__tile_overlayer_lowered;
	s6 =	simm.s32 $_tile_overlayer_lowered  }
0x9b: {  	s22 =	simm.s32 $0x1BFF;
	s21 =	sshll.u32 s6, $0x1;
	s3 =	sadd.s32 s4, s19  }
0x9c: {  	s7 =	simm.s32 $0x0;
	s20 =	sshll.u32 s5, $0x1;
	s5 =	sadd.s32 s21, s3  }
0x9d: {  	[timem:s7], [sflag:s22] =	dma.local [hbm:s5], s20  }
0x9e: {  	_ =	swait.ge [sflag:s22], s20  }
0x9f: {  	s4 =	ssub.s32 $0x0, s20;
	[sflag:s22] =	ssyncset.done $0x0  }
0xa0: {  	[sflag:s22] =	ssyncadd.s32 s4;
	_ =	sdelay $0x1  }
0xa1: {  	s23 =	simm.s32 $0x1B8B  }
0xa2: {  	_ =	swait.ge [sflag:s23], $0x1  }
0xa3: {  	[sflag:s23] =	ssyncset.done $0x0  }
0xa4: {  	s25 =	simm.s32 $0x1B8E;
	s24 =	sld [smem:$0x3FFE];
	[sflag:s23] =	ssyncadd.s32 $0xFFFFFFFF  }
0xa5: {  	s26 =	simm.s32 $execute0_lowered;
	[smem:$0x3FD2] =	sst s25  }
0xa6: {  	s5 =	sshll.u32 s26, $0x1;
	_ =	strace $0x80000049;
	[dreg:$0x1] =	wrdreg $0xFFFFFFFF  }
0xa7: {  	s28 =	simm.s32 $_size_execute0_lowered;
	s3 =	sadd.s32 s3, s5;
	[dreg:$0x0] =	wrdreg $0x0  }
0xa8: {  	s5 =	sshll.u32 s28, $0x1;
	[dreg:$0x2] =	wrdreg s3  }
0xa9: {  	[dreg:$0x3] =	wrdreg s5  }
0xaa: {  	[dreg:$0x4] =	wrdreg $0xC0  }
0xab: {  	_ =	task [dreg:s7], $0x5FFFF  }
0xac: {  	[dreg:$0x1] =	wrdreg $0xFFFFFFFF  }
0xad: {  	[dreg:$0x0] =	wrdreg $0x60  }
0xae: {  	[dreg:$0x2] =	wrdreg s24  }
0xaf: {  	[dreg:$0x3] =	wrdreg s2  }
0xb0: {  	[dreg:$0x4] =	wrdreg $0x9  }
0xb1: {  	_ =	task.clear_ibuf [dreg:s7], $0x5FFFF;
	_ =	strace $0x90000049  }
0xb2: {  	s29 =	simm.s32 $0x9;
	_ =	strace $0x8000004B  }
0xb3: {  	_ =	swait.ge [sflag:s29], $0x1  }
0xb4: {  	[sflag:s29] =	ssyncadd.s32 $0xFFFFFFFF  }
0xb5: {  	_ =	strace $0x9000004B  }
0xb6: {  	_ =	sfence  }
0xb7: {  	s30 =	sld [smem:$0x0];
	_ =	sdelay $0x2  }
0xb8: {  	s31 =	sshll.u32 s1, $0xD;
	s1 =	sshrl.u32 s1, $0x2  }
0xb9: {  	s3 =	sand.u32 $0x4000, s31;
	s1 =	sadd.s32 s1, s30  }
0xba: {  	s0 =	sor.u32 s3, s0;
	s1 =	sshll.u32 s1, $0x11  }
0xbb: {  	s0 =	sor.u32 s1, s0  }
0xbc: {  	s0 =	sadd.s32 $0x8F2B, s0  }
0xbd: {  	[sflag:s0] =	ssyncadd.remote.s32 $0x1  }
0xbe: {  	_ =	sfence.sel $0xFFFF  }
0xbf: {  	[dreg:$0x0] =	wrdreg $0xFFFFFFFF;
	(pc) =	sbr.abs _section_cstart, $3  }
0xc0: {  	[dreg:$0x1] =	wrdreg $0xFFFFFFFF  }
0xc1: {  	_ =	task.clear_ibuf [dreg:s7], $0x2FFFF;
	_ =	strace $0x9FFFFFFF  }
0xc2: {  	(tm) =	ssettm $0x7FFFFFFF  }
0xc3: {  	_ =	shalt  }
tec
execute0_lowered:
.L_overlay_start_1:
0x0: {  	(tag) =	ssettag $0x1  }
0x1: {  	s6 =	rddreg [dreg:$0x0]  }
0x2: {  	s1 =	rddreg [dreg:$0x1]  }
0x3: {  	s2 =	srdreg.scid;
	s0 =	rddreg [dreg:$0x2];
	s3 =	simm.s32 $0x0  }
0x4: {  	s13 =	simm.s32 $0x2800;
	s14 =	simm.s32 $0x5000;
	s15 =	simm.s32 $0x7000  }
0x5: {  	s16 =	simm.s32 $0xB800;
	s17 =	simm.s32 $0x10800;
	s7 =	sand.u32 $0x1, s2  }
0x6: {  	s18 =	simm.s32 $0x0;
	s2 =	stileid.u32;
	s4 =	sshll.u32 s7, $0x4  }
0x7: {  	[smem:$0x7FF] =	sst s3;
	s9 =	sadd.s32 $0x10A00, s6;
	s8 =	sor.u32 s2, s4  }
0x8: {  	s5 =	sadd.s32 $0x6A00, s6;
	s11 =	sadd.s32 $0x24A00, s6;
	s10 =	smul.u32 $0x5000, s8  }
0x9: {  	v0 =	vlaneseq.u32;
	_ =	strace $0x8000004A;
	s7 =	ssub.s32 $0x2, s7;
	s8 =	smul.u32 $0xA00, s8  }
0xa: {  	v1 =	vshrl.u32 v0, $0x3;
	s4 =	sadd.s32 $0x4200, s6;
	s31 =	sshrl.u32 s7, $0x1;
	s10 =	sshrl.u32 s10, $0x3  }
0xb: {  	v1 =	vmul.u32 $0x2800, v1;
	s12 =	ssub.s32 s7, s31;
	s6 =	sadd.s32 s9, s8;
	s10 =	sadd.s32 $0x500, s10  }
0xc: {  	s8 =	sadd.s32 s11, s8;
	s7 =	sadd.s32 s9, s10;
	s9 =	sadd.s32 s11, s10  }
0xd: {  	v2 =	vimm.f32 $0.0e+00;
	v3 =	vadd.s32 $0x5000, v1;
	s10 =	smax.u32 s12, $0x1;
	s11 =	simm.s32 $0x9000;
	s12 =	simm.s32 $0x1  }
.LBB2_1:
0xe: {  	[tilespmem:s11], [sflag:$0x1] =	stream.linear.gather [hbm4b:s5+s3], $0x2800, $0x38;
	[tilespmem:$0x15800] =	vst v63  }
0xf: {  	_ =	swait.ge [sflag:s12], $0x2800  }
0x10: {  	[sflag:s12] =	ssyncset.done $0x0  }
0x11: {  	[sflag:s12] =	ssyncadd.s32 $0xFFFFD800  }
0x12: {  	[tilespmem:s3], [sflag:$0x1] =	stream.linear.gather [hbm4b:s6+s3], $0x2800, $0x38;
	[tilespmem:$0x15800] =	vst v63  }
0x13: {  	_ =	swait.ge [sflag:s12], $0x2800  }
0x14: {  	[sflag:s12] =	ssyncset.done $0x0  }
0x15: {  	[sflag:s12] =	ssyncadd.s32 $0xFFFFD800  }
0x16: {  	[tilespmem:s13], [sflag:$0x1] =	stream.linear.gather [hbm4b:s7+s3], $0x2800, $0x38;
	[tilespmem:$0x15800] =	vst v63  }
0x17: {  	_ =	swait.ge [sflag:s12], $0x2800  }
0x18: {  	[sflag:s12] =	ssyncset.done $0x0  }
0x19: {  	s19 =	simm.s32 $0x0;
	[sflag:s12] =	ssyncadd.s32 $0xFFFFD800  }
.LBB2_2:
0x1a: {  	p0 =	sne.s32 s19, $0x27FC0  }
.Ltmp0:
0x1b: {  	_ = 	snop;
	(pc) =	sbr.rel @p0 .LBB2_2-.Ltmp0, $3  }
0x1c: {  	_ =	sdelay $0x1  }
0x1d: {  	s20 =	sshra.s32 s19, $0x2  }
0x1e: {  	s19 =	sadd.s32 $0x40, s19;
	[tilespmem:s20+$0xB800] =	vst v2  }
0x1f: {  	s19 =	simm.s32 $0x0;
	s20 =	simm.s32 $0x30  }
.LBB2_4:
0x20: {  	s21 =	sshll.u32 s19, $0xA  }
0x21: {  	s22 =	sadd.s32 s1, s21  }
0x22: {  	[tilespmem:s14], [sflag:$0x1] =	stream.linear.gather [hbm4b:s22+s3], $0x2000, $0x38;
	[tilespmem:$0x15800] =	vst v63  }
0x23: {  	_ =	swait.ge [sflag:s12], $0x2000  }
0x24: {  	[sflag:s12] =	ssyncset.done $0x0  }
0x25: {  	s21 =	sadd.s32 s4, s21;
	[sflag:s12] =	ssyncadd.s32 $0xFFFFE000  }
0x26: {  	[tilespmem:s15], [sflag:$0x1] =	stream.linear.gather [hbm4b:s21+s3], $0x2000, $0x38;
	[tilespmem:$0x15800] =	vst v63  }
0x27: {  	_ =	swait.ge [sflag:s12], $0x2000  }
0x28: {  	s23 =	simm.s32 $0x7020;
	s24 =	smov.u32 s20;
	[sflag:s12] =	ssyncset.done $0x0  }
0x29: {  	s22 =	simm.s32 $0x5020;
	s21 =	simm.s32 $0xFFFFFFFC;
	[sflag:s12] =	ssyncadd.s32 $0xFFFFE000  }
.LBB2_5:
0x2a: {  	s25 =	sadd.s32 $0xFFFFFFD0, s24  }
0x2b: {  	v4 =	vmov s25;
	v5 =	vor.u32 s25, v0  }
0x2c: {  	v5 =	vshrl.u32 v5, $0x3;
	v4 =	vshrl.u32 v4, $0x3  }
0x2d: {  	v6 =	vld [tilespmem:s22+$0xFFFFFFE0];
	v7 =	vand.u32 $0x7F, v5;
	v4 =	vand.u32 $0x3F80, v4  }
0x2e: {  	v4 =	vor.u32 v4, v7;
	_ =	sdelay $0x3  }
0x2f: {  	v8 =	vld [tilespmem:s23+$0xFFFFFFE0]  }
0x30: {  	v9 =	vld.idx.msk [tilespmem:v4+s11+$0x0], $0xffff;
	_ =	sdelay $0x1  }
0x31: {  	v10 =	vld.idx.msk [tilespmem:v6+s11+$0x0], $0xffff;
	_ =	sdelay $0x1  }
0x32: {  	v4 =	vld.idx.msk [tilespmem:v4+s3+$0x0], $0xffff  }
0x33: {  	v5 =	vadd.s32 $0x2800, v5;
	v8 =	vmul.f32 v9, v8  }
0x34: {  	v5 =	vand.u32 $0x3FFFFF80, v5;
	v45 =	vadd.s32 v1, v6  }
0x35: {  	v5 =	vor.u32 v7, v5;
	v8 =	vmul.f32 v10, v8;
	_ =	sdelay $0x1  }
0x36: {  	v4 =	vmul.f32 v4, v8;
	_ =	sdelay $0x1  }
0x37: {  	[tilespmem:v45+s16+$0x0] =	vst.idx.add.f32.msk $0xffff, v4  }
0x38: {  	v4 =	vld.idx.msk [tilespmem:v5+s3+$0x0], $0xffff;
	_ =	sdelay $0x1  }
0x39: {  	v5 =	vadd.s32 v3, v6;
	_ =	sdelay $0x2  }
0x3a: {  	s30 =	sadd.s32 $0xFFFFFFE0, s24;
	v4 =	vmul.f32 v4, v8  }
0x3b: {  	v46 =	vmov s30;
	v47 =	vor.u32 s30, v0  }
0x3c: {  	[tilespmem:v5+s16+$0x0] =	vst.idx.add.f32.msk $0xffff, v4;
	v4 =	vshrl.u32 v47, $0x3;
	v5 =	vshrl.u32 v46, $0x3  }
0x3d: {  	v48 =	vld [tilespmem:s22+$0xFFFFFFF0];
	v7 =	vand.u32 $0x7F, v4;
	v5 =	vand.u32 $0xFFFFF80, v5  }
0x3e: {  	v5 =	vor.u32 v5, v7;
	_ =	sdelay $0x3  }
0x3f: {  	v49 =	vld [tilespmem:s23+$0xFFFFFFF0]  }
0x40: {  	v9 =	vld.idx.msk [tilespmem:v5+s11+$0x0], $0xffff;
	_ =	sdelay $0x1  }
0x41: {  	v50 =	vld.idx.msk [tilespmem:v48+s11+$0x0], $0xffff;
	_ =	sdelay $0x1  }
0x42: {  	v5 =	vld.idx.msk [tilespmem:v5+s3+$0x0], $0xffff  }
0x43: {  	v4 =	vadd.s32 $0x2800, v4;
	v8 =	vmul.f32 v9, v49  }
0x44: {  	v4 =	vand.u32 $0x3FFFFF80, v4;
	v51 =	vadd.s32 v1, v48  }
0x45: {  	v4 =	vor.u32 v7, v4;
	v8 =	vmul.f32 v50, v8;
	_ =	sdelay $0x1  }
0x46: {  	v5 =	vmul.f32 v5, v8;
	_ =	sdelay $0x1  }
0x47: {  	[tilespmem:v51+s16+$0x0] =	vst.idx.add.f32.msk $0xffff, v5  }
0x48: {  	v4 =	vld.idx.msk [tilespmem:v4+s3+$0x0], $0xffff;
	_ =	sdelay $0x1  }
0x49: {  	v5 =	vadd.s32 v3, v48;
	_ =	sdelay $0x2  }
0x4a: {  	s31 =	sadd.s32 $0xFFFFFFF0, s24;
	v4 =	vmul.f32 v4, v8  }
0x4b: {  	v52 =	vmov s31;
	v53 =	vor.u32 s31, v0  }
0x4c: {  	[tilespmem:v5+s16+$0x0] =	vst.idx.add.f32.msk $0xffff, v4;
	v4 =	vshrl.u32 v53, $0x3;
	v5 =	vshrl.u32 v52, $0x3  }
0x4d: {  	v54 =	vld [tilespmem:s22+$0x0];
	v7 =	vand.u32 $0x7F, v4;
	v5 =	vand.u32 $0xFFFFF80, v5  }
0x4e: {  	v5 =	vor.u32 v5, v7;
	_ =	sdelay $0x3  }
0x4f: {  	v55 =	vld [tilespmem:s23+$0x0]  }
0x50: {  	v9 =	vld.idx.msk [tilespmem:v5+s11+$0x0], $0xffff;
	_ =	sdelay $0x1  }
0x51: {  	v56 =	vld.idx.msk [tilespmem:v54+s11+$0x0], $0xffff;
	_ =	sdelay $0x1  }
0x52: {  	v5 =	vld.idx.msk [tilespmem:v5+s3+$0x0], $0xffff  }
0x53: {  	v4 =	vadd.s32 $0x2800, v4;
	v8 =	vmul.f32 v9, v55  }
0x54: {  	v4 =	vand.u32 $0x3FFFFF80, v4;
	v57 =	vadd.s32 v1, v54  }
0x55: {  	v4 =	vor.u32 v7, v4;
	v8 =	vmul.f32 v56, v8;
	_ =	sdelay $0x1  }
0x56: {  	v5 =	vmul.f32 v5, v8;
	_ =	sdelay $0x1  }
0x57: {  	[tilespmem:v57+s16+$0x0] =	vst.idx.add.f32.msk $0xffff, v5  }
0x58: {  	v4 =	vld.idx.msk [tilespmem:v4+s3+$0x0], $0xffff;
	_ =	sdelay $0x1  }
0x59: {  	v5 =	vadd.s32 v3, v54;
	_ =	sdelay $0x2  }
0x5a: {  	v4 =	vmul.f32 v4, v8  }
0x5b: {  	v58 =	vmov s24;
	v59 =	vor.u32 s24, v0  }
0x5c: {  	[tilespmem:v5+s16+$0x0] =	vst.idx.add.f32.msk $0xffff, v4;
	v4 =	vshrl.u32 v59, $0x3;
	v5 =	vshrl.u32 v58, $0x3  }
0x5d: {  	v60 =	vld [tilespmem:s22+$0x10];
	v7 =	vand.u32 $0x7F, v4;
	v5 =	vand.u32 $0xFFFFF80, v5  }
0x5e: {  	v5 =	vor.u32 v5, v7;
	_ =	sdelay $0x3  }
0x5f: {  	v61 =	vld [tilespmem:s23+$0x10]  }
0x60: {  	v9 =	vld.idx.msk [tilespmem:v5+s11+$0x0], $0xffff;
	_ =	sdelay $0x1  }
0x61: {  	v62 =	vld.idx.msk [tilespmem:v60+s11+$0x0], $0xffff;
	_ =	sdelay $0x1  }
0x62: {  	v5 =	vld.idx.msk [tilespmem:v5+s3+$0x0], $0xffff  }
0x63: {  	v4 =	vadd.s32 $0x2800, v4;
	v8 =	vmul.f32 v9, v61  }
0x64: {  	v4 =	vand.u32 $0x3FFFFF80, v4;
	v63 =	vadd.s32 v1, v60  }
0x65: {  	v4 =	vor.u32 v7, v4;
	v8 =	vmul.f32 v62, v8;
	_ =	sdelay $0x1  }
0x66: {  	v5 =	vmul.f32 v5, v8;
	_ =	sdelay $0x1  }
0x67: {  	[tilespmem:v63+s16+$0x0] =	vst.idx.add.f32.msk $0xffff, v5  }
0x68: {  	v4 =	vld.idx.msk [tilespmem:v4+s3+$0x0], $0xffff  }
0x69: {  	s21 =	sadd.s32 $0x4, s21  }
0x6a: {  	p0 =	slt.u32 s21, $0x1FC;
	v5 =	vadd.s32 v3, v60  }
.Ltmp1:
0x6b: {  	_ = 	snop;
	(pc) =	sbr.rel @p0 .LBB2_5-.Ltmp1, $3  }
0x6c: {  	_ = 	snop  }
0x6d: {  	v4 =	vmul.f32 v4, v8;
	_ =	sdelay $0x1  }
0x6e: {  	s24 =	sadd.s32 $0x40, s24;
	s22 =	sadd.s32 $0x40, s22;
	s23 =	sadd.s32 $0x40, s23;
	[tilespmem:v5+s16+$0x0] =	vst.idx.add.f32.msk $0xffff, v4  }
0x6f: {  	s19 =	sadd.s32 $0x1, s19  }
0x70: {  	p0 =	sne.s32 s19, $0xA  }
.Ltmp2:
0x71: {  	_ = 	snop;
	(pc) =	sbr.rel @p0 .LBB2_4-.Ltmp2, $2  }
0x72: {  	_ =	sdelay $0x2  }
0x73: {  	s20 =	sadd.s32 $0x2000, s20  }
0x74: {  	s19 =	simm.s32 $0x0;
	s20 =	simm.s32 $0xB800  }
0x75: {  	s19 =	sand.u32 $0x3FF0, s19;
	v5 =	vld [tilespmem:s20+$0x0]  }
0x76: {  	v4 =	vld [tilespmem:s19+$0xE000];
	_ =	sdelay $0x4  }
0x77: {  	v4 =	vadd.f32 v4, v5;
	_ =	sdelay $0x1  }
0x78: {  	[tilespmem:s20+$0x0] =	vst v4  }
0x79: {  	v4 =	vld [tilespmem:s19+$0x10800]  }
0x7a: {  	s21 =	simm.s32 $0x10;
	v5 =	vld [tilespmem:s19+$0x13000]  }
.LBB2_8:
0x7b: {  	_ =	sdelay $0x2  }
0x7c: {  	p0 =	sne.s32 s21, $0x27F0  }
0x7d: {  	s20 =	sadd.s32 $0x10, s20;
	s22 =	smov.u32 s21;
	s21 =	sadd.s32 $0x10, s21;
	v4 =	vadd.f32 v5, v4  }
0x7e: {  	s22 =	sand.u32 $0x3FF0, s22  }
0x7f: {  	v5 =	vld [tilespmem:s22+$0xE000];
	[tilespmem:s19+$0x10800] =	vst v4;
	s19 =	smov.u32 s22  }
0x80: {  	v4 =	vld [tilespmem:s20+$0x0];
	_ =	sdelay $0x4  }
.Ltmp3:
0x81: {  	v4 =	vadd.f32 v5, v4;
	(pc) =	sbr.rel @p0 .LBB2_8-.Ltmp3, $4  }
0x82: {  	_ = 	snop  }
0x83: {  	[tilespmem:s20+$0x0] =	vst v4  }
0x84: {  	v4 =	vld [tilespmem:s19+$0x10800]  }
0x85: {  	v5 =	vld [tilespmem:s19+$0x13000]  }
0x86: {  	_ =	sdelay $0x3  }
0x87: {  	v4 =	vadd.f32 v5, v4;
	_ =	sdelay $0x1  }
0x88: {  	[tilespmem:s19+$0x10800] =	vst v4  }
0x89: {  	[hbm4b:s8+s3] =	stream.linear.scatter [tilespmem:s16], [sflag:$0x1], $0x2800, $0x38;
	[tilespmem:$0x15800] =	vst v63  }
0x8a: {  	s18 =	sadd.s32 $0x1, s18;
	_ =	swait.ge [sflag:s12], $0x2800  }
0x8b: {  	p0 =	sne.s32 s18, s10;
	[sflag:s12] =	ssyncset.done $0x0  }
.Ltmp4:
0x8c: {  	[sflag:s12] =	ssyncadd.s32 $0xFFFFD800;
	(pc) =	sbr.rel @p0 .LBB2_1-.Ltmp4, $4  }
0x8d: {  	[hbm4b:s9+s3] =	stream.linear.scatter [tilespmem:s17], [sflag:$0x1], $0x2800, $0x38;
	[tilespmem:$0x15800] =	vst v63  }
0x8e: {  	_ =	swait.ge [sflag:s12], $0x2800  }
0x8f: {  	[sflag:s12] =	ssyncset.done $0x0  }
0x90: {  	[sflag:s12] =	ssyncadd.s32 $0xFFFFD800  }
0x91: {  	_ =	sfence.sel $0x180000  }
0x92: {  	[bflag:$0x0] =	sbarrier.arrive $0xFFFF  }
0x93: {  	p0 =	sne.s32 s2, $0x0;
	_ =	strace $0x9000004A  }
0x94: {  	s0 =	sadd.s32 @!p0 $0x100000, s0;
	[bflag:$0x2] =	sbarrier.arrive $0xFFFF  }
0x95: {  	[sflag:s0] =	ssyncadd.tile.s32 @!p0 $0x1;
	_ =	shalt  }
.Lfunc_end2:
_tile_overlayer_lowered:
.L_overlay_start_2:
0x96: {  	(tag) =	ssettag $0x2  }
0x97: {  	s0 =	rddreg [dreg:$0x0];
	s2 =	stileid.u32  }
0x98: {  	s1 =	rddreg [dreg:$0x1];
	p0 =	sne.s32 s2, $0x0  }
0x99: {  	s3 =	rddreg [dreg:$0x2];
	[bflag:$0x3] =	sbarrier.arrive $0xFFFF;
	s2 =	simm.s32 @!p0 $0x1C01  }
0x9a: {  	[timem:s3], [sflag:s2] =	dma.local @!p0 [hbm:s0], s1  }
0x9b: {  	s0 =	simm.s32 @!p0 $0x1  }
0x9c: {  	_ =	swait.ge @!p0 [sflag:s0], s1  }
0x9d: {  	s1 =	ssub.s32 @!p0 $0x0, s1;
	[sflag:s0] =	ssyncset.done @!p0 $0x0  }
0x9e: {  	[sflag:s0] =	ssyncadd.s32 @!p0 s1  }
0x9f: {  	[bflag:$0x3] =	sbarrier.arrive $0xFFFF  }
0xa0: {  	_ =	shalt  }

// kernel: kernel.17.cloned.1.call-start
scs
__scs_entry_jumppad:
0x0: {  	(pc) =	sbr.rel $0x88, $3  }
0x1: {  	(tag) =	ssettag $0x0;
	lr =	simm.s32 $0x1  }
0x2: {  	[smem:$0x3F90] =	sst lr;
	_ =	strace $0xD0000000  }
0x3: {  	_ = 	snop  }
0x4: {  	_ = 	snop  }
0x5: {  	_ = 	snop  }
0x6: {  	_ = 	snop  }
0x7: {  	_ = 	snop  }
__scs_overlays_trampoline_lowered:
0x8: {  	[smem:$0x3F9F] =	sst s0  }
0x9: {  	[smem:$0x3FA0] =	sst s1  }
0xa: {  	[smem:$0x3FA1] =	sst s2  }
0xb: {  	[smem:$0x3FA2] =	sst s3  }
0xc: {  	[smem:$0x3FA3] =	sst s4  }
0xd: {  	[smem:$0x3FA4] =	sst s5  }
0xe: {  	[smem:$0x3FA5] =	sst s6  }
0xf: {  	[smem:$0x3FA6] =	sst s7  }
0x10: {  	[smem:$0x3FA7] =	sst s8  }
0x11: {  	[smem:$0x3FA8] =	sst s9;
	s0 =	simm.s32 @!p0 $0x0  }
0x12: {  	s1 =	sld [smem:$0x3F8E];
	s0 =	simm.s32 @p0 $0x1  }
0x13: {  	[smem:$0x3FA9] =	sst s0;
	s0 =	simm.s32 @!p1 $0x0  }
0x14: {  	s2 =	sld [smem:$0x3F8D];
	s0 =	simm.s32 @p1 $0x1  }
0x15: {  	[smem:$0x3FAA] =	sst s0;
	s0 =	simm.s32 @!p2 $0x0  }
0x16: {  	s3 =	sld [smem:$0x3FDB];
	s0 =	simm.s32 @p2 $0x1  }
0x17: {  	s4 =	simm.s32 $0x1BF5;
	[smem:$0x3FAC] =	sst s0  }
0x18: {  	s0 =	sld [smem:$0x3F8F];
	_ =	swait.ge [sflag:s4], $0x0  }
0x19: {  	s7 =	sld [smem:$0x3F90]  }
0x1a: {  	s8 =	sadd.s32 $0xFFFFE003, lr  }
0x1b: {  	s9 =	sadd.s32 $0xFFFFFEF7, lr;
	s5 =	simm.s32 $0xFFFFFFFF;
	p2 =	slt.u32 s8, $0xFFFFF086  }
0x1c: {  	p1 =	slt.u32 s9, $0xF7A;
	s5 =	simm.s32 @!p2 $0x0  }
0x1d: {  	s5 =	simm.s32 @p1 $0x1;
	p0 =	seq.s32 s7, s2  }
0x1e: {  	s7 =	smul.u32 @!p0 $0xF7A, s2;
	p2 =	seq.s32 @!p0 s5, $0x0  }
0x1f: {  	s9 =	smul.u32 $0xF7A, s1;
	s8 =	simm.s32 @!p0 $0x1BF5;
	p2 =	por !p2, p0  }
0x20: {  	[sflag:s8] =	ssyncset.s32 @!p0 $0xFFFFF086;
	s6 =	sadd.s32 @!p0 s3, s7;
	s7 =	simm.s32 @!p0 $0x108  }
0x21: {  	s3 =	sadd.s32 s3, s9;
	s6 =	sadd.s32 @!p0 $0x88, s6;
	s7 =	simm.s32 @p2 $0x1082  }
0x22: {  	[simem:s7], [sflag:s8] =	dma.local @!p0 [hbm:s6], $0xF7A  }
0x23: {  	s9 =	sor.u32 $0xD0000000, s2;
	s6 =	simm.s32 $0x108;
	_ =	swait.ge @!p0 [sflag:s8], $0x0  }
0x24: {  	s3 =	sadd.s32 $0x88, s3;
	s6 =	simm.s32 @!p1 $0x1082;
	[sflag:s4] =	ssyncset.s32 $0xFFFFF086  }
0x25: {  	[simem:s6], [sflag:s4] =	dma.local [hbm:s3], $0xF7A  }
0x26: {  	[smem:$0x3F90] =	sst s1;
	(tag) =	ssettag s2;
	_ =	strace s9  }
0x27: {  	s1 =	sld [smem:$0x3FA0]  }
0x28: {  	s2 =	sld [smem:$0x3FA1]  }
0x29: {  	s4 =	sld [smem:$0x3FA3]  }
0x2a: {  	p0 =	seq.s32 s5, $0x0;
	s5 =	sld [smem:$0x3FA4]  }
0x2b: {  	s6 =	sld [smem:$0x3FA5]  }
0x2c: {  	s7 =	sld [smem:$0x3FA6]  }
0x2d: {  	s3 =	simm.s32 $0x108;
	s8 =	sld [smem:$0x3FA7]  }
0x2e: {  	s3 =	simm.s32 @!p0 $0x1082;
	s9 =	sld [smem:$0x3FA8]  }
0x2f: {  	lr =	sadd.s32 s0, s3;
	s0 =	sld [smem:$0x3F9F]  }
0x30: {  	s3 =	sld [smem:$0x3FA2]  }
0x31: {  	[smem:$0x3FAB] =	sst s10  }
0x32: {  	s10 =	sld [smem:$0x3FA9];
	_ =	sdelay $0x3  }
0x33: {  	p0 =	seq.s32 s10, $0x1;
	s10 =	sld [smem:$0x3FAB];
	_ =	sdelay $0x3  }
0x34: {  	[smem:$0x3FAB] =	sst s10  }
0x35: {  	s10 =	sld [smem:$0x3FAA];
	_ =	sdelay $0x3  }
0x36: {  	p1 =	seq.s32 s10, $0x1;
	s10 =	sld [smem:$0x3FAB];
	_ =	sdelay $0x3  }
0x37: {  	[smem:$0x3FAB] =	sst s10  }
0x38: {  	s10 =	sld [smem:$0x3FAC]  }
0x39: {  	_ = 	snop;
	(pc) =	sbr.ind lr, $3  }
0x3a: {  	_ = 	snop  }
0x3b: {  	_ = 	snop  }
0x3c: {  	p2 =	seq.s32 s10, $0x1;
	s10 =	sld [smem:$0x3FAB]  }
0x3d: {  	_ =	shalt  }
0x3e: {  	_ =	shalt  }
0x3f: {  	_ =	shalt  }
0x40: {  	_ =	shalt  }
0x41: {  	_ =	shalt  }
0x42: {  	_ =	shalt  }
0x43: {  	_ =	shalt  }
0x44: {  	_ =	shalt  }
0x45: {  	_ =	shalt  }
0x46: {  	_ =	shalt  }
0x47: {  	_ =	shalt  }
0x48: {  	_ =	shalt  }
0x49: {  	_ =	shalt  }
0x4a: {  	_ =	shalt  }
0x4b: {  	_ =	shalt  }
0x4c: {  	_ =	shalt  }
0x4d: {  	_ =	shalt  }
0x4e: {  	_ =	shalt  }
0x4f: {  	_ =	shalt  }
0x50: {  	_ =	shalt  }
0x51: {  	_ =	shalt  }
0x52: {  	_ =	shalt  }
0x53: {  	_ =	shalt  }
0x54: {  	_ =	shalt  }
0x55: {  	_ =	shalt  }
0x56: {  	_ =	shalt  }
0x57: {  	_ =	shalt  }
0x58: {  	_ =	shalt  }
0x59: {  	_ =	shalt  }
0x5a: {  	_ =	shalt  }
0x5b: {  	_ =	shalt  }
0x5c: {  	_ =	shalt  }
0x5d: {  	_ =	shalt  }
0x5e: {  	_ =	shalt  }
0x5f: {  	_ =	shalt  }
0x60: {  	_ =	shalt  }
0x61: {  	_ =	shalt  }
0x62: {  	_ =	shalt  }
0x63: {  	_ =	shalt  }
0x64: {  	_ =	shalt  }
0x65: {  	_ =	shalt  }
0x66: {  	_ =	shalt  }
0x67: {  	_ =	shalt  }
0x68: {  	_ =	shalt  }
0x69: {  	_ =	shalt  }
0x6a: {  	_ =	shalt  }
0x6b: {  	_ =	shalt  }
0x6c: {  	_ =	shalt  }
0x6d: {  	_ =	shalt  }
0x6e: {  	_ =	shalt  }
0x6f: {  	_ =	shalt  }
0x70: {  	_ =	shalt  }
0x71: {  	_ =	shalt  }
0x72: {  	_ =	shalt  }
0x73: {  	_ =	shalt  }
0x74: {  	_ =	shalt  }
0x75: {  	_ =	shalt  }
0x76: {  	_ =	shalt  }
0x77: {  	_ =	shalt  }
0x78: {  	_ =	shalt  }
0x79: {  	_ =	shalt  }
0x7a: {  	_ =	shalt  }
0x7b: {  	_ =	shalt  }
0x7c: {  	_ =	shalt  }
0x7d: {  	_ =	shalt  }
0x7e: {  	_ =	shalt  }
0x7f: {  	_ =	shalt  }
0x80: {  	_ =	shalt  }
0x81: {  	_ =	shalt  }
0x82: {  	_ =	shalt  }
0x83: {  	_ =	shalt  }
0x84: {  	_ =	shalt  }
0x85: {  	_ =	shalt  }
0x86: {  	_ =	shalt  }
0x87: {  	_ =	shalt  }
.Lfunc_end0:
.L_simem_size_0:
called_computation.2_lowered:
.L_overlay_start_0:
0x88: {  	s2 =	sld [smem:$0x3FD9]  }
0x89: {  	s3 =	sld [smem:$0x3FFE];
	_ =	sdelay $0x1  }
0x8a: {  	s1 =	srdreg.scid  }
0x8b: {  	s0 =	sand.u32 $0x1, s1  }
0x8c: {  	s17 =	sshll.u32 s0, $0xA;
	s2 =	sadd.s32 s3, s2  }
0x8d: {  	s2 =	sadd.s32 s2, s17  }
0x8e: {  	[smem:$0x3FB7] =	sst s2  }
0x8f: {  	_ = 	snop  }
0x90: {  	s2 =	sld [smem:$0x3FD0];
	(tm) =	ssettm $0x1  }
0x91: {  	s18 =	sld [smem:$0x3FFB];
	_ =	sdelay $0x3  }
0x92: {  	_ =	strace s18  }
0x93: {  	s3 =	sld [smem:$0x3FFC];
	_ =	sdelay $0x3  }
0x94: {  	_ =	strace s3  }
0x95: {  	s3 =	sld [smem:$0x3FFD];
	_ =	sdelay $0x3  }
0x96: {  	_ =	strace s3  }
0x97: {  	_ =	strace $0x8FFFFFFF  }
0x98: {  	s19 =	sld [smem:$0x3FDB];
	_ =	sdelay $0x1  }
0x99: {  	s4 =	simm.s32 $_scs_section_size  }
0x9a: {  	s5 =	simm.s32 $_size__tile_overlayer_lowered;
	s6 =	simm.s32 $_tile_overlayer_lowered  }
0x9b: {  	s22 =	simm.s32 $0x1BFF;
	s21 =	sshll.u32 s6, $0x1;
	s3 =	sadd.s32 s4, s19  }
0x9c: {  	s7 =	simm.s32 $0x0;
	s20 =	sshll.u32 s5, $0x1;
	s5 =	sadd.s32 s21, s3  }
0x9d: {  	[timem:s7], [sflag:s22] =	dma.local [hbm:s5], s20  }
0x9e: {  	_ =	swait.ge [sflag:s22], s20  }
0x9f: {  	s4 =	ssub.s32 $0x0, s20;
	[sflag:s22] =	ssyncset.done $0x0  }
0xa0: {  	[sflag:s22] =	ssyncadd.s32 s4;
	_ =	sdelay $0x1  }
0xa1: {  	s23 =	simm.s32 $0x1B8B  }
0xa2: {  	_ =	swait.ge [sflag:s23], $0x1  }
0xa3: {  	[sflag:s23] =	ssyncset.done $0x0  }
0xa4: {  	s25 =	simm.s32 $0x1B8E;
	s24 =	sld [smem:$0x3FFE];
	[sflag:s23] =	ssyncadd.s32 $0xFFFFFFFF  }
0xa5: {  	s26 =	simm.s32 $execute0_lowered;
	[smem:$0x3FD2] =	sst s25  }
0xa6: {  	s5 =	sshll.u32 s26, $0x1;
	_ =	strace $0x8000004C;
	[dreg:$0x1] =	wrdreg $0xFFFFFFFF  }
0xa7: {  	s28 =	simm.s32 $_size_execute0_lowered;
	s3 =	sadd.s32 s3, s5;
	[dreg:$0x0] =	wrdreg $0x0  }
0xa8: {  	s5 =	sshll.u32 s28, $0x1;
	[dreg:$0x2] =	wrdreg s3  }
0xa9: {  	[dreg:$0x3] =	wrdreg s5  }
0xaa: {  	[dreg:$0x4] =	wrdreg $0xC0  }
0xab: {  	_ =	task [dreg:s7], $0x5FFFF  }
0xac: {  	[dreg:$0x1] =	wrdreg $0xFFFFFFFF  }
0xad: {  	[dreg:$0x0] =	wrdreg $0x60  }
0xae: {  	[dreg:$0x2] =	wrdreg s24  }
0xaf: {  	[dreg:$0x3] =	wrdreg s2  }
0xb0: {  	[dreg:$0x4] =	wrdreg $0x9  }
0xb1: {  	_ =	task.clear_ibuf [dreg:s7], $0x5FFFF;
	_ =	strace $0x9000004C  }
0xb2: {  	s29 =	simm.s32 $0x9;
	_ =	strace $0x8000004E  }
0xb3: {  	_ =	swait.ge [sflag:s29], $0x1  }
0xb4: {  	[sflag:s29] =	ssyncadd.s32 $0xFFFFFFFF  }
0xb5: {  	_ =	strace $0x9000004E  }
0xb6: {  	_ =	sfence  }
0xb7: {  	s30 =	sld [smem:$0x0];
	_ =	sdelay $0x2  }
0xb8: {  	s31 =	sshll.u32 s1, $0xD;
	s1 =	sshrl.u32 s1, $0x2  }
0xb9: {  	s3 =	sand.u32 $0x4000, s31;
	s1 =	sadd.s32 s1, s30  }
0xba: {  	s0 =	sor.u32 s3, s0;
	s1 =	sshll.u32 s1, $0x11  }
0xbb: {  	s0 =	sor.u32 s1, s0  }
0xbc: {  	s0 =	sadd.s32 $0x8F2B, s0  }
0xbd: {  	[sflag:s0] =	ssyncadd.remote.s32 $0x1  }
0xbe: {  	_ =	sfence.sel $0xFFFF  }
0xbf: {  	[dreg:$0x0] =	wrdreg $0xFFFFFFFF;
	(pc) =	sbr.abs _section_cstart, $3  }
0xc0: {  	[dreg:$0x1] =	wrdreg $0xFFFFFFFF  }
0xc1: {  	_ =	task.clear_ibuf [dreg:s7], $0x2FFFF;
	_ =	strace $0x9FFFFFFF  }
0xc2: {  	(tm) =	ssettm $0x7FFFFFFF  }
0xc3: {  	_ =	shalt  }
tec
execute0_lowered:
.L_overlay_start_1:
0x0: {  	(tag) =	ssettag $0x1  }
0x1: {  	s6 =	rddreg [dreg:$0x0]  }
0x2: {  	s1 =	rddreg [dreg:$0x1]  }
0x3: {  	s2 =	srdreg.scid;
	s0 =	rddreg [dreg:$0x2];
	s3 =	simm.s32 $0x0  }
0x4: {  	s13 =	simm.s32 $0x2800;
	s14 =	simm.s32 $0x5000;
	s15 =	simm.s32 $0x7000  }
0x5: {  	s16 =	simm.s32 $0xB800;
	s17 =	simm.s32 $0x10800;
	s7 =	sand.u32 $0x1, s2  }
0x6: {  	s18 =	simm.s32 $0x0;
	s2 =	stileid.u32;
	s4 =	sshll.u32 s7, $0x4  }
0x7: {  	[smem:$0x7FF] =	sst s3;
	s9 =	sadd.s32 $0x7000, s6;
	s8 =	sor.u32 s2, s4  }
0x8: {  	s5 =	sadd.s32 $0x6A00, s6;
	s11 =	sadd.s32 $0x1B000, s6;
	s10 =	smul.u32 $0x5000, s8  }
0x9: {  	v0 =	vlaneseq.u32;
	_ =	strace $0x8000004D;
	s7 =	ssub.s32 $0x2, s7;
	s8 =	smul.u32 $0xA00, s8  }
0xa: {  	v1 =	vshrl.u32 v0, $0x3;
	s4 =	sadd.s32 $0x4200, s6;
	s31 =	sshrl.u32 s7, $0x1;
	s10 =	sshrl.u32 s10, $0x3  }
0xb: {  	v1 =	vmul.u32 $0x2800, v1;
	s12 =	ssub.s32 s7, s31;
	s6 =	sadd.s32 s9, s8;
	s10 =	sadd.s32 $0x500, s10  }
0xc: {  	s8 =	sadd.s32 s11, s8;
	s7 =	sadd.s32 s9, s10;
	s9 =	sadd.s32 s11, s10  }
0xd: {  	v2 =	vimm.f32 $0.0e+00;
	v3 =	vadd.s32 $0x5000, v1;
	s10 =	smax.u32 s12, $0x1;
	s11 =	simm.s32 $0x9000;
	s12 =	simm.s32 $0x1  }
.LBB2_1:
0xe: {  	[tilespmem:s11], [sflag:$0x1] =	stream.linear.gather [hbm4b:s5+s3], $0x2800, $0x38;
	[tilespmem:$0x15800] =	vst v63  }
0xf: {  	_ =	swait.ge [sflag:s12], $0x2800  }
0x10: {  	[sflag:s12] =	ssyncset.done $0x0  }
0x11: {  	[sflag:s12] =	ssyncadd.s32 $0xFFFFD800  }
0x12: {  	[tilespmem:s3], [sflag:$0x1] =	stream.linear.gather [hbm4b:s6+s3], $0x2800, $0x38;
	[tilespmem:$0x15800] =	vst v63  }
0x13: {  	_ =	swait.ge [sflag:s12], $0x2800  }
0x14: {  	[sflag:s12] =	ssyncset.done $0x0  }
0x15: {  	[sflag:s12] =	ssyncadd.s32 $0xFFFFD800  }
0x16: {  	[tilespmem:s13], [sflag:$0x1] =	stream.linear.gather [hbm4b:s7+s3], $0x2800, $0x38;
	[tilespmem:$0x15800] =	vst v63  }
0x17: {  	_ =	swait.ge [sflag:s12], $0x2800  }
0x18: {  	[sflag:s12] =	ssyncset.done $0x0  }
0x19: {  	s19 =	simm.s32 $0x0;
	[sflag:s12] =	ssyncadd.s32 $0xFFFFD800  }
.LBB2_2:
0x1a: {  	p0 =	sne.s32 s19, $0x27FC0  }
.Ltmp0:
0x1b: {  	_ = 	snop;
	(pc) =	sbr.rel @p0 .LBB2_2-.Ltmp0, $3  }
0x1c: {  	_ =	sdelay $0x1  }
0x1d: {  	s20 =	sshra.s32 s19, $0x2  }
0x1e: {  	s19 =	sadd.s32 $0x40, s19;
	[tilespmem:s20+$0xB800] =	vst v2  }
0x1f: {  	s19 =	simm.s32 $0x0;
	s20 =	simm.s32 $0x30  }
.LBB2_4:
0x20: {  	s21 =	sshll.u32 s19, $0xA  }
0x21: {  	s22 =	sadd.s32 s1, s21  }
0x22: {  	[tilespmem:s14], [sflag:$0x1] =	stream.linear.gather [hbm4b:s22+s3], $0x2000, $0x38;
	[tilespmem:$0x15800] =	vst v63  }
0x23: {  	_ =	swait.ge [sflag:s12], $0x2000  }
0x24: {  	[sflag:s12] =	ssyncset.done $0x0  }
0x25: {  	s21 =	sadd.s32 s4, s21;
	[sflag:s12] =	ssyncadd.s32 $0xFFFFE000  }
0x26: {  	[tilespmem:s15], [sflag:$0x1] =	stream.linear.gather [hbm4b:s21+s3], $0x2000, $0x38;
	[tilespmem:$0x15800] =	vst v63  }
0x27: {  	_ =	swait.ge [sflag:s12], $0x2000  }
0x28: {  	s23 =	simm.s32 $0x7020;
	s24 =	smov.u32 s20;
	[sflag:s12] =	ssyncset.done $0x0  }
0x29: {  	s22 =	simm.s32 $0x5020;
	s21 =	simm.s32 $0xFFFFFFFC;
	[sflag:s12] =	ssyncadd.s32 $0xFFFFE000  }
.LBB2_5:
0x2a: {  	s25 =	sadd.s32 $0xFFFFFFD0, s24  }
0x2b: {  	v4 =	vmov s25;
	v5 =	vor.u32 s25, v0  }
0x2c: {  	v5 =	vshrl.u32 v5, $0x3;
	v4 =	vshrl.u32 v4, $0x3  }
0x2d: {  	v6 =	vld [tilespmem:s22+$0xFFFFFFE0];
	v7 =	vand.u32 $0x7F, v5;
	v4 =	vand.u32 $0x3F80, v4  }
0x2e: {  	v4 =	vor.u32 v4, v7;
	_ =	sdelay $0x3  }
0x2f: {  	v8 =	vld [tilespmem:s23+$0xFFFFFFE0]  }
0x30: {  	v9 =	vld.idx.msk [tilespmem:v4+s11+$0x0], $0xffff;
	_ =	sdelay $0x1  }
0x31: {  	v10 =	vld.idx.msk [tilespmem:v6+s11+$0x0], $0xffff;
	_ =	sdelay $0x1  }
0x32: {  	v4 =	vld.idx.msk [tilespmem:v4+s3+$0x0], $0xffff  }
0x33: {  	v5 =	vadd.s32 $0x2800, v5;
	v8 =	vmul.f32 v9, v8  }
0x34: {  	v5 =	vand.u32 $0x3FFFFF80, v5;
	v45 =	vadd.s32 v1, v6  }
0x35: {  	v5 =	vor.u32 v7, v5;
	v8 =	vmul.f32 v10, v8;
	_ =	sdelay $0x1  }
0x36: {  	v4 =	vmul.f32 v4, v8;
	_ =	sdelay $0x1  }
0x37: {  	[tilespmem:v45+s16+$0x0] =	vst.idx.add.f32.msk $0xffff, v4  }
0x38: {  	v4 =	vld.idx.msk [tilespmem:v5+s3+$0x0], $0xffff;
	_ =	sdelay $0x1  }
0x39: {  	v5 =	vadd.s32 v3, v6;
	_ =	sdelay $0x2  }
0x3a: {  	s30 =	sadd.s32 $0xFFFFFFE0, s24;
	v4 =	vmul.f32 v4, v8  }
0x3b: {  	v46 =	vmov s30;
	v47 =	vor.u32 s30, v0  }
0x3c: {  	[tilespmem:v5+s16+$0x0] =	vst.idx.add.f32.msk $0xffff, v4;
	v4 =	vshrl.u32 v47, $0x3;
	v5 =	vshrl.u32 v46, $0x3  }
0x3d: {  	v48 =	vld [tilespmem:s22+$0xFFFFFFF0];
	v7 =	vand.u32 $0x7F, v4;
	v5 =	vand.u32 $0xFFFFF80, v5  }
0x3e: {  	v5 =	vor.u32 v5, v7;
	_ =	sdelay $0x3  }
0x3f: {  	v49 =	vld [tilespmem:s23+$0xFFFFFFF0]  }
0x40: {  	v9 =	vld.idx.msk [tilespmem:v5+s11+$0x0], $0xffff;
	_ =	sdelay $0x1  }
0x41: {  	v50 =	vld.idx.msk [tilespmem:v48+s11+$0x0], $0xffff;
	_ =	sdelay $0x1  }
0x42: {  	v5 =	vld.idx.msk [tilespmem:v5+s3+$0x0], $0xffff  }
0x43: {  	v4 =	vadd.s32 $0x2800, v4;
	v8 =	vmul.f32 v9, v49  }
0x44: {  	v4 =	vand.u32 $0x3FFFFF80, v4;
	v51 =	vadd.s32 v1, v48  }
0x45: {  	v4 =	vor.u32 v7, v4;
	v8 =	vmul.f32 v50, v8;
	_ =	sdelay $0x1  }
0x46: {  	v5 =	vmul.f32 v5, v8;
	_ =	sdelay $0x1  }
0x47: {  	[tilespmem:v51+s16+$0x0] =	vst.idx.add.f32.msk $0xffff, v5  }
0x48: {  	v4 =	vld.idx.msk [tilespmem:v4+s3+$0x0], $0xffff;
	_ =	sdelay $0x1  }
0x49: {  	v5 =	vadd.s32 v3, v48;
	_ =	sdelay $0x2  }
0x4a: {  	s31 =	sadd.s32 $0xFFFFFFF0, s24;
	v4 =	vmul.f32 v4, v8  }
0x4b: {  	v52 =	vmov s31;
	v53 =	vor.u32 s31, v0  }
0x4c: {  	[tilespmem:v5+s16+$0x0] =	vst.idx.add.f32.msk $0xffff, v4;
	v4 =	vshrl.u32 v53, $0x3;
	v5 =	vshrl.u32 v52, $0x3  }
0x4d: {  	v54 =	vld [tilespmem:s22+$0x0];
	v7 =	vand.u32 $0x7F, v4;
	v5 =	vand.u32 $0xFFFFF80, v5  }
0x4e: {  	v5 =	vor.u32 v5, v7;
	_ =	sdelay $0x3  }
0x4f: {  	v55 =	vld [tilespmem:s23+$0x0]  }
0x50: {  	v9 =	vld.idx.msk [tilespmem:v5+s11+$0x0], $0xffff;
	_ =	sdelay $0x1  }
0x51: {  	v56 =	vld.idx.msk [tilespmem:v54+s11+$0x0], $0xffff;
	_ =	sdelay $0x1  }
0x52: {  	v5 =	vld.idx.msk [tilespmem:v5+s3+$0x0], $0xffff  }
0x53: {  	v4 =	vadd.s32 $0x2800, v4;
	v8 =	vmul.f32 v9, v55  }
0x54: {  	v4 =	vand.u32 $0x3FFFFF80, v4;
	v57 =	vadd.s32 v1, v54  }
0x55: {  	v4 =	vor.u32 v7, v4;
	v8 =	vmul.f32 v56, v8;
	_ =	sdelay $0x1  }
0x56: {  	v5 =	vmul.f32 v5, v8;
	_ =	sdelay $0x1  }
0x57: {  	[tilespmem:v57+s16+$0x0] =	vst.idx.add.f32.msk $0xffff, v5  }
0x58: {  	v4 =	vld.idx.msk [tilespmem:v4+s3+$0x0], $0xffff;
	_ =	sdelay $0x1  }
0x59: {  	v5 =	vadd.s32 v3, v54;
	_ =	sdelay $0x2  }
0x5a: {  	v4 =	vmul.f32 v4, v8  }
0x5b: {  	v58 =	vmov s24;
	v59 =	vor.u32 s24, v0  }
0x5c: {  	[tilespmem:v5+s16+$0x0] =	vst.idx.add.f32.msk $0xffff, v4;
	v4 =	vshrl.u32 v59, $0x3;
	v5 =	vshrl.u32 v58, $0x3  }
0x5d: {  	v60 =	vld [tilespmem:s22+$0x10];
	v7 =	vand.u32 $0x7F, v4;
	v5 =	vand.u32 $0xFFFFF80, v5  }
0x5e: {  	v5 =	vor.u32 v5, v7;
	_ =	sdelay $0x3  }
0x5f: {  	v61 =	vld [tilespmem:s23+$0x10]  }
0x60: {  	v9 =	vld.idx.msk [tilespmem:v5+s11+$0x0], $0xffff;
	_ =	sdelay $0x1  }
0x61: {  	v62 =	vld.idx.msk [tilespmem:v60+s11+$0x0], $0xffff;
	_ =	sdelay $0x1  }
0x62: {  	v5 =	vld.idx.msk [tilespmem:v5+s3+$0x0], $0xffff  }
0x63: {  	v4 =	vadd.s32 $0x2800, v4;
	v8 =	vmul.f32 v9, v61  }
0x64: {  	v4 =	vand.u32 $0x3FFFFF80, v4;
	v63 =	vadd.s32 v1, v60  }
0x65: {  	v4 =	vor.u32 v7, v4;
	v8 =	vmul.f32 v62, v8;
	_ =	sdelay $0x1  }
0x66: {  	v5 =	vmul.f32 v5, v8;
	_ =	sdelay $0x1  }
0x67: {  	[tilespmem:v63+s16+$0x0] =	vst.idx.add.f32.msk $0xffff, v5  }
0x68: {  	v4 =	vld.idx.msk [tilespmem:v4+s3+$0x0], $0xffff  }
0x69: {  	s21 =	sadd.s32 $0x4, s21  }
0x6a: {  	p0 =	slt.u32 s21, $0x1FC;
	v5 =	vadd.s32 v3, v60  }
.Ltmp1:
0x6b: {  	_ = 	snop;
	(pc) =	sbr.rel @p0 .LBB2_5-.Ltmp1, $3  }
0x6c: {  	_ = 	snop  }
0x6d: {  	v4 =	vmul.f32 v4, v8;
	_ =	sdelay $0x1  }
0x6e: {  	s24 =	sadd.s32 $0x40, s24;
	s22 =	sadd.s32 $0x40, s22;
	s23 =	sadd.s32 $0x40, s23;
	[tilespmem:v5+s16+$0x0] =	vst.idx.add.f32.msk $0xffff, v4  }
0x6f: {  	s19 =	sadd.s32 $0x1, s19  }
0x70: {  	p0 =	sne.s32 s19, $0xA  }
.Ltmp2:
0x71: {  	_ = 	snop;
	(pc) =	sbr.rel @p0 .LBB2_4-.Ltmp2, $2  }
0x72: {  	_ =	sdelay $0x2  }
0x73: {  	s20 =	sadd.s32 $0x2000, s20  }
0x74: {  	s19 =	simm.s32 $0x0;
	s20 =	simm.s32 $0xB800  }
0x75: {  	s19 =	sand.u32 $0x3FF0, s19;
	v5 =	vld [tilespmem:s20+$0x0]  }
0x76: {  	v4 =	vld [tilespmem:s19+$0xE000];
	_ =	sdelay $0x4  }
0x77: {  	v4 =	vadd.f32 v4, v5;
	_ =	sdelay $0x1  }
0x78: {  	[tilespmem:s20+$0x0] =	vst v4  }
0x79: {  	v4 =	vld [tilespmem:s19+$0x10800]  }
0x7a: {  	s21 =	simm.s32 $0x10;
	v5 =	vld [tilespmem:s19+$0x13000]  }
.LBB2_8:
0x7b: {  	_ =	sdelay $0x2  }
0x7c: {  	p0 =	sne.s32 s21, $0x27F0  }
0x7d: {  	s20 =	sadd.s32 $0x10, s20;
	s22 =	smov.u32 s21;
	s21 =	sadd.s32 $0x10, s21;
	v4 =	vadd.f32 v5, v4  }
0x7e: {  	s22 =	sand.u32 $0x3FF0, s22  }
0x7f: {  	v5 =	vld [tilespmem:s22+$0xE000];
	[tilespmem:s19+$0x10800] =	vst v4;
	s19 =	smov.u32 s22  }
0x80: {  	v4 =	vld [tilespmem:s20+$0x0];
	_ =	sdelay $0x4  }
.Ltmp3:
0x81: {  	v4 =	vadd.f32 v5, v4;
	(pc) =	sbr.rel @p0 .LBB2_8-.Ltmp3, $4  }
0x82: {  	_ = 	snop  }
0x83: {  	[tilespmem:s20+$0x0] =	vst v4  }
0x84: {  	v4 =	vld [tilespmem:s19+$0x10800]  }
0x85: {  	v5 =	vld [tilespmem:s19+$0x13000]  }
0x86: {  	_ =	sdelay $0x3  }
0x87: {  	v4 =	vadd.f32 v5, v4;
	_ =	sdelay $0x1  }
0x88: {  	[tilespmem:s19+$0x10800] =	vst v4  }
0x89: {  	[hbm4b:s8+s3] =	stream.linear.scatter [tilespmem:s16], [sflag:$0x1], $0x2800, $0x38;
	[tilespmem:$0x15800] =	vst v63  }
0x8a: {  	s18 =	sadd.s32 $0x1, s18;
	_ =	swait.ge [sflag:s12], $0x2800  }
0x8b: {  	p0 =	sne.s32 s18, s10;
	[sflag:s12] =	ssyncset.done $0x0  }
.Ltmp4:
0x8c: {  	[sflag:s12] =	ssyncadd.s32 $0xFFFFD800;
	(pc) =	sbr.rel @p0 .LBB2_1-.Ltmp4, $4  }
0x8d: {  	[hbm4b:s9+s3] =	stream.linear.scatter [tilespmem:s17], [sflag:$0x1], $0x2800, $0x38;
	[tilespmem:$0x15800] =	vst v63  }
0x8e: {  	_ =	swait.ge [sflag:s12], $0x2800  }
0x8f: {  	[sflag:s12] =	ssyncset.done $0x0  }
0x90: {  	[sflag:s12] =	ssyncadd.s32 $0xFFFFD800  }
0x91: {  	_ =	sfence.sel $0x180000  }
0x92: {  	[bflag:$0x0] =	sbarrier.arrive $0xFFFF  }
0x93: {  	p0 =	sne.s32 s2, $0x0;
	_ =	strace $0x9000004D  }
0x94: {  	s0 =	sadd.s32 @!p0 $0x100000, s0;
	[bflag:$0x2] =	sbarrier.arrive $0xFFFF  }
0x95: {  	[sflag:s0] =	ssyncadd.tile.s32 @!p0 $0x1;
	_ =	shalt  }
.Lfunc_end2:
_tile_overlayer_lowered:
.L_overlay_start_2:
0x96: {  	(tag) =	ssettag $0x2  }
0x97: {  	s0 =	rddreg [dreg:$0x0];
	s2 =	stileid.u32  }
0x98: {  	s1 =	rddreg [dreg:$0x1];
	p0 =	sne.s32 s2, $0x0  }
0x99: {  	s3 =	rddreg [dreg:$0x2];
	[bflag:$0x3] =	sbarrier.arrive $0xFFFF;
	s2 =	simm.s32 @!p0 $0x1C01  }
0x9a: {  	[timem:s3], [sflag:s2] =	dma.local @!p0 [hbm:s0], s1  }
0x9b: {  	s0 =	simm.s32 @!p0 $0x1  }
0x9c: {  	_ =	swait.ge @!p0 [sflag:s0], s1  }
0x9d: {  	s1 =	ssub.s32 @!p0 $0x0, s1;
	[sflag:s0] =	ssyncset.done @!p0 $0x0  }
0x9e: {  	[sflag:s0] =	ssyncadd.s32 @!p0 s1  }
0x9f: {  	[bflag:$0x3] =	sbarrier.arrive $0xFFFF  }
0xa0: {  	_ =	shalt  }

</sc_bundles>
